<compile_context>
chip_gen: v7x
topology: tpu7x:2x2x1
jax: 0.10.2.dev20260603
libtpu: 0.0.44.dev20260713+nightly
codegen_flags: <defaults>
</compile_context>

<pallas_src>
import jax
import jax.numpy as jnp
from jax import lax
from jax.experimental import pallas as pl
from jax.experimental.pallas import tpu as pltpu
from jax.experimental.pallas import tpu_sc as plsc

_NC = 2
_NS = 16
_NW = _NC * _NS
_L = 16
_D = 32
_G = 4


def _mf_body(uidx_hbm, iidx_hbm, utabT_hbm, itabT_hbm, out_hbm,
             uidx_v, iidx_v, slab_u, slab_i, q_v, out_v,
             sem_u0, sem_u1, sem_u2, sem_i0, sem_i1, sem_i2):
    b_per_w = uidx_v.shape[0]
    wid = lax.axis_index("s") * _NC + lax.axis_index("c")
    base = wid * b_per_w

    pltpu.sync_copy(uidx_hbm.at[pl.ds(base, b_per_w)], uidx_v)
    pltpu.sync_copy(iidx_hbm.at[pl.ds(base, b_per_w)], iidx_v)

    lanes = lax.iota(jnp.int32, _L)
    sems_u = (sem_u0, sem_u1, sem_u2)
    sems_i = (sem_i0, sem_i1, sem_i2)

    def super_body(c, carry):
        b0 = c * _L
        u16 = uidx_v[pl.ds(b0, _L)]
        i16 = iidx_v[pl.ds(b0, _L)]
        utile = u16 >> 7
        itile = i16 >> 7
        ucol = u16 & 127
        icol = i16 & 127

        def fire(sub):
            p = sub % 3
            copies = []
            for k in range(_G):
                ka = sub * _G + k
                su = jnp.sum(jnp.where(lanes == ka, utile, 0))
                si = jnp.sum(jnp.where(lanes == ka, itile, 0))
                cu0 = pl.multiple_of(su * 128, 128)
                ci0 = pl.multiple_of(si * 128, 128)
                row0 = (p * _G + k) * _D
                for t1 in range(_D // 8):
                    copies.append(pltpu.async_copy(
                        utabT_hbm.at[pl.ds(t1 * 8, 8), pl.ds(cu0, 128)],
                        slab_u.at[pl.ds(row0 + t1 * 8, 8), :], sems_u[p]))
                    copies.append(pltpu.async_copy(
                        itabT_hbm.at[pl.ds(t1 * 8, 8), pl.ds(ci0, 128)],
                        slab_i.at[pl.ds(row0 + t1 * 8, 8), :], sems_i[p]))
            return copies

        def extract(sub):
            p = sub % 3
            for k in range(_G):
                ka = sub * _G + k
                kvec = jnp.full((_L,), ka, jnp.int32)
                cu = jnp.take_along_axis(ucol, kvec, axis=0)
                ci = jnp.take_along_axis(icol, kvec, axis=0)
                row0 = (p * _G + k) * _D
                u0 = plsc.load_gather(slab_u, [row0 + lanes, cu])
                u1 = plsc.load_gather(slab_u, [row0 + _L + lanes, cu])
                i0 = plsc.load_gather(slab_i, [row0 + lanes, ci])
                i1 = plsc.load_gather(slab_i, [row0 + _L + lanes, ci])
                q_v[pl.ds(ka * (_L + 1), _L)] = u0 * i0 + u1 * i1

        inflight = [fire(0), fire(1), fire(2)]
        for sub in range(_L // _G):
            for cp in inflight.pop(0):
                cp.wait()
            extract(sub)
            if sub + 3 < _L // _G:
                inflight.append(fire(sub + 3))
            else:
                inflight.append([])
        acc = jnp.zeros((_L,), jnp.float32)
        stride_lanes = lanes * (_L + 1)
        for j in range(_L):
            acc = acc + plsc.load_gather(q_v, [stride_lanes + j])
        out_v[pl.ds(b0, _L)] = 1.0 / (1.0 + jnp.exp(-acc))
        return carry

    lax.fori_loop(0, b_per_w // _L, super_body, 0)
    pltpu.sync_copy(out_v, out_hbm.at[pl.ds(base, b_per_w)])


def kernel(user_indices, item_indices, user_table, item_table):
    B = user_indices.shape[0]
    assert B % (_NW * _L) == 0
    assert user_table.shape[1] == _D
    b_per_w = B // _NW
    mesh = plsc.VectorSubcoreMesh(core_axis_name="c", subcore_axis_name="s",
                                  num_cores=_NC, num_subcores=_NS)
    run = pl.kernel(
        _mf_body,
        out_type=jax.ShapeDtypeStruct((B,), jnp.float32),
        mesh=mesh,
        compiler_params=pltpu.CompilerParams(needs_layout_passes=False),
        scratch_types=[
            pltpu.VMEM((b_per_w,), jnp.int32),
            pltpu.VMEM((b_per_w,), jnp.int32),
            pltpu.VMEM((3 * _G * _D, 128), jnp.float32),
            pltpu.VMEM((3 * _G * _D, 128), jnp.float32),
            pltpu.VMEM((_L * (_L + 1),), jnp.float32),
            pltpu.VMEM((b_per_w,), jnp.float32),
            pltpu.SemaphoreType.DMA,
            pltpu.SemaphoreType.DMA,
            pltpu.SemaphoreType.DMA,
            pltpu.SemaphoreType.DMA,
            pltpu.SemaphoreType.DMA,
            pltpu.SemaphoreType.DMA,
        ],
    )
    return run(user_indices, item_indices, user_table.T, item_table.T)

# --- scband reference (transcript-rebuilt; emitter-appended) ---
"""Pipeline reference for scband-mf-9337258901555 (READ-ONLY COPY).

The authoritative reference and input builder live on the scoring server;
editing this copy changes nothing except your own understanding.
"""

import jax, jax.numpy as jnp
import numpy as np

N_USER = 1000000
N_ITEM = 1000000
LATENT_DIM = 32
BATCH = 16384


def setup_inputs(seed: int = 0) -> dict:
    key = jax.random.key(seed)
    k1, k2, k3, k4 = jax.random.split(key, 4)
    user_indices = jax.random.randint(k1, (BATCH,), 0, N_USER, dtype=jnp.int64) if jax.config.read('jax_enable_x64') else jax.random.randint(k1, (BATCH,), 0, N_USER, dtype=jnp.int32)
    item_indices = jax.random.randint(k2, (BATCH,), 0, N_ITEM, dtype=jnp.int32)
    user_indices = user_indices.astype(jnp.int32)
    user_table = jax.random.normal(k3, (N_USER, LATENT_DIM), dtype=jnp.float32)
    item_table = jax.random.normal(k4, (N_ITEM, LATENT_DIM), dtype=jnp.float32)
    return {
        'user_indices': user_indices,
        'item_indices': item_indices,
        'user_table': user_table,
        'item_table': item_table,
    }


def reference(user_indices, item_indices, user_table, item_table):
    # embedding lookups (gather)
    user_feature = jnp.take(user_table, user_indices, axis=0)  # [B, D]
    item_feature = jnp.take(item_table, item_indices, axis=0)  # [B, D]
    out = jnp.sum(user_feature * item_feature, axis=1)  # [B]
    out = jax.nn.sigmoid(out)
    return out

if __name__ == "__main__":
    import jax
    _d = setup_inputs()
    print(jax.jit(kernel)(*tuple(_d.values())))

</pallas_src>

<mosaic_0001>
#map = affine_map<(d0, d1) -> (0)>
#map1 = affine_map<(d0, d1) -> (0, 0)>
module attributes {stable_mosaic.version = 14 : i64} {
  func.func @_mf_body(%arg0: i32, %arg1: i32, %arg2: memref<16384xi32, #tpu.memory_space<hbm>>, %arg3: memref<16384xi32, #tpu.memory_space<hbm>>, %arg4: memref<32x1000000xf32, #tpu.memory_space<hbm>>, %arg5: memref<32x1000000xf32, #tpu.memory_space<hbm>>, %arg6: memref<16384xf32, #tpu.memory_space<hbm>>, %arg7: memref<512xi32, #tpu.memory_space<vmem>>, %arg8: memref<512xi32, #tpu.memory_space<vmem>>, %arg9: memref<384x128xf32, #tpu.memory_space<vmem>>, %arg10: memref<384x128xf32, #tpu.memory_space<vmem>>, %arg11: memref<272xf32, #tpu.memory_space<vmem>>, %arg12: memref<512xf32, #tpu.memory_space<vmem>>, %arg13: memref<!tpu.dma_semaphore, #tpu.memory_space<semaphore_mem>>, %arg14: memref<!tpu.dma_semaphore, #tpu.memory_space<semaphore_mem>>, %arg15: memref<!tpu.dma_semaphore, #tpu.memory_space<semaphore_mem>>, %arg16: memref<!tpu.dma_semaphore, #tpu.memory_space<semaphore_mem>>, %arg17: memref<!tpu.dma_semaphore, #tpu.memory_space<semaphore_mem>>, %arg18: memref<!tpu.dma_semaphore, #tpu.memory_space<semaphore_mem>>) attributes {dimension_semantics = [#tpu.dimension_semantics<core_parallel>, #tpu.dimension_semantics<subcore_parallel>], iteration_bounds = array<i64: 2, 16>, scalar_prefetch = 0 : i64, scratch_operands = 12 : i64, tpu.core_type = #tpu.core_type<sc_vector_subcore>, window_params = [{transform_indices = #map}, {transform_indices = #map}, {transform_indices = #map1}, {transform_indices = #map1}, {transform_indices = #map}]} {
    %mul3A = arith.constant 2 : i32
    %mul3A_0 = arith.muli %arg1, %mul3A : i32
    %add3A = arith.addi %mul3A_0, %arg0 : i32
    %mul3A_1 = arith.constant 512 : i32
    %mul3A_2 = arith.muli %add3A, %mul3A_1 : i32
    "tpu.region"() ({
      %run_scoped3A = tpu.sem_alloc : memref<!tpu.dma_semaphore, #tpu.memory_space<semaphore_mem>>
      %dma_start3A = tpu.memref_slice %arg2[%mul3A_2] : memref<16384xi32, #tpu.memory_space<hbm>> -> memref<512xi32, #tpu.memory_space<hbm>>
      %dma_start3A_8 = tpu.memref_slice %arg2[%mul3A_2] : memref<16384xi32, #tpu.memory_space<hbm>> -> memref<512xi32, #tpu.memory_space<hbm>>
      tpu.enqueue_dma source(%dma_start3A_8 : memref<512xi32, #tpu.memory_space<hbm>>) target(%arg7 : memref<512xi32, #tpu.memory_space<vmem>>) target_semaphore(%run_scoped3A : memref<!tpu.dma_semaphore, #tpu.memory_space<semaphore_mem>>)
      %dma_wait3A = tpu.memref_slice %arg2[%mul3A_2] : memref<16384xi32, #tpu.memory_space<hbm>> -> memref<512xi32, #tpu.memory_space<hbm>>
      %dma_wait3A_9 = tpu.memref_slice %arg2[%mul3A_2] : memref<16384xi32, #tpu.memory_space<hbm>> -> memref<512xi32, #tpu.memory_space<hbm>>
      tpu.wait_dma2 semaphore(%run_scoped3A : memref<!tpu.dma_semaphore, #tpu.memory_space<semaphore_mem>>) src(%dma_wait3A_9 : memref<512xi32, #tpu.memory_space<hbm>>) dst(%arg7 : memref<512xi32, #tpu.memory_space<vmem>>)
      tpu.yield
    }) : () -> ()
    "tpu.region"() ({
      %run_scoped3A = tpu.sem_alloc : memref<!tpu.dma_semaphore, #tpu.memory_space<semaphore_mem>>
      %dma_start3A = tpu.memref_slice %arg3[%mul3A_2] : memref<16384xi32, #tpu.memory_space<hbm>> -> memref<512xi32, #tpu.memory_space<hbm>>
      %dma_start3A_8 = tpu.memref_slice %arg3[%mul3A_2] : memref<16384xi32, #tpu.memory_space<hbm>> -> memref<512xi32, #tpu.memory_space<hbm>>
      tpu.enqueue_dma source(%dma_start3A_8 : memref<512xi32, #tpu.memory_space<hbm>>) target(%arg8 : memref<512xi32, #tpu.memory_space<vmem>>) target_semaphore(%run_scoped3A : memref<!tpu.dma_semaphore, #tpu.memory_space<semaphore_mem>>)
      %dma_wait3A = tpu.memref_slice %arg3[%mul3A_2] : memref<16384xi32, #tpu.memory_space<hbm>> -> memref<512xi32, #tpu.memory_space<hbm>>
      %dma_wait3A_9 = tpu.memref_slice %arg3[%mul3A_2] : memref<16384xi32, #tpu.memory_space<hbm>> -> memref<512xi32, #tpu.memory_space<hbm>>
      tpu.wait_dma2 semaphore(%run_scoped3A : memref<!tpu.dma_semaphore, #tpu.memory_space<semaphore_mem>>) src(%dma_wait3A_9 : memref<512xi32, #tpu.memory_space<hbm>>) dst(%arg8 : memref<512xi32, #tpu.memory_space<vmem>>)
      tpu.yield
    }) : () -> ()
    %iota3A = tpu.iota {dimensions = array<i32: 0>} : vector<16xi32>
    %scan3A = arith.constant 0 : i32
    %scan3A_3 = arith.constant 0 : i32
    %scan3A_4 = arith.constant 32 : i32
    %scan3A_5 = arith.addi %scan3A_3, %scan3A_4 : i32
    %scan3A_6 = arith.constant 1 : i32
    scf.for %scan3A_8 = %scan3A_3 to %scan3A_5 step %scan3A_6  : i32 {
      %mul3A_9 = arith.constant 16 : i32
      %mul3A_10 = arith.muli %scan3A_8, %mul3A_9 : i32
      %get3A = arith.index_cast %mul3A_10 : i32 to index
      %get3A_11 = tpu.vector_load %arg7[%get3A] {strides = array<i32>} : memref<512xi32, #tpu.memory_space<vmem>>, vector<16xi32>,
      %get3A_12 = arith.index_cast %mul3A_10 : i32 to index
      %get3A_13 = tpu.vector_load %arg8[%get3A_12] {strides = array<i32>} : memref<512xi32, #tpu.memory_space<vmem>>, vector<16xi32>,
      %shift_right_arithmetic3A = arith.constant 7 : i32
      %shift_right_arithmetic3A_14 = vector.broadcast %shift_right_arithmetic3A : i32 to vector<16xi32>
      %shift_right_arithmetic3A_15 = arith.shrsi %get3A_11, %shift_right_arithmetic3A_14 : vector<16xi32>
      %shift_right_arithmetic3A_16 = arith.constant 7 : i32
      %shift_right_arithmetic3A_17 = vector.broadcast %shift_right_arithmetic3A_16 : i32 to vector<16xi32>
      %shift_right_arithmetic3A_18 = arith.shrsi %get3A_13, %shift_right_arithmetic3A_17 : vector<16xi32>
      %and3A = arith.constant 127 : i32
      %and3A_19 = vector.broadcast %and3A : i32 to vector<16xi32>
      %and3A_20 = arith.andi %get3A_11, %and3A_19 : vector<16xi32>
      %and3A_21 = arith.constant 127 : i32
      %and3A_22 = vector.broadcast %and3A_21 : i32 to vector<16xi32>
      %and3A_23 = arith.andi %get3A_13, %and3A_22 : vector<16xi32>
      %eq3A = arith.constant 0 : i32
      %eq3A_24 = vector.broadcast %eq3A : i32 to vector<16xi32>
      %eq3A_25 = arith.cmpi eq, %iota3A, %eq3A_24 : vector<16xi32>
      %jit3A = arith.constant 0 : i32
      %broadcast_in_dim3A = vector.broadcast %jit3A : i32 to vector<16xi32>
      %select_n3A = arith.select %eq3A_25, %shift_right_arithmetic3A_15, %broadcast_in_dim3A : vector<16xi1>, vector<16xi32>
      %reduce_sum3A = arith.constant true
      %reduce_sum3A_26 = vector.broadcast %reduce_sum3A : i1 to vector<16xi1>
      %reduce_sum3A_27 = tpu.scan <sum>, %select_n3A masked %reduce_sum3A_26 : vector<16xi32>, vector<16xi1> -> vector<16xi32>
      %reduce_sum3A_28 = vector.extract %reduce_sum3A_27[15] : i32 from vector<16xi32>
      %eq3A_29 = arith.constant 0 : i32
      %eq3A_30 = vector.broadcast %eq3A_29 : i32 to vector<16xi32>
      %eq3A_31 = arith.cmpi eq, %iota3A, %eq3A_30 : vector<16xi32>
      %jit3A_32 = arith.constant 0 : i32
      %broadcast_in_dim3A_33 = vector.broadcast %jit3A_32 : i32 to vector<16xi32>
      %select_n3A_34 = arith.select %eq3A_31, %shift_right_arithmetic3A_18, %broadcast_in_dim3A_33 : vector<16xi1>, vector<16xi32>
      %reduce_sum3A_35 = arith.constant true
      %reduce_sum3A_36 = vector.broadcast %reduce_sum3A_35 : i1 to vector<16xi1>
      %reduce_sum3A_37 = tpu.scan <sum>, %select_n3A_34 masked %reduce_sum3A_36 : vector<16xi32>, vector<16xi1> -> vector<16xi32>
      %reduce_sum3A_38 = vector.extract %reduce_sum3A_37[15] : i32 from vector<16xi32>
      %mul3A_39 = arith.constant 128 : i32
      %mul3A_40 = arith.muli %reduce_sum3A_28, %mul3A_39 : i32
      %multiple_of3A = tpu.assume_multiple %mul3A_40, 128 : i32
      %mul3A_41 = arith.constant 128 : i32
      %mul3A_42 = arith.muli %reduce_sum3A_38, %mul3A_41 : i32
      %multiple_of3A_43 = tpu.assume_multiple %mul3A_42, 128 : i32
      %dma_start3A = arith.constant 0 : i32
      %dma_start3A_44 = arith.constant 0 : i32
      %dma_start3A_45 = tpu.memref_slice %arg9[%dma_start3A, %dma_start3A_44] : memref<384x128xf32, #tpu.memory_space<vmem>> -> memref<8x128xf32, #tpu.memory_space<vmem>>
      %dma_start3A_46 = arith.constant 0 : i32
      %dma_start3A_47 = tpu.memref_slice %arg4[%dma_start3A_46, %multiple_of3A] : memref<32x1000000xf32, #tpu.memory_space<hbm>> -> memref<8x128xf32, #tpu.memory_space<hbm>>
      %dma_start3A_48 = arith.constant 0 : i32
      %dma_start3A_49 = arith.constant 0 : i32
      %dma_start3A_50 = tpu.memref_slice %arg9[%dma_start3A_48, %dma_start3A_49] : memref<384x128xf32, #tpu.memory_space<vmem>> -> memref<8x128xf32, #tpu.memory_space<vmem>>
      %dma_start3A_51 = arith.constant 0 : i32
      %dma_start3A_52 = tpu.memref_slice %arg4[%dma_start3A_51, %multiple_of3A] : memref<32x1000000xf32, #tpu.memory_space<hbm>> -> memref<8x128xf32, #tpu.memory_space<hbm>>
      tpu.enqueue_dma source(%dma_start3A_52 : memref<8x128xf32, #tpu.memory_space<hbm>>) target(%dma_start3A_50 : memref<8x128xf32, #tpu.memory_space<vmem>>) target_semaphore(%arg13 : memref<!tpu.dma_semaphore, #tpu.memory_space<semaphore_mem>>)
      %dma_start3A_53 = arith.constant 0 : i32
      %dma_start3A_54 = arith.constant 0 : i32
      %dma_start3A_55 = tpu.memref_slice %arg10[%dma_start3A_53, %dma_start3A_54] : memref<384x128xf32, #tpu.memory_space<vmem>> -> memref<8x128xf32, #tpu.memory_space<vmem>>
      %dma_start3A_56 = arith.constant 0 : i32
      %dma_start3A_57 = tpu.memref_slice %arg5[%dma_start3A_56, %multiple_of3A_43] : memref<32x1000000xf32, #tpu.memory_space<hbm>> -> memref<8x128xf32, #tpu.memory_space<hbm>>
      %dma_start3A_58 = arith.constant 0 : i32
      %dma_start3A_59 = arith.constant 0 : i32
      %dma_start3A_60 = tpu.memref_slice %arg10[%dma_start3A_58, %dma_start3A_59] : memref<384x128xf32, #tpu.memory_space<vmem>> -> memref<8x128xf32, #tpu.memory_space<vmem>>
      %dma_start3A_61 = arith.constant 0 : i32
      %dma_start3A_62 = tpu.memref_slice %arg5[%dma_start3A_61, %multiple_of3A_43] : memref<32x1000000xf32, #tpu.memory_space<hbm>> -> memref<8x128xf32, #tpu.memory_space<hbm>>
      tpu.enqueue_dma source(%dma_start3A_62 : memref<8x128xf32, #tpu.memory_space<hbm>>) target(%dma_start3A_60 : memref<8x128xf32, #tpu.memory_space<vmem>>) target_semaphore(%arg16 : memref<!tpu.dma_semaphore, #tpu.memory_space<semaphore_mem>>)
      %dma_start3A_63 = arith.constant 8 : i32
      %dma_start3A_64 = arith.constant 0 : i32
      %dma_start3A_65 = tpu.memref_slice %arg9[%dma_start3A_63, %dma_start3A_64] : memref<384x128xf32, #tpu.memory_space<vmem>> -> memref<8x128xf32, #tpu.memory_space<vmem>>
      %dma_start3A_66 = arith.constant 8 : i32
      %dma_start3A_67 = tpu.memref_slice %arg4[%dma_start3A_66, %multiple_of3A] : memref<32x1000000xf32, #tpu.memory_space<hbm>> -> memref<8x128xf32, #tpu.memory_space<hbm>>
      %dma_start3A_68 = arith.constant 8 : i32
      %dma_start3A_69 = arith.constant 0 : i32
      %dma_start3A_70 = tpu.memref_slice %arg9[%dma_start3A_68, %dma_start3A_69] : memref<384x128xf32, #tpu.memory_space<vmem>> -> memref<8x128xf32, #tpu.memory_space<vmem>>
      %dma_start3A_71 = arith.constant 8 : i32
      %dma_start3A_72 = tpu.memref_slice %arg4[%dma_start3A_71, %multiple_of3A] : memref<32x1000000xf32, #tpu.memory_space<hbm>> -> memref<8x128xf32, #tpu.memory_space<hbm>>
      tpu.enqueue_dma source(%dma_start3A_72 : memref<8x128xf32, #tpu.memory_space<hbm>>) target(%dma_start3A_70 : memref<8x128xf32, #tpu.memory_space<vmem>>) target_semaphore(%arg13 : memref<!tpu.dma_semaphore, #tpu.memory_space<semaphore_mem>>)
      %dma_start3A_73 = arith.constant 8 : i32
      %dma_start3A_74 = arith.constant 0 : i32
      %dma_start3A_75 = tpu.memref_slice %arg10[%dma_start3A_73, %dma_start3A_74] : memref<384x128xf32, #tpu.memory_space<vmem>> -> memref<8x128xf32, #tpu.memory_space<vmem>>
      %dma_start3A_76 = arith.constant 8 : i32
      %dma_start3A_77 = tpu.memref_slice %arg5[%dma_start3A_76, %multiple_of3A_43] : memref<32x1000000xf32, #tpu.memory_space<hbm>> -> memref<8x128xf32, #tpu.memory_space<hbm>>
      %dma_start3A_78 = arith.constant 8 : i32
      %dma_start3A_79 = arith.constant 0 : i32
      %dma_start3A_80 = tpu.memref_slice %arg10[%dma_start3A_78, %dma_start3A_79] : memref<384x128xf32, #tpu.memory_space<vmem>> -> memref<8x128xf32, #tpu.memory_space<vmem>>
      %dma_start3A_81 = arith.constant 8 : i32
      %dma_start3A_82 = tpu.memref_slice %arg5[%dma_start3A_81, %multiple_of3A_43] : memref<32x1000000xf32, #tpu.memory_space<hbm>> -> memref<8x128xf32, #tpu.memory_space<hbm>>
      tpu.enqueue_dma source(%dma_start3A_82 : memref<8x128xf32, #tpu.memory_space<hbm>>) target(%dma_start3A_80 : memref<8x128xf32, #tpu.memory_space<vmem>>) target_semaphore(%arg16 : memref<!tpu.dma_semaphore, #tpu.memory_space<semaphore_mem>>)
      %dma_start3A_83 = arith.constant 16 : i32
      %dma_start3A_84 = arith.constant 0 : i32
      %dma_start3A_85 = tpu.memref_slice %arg9[%dma_start3A_83, %dma_start3A_84] : memref<384x128xf32, #tpu.memory_space<vmem>> -> memref<8x128xf32, #tpu.memory_space<vmem>>
      %dma_start3A_86 = arith.constant 16 : i32
      %dma_start3A_87 = tpu.memref_slice %arg4[%dma_start3A_86, %multiple_of3A] : memref<32x1000000xf32, #tpu.memory_space<hbm>> -> memref<8x128xf32, #tpu.memory_space<hbm>>
      %dma_start3A_88 = arith.constant 16 : i32
      %dma_start3A_89 = arith.constant 0 : i32
      %dma_start3A_90 = tpu.memref_slice %arg9[%dma_start3A_88, %dma_start3A_89] : memref<384x128xf32, #tpu.memory_space<vmem>> -> memref<8x128xf32, #tpu.memory_space<vmem>>
      %dma_start3A_91 = arith.constant 16 : i32
      %dma_start3A_92 = tpu.memref_slice %arg4[%dma_start3A_91, %multiple_of3A] : memref<32x1000000xf32, #tpu.memory_space<hbm>> -> memref<8x128xf32, #tpu.memory_space<hbm>>
      tpu.enqueue_dma source(%dma_start3A_92 : memref<8x128xf32, #tpu.memory_space<hbm>>) target(%dma_start3A_90 : memref<8x128xf32, #tpu.memory_space<vmem>>) target_semaphore(%arg13 : memref<!tpu.dma_semaphore, #tpu.memory_space<semaphore_mem>>)
      %dma_start3A_93 = arith.constant 16 : i32
      %dma_start3A_94 = arith.constant 0 : i32
      %dma_start3A_95 = tpu.memref_slice %arg10[%dma_start3A_93, %dma_start3A_94] : memref<384x128xf32, #tpu.memory_space<vmem>> -> memref<8x128xf32, #tpu.memory_space<vmem>>
      %dma_start3A_96 = arith.constant 16 : i32
      %dma_start3A_97 = tpu.memref_slice %arg5[%dma_start3A_96, %multiple_of3A_43] : memref<32x1000000xf32, #tpu.memory_space<hbm>> -> memref<8x128xf32, #tpu.memory_space<hbm>>
      %dma_start3A_98 = arith.constant 16 : i32
      %dma_start3A_99 = arith.constant 0 : i32
      %dma_start3A_100 = tpu.memref_slice %arg10[%dma_start3A_98, %dma_start3A_99] : memref<384x128xf32, #tpu.memory_space<vmem>> -> memref<8x128xf32, #tpu.memory_space<vmem>>
      %dma_start3A_101 = arith.constant 16 : i32
      %dma_start3A_102 = tpu.memref_slice %arg5[%dma_start3A_101, %multiple_of3A_43] : memref<32x1000000xf32, #tpu.memory_space<hbm>> -> memref<8x128xf32, #tpu.memory_space<hbm>>
      tpu.enqueue_dma source(%dma_start3A_102 : memref<8x128xf32, #tpu.memory_space<hbm>>) target(%dma_start3A_100 : memref<8x128xf32, #tpu.memory_space<vmem>>) target_semaphore(%arg16 : memref<!tpu.dma_semaphore, #tpu.memory_space<semaphore_mem>>)
      %dma_start3A_103 = arith.constant 24 : i32
      %dma_start3A_104 = arith.constant 0 : i32
      %dma_start3A_105 = tpu.memref_slice %arg9[%dma_start3A_103, %dma_start3A_104] : memref<384x128xf32, #tpu.memory_space<vmem>> -> memref<8x128xf32, #tpu.memory_space<vmem>>
      %dma_start3A_106 = arith.constant 24 : i32
      %dma_start3A_107 = tpu.memref_slice %arg4[%dma_start3A_106, %multiple_of3A] : memref<32x1000000xf32, #tpu.memory_space<hbm>> -> memref<8x128xf32, #tpu.memory_space<hbm>>
      %dma_start3A_108 = arith.constant 24 : i32
      %dma_start3A_109 = arith.constant 0 : i32
      %dma_start3A_110 = tpu.memref_slice %arg9[%dma_start3A_108, %dma_start3A_109] : memref<384x128xf32, #tpu.memory_space<vmem>> -> memref<8x128xf32, #tpu.memory_space<vmem>>
      %dma_start3A_111 = arith.constant 24 : i32
      %dma_start3A_112 = tpu.memref_slice %arg4[%dma_start3A_111, %multiple_of3A] : memref<32x1000000xf32, #tpu.memory_space<hbm>> -> memref<8x128xf32, #tpu.memory_space<hbm>>
      tpu.enqueue_dma source(%dma_start3A_112 : memref<8x128xf32, #tpu.memory_space<hbm>>) target(%dma_start3A_110 : memref<8x128xf32, #tpu.memory_space<vmem>>) target_semaphore(%arg13 : memref<!tpu.dma_semaphore, #tpu.memory_space<semaphore_mem>>)
      %dma_start3A_113 = arith.constant 24 : i32
      %dma_start3A_114 = arith.constant 0 : i32
      %dma_start3A_115 = tpu.memref_slice %arg10[%dma_start3A_113, %dma_start3A_114] : memref<384x128xf32, #tpu.memory_space<vmem>> -> memref<8x128xf32, #tpu.memory_space<vmem>>
      %dma_start3A_116 = arith.constant 24 : i32
      %dma_start3A_117 = tpu.memref_slice %arg5[%dma_start3A_116, %multiple_of3A_43] : memref<32x1000000xf32, #tpu.memory_space<hbm>> -> memref<8x128xf32, #tpu.memory_space<hbm>>
      %dma_start3A_118 = arith.constant 24 : i32
      %dma_start3A_119 = arith.constant 0 : i32
      %dma_start3A_120 = tpu.memref_slice %arg10[%dma_start3A_118, %dma_start3A_119] : memref<384x128xf32, #tpu.memory_space<vmem>> -> memref<8x128xf32, #tpu.memory_space<vmem>>
      %dma_start3A_121 = arith.constant 24 : i32
      %dma_start3A_122 = tpu.memref_slice %arg5[%dma_start3A_121, %multiple_of3A_43] : memref<32x1000000xf32, #tpu.memory_space<hbm>> -> memref<8x128xf32, #tpu.memory_space<hbm>>
      tpu.enqueue_dma source(%dma_start3A_122 : memref<8x128xf32, #tpu.memory_space<hbm>>) target(%dma_start3A_120 : memref<8x128xf32, #tpu.memory_space<vmem>>) target_semaphore(%arg16 : memref<!tpu.dma_semaphore, #tpu.memory_space<semaphore_mem>>)
      %eq3A_123 = arith.constant 1 : i32
      %eq3A_124 = vector.broadcast %eq3A_123 : i32 to vector<16xi32>
      %eq3A_125 = arith.cmpi eq, %iota3A, %eq3A_124 : vector<16xi32>
      %jit3A_126 = arith.constant 0 : i32
      %broadcast_in_dim3A_127 = vector.broadcast %jit3A_126 : i32 to vector<16xi32>
      %select_n3A_128 = arith.select %eq3A_125, %shift_right_arithmetic3A_15, %broadcast_in_dim3A_127 : vector<16xi1>, vector<16xi32>
      %reduce_sum3A_129 = arith.constant true
      %reduce_sum3A_130 = vector.broadcast %reduce_sum3A_129 : i1 to vector<16xi1>
      %reduce_sum3A_131 = tpu.scan <sum>, %select_n3A_128 masked %reduce_sum3A_130 : vector<16xi32>, vector<16xi1> -> vector<16xi32>
      %reduce_sum3A_132 = vector.extract %reduce_sum3A_131[15] : i32 from vector<16xi32>
      %eq3A_133 = arith.constant 1 : i32
      %eq3A_134 = vector.broadcast %eq3A_133 : i32 to vector<16xi32>
      %eq3A_135 = arith.cmpi eq, %iota3A, %eq3A_134 : vector<16xi32>
      %jit3A_136 = arith.constant 0 : i32
      %broadcast_in_dim3A_137 = vector.broadcast %jit3A_136 : i32 to vector<16xi32>
      %select_n3A_138 = arith.select %eq3A_135, %shift_right_arithmetic3A_18, %broadcast_in_dim3A_137 : vector<16xi1>, vector<16xi32>
      %reduce_sum3A_139 = arith.constant true
      %reduce_sum3A_140 = vector.broadcast %reduce_sum3A_139 : i1 to vector<16xi1>
      %reduce_sum3A_141 = tpu.scan <sum>, %select_n3A_138 masked %reduce_sum3A_140 : vector<16xi32>, vector<16xi1> -> vector<16xi32>
      %reduce_sum3A_142 = vector.extract %reduce_sum3A_141[15] : i32 from vector<16xi32>
      %mul3A_143 = arith.constant 128 : i32
      %mul3A_144 = arith.muli %reduce_sum3A_132, %mul3A_143 : i32
      %multiple_of3A_145 = tpu.assume_multiple %mul3A_144, 128 : i32
      %mul3A_146 = arith.constant 128 : i32
      %mul3A_147 = arith.muli %reduce_sum3A_142, %mul3A_146 : i32
      %multiple_of3A_148 = tpu.assume_multiple %mul3A_147, 128 : i32
      %dma_start3A_149 = arith.constant 32 : i32
      %dma_start3A_150 = arith.constant 0 : i32
      %dma_start3A_151 = tpu.memref_slice %arg9[%dma_start3A_149, %dma_start3A_150] : memref<384x128xf32, #tpu.memory_space<vmem>> -> memref<8x128xf32, #tpu.memory_space<vmem>>
      %dma_start3A_152 = arith.constant 0 : i32
      %dma_start3A_153 = tpu.memref_slice %arg4[%dma_start3A_152, %multiple_of3A_145] : memref<32x1000000xf32, #tpu.memory_space<hbm>> -> memref<8x128xf32, #tpu.memory_space<hbm>>
      %dma_start3A_154 = arith.constant 32 : i32
      %dma_start3A_155 = arith.constant 0 : i32
      %dma_start3A_156 = tpu.memref_slice %arg9[%dma_start3A_154, %dma_start3A_155] : memref<384x128xf32, #tpu.memory_space<vmem>> -> memref<8x128xf32, #tpu.memory_space<vmem>>
      %dma_start3A_157 = arith.constant 0 : i32
      %dma_start3A_158 = tpu.memref_slice %arg4[%dma_start3A_157, %multiple_of3A_145] : memref<32x1000000xf32, #tpu.memory_space<hbm>> -> memref<8x128xf32, #tpu.memory_space<hbm>>
      tpu.enqueue_dma source(%dma_start3A_158 : memref<8x128xf32, #tpu.memory_space<hbm>>) target(%dma_start3A_156 : memref<8x128xf32, #tpu.memory_space<vmem>>) target_semaphore(%arg13 : memref<!tpu.dma_semaphore, #tpu.memory_space<semaphore_mem>>)
      %dma_start3A_159 = arith.constant 32 : i32
      %dma_start3A_160 = arith.constant 0 : i32
      %dma_start3A_161 = tpu.memref_slice %arg10[%dma_start3A_159, %dma_start3A_160] : memref<384x128xf32, #tpu.memory_space<vmem>> -> memref<8x128xf32, #tpu.memory_space<vmem>>
      %dma_start3A_162 = arith.constant 0 : i32
      %dma_start3A_163 = tpu.memref_slice %arg5[%dma_start3A_162, %multiple_of3A_148] : memref<32x1000000xf32, #tpu.memory_space<hbm>> -> memref<8x128xf32, #tpu.memory_space<hbm>>
      %dma_start3A_164 = arith.constant 32 : i32
      %dma_start3A_165 = arith.constant 0 : i32
      %dma_start3A_166 = tpu.memref_slice %arg10[%dma_start3A_164, %dma_start3A_165] : memref<384x128xf32, #tpu.memory_space<vmem>> -> memref<8x128xf32, #tpu.memory_space<vmem>>
      %dma_start3A_167 = arith.constant 0 : i32
      %dma_start3A_168 = tpu.memref_slice %arg5[%dma_start3A_167, %multiple_of3A_148] : memref<32x1000000xf32, #tpu.memory_space<hbm>> -> memref<8x128xf32, #tpu.memory_space<hbm>>
      tpu.enqueue_dma source(%dma_start3A_168 : memref<8x128xf32, #tpu.memory_space<hbm>>) target(%dma_start3A_166 : memref<8x128xf32, #tpu.memory_space<vmem>>) target_semaphore(%arg16 : memref<!tpu.dma_semaphore, #tpu.memory_space<semaphore_mem>>)
      %dma_start3A_169 = arith.constant 40 : i32
      %dma_start3A_170 = arith.constant 0 : i32
      %dma_start3A_171 = tpu.memref_slice %arg9[%dma_start3A_169, %dma_start3A_170] : memref<384x128xf32, #tpu.memory_space<vmem>> -> memref<8x128xf32, #tpu.memory_space<vmem>>
      %dma_start3A_172 = arith.constant 8 : i32
      %dma_start3A_173 = tpu.memref_slice %arg4[%dma_start3A_172, %multiple_of3A_145] : memref<32x1000000xf32, #tpu.memory_space<hbm>> -> memref<8x128xf32, #tpu.memory_space<hbm>>
      %dma_start3A_174 = arith.constant 40 : i32
      %dma_start3A_175 = arith.constant 0 : i32
      %dma_start3A_176 = tpu.memref_slice %arg9[%dma_start3A_174, %dma_start3A_175] : memref<384x128xf32, #tpu.memory_space<vmem>> -> memref<8x128xf32, #tpu.memory_space<vmem>>
      %dma_start3A_177 = arith.constant 8 : i32
      %dma_start3A_178 = tpu.memref_slice %arg4[%dma_start3A_177, %multiple_of3A_145] : memref<32x1000000xf32, #tpu.memory_space<hbm>> -> memref<8x128xf32, #tpu.memory_space<hbm>>
      tpu.enqueue_dma source(%dma_start3A_178 : memref<8x128xf32, #tpu.memory_space<hbm>>) target(%dma_start3A_176 : memref<8x128xf32, #tpu.memory_space<vmem>>) target_semaphore(%arg13 : memref<!tpu.dma_semaphore, #tpu.memory_space<semaphore_mem>>)
      %dma_start3A_179 = arith.constant 40 : i32
      %dma_start3A_180 = arith.constant 0 : i32
      %dma_start3A_181 = tpu.memref_slice %arg10[%dma_start3A_179, %dma_start3A_180] : memref<384x128xf32, #tpu.memory_space<vmem>> -> memref<8x128xf32, #tpu.memory_space<vmem>>
      %dma_start3A_182 = arith.constant 8 : i32
      %dma_start3A_183 = tpu.memref_slice %arg5[%dma_start3A_182, %multiple_of3A_148] : memref<32x1000000xf32, #tpu.memory_space<hbm>> -> memref<8x128xf32, #tpu.memory_space<hbm>>
      %dma_start3A_184 = arith.constant 40 : i32
      %dma_start3A_185 = arith.constant 0 : i32
      %dma_start3A_186 = tpu.memref_slice %arg10[%dma_start3A_184, %dma_start3A_185] : memref<384x128xf32, #tpu.memory_space<vmem>> -> memref<8x128xf32, #tpu.memory_space<vmem>>
      %dma_start3A_187 = arith.constant 8 : i32
      %dma_start3A_188 = tpu.memref_slice %arg5[%dma_start3A_187, %multiple_of3A_148] : memref<32x1000000xf32, #tpu.memory_space<hbm>> -> memref<8x128xf32, #tpu.memory_space<hbm>>
      tpu.enqueue_dma source(%dma_start3A_188 : memref<8x128xf32, #tpu.memory_space<hbm>>) target(%dma_start3A_186 : memref<8x128xf32, #tpu.memory_space<vmem>>) target_semaphore(%arg16 : memref<!tpu.dma_semaphore, #tpu.memory_space<semaphore_mem>>)
      %dma_start3A_189 = arith.constant 48 : i32
      %dma_start3A_190 = arith.constant 0 : i32
      %dma_start3A_191 = tpu.memref_slice %arg9[%dma_start3A_189, %dma_start3A_190] : memref<384x128xf32, #tpu.memory_space<vmem>> -> memref<8x128xf32, #tpu.memory_space<vmem>>
      %dma_start3A_192 = arith.constant 16 : i32
      %dma_start3A_193 = tpu.memref_slice %arg4[%dma_start3A_192, %multiple_of3A_145] : memref<32x1000000xf32, #tpu.memory_space<hbm>> -> memref<8x128xf32, #tpu.memory_space<hbm>>
      %dma_start3A_194 = arith.constant 48 : i32
      %dma_start3A_195 = arith.constant 0 : i32
      %dma_start3A_196 = tpu.memref_slice %arg9[%dma_start3A_194, %dma_start3A_195] : memref<384x128xf32, #tpu.memory_space<vmem>> -> memref<8x128xf32, #tpu.memory_space<vmem>>
      %dma_start3A_197 = arith.constant 16 : i32
      %dma_start3A_198 = tpu.memref_slice %arg4[%dma_start3A_197, %multiple_of3A_145] : memref<32x1000000xf32, #tpu.memory_space<hbm>> -> memref<8x128xf32, #tpu.memory_space<hbm>>
      tpu.enqueue_dma source(%dma_start3A_198 : memref<8x128xf32, #tpu.memory_space<hbm>>) target(%dma_start3A_196 : memref<8x128xf32, #tpu.memory_space<vmem>>) target_semaphore(%arg13 : memref<!tpu.dma_semaphore, #tpu.memory_space<semaphore_mem>>)
      %dma_start3A_199 = arith.constant 48 : i32
      %dma_start3A_200 = arith.constant 0 : i32
      %dma_start3A_201 = tpu.memref_slice %arg10[%dma_start3A_199, %dma_start3A_200] : memref<384x128xf32, #tpu.memory_space<vmem>> -> memref<8x128xf32, #tpu.memory_space<vmem>>
      %dma_start3A_202 = arith.constant 16 : i32
      %dma_start3A_203 = tpu.memref_slice %arg5[%dma_start3A_202, %multiple_of3A_148] : memref<32x1000000xf32, #tpu.memory_space<hbm>> -> memref<8x128xf32, #tpu.memory_space<hbm>>
      %dma_start3A_204 = arith.constant 48 : i32
      %dma_start3A_205 = arith.constant 0 : i32
      %dma_start3A_206 = tpu.memref_slice %arg10[%dma_start3A_204, %dma_start3A_205] : memref<384x128xf32, #tpu.memory_space<vmem>> -> memref<8x128xf32, #tpu.memory_space<vmem>>
      %dma_start3A_207 = arith.constant 16 : i32
      %dma_start3A_208 = tpu.memref_slice %arg5[%dma_start3A_207, %multiple_of3A_148] : memref<32x1000000xf32, #tpu.memory_space<hbm>> -> memref<8x128xf32, #tpu.memory_space<hbm>>
      tpu.enqueue_dma source(%dma_start3A_208 : memref<8x128xf32, #tpu.memory_space<hbm>>) target(%dma_start3A_206 : memref<8x128xf32, #tpu.memory_space<vmem>>) target_semaphore(%arg16 : memref<!tpu.dma_semaphore, #tpu.memory_space<semaphore_mem>>)
      %dma_start3A_209 = arith.constant 56 : i32
      %dma_start3A_210 = arith.constant 0 : i32
      %dma_start3A_211 = tpu.memref_slice %arg9[%dma_start3A_209, %dma_start3A_210] : memref<384x128xf32, #tpu.memory_space<vmem>> -> memref<8x128xf32, #tpu.memory_space<vmem>>
      %dma_start3A_212 = arith.constant 24 : i32
      %dma_start3A_213 = tpu.memref_slice %arg4[%dma_start3A_212, %multiple_of3A_145] : memref<32x1000000xf32, #tpu.memory_space<hbm>> -> memref<8x128xf32, #tpu.memory_space<hbm>>
      %dma_start3A_214 = arith.constant 56 : i32
      %dma_start3A_215 = arith.constant 0 : i32
      %dma_start3A_216 = tpu.memref_slice %arg9[%dma_start3A_214, %dma_start3A_215] : memref<384x128xf32, #tpu.memory_space<vmem>> -> memref<8x128xf32, #tpu.memory_space<vmem>>
      %dma_start3A_217 = arith.constant 24 : i32
      %dma_start3A_218 = tpu.memref_slice %arg4[%dma_start3A_217, %multiple_of3A_145] : memref<32x1000000xf32, #tpu.memory_space<hbm>> -> memref<8x128xf32, #tpu.memory_space<hbm>>
      tpu.enqueue_dma source(%dma_start3A_218 : memref<8x128xf32, #tpu.memory_space<hbm>>) target(%dma_start3A_216 : memref<8x128xf32, #tpu.memory_space<vmem>>) target_semaphore(%arg13 : memref<!tpu.dma_semaphore, #tpu.memory_space<semaphore_mem>>)
      %dma_start3A_219 = arith.constant 56 : i32
      %dma_start3A_220 = arith.constant 0 : i32
      %dma_start3A_221 = tpu.memref_slice %arg10[%dma_start3A_219, %dma_start3A_220] : memref<384x128xf32, #tpu.memory_space<vmem>> -> memref<8x128xf32, #tpu.memory_space<vmem>>
      %dma_start3A_222 = arith.constant 24 : i32
      %dma_start3A_223 = tpu.memref_slice %arg5[%dma_start3A_222, %multiple_of3A_148] : memref<32x1000000xf32, #tpu.memory_space<hbm>> -> memref<8x128xf32, #tpu.memory_space<hbm>>
      %dma_start3A_224 = arith.constant 56 : i32
      %dma_start3A_225 = arith.constant 0 : i32
      %dma_start3A_226 = tpu.memref_slice %arg10[%dma_start3A_224, %dma_start3A_225] : memref<384x128xf32, #tpu.memory_space<vmem>> -> memref<8x128xf32, #tpu.memory_space<vmem>>
      %dma_start3A_227 = arith.constant 24 : i32
      %dma_start3A_228 = tpu.memref_slice %arg5[%dma_start3A_227, %multiple_of3A_148] : memref<32x1000000xf32, #tpu.memory_space<hbm>> -> memref<8x128xf32, #tpu.memory_space<hbm>>
      tpu.enqueue_dma source(%dma_start3A_228 : memref<8x128xf32, #tpu.memory_space<hbm>>) target(%dma_start3A_226 : memref<8x128xf32, #tpu.memory_space<vmem>>) target_semaphore(%arg16 : memref<!tpu.dma_semaphore, #tpu.memory_space<semaphore_mem>>)
      %eq3A_229 = arith.constant 2 : i32
      %eq3A_230 = vector.broadcast %eq3A_229 : i32 to vector<16xi32>
      %eq3A_231 = arith.cmpi eq, %iota3A, %eq3A_230 : vector<16xi32>
      %jit3A_232 = arith.constant 0 : i32
      %broadcast_in_dim3A_233 = vector.broadcast %jit3A_232 : i32 to vector<16xi32>
      %select_n3A_234 = arith.select %eq3A_231, %shift_right_arithmetic3A_15, %broadcast_in_dim3A_233 : vector<16xi1>, vector<16xi32>
      %reduce_sum3A_235 = arith.constant true
      %reduce_sum3A_236 = vector.broadcast %reduce_sum3A_235 : i1 to vector<16xi1>
      %reduce_sum3A_237 = tpu.scan <sum>, %select_n3A_234 masked %reduce_sum3A_236 : vector<16xi32>, vector<16xi1> -> vector<16xi32>
      %reduce_sum3A_238 = vector.extract %reduce_sum3A_237[15] : i32 from vector<16xi32>
      %eq3A_239 = arith.constant 2 : i32
      %eq3A_240 = vector.broadcast %eq3A_239 : i32 to vector<16xi32>
      %eq3A_241 = arith.cmpi eq, %iota3A, %eq3A_240 : vector<16xi32>
      %jit3A_242 = arith.constant 0 : i32
      %broadcast_in_dim3A_243 = vector.broadcast %jit3A_242 : i32 to vector<16xi32>
      %select_n3A_244 = arith.select %eq3A_241, %shift_right_arithmetic3A_18, %broadcast_in_dim3A_243 : vector<16xi1>, vector<16xi32>
      %reduce_sum3A_245 = arith.constant true
      %reduce_sum3A_246 = vector.broadcast %reduce_sum3A_245 : i1 to vector<16xi1>
      %reduce_sum3A_247 = tpu.scan <sum>, %select_n3A_244 masked %reduce_sum3A_246 : vector<16xi32>, vector<16xi1> -> vector<16xi32>
      %reduce_sum3A_248 = vector.extract %reduce_sum3A_247[15] : i32 from vector<16xi32>
      %mul3A_249 = arith.constant 128 : i32
      %mul3A_250 = arith.muli %reduce_sum3A_238, %mul3A_249 : i32
      %multiple_of3A_251 = tpu.assume_multiple %mul3A_250, 128 : i32
      %mul3A_252 = arith.constant 128 : i32
      %mul3A_253 = arith.muli %reduce_sum3A_248, %mul3A_252 : i32
      %multiple_of3A_254 = tpu.assume_multiple %mul3A_253, 128 : i32
      %dma_start3A_255 = arith.constant 64 : i32
      %dma_start3A_256 = arith.constant 0 : i32
      %dma_start3A_257 = tpu.memref_slice %arg9[%dma_start3A_255, %dma_start3A_256] : memref<384x128xf32, #tpu.memory_space<vmem>> -> memref<8x128xf32, #tpu.memory_space<vmem>>
      %dma_start3A_258 = arith.constant 0 : i32
      %dma_start3A_259 = tpu.memref_slice %arg4[%dma_start3A_258, %multiple_of3A_251] : memref<32x1000000xf32, #tpu.memory_space<hbm>> -> memref<8x128xf32, #tpu.memory_space<hbm>>
      %dma_start3A_260 = arith.constant 64 : i32
      %dma_start3A_261 = arith.constant 0 : i32
      %dma_start3A_262 = tpu.memref_slice %arg9[%dma_start3A_260, %dma_start3A_261] : memref<384x128xf32, #tpu.memory_space<vmem>> -> memref<8x128xf32, #tpu.memory_space<vmem>>
      %dma_start3A_263 = arith.constant 0 : i32
      %dma_start3A_264 = tpu.memref_slice %arg4[%dma_start3A_263, %multiple_of3A_251] : memref<32x1000000xf32, #tpu.memory_space<hbm>> -> memref<8x128xf32, #tpu.memory_space<hbm>>
      tpu.enqueue_dma source(%dma_start3A_264 : memref<8x128xf32, #tpu.memory_space<hbm>>) target(%dma_start3A_262 : memref<8x128xf32, #tpu.memory_space<vmem>>) target_semaphore(%arg13 : memref<!tpu.dma_semaphore, #tpu.memory_space<semaphore_mem>>)
      %dma_start3A_265 = arith.constant 64 : i32
      %dma_start3A_266 = arith.constant 0 : i32
      %dma_start3A_267 = tpu.memref_slice %arg10[%dma_start3A_265, %dma_start3A_266] : memref<384x128xf32, #tpu.memory_space<vmem>> -> memref<8x128xf32, #tpu.memory_space<vmem>>
      %dma_start3A_268 = arith.constant 0 : i32
      %dma_start3A_269 = tpu.memref_slice %arg5[%dma_start3A_268, %multiple_of3A_254] : memref<32x1000000xf32, #tpu.memory_space<hbm>> -> memref<8x128xf32, #tpu.memory_space<hbm>>
      %dma_start3A_270 = arith.constant 64 : i32
      %dma_start3A_271 = arith.constant 0 : i32
      %dma_start3A_272 = tpu.memref_slice %arg10[%dma_start3A_270, %dma_start3A_271] : memref<384x128xf32, #tpu.memory_space<vmem>> -> memref<8x128xf32, #tpu.memory_space<vmem>>
      %dma_start3A_273 = arith.constant 0 : i32
      %dma_start3A_274 = tpu.memref_slice %arg5[%dma_start3A_273, %multiple_of3A_254] : memref<32x1000000xf32, #tpu.memory_space<hbm>> -> memref<8x128xf32, #tpu.memory_space<hbm>>
      tpu.enqueue_dma source(%dma_start3A_274 : memref<8x128xf32, #tpu.memory_space<hbm>>) target(%dma_start3A_272 : memref<8x128xf32, #tpu.memory_space<vmem>>) target_semaphore(%arg16 : memref<!tpu.dma_semaphore, #tpu.memory_space<semaphore_mem>>)
      %dma_start3A_275 = arith.constant 72 : i32
      %dma_start3A_276 = arith.constant 0 : i32
      %dma_start3A_277 = tpu.memref_slice %arg9[%dma_start3A_275, %dma_start3A_276] : memref<384x128xf32, #tpu.memory_space<vmem>> -> memref<8x128xf32, #tpu.memory_space<vmem>>
      %dma_start3A_278 = arith.constant 8 : i32
      %dma_start3A_279 = tpu.memref_slice %arg4[%dma_start3A_278, %multiple_of3A_251] : memref<32x1000000xf32, #tpu.memory_space<hbm>> -> memref<8x128xf32, #tpu.memory_space<hbm>>
      %dma_start3A_280 = arith.constant 72 : i32
      %dma_start3A_281 = arith.constant 0 : i32
      %dma_start3A_282 = tpu.memref_slice %arg9[%dma_start3A_280, %dma_start3A_281] : memref<384x128xf32, #tpu.memory_space<vmem>> -> memref<8x128xf32, #tpu.memory_space<vmem>>
      %dma_start3A_283 = arith.constant 8 : i32
      %dma_start3A_284 = tpu.memref_slice %arg4[%dma_start3A_283, %multiple_of3A_251] : memref<32x1000000xf32, #tpu.memory_space<hbm>> -> memref<8x128xf32, #tpu.memory_space<hbm>>
      tpu.enqueue_dma source(%dma_start3A_284 : memref<8x128xf32, #tpu.memory_space<hbm>>) target(%dma_start3A_282 : memref<8x128xf32, #tpu.memory_space<vmem>>) target_semaphore(%arg13 : memref<!tpu.dma_semaphore, #tpu.memory_space<semaphore_mem>>)
      %dma_start3A_285 = arith.constant 72 : i32
      %dma_start3A_286 = arith.constant 0 : i32
      %dma_start3A_287 = tpu.memref_slice %arg10[%dma_start3A_285, %dma_start3A_286] : memref<384x128xf32, #tpu.memory_space<vmem>> -> memref<8x128xf32, #tpu.memory_space<vmem>>
      %dma_start3A_288 = arith.constant 8 : i32
      %dma_start3A_289 = tpu.memref_slice %arg5[%dma_start3A_288, %multiple_of3A_254] : memref<32x1000000xf32, #tpu.memory_space<hbm>> -> memref<8x128xf32, #tpu.memory_space<hbm>>
      %dma_start3A_290 = arith.constant 72 : i32
      %dma_start3A_291 = arith.constant 0 : i32
      %dma_start3A_292 = tpu.memref_slice %arg10[%dma_start3A_290, %dma_start3A_291] : memref<384x128xf32, #tpu.memory_space<vmem>> -> memref<8x128xf32, #tpu.memory_space<vmem>>
      %dma_start3A_293 = arith.constant 8 : i32
      %dma_start3A_294 = tpu.memref_slice %arg5[%dma_start3A_293, %multiple_of3A_254] : memref<32x1000000xf32, #tpu.memory_space<hbm>> -> memref<8x128xf32, #tpu.memory_space<hbm>>
      tpu.enqueue_dma source(%dma_start3A_294 : memref<8x128xf32, #tpu.memory_space<hbm>>) target(%dma_start3A_292 : memref<8x128xf32, #tpu.memory_space<vmem>>) target_semaphore(%arg16 : memref<!tpu.dma_semaphore, #tpu.memory_space<semaphore_mem>>)
      %dma_start3A_295 = arith.constant 80 : i32
      %dma_start3A_296 = arith.constant 0 : i32
      %dma_start3A_297 = tpu.memref_slice %arg9[%dma_start3A_295, %dma_start3A_296] : memref<384x128xf32, #tpu.memory_space<vmem>> -> memref<8x128xf32, #tpu.memory_space<vmem>>
      %dma_start3A_298 = arith.constant 16 : i32
      %dma_start3A_299 = tpu.memref_slice %arg4[%dma_start3A_298, %multiple_of3A_251] : memref<32x1000000xf32, #tpu.memory_space<hbm>> -> memref<8x128xf32, #tpu.memory_space<hbm>>
      %dma_start3A_300 = arith.constant 80 : i32
      %dma_start3A_301 = arith.constant 0 : i32
      %dma_start3A_302 = tpu.memref_slice %arg9[%dma_start3A_300, %dma_start3A_301] : memref<384x128xf32, #tpu.memory_space<vmem>> -> memref<8x128xf32, #tpu.memory_space<vmem>>
      %dma_start3A_303 = arith.constant 16 : i32
      %dma_start3A_304 = tpu.memref_slice %arg4[%dma_start3A_303, %multiple_of3A_251] : memref<32x1000000xf32, #tpu.memory_space<hbm>> -> memref<8x128xf32, #tpu.memory_space<hbm>>
      tpu.enqueue_dma source(%dma_start3A_304 : memref<8x128xf32, #tpu.memory_space<hbm>>) target(%dma_start3A_302 : memref<8x128xf32, #tpu.memory_space<vmem>>) target_semaphore(%arg13 : memref<!tpu.dma_semaphore, #tpu.memory_space<semaphore_mem>>)
      %dma_start3A_305 = arith.constant 80 : i32
      %dma_start3A_306 = arith.constant 0 : i32
      %dma_start3A_307 = tpu.memref_slice %arg10[%dma_start3A_305, %dma_start3A_306] : memref<384x128xf32, #tpu.memory_space<vmem>> -> memref<8x128xf32, #tpu.memory_space<vmem>>
      %dma_start3A_308 = arith.constant 16 : i32
      %dma_start3A_309 = tpu.memref_slice %arg5[%dma_start3A_308, %multiple_of3A_254] : memref<32x1000000xf32, #tpu.memory_space<hbm>> -> memref<8x128xf32, #tpu.memory_space<hbm>>
      %dma_start3A_310 = arith.constant 80 : i32
      %dma_start3A_311 = arith.constant 0 : i32
      %dma_start3A_312 = tpu.memref_slice %arg10[%dma_start3A_310, %dma_start3A_311] : memref<384x128xf32, #tpu.memory_space<vmem>> -> memref<8x128xf32, #tpu.memory_space<vmem>>
      %dma_start3A_313 = arith.constant 16 : i32
      %dma_start3A_314 = tpu.memref_slice %arg5[%dma_start3A_313, %multiple_of3A_254] : memref<32x1000000xf32, #tpu.memory_space<hbm>> -> memref<8x128xf32, #tpu.memory_space<hbm>>
      tpu.enqueue_dma source(%dma_start3A_314 : memref<8x128xf32, #tpu.memory_space<hbm>>) target(%dma_start3A_312 : memref<8x128xf32, #tpu.memory_space<vmem>>) target_semaphore(%arg16 : memref<!tpu.dma_semaphore, #tpu.memory_space<semaphore_mem>>)
      %dma_start3A_315 = arith.constant 88 : i32
      %dma_start3A_316 = arith.constant 0 : i32
      %dma_start3A_317 = tpu.memref_slice %arg9[%dma_start3A_315, %dma_start3A_316] : memref<384x128xf32, #tpu.memory_space<vmem>> -> memref<8x128xf32, #tpu.memory_space<vmem>>
      %dma_start3A_318 = arith.constant 24 : i32
      %dma_start3A_319 = tpu.memref_slice %arg4[%dma_start3A_318, %multiple_of3A_251] : memref<32x1000000xf32, #tpu.memory_space<hbm>> -> memref<8x128xf32, #tpu.memory_space<hbm>>
      %dma_start3A_320 = arith.constant 88 : i32
      %dma_start3A_321 = arith.constant 0 : i32
      %dma_start3A_322 = tpu.memref_slice %arg9[%dma_start3A_320, %dma_start3A_321] : memref<384x128xf32, #tpu.memory_space<vmem>> -> memref<8x128xf32, #tpu.memory_space<vmem>>
      %dma_start3A_323 = arith.constant 24 : i32
      %dma_start3A_324 = tpu.memref_slice %arg4[%dma_start3A_323, %multiple_of3A_251] : memref<32x1000000xf32, #tpu.memory_space<hbm>> -> memref<8x128xf32, #tpu.memory_space<hbm>>
      tpu.enqueue_dma source(%dma_start3A_324 : memref<8x128xf32, #tpu.memory_space<hbm>>) target(%dma_start3A_322 : memref<8x128xf32, #tpu.memory_space<vmem>>) target_semaphore(%arg13 : memref<!tpu.dma_semaphore, #tpu.memory_space<semaphore_mem>>)
      %dma_start3A_325 = arith.constant 88 : i32
      %dma_start3A_326 = arith.constant 0 : i32
      %dma_start3A_327 = tpu.memref_slice %arg10[%dma_start3A_325, %dma_start3A_326] : memref<384x128xf32, #tpu.memory_space<vmem>> -> memref<8x128xf32, #tpu.memory_space<vmem>>
      %dma_start3A_328 = arith.constant 24 : i32
      %dma_start3A_329 = tpu.memref_slice %arg5[%dma_start3A_328, %multiple_of3A_254] : memref<32x1000000xf32, #tpu.memory_space<hbm>> -> memref<8x128xf32, #tpu.memory_space<hbm>>
      %dma_start3A_330 = arith.constant 88 : i32
      %dma_start3A_331 = arith.constant 0 : i32
      %dma_start3A_332 = tpu.memref_slice %arg10[%dma_start3A_330, %dma_start3A_331] : memref<384x128xf32, #tpu.memory_space<vmem>> -> memref<8x128xf32, #tpu.memory_space<vmem>>
      %dma_start3A_333 = arith.constant 24 : i32
      %dma_start3A_334 = tpu.memref_slice %arg5[%dma_start3A_333, %multiple_of3A_254] : memref<32x1000000xf32, #tpu.memory_space<hbm>> -> memref<8x128xf32, #tpu.memory_space<hbm>>
      tpu.enqueue_dma source(%dma_start3A_334 : memref<8x128xf32, #tpu.memory_space<hbm>>) target(%dma_start3A_332 : memref<8x128xf32, #tpu.memory_space<vmem>>) target_semaphore(%arg16 : memref<!tpu.dma_semaphore, #tpu.memory_space<semaphore_mem>>)
      %eq3A_335 = arith.constant 3 : i32
      %eq3A_336 = vector.broadcast %eq3A_335 : i32 to vector<16xi32>
      %eq3A_337 = arith.cmpi eq, %iota3A, %eq3A_336 : vector<16xi32>
      %jit3A_338 = arith.constant 0 : i32
      %broadcast_in_dim3A_339 = vector.broadcast %jit3A_338 : i32 to vector<16xi32>
      %select_n3A_340 = arith.select %eq3A_337, %shift_right_arithmetic3A_15, %broadcast_in_dim3A_339 : vector<16xi1>, vector<16xi32>
      %reduce_sum3A_341 = arith.constant true
      %reduce_sum3A_342 = vector.broadcast %reduce_sum3A_341 : i1 to vector<16xi1>
      %reduce_sum3A_343 = tpu.scan <sum>, %select_n3A_340 masked %reduce_sum3A_342 : vector<16xi32>, vector<16xi1> -> vector<16xi32>
      %reduce_sum3A_344 = vector.extract %reduce_sum3A_343[15] : i32 from vector<16xi32>
      %eq3A_345 = arith.constant 3 : i32
      %eq3A_346 = vector.broadcast %eq3A_345 : i32 to vector<16xi32>
      %eq3A_347 = arith.cmpi eq, %iota3A, %eq3A_346 : vector<16xi32>
      %jit3A_348 = arith.constant 0 : i32
      %broadcast_in_dim3A_349 = vector.broadcast %jit3A_348 : i32 to vector<16xi32>
      %select_n3A_350 = arith.select %eq3A_347, %shift_right_arithmetic3A_18, %broadcast_in_dim3A_349 : vector<16xi1>, vector<16xi32>
      %reduce_sum3A_351 = arith.constant true
      %reduce_sum3A_352 = vector.broadcast %reduce_sum3A_351 : i1 to vector<16xi1>
      %reduce_sum3A_353 = tpu.scan <sum>, %select_n3A_350 masked %reduce_sum3A_352 : vector<16xi32>, vector<16xi1> -> vector<16xi32>
      %reduce_sum3A_354 = vector.extract %reduce_sum3A_353[15] : i32 from vector<16xi32>
      %mul3A_355 = arith.constant 128 : i32
      %mul3A_356 = arith.muli %reduce_sum3A_344, %mul3A_355 : i32
      %multiple_of3A_357 = tpu.assume_multiple %mul3A_356, 128 : i32
      %mul3A_358 = arith.constant 128 : i32
      %mul3A_359 = arith.muli %reduce_sum3A_354, %mul3A_358 : i32
      %multiple_of3A_360 = tpu.assume_multiple %mul3A_359, 128 : i32
      %dma_start3A_361 = arith.constant 96 : i32
      %dma_start3A_362 = arith.constant 0 : i32
      %dma_start3A_363 = tpu.memref_slice %arg9[%dma_start3A_361, %dma_start3A_362] : memref<384x128xf32, #tpu.memory_space<vmem>> -> memref<8x128xf32, #tpu.memory_space<vmem>>
      %dma_start3A_364 = arith.constant 0 : i32
      %dma_start3A_365 = tpu.memref_slice %arg4[%dma_start3A_364, %multiple_of3A_357] : memref<32x1000000xf32, #tpu.memory_space<hbm>> -> memref<8x128xf32, #tpu.memory_space<hbm>>
      %dma_start3A_366 = arith.constant 96 : i32
      %dma_start3A_367 = arith.constant 0 : i32
      %dma_start3A_368 = tpu.memref_slice %arg9[%dma_start3A_366, %dma_start3A_367] : memref<384x128xf32, #tpu.memory_space<vmem>> -> memref<8x128xf32, #tpu.memory_space<vmem>>
      %dma_start3A_369 = arith.constant 0 : i32
      %dma_start3A_370 = tpu.memref_slice %arg4[%dma_start3A_369, %multiple_of3A_357] : memref<32x1000000xf32, #tpu.memory_space<hbm>> -> memref<8x128xf32, #tpu.memory_space<hbm>>
      tpu.enqueue_dma source(%dma_start3A_370 : memref<8x128xf32, #tpu.memory_space<hbm>>) target(%dma_start3A_368 : memref<8x128xf32, #tpu.memory_space<vmem>>) target_semaphore(%arg13 : memref<!tpu.dma_semaphore, #tpu.memory_space<semaphore_mem>>)
      %dma_start3A_371 = arith.constant 96 : i32
      %dma_start3A_372 = arith.constant 0 : i32
      %dma_start3A_373 = tpu.memref_slice %arg10[%dma_start3A_371, %dma_start3A_372] : memref<384x128xf32, #tpu.memory_space<vmem>> -> memref<8x128xf32, #tpu.memory_space<vmem>>
      %dma_start3A_374 = arith.constant 0 : i32
      %dma_start3A_375 = tpu.memref_slice %arg5[%dma_start3A_374, %multiple_of3A_360] : memref<32x1000000xf32, #tpu.memory_space<hbm>> -> memref<8x128xf32, #tpu.memory_space<hbm>>
      %dma_start3A_376 = arith.constant 96 : i32
      %dma_start3A_377 = arith.constant 0 : i32
      %dma_start3A_378 = tpu.memref_slice %arg10[%dma_start3A_376, %dma_start3A_377] : memref<384x128xf32, #tpu.memory_space<vmem>> -> memref<8x128xf32, #tpu.memory_space<vmem>>
      %dma_start3A_379 = arith.constant 0 : i32
      %dma_start3A_380 = tpu.memref_slice %arg5[%dma_start3A_379, %multiple_of3A_360] : memref<32x1000000xf32, #tpu.memory_space<hbm>> -> memref<8x128xf32, #tpu.memory_space<hbm>>
      tpu.enqueue_dma source(%dma_start3A_380 : memref<8x128xf32, #tpu.memory_space<hbm>>) target(%dma_start3A_378 : memref<8x128xf32, #tpu.memory_space<vmem>>) target_semaphore(%arg16 : memref<!tpu.dma_semaphore, #tpu.memory_space<semaphore_mem>>)
      %dma_start3A_381 = arith.constant 104 : i32
      %dma_start3A_382 = arith.constant 0 : i32
      %dma_start3A_383 = tpu.memref_slice %arg9[%dma_start3A_381, %dma_start3A_382] : memref<384x128xf32, #tpu.memory_space<vmem>> -> memref<8x128xf32, #tpu.memory_space<vmem>>
      %dma_start3A_384 = arith.constant 8 : i32
      %dma_start3A_385 = tpu.memref_slice %arg4[%dma_start3A_384, %multiple_of3A_357] : memref<32x1000000xf32, #tpu.memory_space<hbm>> -> memref<8x128xf32, #tpu.memory_space<hbm>>
      %dma_start3A_386 = arith.constant 104 : i32
      %dma_start3A_387 = arith.constant 0 : i32
      %dma_start3A_388 = tpu.memref_slice %arg9[%dma_start3A_386, %dma_start3A_387] : memref<384x128xf32, #tpu.memory_space<vmem>> -> memref<8x128xf32, #tpu.memory_space<vmem>>
      %dma_start3A_389 = arith.constant 8 : i32
      %dma_start3A_390 = tpu.memref_slice %arg4[%dma_start3A_389, %multiple_of3A_357] : memref<32x1000000xf32, #tpu.memory_space<hbm>> -> memref<8x128xf32, #tpu.memory_space<hbm>>
      tpu.enqueue_dma source(%dma_start3A_390 : memref<8x128xf32, #tpu.memory_space<hbm>>) target(%dma_start3A_388 : memref<8x128xf32, #tpu.memory_space<vmem>>) target_semaphore(%arg13 : memref<!tpu.dma_semaphore, #tpu.memory_space<semaphore_mem>>)
      %dma_start3A_391 = arith.constant 104 : i32
      %dma_start3A_392 = arith.constant 0 : i32
      %dma_start3A_393 = tpu.memref_slice %arg10[%dma_start3A_391, %dma_start3A_392] : memref<384x128xf32, #tpu.memory_space<vmem>> -> memref<8x128xf32, #tpu.memory_space<vmem>>
      %dma_start3A_394 = arith.constant 8 : i32
      %dma_start3A_395 = tpu.memref_slice %arg5[%dma_start3A_394, %multiple_of3A_360] : memref<32x1000000xf32, #tpu.memory_space<hbm>> -> memref<8x128xf32, #tpu.memory_space<hbm>>
      %dma_start3A_396 = arith.constant 104 : i32
      %dma_start3A_397 = arith.constant 0 : i32
      %dma_start3A_398 = tpu.memref_slice %arg10[%dma_start3A_396, %dma_start3A_397] : memref<384x128xf32, #tpu.memory_space<vmem>> -> memref<8x128xf32, #tpu.memory_space<vmem>>
      %dma_start3A_399 = arith.constant 8 : i32
      %dma_start3A_400 = tpu.memref_slice %arg5[%dma_start3A_399, %multiple_of3A_360] : memref<32x1000000xf32, #tpu.memory_space<hbm>> -> memref<8x128xf32, #tpu.memory_space<hbm>>
      tpu.enqueue_dma source(%dma_start3A_400 : memref<8x128xf32, #tpu.memory_space<hbm>>) target(%dma_start3A_398 : memref<8x128xf32, #tpu.memory_space<vmem>>) target_semaphore(%arg16 : memref<!tpu.dma_semaphore, #tpu.memory_space<semaphore_mem>>)
      %dma_start3A_401 = arith.constant 112 : i32
      %dma_start3A_402 = arith.constant 0 : i32
      %dma_start3A_403 = tpu.memref_slice %arg9[%dma_start3A_401, %dma_start3A_402] : memref<384x128xf32, #tpu.memory_space<vmem>> -> memref<8x128xf32, #tpu.memory_space<vmem>>
      %dma_start3A_404 = arith.constant 16 : i32
      %dma_start3A_405 = tpu.memref_slice %arg4[%dma_start3A_404, %multiple_of3A_357] : memref<32x1000000xf32, #tpu.memory_space<hbm>> -> memref<8x128xf32, #tpu.memory_space<hbm>>
      %dma_start3A_406 = arith.constant 112 : i32
      %dma_start3A_407 = arith.constant 0 : i32
      %dma_start3A_408 = tpu.memref_slice %arg9[%dma_start3A_406, %dma_start3A_407] : memref<384x128xf32, #tpu.memory_space<vmem>> -> memref<8x128xf32, #tpu.memory_space<vmem>>
      %dma_start3A_409 = arith.constant 16 : i32
      %dma_start3A_410 = tpu.memref_slice %arg4[%dma_start3A_409, %multiple_of3A_357] : memref<32x1000000xf32, #tpu.memory_space<hbm>> -> memref<8x128xf32, #tpu.memory_space<hbm>>
      tpu.enqueue_dma source(%dma_start3A_410 : memref<8x128xf32, #tpu.memory_space<hbm>>) target(%dma_start3A_408 : memref<8x128xf32, #tpu.memory_space<vmem>>) target_semaphore(%arg13 : memref<!tpu.dma_semaphore, #tpu.memory_space<semaphore_mem>>)
      %dma_start3A_411 = arith.constant 112 : i32
      %dma_start3A_412 = arith.constant 0 : i32
      %dma_start3A_413 = tpu.memref_slice %arg10[%dma_start3A_411, %dma_start3A_412] : memref<384x128xf32, #tpu.memory_space<vmem>> -> memref<8x128xf32, #tpu.memory_space<vmem>>
      %dma_start3A_414 = arith.constant 16 : i32
      %dma_start3A_415 = tpu.memref_slice %arg5[%dma_start3A_414, %multiple_of3A_360] : memref<32x1000000xf32, #tpu.memory_space<hbm>> -> memref<8x128xf32, #tpu.memory_space<hbm>>
      %dma_start3A_416 = arith.constant 112 : i32
      %dma_start3A_417 = arith.constant 0 : i32
      %dma_start3A_418 = tpu.memref_slice %arg10[%dma_start3A_416, %dma_start3A_417] : memref<384x128xf32, #tpu.memory_space<vmem>> -> memref<8x128xf32, #tpu.memory_space<vmem>>
      %dma_start3A_419 = arith.constant 16 : i32
      %dma_start3A_420 = tpu.memref_slice %arg5[%dma_start3A_419, %multiple_of3A_360] : memref<32x1000000xf32, #tpu.memory_space<hbm>> -> memref<8x128xf32, #tpu.memory_space<hbm>>
      tpu.enqueue_dma source(%dma_start3A_420 : memref<8x128xf32, #tpu.memory_space<hbm>>) target(%dma_start3A_418 : memref<8x128xf32, #tpu.memory_space<vmem>>) target_semaphore(%arg16 : memref<!tpu.dma_semaphore, #tpu.memory_space<semaphore_mem>>)
      %dma_start3A_421 = arith.constant 120 : i32
      %dma_start3A_422 = arith.constant 0 : i32
      %dma_start3A_423 = tpu.memref_slice %arg9[%dma_start3A_421, %dma_start3A_422] : memref<384x128xf32, #tpu.memory_space<vmem>> -> memref<8x128xf32, #tpu.memory_space<vmem>>
      %dma_start3A_424 = arith.constant 24 : i32
      %dma_start3A_425 = tpu.memref_slice %arg4[%dma_start3A_424, %multiple_of3A_357] : memref<32x1000000xf32, #tpu.memory_space<hbm>> -> memref<8x128xf32, #tpu.memory_space<hbm>>
      %dma_start3A_426 = arith.constant 120 : i32
      %dma_start3A_427 = arith.constant 0 : i32
      %dma_start3A_428 = tpu.memref_slice %arg9[%dma_start3A_426, %dma_start3A_427] : memref<384x128xf32, #tpu.memory_space<vmem>> -> memref<8x128xf32, #tpu.memory_space<vmem>>
      %dma_start3A_429 = arith.constant 24 : i32
      %dma_start3A_430 = tpu.memref_slice %arg4[%dma_start3A_429, %multiple_of3A_357] : memref<32x1000000xf32, #tpu.memory_space<hbm>> -> memref<8x128xf32, #tpu.memory_space<hbm>>
      tpu.enqueue_dma source(%dma_start3A_430 : memref<8x128xf32, #tpu.memory_space<hbm>>) target(%dma_start3A_428 : memref<8x128xf32, #tpu.memory_space<vmem>>) target_semaphore(%arg13 : memref<!tpu.dma_semaphore, #tpu.memory_space<semaphore_mem>>)
      %dma_start3A_431 = arith.constant 120 : i32
      %dma_start3A_432 = arith.constant 0 : i32
      %dma_start3A_433 = tpu.memref_slice %arg10[%dma_start3A_431, %dma_start3A_432] : memref<384x128xf32, #tpu.memory_space<vmem>> -> memref<8x128xf32, #tpu.memory_space<vmem>>
      %dma_start3A_434 = arith.constant 24 : i32
      %dma_start3A_435 = tpu.memref_slice %arg5[%dma_start3A_434, %multiple_of3A_360] : memref<32x1000000xf32, #tpu.memory_space<hbm>> -> memref<8x128xf32, #tpu.memory_space<hbm>>
      %dma_start3A_436 = arith.constant 120 : i32
      %dma_start3A_437 = arith.constant 0 : i32
      %dma_start3A_438 = tpu.memref_slice %arg10[%dma_start3A_436, %dma_start3A_437] : memref<384x128xf32, #tpu.memory_space<vmem>> -> memref<8x128xf32, #tpu.memory_space<vmem>>
      %dma_start3A_439 = arith.constant 24 : i32
      %dma_start3A_440 = tpu.memref_slice %arg5[%dma_start3A_439, %multiple_of3A_360] : memref<32x1000000xf32, #tpu.memory_space<hbm>> -> memref<8x128xf32, #tpu.memory_space<hbm>>
      tpu.enqueue_dma source(%dma_start3A_440 : memref<8x128xf32, #tpu.memory_space<hbm>>) target(%dma_start3A_438 : memref<8x128xf32, #tpu.memory_space<vmem>>) target_semaphore(%arg16 : memref<!tpu.dma_semaphore, #tpu.memory_space<semaphore_mem>>)
      %eq3A_441 = arith.constant 4 : i32
      %eq3A_442 = vector.broadcast %eq3A_441 : i32 to vector<16xi32>
      %eq3A_443 = arith.cmpi eq, %iota3A, %eq3A_442 : vector<16xi32>
      %jit3A_444 = arith.constant 0 : i32
      %broadcast_in_dim3A_445 = vector.broadcast %jit3A_444 : i32 to vector<16xi32>
      %select_n3A_446 = arith.select %eq3A_443, %shift_right_arithmetic3A_15, %broadcast_in_dim3A_445 : vector<16xi1>, vector<16xi32>
      %reduce_sum3A_447 = arith.constant true
      %reduce_sum3A_448 = vector.broadcast %reduce_sum3A_447 : i1 to vector<16xi1>
      %reduce_sum3A_449 = tpu.scan <sum>, %select_n3A_446 masked %reduce_sum3A_448 : vector<16xi32>, vector<16xi1> -> vector<16xi32>
      %reduce_sum3A_450 = vector.extract %reduce_sum3A_449[15] : i32 from vector<16xi32>
      %eq3A_451 = arith.constant 4 : i32
      %eq3A_452 = vector.broadcast %eq3A_451 : i32 to vector<16xi32>
      %eq3A_453 = arith.cmpi eq, %iota3A, %eq3A_452 : vector<16xi32>
      %jit3A_454 = arith.constant 0 : i32
      %broadcast_in_dim3A_455 = vector.broadcast %jit3A_454 : i32 to vector<16xi32>
      %select_n3A_456 = arith.select %eq3A_453, %shift_right_arithmetic3A_18, %broadcast_in_dim3A_455 : vector<16xi1>, vector<16xi32>
      %reduce_sum3A_457 = arith.constant true
      %reduce_sum3A_458 = vector.broadcast %reduce_sum3A_457 : i1 to vector<16xi1>
      %reduce_sum3A_459 = tpu.scan <sum>, %select_n3A_456 masked %reduce_sum3A_458 : vector<16xi32>, vector<16xi1> -> vector<16xi32>
      %reduce_sum3A_460 = vector.extract %reduce_sum3A_459[15] : i32 from vector<16xi32>
      %mul3A_461 = arith.constant 128 : i32
      %mul3A_462 = arith.muli %reduce_sum3A_450, %mul3A_461 : i32
      %multiple_of3A_463 = tpu.assume_multiple %mul3A_462, 128 : i32
      %mul3A_464 = arith.constant 128 : i32
      %mul3A_465 = arith.muli %reduce_sum3A_460, %mul3A_464 : i32
      %multiple_of3A_466 = tpu.assume_multiple %mul3A_465, 128 : i32
      %dma_start3A_467 = arith.constant 128 : i32
      %dma_start3A_468 = arith.constant 0 : i32
      %dma_start3A_469 = tpu.memref_slice %arg9[%dma_start3A_467, %dma_start3A_468] : memref<384x128xf32, #tpu.memory_space<vmem>> -> memref<8x128xf32, #tpu.memory_space<vmem>>
      %dma_start3A_470 = arith.constant 0 : i32
      %dma_start3A_471 = tpu.memref_slice %arg4[%dma_start3A_470, %multiple_of3A_463] : memref<32x1000000xf32, #tpu.memory_space<hbm>> -> memref<8x128xf32, #tpu.memory_space<hbm>>
      %dma_start3A_472 = arith.constant 128 : i32
      %dma_start3A_473 = arith.constant 0 : i32
      %dma_start3A_474 = tpu.memref_slice %arg9[%dma_start3A_472, %dma_start3A_473] : memref<384x128xf32, #tpu.memory_space<vmem>> -> memref<8x128xf32, #tpu.memory_space<vmem>>
      %dma_start3A_475 = arith.constant 0 : i32
      %dma_start3A_476 = tpu.memref_slice %arg4[%dma_start3A_475, %multiple_of3A_463] : memref<32x1000000xf32, #tpu.memory_space<hbm>> -> memref<8x128xf32, #tpu.memory_space<hbm>>
      tpu.enqueue_dma source(%dma_start3A_476 : memref<8x128xf32, #tpu.memory_space<hbm>>) target(%dma_start3A_474 : memref<8x128xf32, #tpu.memory_space<vmem>>) target_semaphore(%arg14 : memref<!tpu.dma_semaphore, #tpu.memory_space<semaphore_mem>>)
      %dma_start3A_477 = arith.constant 128 : i32
      %dma_start3A_478 = arith.constant 0 : i32
      %dma_start3A_479 = tpu.memref_slice %arg10[%dma_start3A_477, %dma_start3A_478] : memref<384x128xf32, #tpu.memory_space<vmem>> -> memref<8x128xf32, #tpu.memory_space<vmem>>
      %dma_start3A_480 = arith.constant 0 : i32
      %dma_start3A_481 = tpu.memref_slice %arg5[%dma_start3A_480, %multiple_of3A_466] : memref<32x1000000xf32, #tpu.memory_space<hbm>> -> memref<8x128xf32, #tpu.memory_space<hbm>>
      %dma_start3A_482 = arith.constant 128 : i32
      %dma_start3A_483 = arith.constant 0 : i32
      %dma_start3A_484 = tpu.memref_slice %arg10[%dma_start3A_482, %dma_start3A_483] : memref<384x128xf32, #tpu.memory_space<vmem>> -> memref<8x128xf32, #tpu.memory_space<vmem>>
      %dma_start3A_485 = arith.constant 0 : i32
      %dma_start3A_486 = tpu.memref_slice %arg5[%dma_start3A_485, %multiple_of3A_466] : memref<32x1000000xf32, #tpu.memory_space<hbm>> -> memref<8x128xf32, #tpu.memory_space<hbm>>
      tpu.enqueue_dma source(%dma_start3A_486 : memref<8x128xf32, #tpu.memory_space<hbm>>) target(%dma_start3A_484 : memref<8x128xf32, #tpu.memory_space<vmem>>) target_semaphore(%arg17 : memref<!tpu.dma_semaphore, #tpu.memory_space<semaphore_mem>>)
      %dma_start3A_487 = arith.constant 136 : i32
      %dma_start3A_488 = arith.constant 0 : i32
      %dma_start3A_489 = tpu.memref_slice %arg9[%dma_start3A_487, %dma_start3A_488] : memref<384x128xf32, #tpu.memory_space<vmem>> -> memref<8x128xf32, #tpu.memory_space<vmem>>
      %dma_start3A_490 = arith.constant 8 : i32
      %dma_start3A_491 = tpu.memref_slice %arg4[%dma_start3A_490, %multiple_of3A_463] : memref<32x1000000xf32, #tpu.memory_space<hbm>> -> memref<8x128xf32, #tpu.memory_space<hbm>>
      %dma_start3A_492 = arith.constant 136 : i32
      %dma_start3A_493 = arith.constant 0 : i32
      %dma_start3A_494 = tpu.memref_slice %arg9[%dma_start3A_492, %dma_start3A_493] : memref<384x128xf32, #tpu.memory_space<vmem>> -> memref<8x128xf32, #tpu.memory_space<vmem>>
      %dma_start3A_495 = arith.constant 8 : i32
      %dma_start3A_496 = tpu.memref_slice %arg4[%dma_start3A_495, %multiple_of3A_463] : memref<32x1000000xf32, #tpu.memory_space<hbm>> -> memref<8x128xf32, #tpu.memory_space<hbm>>
      tpu.enqueue_dma source(%dma_start3A_496 : memref<8x128xf32, #tpu.memory_space<hbm>>) target(%dma_start3A_494 : memref<8x128xf32, #tpu.memory_space<vmem>>) target_semaphore(%arg14 : memref<!tpu.dma_semaphore, #tpu.memory_space<semaphore_mem>>)
      %dma_start3A_497 = arith.constant 136 : i32
      %dma_start3A_498 = arith.constant 0 : i32
      %dma_start3A_499 = tpu.memref_slice %arg10[%dma_start3A_497, %dma_start3A_498] : memref<384x128xf32, #tpu.memory_space<vmem>> -> memref<8x128xf32, #tpu.memory_space<vmem>>
      %dma_start3A_500 = arith.constant 8 : i32
      %dma_start3A_501 = tpu.memref_slice %arg5[%dma_start3A_500, %multiple_of3A_466] : memref<32x1000000xf32, #tpu.memory_space<hbm>> -> memref<8x128xf32, #tpu.memory_space<hbm>>
      %dma_start3A_502 = arith.constant 136 : i32
      %dma_start3A_503 = arith.constant 0 : i32
      %dma_start3A_504 = tpu.memref_slice %arg10[%dma_start3A_502, %dma_start3A_503] : memref<384x128xf32, #tpu.memory_space<vmem>> -> memref<8x128xf32, #tpu.memory_space<vmem>>
      %dma_start3A_505 = arith.constant 8 : i32
      %dma_start3A_506 = tpu.memref_slice %arg5[%dma_start3A_505, %multiple_of3A_466] : memref<32x1000000xf32, #tpu.memory_space<hbm>> -> memref<8x128xf32, #tpu.memory_space<hbm>>
      tpu.enqueue_dma source(%dma_start3A_506 : memref<8x128xf32, #tpu.memory_space<hbm>>) target(%dma_start3A_504 : memref<8x128xf32, #tpu.memory_space<vmem>>) target_semaphore(%arg17 : memref<!tpu.dma_semaphore, #tpu.memory_space<semaphore_mem>>)
      %dma_start3A_507 = arith.constant 144 : i32
      %dma_start3A_508 = arith.constant 0 : i32
      %dma_start3A_509 = tpu.memref_slice %arg9[%dma_start3A_507, %dma_start3A_508] : memref<384x128xf32, #tpu.memory_space<vmem>> -> memref<8x128xf32, #tpu.memory_space<vmem>>
      %dma_start3A_510 = arith.constant 16 : i32
      %dma_start3A_511 = tpu.memref_slice %arg4[%dma_start3A_510, %multiple_of3A_463] : memref<32x1000000xf32, #tpu.memory_space<hbm>> -> memref<8x128xf32, #tpu.memory_space<hbm>>
      %dma_start3A_512 = arith.constant 144 : i32
      %dma_start3A_513 = arith.constant 0 : i32
      %dma_start3A_514 = tpu.memref_slice %arg9[%dma_start3A_512, %dma_start3A_513] : memref<384x128xf32, #tpu.memory_space<vmem>> -> memref<8x128xf32, #tpu.memory_space<vmem>>
      %dma_start3A_515 = arith.constant 16 : i32
      %dma_start3A_516 = tpu.memref_slice %arg4[%dma_start3A_515, %multiple_of3A_463] : memref<32x1000000xf32, #tpu.memory_space<hbm>> -> memref<8x128xf32, #tpu.memory_space<hbm>>
      tpu.enqueue_dma source(%dma_start3A_516 : memref<8x128xf32, #tpu.memory_space<hbm>>) target(%dma_start3A_514 : memref<8x128xf32, #tpu.memory_space<vmem>>) target_semaphore(%arg14 : memref<!tpu.dma_semaphore, #tpu.memory_space<semaphore_mem>>)
      %dma_start3A_517 = arith.constant 144 : i32
      %dma_start3A_518 = arith.constant 0 : i32
      %dma_start3A_519 = tpu.memref_slice %arg10[%dma_start3A_517, %dma_start3A_518] : memref<384x128xf32, #tpu.memory_space<vmem>> -> memref<8x128xf32, #tpu.memory_space<vmem>>
      %dma_start3A_520 = arith.constant 16 : i32
      %dma_start3A_521 = tpu.memref_slice %arg5[%dma_start3A_520, %multiple_of3A_466] : memref<32x1000000xf32, #tpu.memory_space<hbm>> -> memref<8x128xf32, #tpu.memory_space<hbm>>
      %dma_start3A_522 = arith.constant 144 : i32
      %dma_start3A_523 = arith.constant 0 : i32
      %dma_start3A_524 = tpu.memref_slice %arg10[%dma_start3A_522, %dma_start3A_523] : memref<384x128xf32, #tpu.memory_space<vmem>> -> memref<8x128xf32, #tpu.memory_space<vmem>>
      %dma_start3A_525 = arith.constant 16 : i32
      %dma_start3A_526 = tpu.memref_slice %arg5[%dma_start3A_525, %multiple_of3A_466] : memref<32x1000000xf32, #tpu.memory_space<hbm>> -> memref<8x128xf32, #tpu.memory_space<hbm>>
      tpu.enqueue_dma source(%dma_start3A_526 : memref<8x128xf32, #tpu.memory_space<hbm>>) target(%dma_start3A_524 : memref<8x128xf32, #tpu.memory_space<vmem>>) target_semaphore(%arg17 : memref<!tpu.dma_semaphore, #tpu.memory_space<semaphore_mem>>)
      %dma_start3A_527 = arith.constant 152 : i32
      %dma_start3A_528 = arith.constant 0 : i32
      %dma_start3A_529 = tpu.memref_slice %arg9[%dma_start3A_527, %dma_start3A_528] : memref<384x128xf32, #tpu.memory_space<vmem>> -> memref<8x128xf32, #tpu.memory_space<vmem>>
      %dma_start3A_530 = arith.constant 24 : i32
      %dma_start3A_531 = tpu.memref_slice %arg4[%dma_start3A_530, %multiple_of3A_463] : memref<32x1000000xf32, #tpu.memory_space<hbm>> -> memref<8x128xf32, #tpu.memory_space<hbm>>
      %dma_start3A_532 = arith.constant 152 : i32
      %dma_start3A_533 = arith.constant 0 : i32
      %dma_start3A_534 = tpu.memref_slice %arg9[%dma_start3A_532, %dma_start3A_533] : memref<384x128xf32, #tpu.memory_space<vmem>> -> memref<8x128xf32, #tpu.memory_space<vmem>>
      %dma_start3A_535 = arith.constant 24 : i32
      %dma_start3A_536 = tpu.memref_slice %arg4[%dma_start3A_535, %multiple_of3A_463] : memref<32x1000000xf32, #tpu.memory_space<hbm>> -> memref<8x128xf32, #tpu.memory_space<hbm>>
      tpu.enqueue_dma source(%dma_start3A_536 : memref<8x128xf32, #tpu.memory_space<hbm>>) target(%dma_start3A_534 : memref<8x128xf32, #tpu.memory_space<vmem>>) target_semaphore(%arg14 : memref<!tpu.dma_semaphore, #tpu.memory_space<semaphore_mem>>)
      %dma_start3A_537 = arith.constant 152 : i32
      %dma_start3A_538 = arith.constant 0 : i32
      %dma_start3A_539 = tpu.memref_slice %arg10[%dma_start3A_537, %dma_start3A_538] : memref<384x128xf32, #tpu.memory_space<vmem>> -> memref<8x128xf32, #tpu.memory_space<vmem>>
      %dma_start3A_540 = arith.constant 24 : i32
      %dma_start3A_541 = tpu.memref_slice %arg5[%dma_start3A_540, %multiple_of3A_466] : memref<32x1000000xf32, #tpu.memory_space<hbm>> -> memref<8x128xf32, #tpu.memory_space<hbm>>
      %dma_start3A_542 = arith.constant 152 : i32
      %dma_start3A_543 = arith.constant 0 : i32
      %dma_start3A_544 = tpu.memref_slice %arg10[%dma_start3A_542, %dma_start3A_543] : memref<384x128xf32, #tpu.memory_space<vmem>> -> memref<8x128xf32, #tpu.memory_space<vmem>>
      %dma_start3A_545 = arith.constant 24 : i32
      %dma_start3A_546 = tpu.memref_slice %arg5[%dma_start3A_545, %multiple_of3A_466] : memref<32x1000000xf32, #tpu.memory_space<hbm>> -> memref<8x128xf32, #tpu.memory_space<hbm>>
      tpu.enqueue_dma source(%dma_start3A_546 : memref<8x128xf32, #tpu.memory_space<hbm>>) target(%dma_start3A_544 : memref<8x128xf32, #tpu.memory_space<vmem>>) target_semaphore(%arg17 : memref<!tpu.dma_semaphore, #tpu.memory_space<semaphore_mem>>)
      %eq3A_547 = arith.constant 5 : i32
      %eq3A_548 = vector.broadcast %eq3A_547 : i32 to vector<16xi32>
      %eq3A_549 = arith.cmpi eq, %iota3A, %eq3A_548 : vector<16xi32>
      %jit3A_550 = arith.constant 0 : i32
      %broadcast_in_dim3A_551 = vector.broadcast %jit3A_550 : i32 to vector<16xi32>
      %select_n3A_552 = arith.select %eq3A_549, %shift_right_arithmetic3A_15, %broadcast_in_dim3A_551 : vector<16xi1>, vector<16xi32>
      %reduce_sum3A_553 = arith.constant true
      %reduce_sum3A_554 = vector.broadcast %reduce_sum3A_553 : i1 to vector<16xi1>
      %reduce_sum3A_555 = tpu.scan <sum>, %select_n3A_552 masked %reduce_sum3A_554 : vector<16xi32>, vector<16xi1> -> vector<16xi32>
      %reduce_sum3A_556 = vector.extract %reduce_sum3A_555[15] : i32 from vector<16xi32>
      %eq3A_557 = arith.constant 5 : i32
      %eq3A_558 = vector.broadcast %eq3A_557 : i32 to vector<16xi32>
      %eq3A_559 = arith.cmpi eq, %iota3A, %eq3A_558 : vector<16xi32>
      %jit3A_560 = arith.constant 0 : i32
      %broadcast_in_dim3A_561 = vector.broadcast %jit3A_560 : i32 to vector<16xi32>
      %select_n3A_562 = arith.select %eq3A_559, %shift_right_arithmetic3A_18, %broadcast_in_dim3A_561 : vector<16xi1>, vector<16xi32>
      %reduce_sum3A_563 = arith.constant true
      %reduce_sum3A_564 = vector.broadcast %reduce_sum3A_563 : i1 to vector<16xi1>
      %reduce_sum3A_565 = tpu.scan <sum>, %select_n3A_562 masked %reduce_sum3A_564 : vector<16xi32>, vector<16xi1> -> vector<16xi32>
      %reduce_sum3A_566 = vector.extract %reduce_sum3A_565[15] : i32 from vector<16xi32>
      %mul3A_567 = arith.constant 128 : i32
      %mul3A_568 = arith.muli %reduce_sum3A_556, %mul3A_567 : i32
      %multiple_of3A_569 = tpu.assume_multiple %mul3A_568, 128 : i32
      %mul3A_570 = arith.constant 128 : i32
      %mul3A_571 = arith.muli %reduce_sum3A_566, %mul3A_570 : i32
      %multiple_of3A_572 = tpu.assume_multiple %mul3A_571, 128 : i32
      %dma_start3A_573 = arith.constant 160 : i32
      %dma_start3A_574 = arith.constant 0 : i32
      %dma_start3A_575 = tpu.memref_slice %arg9[%dma_start3A_573, %dma_start3A_574] : memref<384x128xf32, #tpu.memory_space<vmem>> -> memref<8x128xf32, #tpu.memory_space<vmem>>
      %dma_start3A_576 = arith.constant 0 : i32
      %dma_start3A_577 = tpu.memref_slice %arg4[%dma_start3A_576, %multiple_of3A_569] : memref<32x1000000xf32, #tpu.memory_space<hbm>> -> memref<8x128xf32, #tpu.memory_space<hbm>>
      %dma_start3A_578 = arith.constant 160 : i32
      %dma_start3A_579 = arith.constant 0 : i32
      %dma_start3A_580 = tpu.memref_slice %arg9[%dma_start3A_578, %dma_start3A_579] : memref<384x128xf32, #tpu.memory_space<vmem>> -> memref<8x128xf32, #tpu.memory_space<vmem>>
      %dma_start3A_581 = arith.constant 0 : i32
      %dma_start3A_582 = tpu.memref_slice %arg4[%dma_start3A_581, %multiple_of3A_569] : memref<32x1000000xf32, #tpu.memory_space<hbm>> -> memref<8x128xf32, #tpu.memory_space<hbm>>
      tpu.enqueue_dma source(%dma_start3A_582 : memref<8x128xf32, #tpu.memory_space<hbm>>) target(%dma_start3A_580 : memref<8x128xf32, #tpu.memory_space<vmem>>) target_semaphore(%arg14 : memref<!tpu.dma_semaphore, #tpu.memory_space<semaphore_mem>>)
      %dma_start3A_583 = arith.constant 160 : i32
      %dma_start3A_584 = arith.constant 0 : i32
      %dma_start3A_585 = tpu.memref_slice %arg10[%dma_start3A_583, %dma_start3A_584] : memref<384x128xf32, #tpu.memory_space<vmem>> -> memref<8x128xf32, #tpu.memory_space<vmem>>
      %dma_start3A_586 = arith.constant 0 : i32
      %dma_start3A_587 = tpu.memref_slice %arg5[%dma_start3A_586, %multiple_of3A_572] : memref<32x1000000xf32, #tpu.memory_space<hbm>> -> memref<8x128xf32, #tpu.memory_space<hbm>>
      %dma_start3A_588 = arith.constant 160 : i32
      %dma_start3A_589 = arith.constant 0 : i32
      %dma_start3A_590 = tpu.memref_slice %arg10[%dma_start3A_588, %dma_start3A_589] : memref<384x128xf32, #tpu.memory_space<vmem>> -> memref<8x128xf32, #tpu.memory_space<vmem>>
      %dma_start3A_591 = arith.constant 0 : i32
      %dma_start3A_592 = tpu.memref_slice %arg5[%dma_start3A_591, %multiple_of3A_572] : memref<32x1000000xf32, #tpu.memory_space<hbm>> -> memref<8x128xf32, #tpu.memory_space<hbm>>
      tpu.enqueue_dma source(%dma_start3A_592 : memref<8x128xf32, #tpu.memory_space<hbm>>) target(%dma_start3A_590 : memref<8x128xf32, #tpu.memory_space<vmem>>) target_semaphore(%arg17 : memref<!tpu.dma_semaphore, #tpu.memory_space<semaphore_mem>>)
      %dma_start3A_593 = arith.constant 168 : i32
      %dma_start3A_594 = arith.constant 0 : i32
      %dma_start3A_595 = tpu.memref_slice %arg9[%dma_start3A_593, %dma_start3A_594] : memref<384x128xf32, #tpu.memory_space<vmem>> -> memref<8x128xf32, #tpu.memory_space<vmem>>
      %dma_start3A_596 = arith.constant 8 : i32
      %dma_start3A_597 = tpu.memref_slice %arg4[%dma_start3A_596, %multiple_of3A_569] : memref<32x1000000xf32, #tpu.memory_space<hbm>> -> memref<8x128xf32, #tpu.memory_space<hbm>>
      %dma_start3A_598 = arith.constant 168 : i32
      %dma_start3A_599 = arith.constant 0 : i32
      %dma_start3A_600 = tpu.memref_slice %arg9[%dma_start3A_598, %dma_start3A_599] : memref<384x128xf32, #tpu.memory_space<vmem>> -> memref<8x128xf32, #tpu.memory_space<vmem>>
      %dma_start3A_601 = arith.constant 8 : i32
      %dma_start3A_602 = tpu.memref_slice %arg4[%dma_start3A_601, %multiple_of3A_569] : memref<32x1000000xf32, #tpu.memory_space<hbm>> -> memref<8x128xf32, #tpu.memory_space<hbm>>
      tpu.enqueue_dma source(%dma_start3A_602 : memref<8x128xf32, #tpu.memory_space<hbm>>) target(%dma_start3A_600 : memref<8x128xf32, #tpu.memory_space<vmem>>) target_semaphore(%arg14 : memref<!tpu.dma_semaphore, #tpu.memory_space<semaphore_mem>>)
      %dma_start3A_603 = arith.constant 168 : i32
      %dma_start3A_604 = arith.constant 0 : i32
      %dma_start3A_605 = tpu.memref_slice %arg10[%dma_start3A_603, %dma_start3A_604] : memref<384x128xf32, #tpu.memory_space<vmem>> -> memref<8x128xf32, #tpu.memory_space<vmem>>
      %dma_start3A_606 = arith.constant 8 : i32
      %dma_start3A_607 = tpu.memref_slice %arg5[%dma_start3A_606, %multiple_of3A_572] : memref<32x1000000xf32, #tpu.memory_space<hbm>> -> memref<8x128xf32, #tpu.memory_space<hbm>>
      %dma_start3A_608 = arith.constant 168 : i32
      %dma_start3A_609 = arith.constant 0 : i32
      %dma_start3A_610 = tpu.memref_slice %arg10[%dma_start3A_608, %dma_start3A_609] : memref<384x128xf32, #tpu.memory_space<vmem>> -> memref<8x128xf32, #tpu.memory_space<vmem>>
      %dma_start3A_611 = arith.constant 8 : i32
      %dma_start3A_612 = tpu.memref_slice %arg5[%dma_start3A_611, %multiple_of3A_572] : memref<32x1000000xf32, #tpu.memory_space<hbm>> -> memref<8x128xf32, #tpu.memory_space<hbm>>
      tpu.enqueue_dma source(%dma_start3A_612 : memref<8x128xf32, #tpu.memory_space<hbm>>) target(%dma_start3A_610 : memref<8x128xf32, #tpu.memory_space<vmem>>) target_semaphore(%arg17 : memref<!tpu.dma_semaphore, #tpu.memory_space<semaphore_mem>>)
      %dma_start3A_613 = arith.constant 176 : i32
      %dma_start3A_614 = arith.constant 0 : i32
      %dma_start3A_615 = tpu.memref_slice %arg9[%dma_start3A_613, %dma_start3A_614] : memref<384x128xf32, #tpu.memory_space<vmem>> -> memref<8x128xf32, #tpu.memory_space<vmem>>
      %dma_start3A_616 = arith.constant 16 : i32
      %dma_start3A_617 = tpu.memref_slice %arg4[%dma_start3A_616, %multiple_of3A_569] : memref<32x1000000xf32, #tpu.memory_space<hbm>> -> memref<8x128xf32, #tpu.memory_space<hbm>>
      %dma_start3A_618 = arith.constant 176 : i32
      %dma_start3A_619 = arith.constant 0 : i32
      %dma_start3A_620 = tpu.memref_slice %arg9[%dma_start3A_618, %dma_start3A_619] : memref<384x128xf32, #tpu.memory_space<vmem>> -> memref<8x128xf32, #tpu.memory_space<vmem>>
      %dma_start3A_621 = arith.constant 16 : i32
      %dma_start3A_622 = tpu.memref_slice %arg4[%dma_start3A_621, %multiple_of3A_569] : memref<32x1000000xf32, #tpu.memory_space<hbm>> -> memref<8x128xf32, #tpu.memory_space<hbm>>
      tpu.enqueue_dma source(%dma_start3A_622 : memref<8x128xf32, #tpu.memory_space<hbm>>) target(%dma_start3A_620 : memref<8x128xf32, #tpu.memory_space<vmem>>) target_semaphore(%arg14 : memref<!tpu.dma_semaphore, #tpu.memory_space<semaphore_mem>>)
      %dma_start3A_623 = arith.constant 176 : i32
      %dma_start3A_624 = arith.constant 0 : i32
      %dma_start3A_625 = tpu.memref_slice %arg10[%dma_start3A_623, %dma_start3A_624] : memref<384x128xf32, #tpu.memory_space<vmem>> -> memref<8x128xf32, #tpu.memory_space<vmem>>
      %dma_start3A_626 = arith.constant 16 : i32
      %dma_start3A_627 = tpu.memref_slice %arg5[%dma_start3A_626, %multiple_of3A_572] : memref<32x1000000xf32, #tpu.memory_space<hbm>> -> memref<8x128xf32, #tpu.memory_space<hbm>>
      %dma_start3A_628 = arith.constant 176 : i32
      %dma_start3A_629 = arith.constant 0 : i32
      %dma_start3A_630 = tpu.memref_slice %arg10[%dma_start3A_628, %dma_start3A_629] : memref<384x128xf32, #tpu.memory_space<vmem>> -> memref<8x128xf32, #tpu.memory_space<vmem>>
      %dma_start3A_631 = arith.constant 16 : i32
      %dma_start3A_632 = tpu.memref_slice %arg5[%dma_start3A_631, %multiple_of3A_572] : memref<32x1000000xf32, #tpu.memory_space<hbm>> -> memref<8x128xf32, #tpu.memory_space<hbm>>
      tpu.enqueue_dma source(%dma_start3A_632 : memref<8x128xf32, #tpu.memory_space<hbm>>) target(%dma_start3A_630 : memref<8x128xf32, #tpu.memory_space<vmem>>) target_semaphore(%arg17 : memref<!tpu.dma_semaphore, #tpu.memory_space<semaphore_mem>>)
      %dma_start3A_633 = arith.constant 184 : i32
      %dma_start3A_634 = arith.constant 0 : i32
      %dma_start3A_635 = tpu.memref_slice %arg9[%dma_start3A_633, %dma_start3A_634] : memref<384x128xf32, #tpu.memory_space<vmem>> -> memref<8x128xf32, #tpu.memory_space<vmem>>
      %dma_start3A_636 = arith.constant 24 : i32
      %dma_start3A_637 = tpu.memref_slice %arg4[%dma_start3A_636, %multiple_of3A_569] : memref<32x1000000xf32, #tpu.memory_space<hbm>> -> memref<8x128xf32, #tpu.memory_space<hbm>>
      %dma_start3A_638 = arith.constant 184 : i32
      %dma_start3A_639 = arith.constant 0 : i32
      %dma_start3A_640 = tpu.memref_slice %arg9[%dma_start3A_638, %dma_start3A_639] : memref<384x128xf32, #tpu.memory_space<vmem>> -> memref<8x128xf32, #tpu.memory_space<vmem>>
      %dma_start3A_641 = arith.constant 24 : i32
      %dma_start3A_642 = tpu.memref_slice %arg4[%dma_start3A_641, %multiple_of3A_569] : memref<32x1000000xf32, #tpu.memory_space<hbm>> -> memref<8x128xf32, #tpu.memory_space<hbm>>
      tpu.enqueue_dma source(%dma_start3A_642 : memref<8x128xf32, #tpu.memory_space<hbm>>) target(%dma_start3A_640 : memref<8x128xf32, #tpu.memory_space<vmem>>) target_semaphore(%arg14 : memref<!tpu.dma_semaphore, #tpu.memory_space<semaphore_mem>>)
      %dma_start3A_643 = arith.constant 184 : i32
      %dma_start3A_644 = arith.constant 0 : i32
      %dma_start3A_645 = tpu.memref_slice %arg10[%dma_start3A_643, %dma_start3A_644] : memref<384x128xf32, #tpu.memory_space<vmem>> -> memref<8x128xf32, #tpu.memory_space<vmem>>
      %dma_start3A_646 = arith.constant 24 : i32
      %dma_start3A_647 = tpu.memref_slice %arg5[%dma_start3A_646, %multiple_of3A_572] : memref<32x1000000xf32, #tpu.memory_space<hbm>> -> memref<8x128xf32, #tpu.memory_space<hbm>>
      %dma_start3A_648 = arith.constant 184 : i32
      %dma_start3A_649 = arith.constant 0 : i32
      %dma_start3A_650 = tpu.memref_slice %arg10[%dma_start3A_648, %dma_start3A_649] : memref<384x128xf32, #tpu.memory_space<vmem>> -> memref<8x128xf32, #tpu.memory_space<vmem>>
      %dma_start3A_651 = arith.constant 24 : i32
      %dma_start3A_652 = tpu.memref_slice %arg5[%dma_start3A_651, %multiple_of3A_572] : memref<32x1000000xf32, #tpu.memory_space<hbm>> -> memref<8x128xf32, #tpu.memory_space<hbm>>
      tpu.enqueue_dma source(%dma_start3A_652 : memref<8x128xf32, #tpu.memory_space<hbm>>) target(%dma_start3A_650 : memref<8x128xf32, #tpu.memory_space<vmem>>) target_semaphore(%arg17 : memref<!tpu.dma_semaphore, #tpu.memory_space<semaphore_mem>>)
      %eq3A_653 = arith.constant 6 : i32
      %eq3A_654 = vector.broadcast %eq3A_653 : i32 to vector<16xi32>
      %eq3A_655 = arith.cmpi eq, %iota3A, %eq3A_654 : vector<16xi32>
      %jit3A_656 = arith.constant 0 : i32
      %broadcast_in_dim3A_657 = vector.broadcast %jit3A_656 : i32 to vector<16xi32>
      %select_n3A_658 = arith.select %eq3A_655, %shift_right_arithmetic3A_15, %broadcast_in_dim3A_657 : vector<16xi1>, vector<16xi32>
      %reduce_sum3A_659 = arith.constant true
      %reduce_sum3A_660 = vector.broadcast %reduce_sum3A_659 : i1 to vector<16xi1>
      %reduce_sum3A_661 = tpu.scan <sum>, %select_n3A_658 masked %reduce_sum3A_660 : vector<16xi32>, vector<16xi1> -> vector<16xi32>
      %reduce_sum3A_662 = vector.extract %reduce_sum3A_661[15] : i32 from vector<16xi32>
      %eq3A_663 = arith.constant 6 : i32
      %eq3A_664 = vector.broadcast %eq3A_663 : i32 to vector<16xi32>
      %eq3A_665 = arith.cmpi eq, %iota3A, %eq3A_664 : vector<16xi32>
      %jit3A_666 = arith.constant 0 : i32
      %broadcast_in_dim3A_667 = vector.broadcast %jit3A_666 : i32 to vector<16xi32>
      %select_n3A_668 = arith.select %eq3A_665, %shift_right_arithmetic3A_18, %broadcast_in_dim3A_667 : vector<16xi1>, vector<16xi32>
      %reduce_sum3A_669 = arith.constant true
      %reduce_sum3A_670 = vector.broadcast %reduce_sum3A_669 : i1 to vector<16xi1>
      %reduce_sum3A_671 = tpu.scan <sum>, %select_n3A_668 masked %reduce_sum3A_670 : vector<16xi32>, vector<16xi1> -> vector<16xi32>
      %reduce_sum3A_672 = vector.extract %reduce_sum3A_671[15] : i32 from vector<16xi32>
      %mul3A_673 = arith.constant 128 : i32
      %mul3A_674 = arith.muli %reduce_sum3A_662, %mul3A_673 : i32
      %multiple_of3A_675 = tpu.assume_multiple %mul3A_674, 128 : i32
      %mul3A_676 = arith.constant 128 : i32
      %mul3A_677 = arith.muli %reduce_sum3A_672, %mul3A_676 : i32
      %multiple_of3A_678 = tpu.assume_multiple %mul3A_677, 128 : i32
      %dma_start3A_679 = arith.constant 192 : i32
      %dma_start3A_680 = arith.constant 0 : i32
      %dma_start3A_681 = tpu.memref_slice %arg9[%dma_start3A_679, %dma_start3A_680] : memref<384x128xf32, #tpu.memory_space<vmem>> -> memref<8x128xf32, #tpu.memory_space<vmem>>
      %dma_start3A_682 = arith.constant 0 : i32
      %dma_start3A_683 = tpu.memref_slice %arg4[%dma_start3A_682, %multiple_of3A_675] : memref<32x1000000xf32, #tpu.memory_space<hbm>> -> memref<8x128xf32, #tpu.memory_space<hbm>>
      %dma_start3A_684 = arith.constant 192 : i32
      %dma_start3A_685 = arith.constant 0 : i32
      %dma_start3A_686 = tpu.memref_slice %arg9[%dma_start3A_684, %dma_start3A_685] : memref<384x128xf32, #tpu.memory_space<vmem>> -> memref<8x128xf32, #tpu.memory_space<vmem>>
      %dma_start3A_687 = arith.constant 0 : i32
      %dma_start3A_688 = tpu.memref_slice %arg4[%dma_start3A_687, %multiple_of3A_675] : memref<32x1000000xf32, #tpu.memory_space<hbm>> -> memref<8x128xf32, #tpu.memory_space<hbm>>
      tpu.enqueue_dma source(%dma_start3A_688 : memref<8x128xf32, #tpu.memory_space<hbm>>) target(%dma_start3A_686 : memref<8x128xf32, #tpu.memory_space<vmem>>) target_semaphore(%arg14 : memref<!tpu.dma_semaphore, #tpu.memory_space<semaphore_mem>>)
      %dma_start3A_689 = arith.constant 192 : i32
      %dma_start3A_690 = arith.constant 0 : i32
      %dma_start3A_691 = tpu.memref_slice %arg10[%dma_start3A_689, %dma_start3A_690] : memref<384x128xf32, #tpu.memory_space<vmem>> -> memref<8x128xf32, #tpu.memory_space<vmem>>
      %dma_start3A_692 = arith.constant 0 : i32
      %dma_start3A_693 = tpu.memref_slice %arg5[%dma_start3A_692, %multiple_of3A_678] : memref<32x1000000xf32, #tpu.memory_space<hbm>> -> memref<8x128xf32, #tpu.memory_space<hbm>>
      %dma_start3A_694 = arith.constant 192 : i32
      %dma_start3A_695 = arith.constant 0 : i32
      %dma_start3A_696 = tpu.memref_slice %arg10[%dma_start3A_694, %dma_start3A_695] : memref<384x128xf32, #tpu.memory_space<vmem>> -> memref<8x128xf32, #tpu.memory_space<vmem>>
      %dma_start3A_697 = arith.constant 0 : i32
      %dma_start3A_698 = tpu.memref_slice %arg5[%dma_start3A_697, %multiple_of3A_678] : memref<32x1000000xf32, #tpu.memory_space<hbm>> -> memref<8x128xf32, #tpu.memory_space<hbm>>
      tpu.enqueue_dma source(%dma_start3A_698 : memref<8x128xf32, #tpu.memory_space<hbm>>) target(%dma_start3A_696 : memref<8x128xf32, #tpu.memory_space<vmem>>) target_semaphore(%arg17 : memref<!tpu.dma_semaphore, #tpu.memory_space<semaphore_mem>>)
      %dma_start3A_699 = arith.constant 200 : i32
      %dma_start3A_700 = arith.constant 0 : i32
      %dma_start3A_701 = tpu.memref_slice %arg9[%dma_start3A_699, %dma_start3A_700] : memref<384x128xf32, #tpu.memory_space<vmem>> -> memref<8x128xf32, #tpu.memory_space<vmem>>
      %dma_start3A_702 = arith.constant 8 : i32
      %dma_start3A_703 = tpu.memref_slice %arg4[%dma_start3A_702, %multiple_of3A_675] : memref<32x1000000xf32, #tpu.memory_space<hbm>> -> memref<8x128xf32, #tpu.memory_space<hbm>>
      %dma_start3A_704 = arith.constant 200 : i32
      %dma_start3A_705 = arith.constant 0 : i32
      %dma_start3A_706 = tpu.memref_slice %arg9[%dma_start3A_704, %dma_start3A_705] : memref<384x128xf32, #tpu.memory_space<vmem>> -> memref<8x128xf32, #tpu.memory_space<vmem>>
      %dma_start3A_707 = arith.constant 8 : i32
      %dma_start3A_708 = tpu.memref_slice %arg4[%dma_start3A_707, %multiple_of3A_675] : memref<32x1000000xf32, #tpu.memory_space<hbm>> -> memref<8x128xf32, #tpu.memory_space<hbm>>
      tpu.enqueue_dma source(%dma_start3A_708 : memref<8x128xf32, #tpu.memory_space<hbm>>) target(%dma_start3A_706 : memref<8x128xf32, #tpu.memory_space<vmem>>) target_semaphore(%arg14 : memref<!tpu.dma_semaphore, #tpu.memory_space<semaphore_mem>>)
      %dma_start3A_709 = arith.constant 200 : i32
      %dma_start3A_710 = arith.constant 0 : i32
      %dma_start3A_711 = tpu.memref_slice %arg10[%dma_start3A_709, %dma_start3A_710] : memref<384x128xf32, #tpu.memory_space<vmem>> -> memref<8x128xf32, #tpu.memory_space<vmem>>
      %dma_start3A_712 = arith.constant 8 : i32
      %dma_start3A_713 = tpu.memref_slice %arg5[%dma_start3A_712, %multiple_of3A_678] : memref<32x1000000xf32, #tpu.memory_space<hbm>> -> memref<8x128xf32, #tpu.memory_space<hbm>>
      %dma_start3A_714 = arith.constant 200 : i32
      %dma_start3A_715 = arith.constant 0 : i32
      %dma_start3A_716 = tpu.memref_slice %arg10[%dma_start3A_714, %dma_start3A_715] : memref<384x128xf32, #tpu.memory_space<vmem>> -> memref<8x128xf32, #tpu.memory_space<vmem>>
      %dma_start3A_717 = arith.constant 8 : i32
      %dma_start3A_718 = tpu.memref_slice %arg5[%dma_start3A_717, %multiple_of3A_678] : memref<32x1000000xf32, #tpu.memory_space<hbm>> -> memref<8x128xf32, #tpu.memory_space<hbm>>
      tpu.enqueue_dma source(%dma_start3A_718 : memref<8x128xf32, #tpu.memory_space<hbm>>) target(%dma_start3A_716 : memref<8x128xf32, #tpu.memory_space<vmem>>) target_semaphore(%arg17 : memref<!tpu.dma_semaphore, #tpu.memory_space<semaphore_mem>>)
      %dma_start3A_719 = arith.constant 208 : i32
      %dma_start3A_720 = arith.constant 0 : i32
      %dma_start3A_721 = tpu.memref_slice %arg9[%dma_start3A_719, %dma_start3A_720] : memref<384x128xf32, #tpu.memory_space<vmem>> -> memref<8x128xf32, #tpu.memory_space<vmem>>
      %dma_start3A_722 = arith.constant 16 : i32
      %dma_start3A_723 = tpu.memref_slice %arg4[%dma_start3A_722, %multiple_of3A_675] : memref<32x1000000xf32, #tpu.memory_space<hbm>> -> memref<8x128xf32, #tpu.memory_space<hbm>>
      %dma_start3A_724 = arith.constant 208 : i32
      %dma_start3A_725 = arith.constant 0 : i32
      %dma_start3A_726 = tpu.memref_slice %arg9[%dma_start3A_724, %dma_start3A_725] : memref<384x128xf32, #tpu.memory_space<vmem>> -> memref<8x128xf32, #tpu.memory_space<vmem>>
      %dma_start3A_727 = arith.constant 16 : i32
      %dma_start3A_728 = tpu.memref_slice %arg4[%dma_start3A_727, %multiple_of3A_675] : memref<32x1000000xf32, #tpu.memory_space<hbm>> -> memref<8x128xf32, #tpu.memory_space<hbm>>
      tpu.enqueue_dma source(%dma_start3A_728 : memref<8x128xf32, #tpu.memory_space<hbm>>) target(%dma_start3A_726 : memref<8x128xf32, #tpu.memory_space<vmem>>) target_semaphore(%arg14 : memref<!tpu.dma_semaphore, #tpu.memory_space<semaphore_mem>>)
      %dma_start3A_729 = arith.constant 208 : i32
      %dma_start3A_730 = arith.constant 0 : i32
      %dma_start3A_731 = tpu.memref_slice %arg10[%dma_start3A_729, %dma_start3A_730] : memref<384x128xf32, #tpu.memory_space<vmem>> -> memref<8x128xf32, #tpu.memory_space<vmem>>
      %dma_start3A_732 = arith.constant 16 : i32
      %dma_start3A_733 = tpu.memref_slice %arg5[%dma_start3A_732, %multiple_of3A_678] : memref<32x1000000xf32, #tpu.memory_space<hbm>> -> memref<8x128xf32, #tpu.memory_space<hbm>>
      %dma_start3A_734 = arith.constant 208 : i32
      %dma_start3A_735 = arith.constant 0 : i32
      %dma_start3A_736 = tpu.memref_slice %arg10[%dma_start3A_734, %dma_start3A_735] : memref<384x128xf32, #tpu.memory_space<vmem>> -> memref<8x128xf32, #tpu.memory_space<vmem>>
      %dma_start3A_737 = arith.constant 16 : i32
      %dma_start3A_738 = tpu.memref_slice %arg5[%dma_start3A_737, %multiple_of3A_678] : memref<32x1000000xf32, #tpu.memory_space<hbm>> -> memref<8x128xf32, #tpu.memory_space<hbm>>
      tpu.enqueue_dma source(%dma_start3A_738 : memref<8x128xf32, #tpu.memory_space<hbm>>) target(%dma_start3A_736 : memref<8x128xf32, #tpu.memory_space<vmem>>) target_semaphore(%arg17 : memref<!tpu.dma_semaphore, #tpu.memory_space<semaphore_mem>>)
      %dma_start3A_739 = arith.constant 216 : i32
      %dma_start3A_740 = arith.constant 0 : i32
      %dma_start3A_741 = tpu.memref_slice %arg9[%dma_start3A_739, %dma_start3A_740] : memref<384x128xf32, #tpu.memory_space<vmem>> -> memref<8x128xf32, #tpu.memory_space<vmem>>
      %dma_start3A_742 = arith.constant 24 : i32
      %dma_start3A_743 = tpu.memref_slice %arg4[%dma_start3A_742, %multiple_of3A_675] : memref<32x1000000xf32, #tpu.memory_space<hbm>> -> memref<8x128xf32, #tpu.memory_space<hbm>>
      %dma_start3A_744 = arith.constant 216 : i32
      %dma_start3A_745 = arith.constant 0 : i32
      %dma_start3A_746 = tpu.memref_slice %arg9[%dma_start3A_744, %dma_start3A_745] : memref<384x128xf32, #tpu.memory_space<vmem>> -> memref<8x128xf32, #tpu.memory_space<vmem>>
      %dma_start3A_747 = arith.constant 24 : i32
      %dma_start3A_748 = tpu.memref_slice %arg4[%dma_start3A_747, %multiple_of3A_675] : memref<32x1000000xf32, #tpu.memory_space<hbm>> -> memref<8x128xf32, #tpu.memory_space<hbm>>
      tpu.enqueue_dma source(%dma_start3A_748 : memref<8x128xf32, #tpu.memory_space<hbm>>) target(%dma_start3A_746 : memref<8x128xf32, #tpu.memory_space<vmem>>) target_semaphore(%arg14 : memref<!tpu.dma_semaphore, #tpu.memory_space<semaphore_mem>>)
      %dma_start3A_749 = arith.constant 216 : i32
      %dma_start3A_750 = arith.constant 0 : i32
      %dma_start3A_751 = tpu.memref_slice %arg10[%dma_start3A_749, %dma_start3A_750] : memref<384x128xf32, #tpu.memory_space<vmem>> -> memref<8x128xf32, #tpu.memory_space<vmem>>
      %dma_start3A_752 = arith.constant 24 : i32
      %dma_start3A_753 = tpu.memref_slice %arg5[%dma_start3A_752, %multiple_of3A_678] : memref<32x1000000xf32, #tpu.memory_space<hbm>> -> memref<8x128xf32, #tpu.memory_space<hbm>>
      %dma_start3A_754 = arith.constant 216 : i32
      %dma_start3A_755 = arith.constant 0 : i32
      %dma_start3A_756 = tpu.memref_slice %arg10[%dma_start3A_754, %dma_start3A_755] : memref<384x128xf32, #tpu.memory_space<vmem>> -> memref<8x128xf32, #tpu.memory_space<vmem>>
      %dma_start3A_757 = arith.constant 24 : i32
      %dma_start3A_758 = tpu.memref_slice %arg5[%dma_start3A_757, %multiple_of3A_678] : memref<32x1000000xf32, #tpu.memory_space<hbm>> -> memref<8x128xf32, #tpu.memory_space<hbm>>
      tpu.enqueue_dma source(%dma_start3A_758 : memref<8x128xf32, #tpu.memory_space<hbm>>) target(%dma_start3A_756 : memref<8x128xf32, #tpu.memory_space<vmem>>) target_semaphore(%arg17 : memref<!tpu.dma_semaphore, #tpu.memory_space<semaphore_mem>>)
      %eq3A_759 = arith.constant 7 : i32
      %eq3A_760 = vector.broadcast %eq3A_759 : i32 to vector<16xi32>
      %eq3A_761 = arith.cmpi eq, %iota3A, %eq3A_760 : vector<16xi32>
      %jit3A_762 = arith.constant 0 : i32
      %broadcast_in_dim3A_763 = vector.broadcast %jit3A_762 : i32 to vector<16xi32>
      %select_n3A_764 = arith.select %eq3A_761, %shift_right_arithmetic3A_15, %broadcast_in_dim3A_763 : vector<16xi1>, vector<16xi32>
      %reduce_sum3A_765 = arith.constant true
      %reduce_sum3A_766 = vector.broadcast %reduce_sum3A_765 : i1 to vector<16xi1>
      %reduce_sum3A_767 = tpu.scan <sum>, %select_n3A_764 masked %reduce_sum3A_766 : vector<16xi32>, vector<16xi1> -> vector<16xi32>
      %reduce_sum3A_768 = vector.extract %reduce_sum3A_767[15] : i32 from vector<16xi32>
      %eq3A_769 = arith.constant 7 : i32
      %eq3A_770 = vector.broadcast %eq3A_769 : i32 to vector<16xi32>
      %eq3A_771 = arith.cmpi eq, %iota3A, %eq3A_770 : vector<16xi32>
      %jit3A_772 = arith.constant 0 : i32
      %broadcast_in_dim3A_773 = vector.broadcast %jit3A_772 : i32 to vector<16xi32>
      %select_n3A_774 = arith.select %eq3A_771, %shift_right_arithmetic3A_18, %broadcast_in_dim3A_773 : vector<16xi1>, vector<16xi32>
      %reduce_sum3A_775 = arith.constant true
      %reduce_sum3A_776 = vector.broadcast %reduce_sum3A_775 : i1 to vector<16xi1>
      %reduce_sum3A_777 = tpu.scan <sum>, %select_n3A_774 masked %reduce_sum3A_776 : vector<16xi32>, vector<16xi1> -> vector<16xi32>
      %reduce_sum3A_778 = vector.extract %reduce_sum3A_777[15] : i32 from vector<16xi32>
      %mul3A_779 = arith.constant 128 : i32
      %mul3A_780 = arith.muli %reduce_sum3A_768, %mul3A_779 : i32
      %multiple_of3A_781 = tpu.assume_multiple %mul3A_780, 128 : i32
      %mul3A_782 = arith.constant 128 : i32
      %mul3A_783 = arith.muli %reduce_sum3A_778, %mul3A_782 : i32
      %multiple_of3A_784 = tpu.assume_multiple %mul3A_783, 128 : i32
      %dma_start3A_785 = arith.constant 224 : i32
      %dma_start3A_786 = arith.constant 0 : i32
      %dma_start3A_787 = tpu.memref_slice %arg9[%dma_start3A_785, %dma_start3A_786] : memref<384x128xf32, #tpu.memory_space<vmem>> -> memref<8x128xf32, #tpu.memory_space<vmem>>
      %dma_start3A_788 = arith.constant 0 : i32
      %dma_start3A_789 = tpu.memref_slice %arg4[%dma_start3A_788, %multiple_of3A_781] : memref<32x1000000xf32, #tpu.memory_space<hbm>> -> memref<8x128xf32, #tpu.memory_space<hbm>>
      %dma_start3A_790 = arith.constant 224 : i32
      %dma_start3A_791 = arith.constant 0 : i32
      %dma_start3A_792 = tpu.memref_slice %arg9[%dma_start3A_790, %dma_start3A_791] : memref<384x128xf32, #tpu.memory_space<vmem>> -> memref<8x128xf32, #tpu.memory_space<vmem>>
      %dma_start3A_793 = arith.constant 0 : i32
      %dma_start3A_794 = tpu.memref_slice %arg4[%dma_start3A_793, %multiple_of3A_781] : memref<32x1000000xf32, #tpu.memory_space<hbm>> -> memref<8x128xf32, #tpu.memory_space<hbm>>
      tpu.enqueue_dma source(%dma_start3A_794 : memref<8x128xf32, #tpu.memory_space<hbm>>) target(%dma_start3A_792 : memref<8x128xf32, #tpu.memory_space<vmem>>) target_semaphore(%arg14 : memref<!tpu.dma_semaphore, #tpu.memory_space<semaphore_mem>>)
      %dma_start3A_795 = arith.constant 224 : i32
      %dma_start3A_796 = arith.constant 0 : i32
      %dma_start3A_797 = tpu.memref_slice %arg10[%dma_start3A_795, %dma_start3A_796] : memref<384x128xf32, #tpu.memory_space<vmem>> -> memref<8x128xf32, #tpu.memory_space<vmem>>
      %dma_start3A_798 = arith.constant 0 : i32
      %dma_start3A_799 = tpu.memref_slice %arg5[%dma_start3A_798, %multiple_of3A_784] : memref<32x1000000xf32, #tpu.memory_space<hbm>> -> memref<8x128xf32, #tpu.memory_space<hbm>>
      %dma_start3A_800 = arith.constant 224 : i32
      %dma_start3A_801 = arith.constant 0 : i32
      %dma_start3A_802 = tpu.memref_slice %arg10[%dma_start3A_800, %dma_start3A_801] : memref<384x128xf32, #tpu.memory_space<vmem>> -> memref<8x128xf32, #tpu.memory_space<vmem>>
      %dma_start3A_803 = arith.constant 0 : i32
      %dma_start3A_804 = tpu.memref_slice %arg5[%dma_start3A_803, %multiple_of3A_784] : memref<32x1000000xf32, #tpu.memory_space<hbm>> -> memref<8x128xf32, #tpu.memory_space<hbm>>
      tpu.enqueue_dma source(%dma_start3A_804 : memref<8x128xf32, #tpu.memory_space<hbm>>) target(%dma_start3A_802 : memref<8x128xf32, #tpu.memory_space<vmem>>) target_semaphore(%arg17 : memref<!tpu.dma_semaphore, #tpu.memory_space<semaphore_mem>>)
      %dma_start3A_805 = arith.constant 232 : i32
      %dma_start3A_806 = arith.constant 0 : i32
      %dma_start3A_807 = tpu.memref_slice %arg9[%dma_start3A_805, %dma_start3A_806] : memref<384x128xf32, #tpu.memory_space<vmem>> -> memref<8x128xf32, #tpu.memory_space<vmem>>
      %dma_start3A_808 = arith.constant 8 : i32
      %dma_start3A_809 = tpu.memref_slice %arg4[%dma_start3A_808, %multiple_of3A_781] : memref<32x1000000xf32, #tpu.memory_space<hbm>> -> memref<8x128xf32, #tpu.memory_space<hbm>>
      %dma_start3A_810 = arith.constant 232 : i32
      %dma_start3A_811 = arith.constant 0 : i32
      %dma_start3A_812 = tpu.memref_slice %arg9[%dma_start3A_810, %dma_start3A_811] : memref<384x128xf32, #tpu.memory_space<vmem>> -> memref<8x128xf32, #tpu.memory_space<vmem>>
      %dma_start3A_813 = arith.constant 8 : i32
      %dma_start3A_814 = tpu.memref_slice %arg4[%dma_start3A_813, %multiple_of3A_781] : memref<32x1000000xf32, #tpu.memory_space<hbm>> -> memref<8x128xf32, #tpu.memory_space<hbm>>
      tpu.enqueue_dma source(%dma_start3A_814 : memref<8x128xf32, #tpu.memory_space<hbm>>) target(%dma_start3A_812 : memref<8x128xf32, #tpu.memory_space<vmem>>) target_semaphore(%arg14 : memref<!tpu.dma_semaphore, #tpu.memory_space<semaphore_mem>>)
      %dma_start3A_815 = arith.constant 232 : i32
      %dma_start3A_816 = arith.constant 0 : i32
      %dma_start3A_817 = tpu.memref_slice %arg10[%dma_start3A_815, %dma_start3A_816] : memref<384x128xf32, #tpu.memory_space<vmem>> -> memref<8x128xf32, #tpu.memory_space<vmem>>
      %dma_start3A_818 = arith.constant 8 : i32
      %dma_start3A_819 = tpu.memref_slice %arg5[%dma_start3A_818, %multiple_of3A_784] : memref<32x1000000xf32, #tpu.memory_space<hbm>> -> memref<8x128xf32, #tpu.memory_space<hbm>>
      %dma_start3A_820 = arith.constant 232 : i32
      %dma_start3A_821 = arith.constant 0 : i32
      %dma_start3A_822 = tpu.memref_slice %arg10[%dma_start3A_820, %dma_start3A_821] : memref<384x128xf32, #tpu.memory_space<vmem>> -> memref<8x128xf32, #tpu.memory_space<vmem>>
      %dma_start3A_823 = arith.constant 8 : i32
      %dma_start3A_824 = tpu.memref_slice %arg5[%dma_start3A_823, %multiple_of3A_784] : memref<32x1000000xf32, #tpu.memory_space<hbm>> -> memref<8x128xf32, #tpu.memory_space<hbm>>
      tpu.enqueue_dma source(%dma_start3A_824 : memref<8x128xf32, #tpu.memory_space<hbm>>) target(%dma_start3A_822 : memref<8x128xf32, #tpu.memory_space<vmem>>) target_semaphore(%arg17 : memref<!tpu.dma_semaphore, #tpu.memory_space<semaphore_mem>>)
      %dma_start3A_825 = arith.constant 240 : i32
      %dma_start3A_826 = arith.constant 0 : i32
      %dma_start3A_827 = tpu.memref_slice %arg9[%dma_start3A_825, %dma_start3A_826] : memref<384x128xf32, #tpu.memory_space<vmem>> -> memref<8x128xf32, #tpu.memory_space<vmem>>
      %dma_start3A_828 = arith.constant 16 : i32
      %dma_start3A_829 = tpu.memref_slice %arg4[%dma_start3A_828, %multiple_of3A_781] : memref<32x1000000xf32, #tpu.memory_space<hbm>> -> memref<8x128xf32, #tpu.memory_space<hbm>>
      %dma_start3A_830 = arith.constant 240 : i32
      %dma_start3A_831 = arith.constant 0 : i32
      %dma_start3A_832 = tpu.memref_slice %arg9[%dma_start3A_830, %dma_start3A_831] : memref<384x128xf32, #tpu.memory_space<vmem>> -> memref<8x128xf32, #tpu.memory_space<vmem>>
      %dma_start3A_833 = arith.constant 16 : i32
      %dma_start3A_834 = tpu.memref_slice %arg4[%dma_start3A_833, %multiple_of3A_781] : memref<32x1000000xf32, #tpu.memory_space<hbm>> -> memref<8x128xf32, #tpu.memory_space<hbm>>
      tpu.enqueue_dma source(%dma_start3A_834 : memref<8x128xf32, #tpu.memory_space<hbm>>) target(%dma_start3A_832 : memref<8x128xf32, #tpu.memory_space<vmem>>) target_semaphore(%arg14 : memref<!tpu.dma_semaphore, #tpu.memory_space<semaphore_mem>>)
      %dma_start3A_835 = arith.constant 240 : i32
      %dma_start3A_836 = arith.constant 0 : i32
      %dma_start3A_837 = tpu.memref_slice %arg10[%dma_start3A_835, %dma_start3A_836] : memref<384x128xf32, #tpu.memory_space<vmem>> -> memref<8x128xf32, #tpu.memory_space<vmem>>
      %dma_start3A_838 = arith.constant 16 : i32
      %dma_start3A_839 = tpu.memref_slice %arg5[%dma_start3A_838, %multiple_of3A_784] : memref<32x1000000xf32, #tpu.memory_space<hbm>> -> memref<8x128xf32, #tpu.memory_space<hbm>>
      %dma_start3A_840 = arith.constant 240 : i32
      %dma_start3A_841 = arith.constant 0 : i32
      %dma_start3A_842 = tpu.memref_slice %arg10[%dma_start3A_840, %dma_start3A_841] : memref<384x128xf32, #tpu.memory_space<vmem>> -> memref<8x128xf32, #tpu.memory_space<vmem>>
      %dma_start3A_843 = arith.constant 16 : i32
      %dma_start3A_844 = tpu.memref_slice %arg5[%dma_start3A_843, %multiple_of3A_784] : memref<32x1000000xf32, #tpu.memory_space<hbm>> -> memref<8x128xf32, #tpu.memory_space<hbm>>
      tpu.enqueue_dma source(%dma_start3A_844 : memref<8x128xf32, #tpu.memory_space<hbm>>) target(%dma_start3A_842 : memref<8x128xf32, #tpu.memory_space<vmem>>) target_semaphore(%arg17 : memref<!tpu.dma_semaphore, #tpu.memory_space<semaphore_mem>>)
      %dma_start3A_845 = arith.constant 248 : i32
      %dma_start3A_846 = arith.constant 0 : i32
      %dma_start3A_847 = tpu.memref_slice %arg9[%dma_start3A_845, %dma_start3A_846] : memref<384x128xf32, #tpu.memory_space<vmem>> -> memref<8x128xf32, #tpu.memory_space<vmem>>
      %dma_start3A_848 = arith.constant 24 : i32
      %dma_start3A_849 = tpu.memref_slice %arg4[%dma_start3A_848, %multiple_of3A_781] : memref<32x1000000xf32, #tpu.memory_space<hbm>> -> memref<8x128xf32, #tpu.memory_space<hbm>>
      %dma_start3A_850 = arith.constant 248 : i32
      %dma_start3A_851 = arith.constant 0 : i32
      %dma_start3A_852 = tpu.memref_slice %arg9[%dma_start3A_850, %dma_start3A_851] : memref<384x128xf32, #tpu.memory_space<vmem>> -> memref<8x128xf32, #tpu.memory_space<vmem>>
      %dma_start3A_853 = arith.constant 24 : i32
      %dma_start3A_854 = tpu.memref_slice %arg4[%dma_start3A_853, %multiple_of3A_781] : memref<32x1000000xf32, #tpu.memory_space<hbm>> -> memref<8x128xf32, #tpu.memory_space<hbm>>
      tpu.enqueue_dma source(%dma_start3A_854 : memref<8x128xf32, #tpu.memory_space<hbm>>) target(%dma_start3A_852 : memref<8x128xf32, #tpu.memory_space<vmem>>) target_semaphore(%arg14 : memref<!tpu.dma_semaphore, #tpu.memory_space<semaphore_mem>>)
      %dma_start3A_855 = arith.constant 248 : i32
      %dma_start3A_856 = arith.constant 0 : i32
      %dma_start3A_857 = tpu.memref_slice %arg10[%dma_start3A_855, %dma_start3A_856] : memref<384x128xf32, #tpu.memory_space<vmem>> -> memref<8x128xf32, #tpu.memory_space<vmem>>
      %dma_start3A_858 = arith.constant 24 : i32
      %dma_start3A_859 = tpu.memref_slice %arg5[%dma_start3A_858, %multiple_of3A_784] : memref<32x1000000xf32, #tpu.memory_space<hbm>> -> memref<8x128xf32, #tpu.memory_space<hbm>>
      %dma_start3A_860 = arith.constant 248 : i32
      %dma_start3A_861 = arith.constant 0 : i32
      %dma_start3A_862 = tpu.memref_slice %arg10[%dma_start3A_860, %dma_start3A_861] : memref<384x128xf32, #tpu.memory_space<vmem>> -> memref<8x128xf32, #tpu.memory_space<vmem>>
      %dma_start3A_863 = arith.constant 24 : i32
      %dma_start3A_864 = tpu.memref_slice %arg5[%dma_start3A_863, %multiple_of3A_784] : memref<32x1000000xf32, #tpu.memory_space<hbm>> -> memref<8x128xf32, #tpu.memory_space<hbm>>
      tpu.enqueue_dma source(%dma_start3A_864 : memref<8x128xf32, #tpu.memory_space<hbm>>) target(%dma_start3A_862 : memref<8x128xf32, #tpu.memory_space<vmem>>) target_semaphore(%arg17 : memref<!tpu.dma_semaphore, #tpu.memory_space<semaphore_mem>>)
      %eq3A_865 = arith.constant 8 : i32
      %eq3A_866 = vector.broadcast %eq3A_865 : i32 to vector<16xi32>
      %eq3A_867 = arith.cmpi eq, %iota3A, %eq3A_866 : vector<16xi32>
      %jit3A_868 = arith.constant 0 : i32
      %broadcast_in_dim3A_869 = vector.broadcast %jit3A_868 : i32 to vector<16xi32>
      %select_n3A_870 = arith.select %eq3A_867, %shift_right_arithmetic3A_15, %broadcast_in_dim3A_869 : vector<16xi1>, vector<16xi32>
      %reduce_sum3A_871 = arith.constant true
      %reduce_sum3A_872 = vector.broadcast %reduce_sum3A_871 : i1 to vector<16xi1>
      %reduce_sum3A_873 = tpu.scan <sum>, %select_n3A_870 masked %reduce_sum3A_872 : vector<16xi32>, vector<16xi1> -> vector<16xi32>
      %reduce_sum3A_874 = vector.extract %reduce_sum3A_873[15] : i32 from vector<16xi32>
      %eq3A_875 = arith.constant 8 : i32
      %eq3A_876 = vector.broadcast %eq3A_875 : i32 to vector<16xi32>
      %eq3A_877 = arith.cmpi eq, %iota3A, %eq3A_876 : vector<16xi32>
      %jit3A_878 = arith.constant 0 : i32
      %broadcast_in_dim3A_879 = vector.broadcast %jit3A_878 : i32 to vector<16xi32>
      %select_n3A_880 = arith.select %eq3A_877, %shift_right_arithmetic3A_18, %broadcast_in_dim3A_879 : vector<16xi1>, vector<16xi32>
      %reduce_sum3A_881 = arith.constant true
      %reduce_sum3A_882 = vector.broadcast %reduce_sum3A_881 : i1 to vector<16xi1>
      %reduce_sum3A_883 = tpu.scan <sum>, %select_n3A_880 masked %reduce_sum3A_882 : vector<16xi32>, vector<16xi1> -> vector<16xi32>
      %reduce_sum3A_884 = vector.extract %reduce_sum3A_883[15] : i32 from vector<16xi32>
      %mul3A_885 = arith.constant 128 : i32
      %mul3A_886 = arith.muli %reduce_sum3A_874, %mul3A_885 : i32
      %multiple_of3A_887 = tpu.assume_multiple %mul3A_886, 128 : i32
      %mul3A_888 = arith.constant 128 : i32
      %mul3A_889 = arith.muli %reduce_sum3A_884, %mul3A_888 : i32
      %multiple_of3A_890 = tpu.assume_multiple %mul3A_889, 128 : i32
      %dma_start3A_891 = arith.constant 256 : i32
      %dma_start3A_892 = arith.constant 0 : i32
      %dma_start3A_893 = tpu.memref_slice %arg9[%dma_start3A_891, %dma_start3A_892] : memref<384x128xf32, #tpu.memory_space<vmem>> -> memref<8x128xf32, #tpu.memory_space<vmem>>
      %dma_start3A_894 = arith.constant 0 : i32
      %dma_start3A_895 = tpu.memref_slice %arg4[%dma_start3A_894, %multiple_of3A_887] : memref<32x1000000xf32, #tpu.memory_space<hbm>> -> memref<8x128xf32, #tpu.memory_space<hbm>>
      %dma_start3A_896 = arith.constant 256 : i32
      %dma_start3A_897 = arith.constant 0 : i32
      %dma_start3A_898 = tpu.memref_slice %arg9[%dma_start3A_896, %dma_start3A_897] : memref<384x128xf32, #tpu.memory_space<vmem>> -> memref<8x128xf32, #tpu.memory_space<vmem>>
      %dma_start3A_899 = arith.constant 0 : i32
      %dma_start3A_900 = tpu.memref_slice %arg4[%dma_start3A_899, %multiple_of3A_887] : memref<32x1000000xf32, #tpu.memory_space<hbm>> -> memref<8x128xf32, #tpu.memory_space<hbm>>
      tpu.enqueue_dma source(%dma_start3A_900 : memref<8x128xf32, #tpu.memory_space<hbm>>) target(%dma_start3A_898 : memref<8x128xf32, #tpu.memory_space<vmem>>) target_semaphore(%arg15 : memref<!tpu.dma_semaphore, #tpu.memory_space<semaphore_mem>>)
      %dma_start3A_901 = arith.constant 256 : i32
      %dma_start3A_902 = arith.constant 0 : i32
      %dma_start3A_903 = tpu.memref_slice %arg10[%dma_start3A_901, %dma_start3A_902] : memref<384x128xf32, #tpu.memory_space<vmem>> -> memref<8x128xf32, #tpu.memory_space<vmem>>
      %dma_start3A_904 = arith.constant 0 : i32
      %dma_start3A_905 = tpu.memref_slice %arg5[%dma_start3A_904, %multiple_of3A_890] : memref<32x1000000xf32, #tpu.memory_space<hbm>> -> memref<8x128xf32, #tpu.memory_space<hbm>>
      %dma_start3A_906 = arith.constant 256 : i32
      %dma_start3A_907 = arith.constant 0 : i32
      %dma_start3A_908 = tpu.memref_slice %arg10[%dma_start3A_906, %dma_start3A_907] : memref<384x128xf32, #tpu.memory_space<vmem>> -> memref<8x128xf32, #tpu.memory_space<vmem>>
      %dma_start3A_909 = arith.constant 0 : i32
      %dma_start3A_910 = tpu.memref_slice %arg5[%dma_start3A_909, %multiple_of3A_890] : memref<32x1000000xf32, #tpu.memory_space<hbm>> -> memref<8x128xf32, #tpu.memory_space<hbm>>
      tpu.enqueue_dma source(%dma_start3A_910 : memref<8x128xf32, #tpu.memory_space<hbm>>) target(%dma_start3A_908 : memref<8x128xf32, #tpu.memory_space<vmem>>) target_semaphore(%arg18 : memref<!tpu.dma_semaphore, #tpu.memory_space<semaphore_mem>>)
      %dma_start3A_911 = arith.constant 264 : i32
      %dma_start3A_912 = arith.constant 0 : i32
      %dma_start3A_913 = tpu.memref_slice %arg9[%dma_start3A_911, %dma_start3A_912] : memref<384x128xf32, #tpu.memory_space<vmem>> -> memref<8x128xf32, #tpu.memory_space<vmem>>
      %dma_start3A_914 = arith.constant 8 : i32
      %dma_start3A_915 = tpu.memref_slice %arg4[%dma_start3A_914, %multiple_of3A_887] : memref<32x1000000xf32, #tpu.memory_space<hbm>> -> memref<8x128xf32, #tpu.memory_space<hbm>>
      %dma_start3A_916 = arith.constant 264 : i32
      %dma_start3A_917 = arith.constant 0 : i32
      %dma_start3A_918 = tpu.memref_slice %arg9[%dma_start3A_916, %dma_start3A_917] : memref<384x128xf32, #tpu.memory_space<vmem>> -> memref<8x128xf32, #tpu.memory_space<vmem>>
      %dma_start3A_919 = arith.constant 8 : i32
      %dma_start3A_920 = tpu.memref_slice %arg4[%dma_start3A_919, %multiple_of3A_887] : memref<32x1000000xf32, #tpu.memory_space<hbm>> -> memref<8x128xf32, #tpu.memory_space<hbm>>
      tpu.enqueue_dma source(%dma_start3A_920 : memref<8x128xf32, #tpu.memory_space<hbm>>) target(%dma_start3A_918 : memref<8x128xf32, #tpu.memory_space<vmem>>) target_semaphore(%arg15 : memref<!tpu.dma_semaphore, #tpu.memory_space<semaphore_mem>>)
      %dma_start3A_921 = arith.constant 264 : i32
      %dma_start3A_922 = arith.constant 0 : i32
      %dma_start3A_923 = tpu.memref_slice %arg10[%dma_start3A_921, %dma_start3A_922] : memref<384x128xf32, #tpu.memory_space<vmem>> -> memref<8x128xf32, #tpu.memory_space<vmem>>
      %dma_start3A_924 = arith.constant 8 : i32
      %dma_start3A_925 = tpu.memref_slice %arg5[%dma_start3A_924, %multiple_of3A_890] : memref<32x1000000xf32, #tpu.memory_space<hbm>> -> memref<8x128xf32, #tpu.memory_space<hbm>>
      %dma_start3A_926 = arith.constant 264 : i32
      %dma_start3A_927 = arith.constant 0 : i32
      %dma_start3A_928 = tpu.memref_slice %arg10[%dma_start3A_926, %dma_start3A_927] : memref<384x128xf32, #tpu.memory_space<vmem>> -> memref<8x128xf32, #tpu.memory_space<vmem>>
      %dma_start3A_929 = arith.constant 8 : i32
      %dma_start3A_930 = tpu.memref_slice %arg5[%dma_start3A_929, %multiple_of3A_890] : memref<32x1000000xf32, #tpu.memory_space<hbm>> -> memref<8x128xf32, #tpu.memory_space<hbm>>
      tpu.enqueue_dma source(%dma_start3A_930 : memref<8x128xf32, #tpu.memory_space<hbm>>) target(%dma_start3A_928 : memref<8x128xf32, #tpu.memory_space<vmem>>) target_semaphore(%arg18 : memref<!tpu.dma_semaphore, #tpu.memory_space<semaphore_mem>>)
      %dma_start3A_931 = arith.constant 272 : i32
      %dma_start3A_932 = arith.constant 0 : i32
      %dma_start3A_933 = tpu.memref_slice %arg9[%dma_start3A_931, %dma_start3A_932] : memref<384x128xf32, #tpu.memory_space<vmem>> -> memref<8x128xf32, #tpu.memory_space<vmem>>
      %dma_start3A_934 = arith.constant 16 : i32
      %dma_start3A_935 = tpu.memref_slice %arg4[%dma_start3A_934, %multiple_of3A_887] : memref<32x1000000xf32, #tpu.memory_space<hbm>> -> memref<8x128xf32, #tpu.memory_space<hbm>>
      %dma_start3A_936 = arith.constant 272 : i32
      %dma_start3A_937 = arith.constant 0 : i32
      %dma_start3A_938 = tpu.memref_slice %arg9[%dma_start3A_936, %dma_start3A_937] : memref<384x128xf32, #tpu.memory_space<vmem>> -> memref<8x128xf32, #tpu.memory_space<vmem>>
      %dma_start3A_939 = arith.constant 16 : i32
      %dma_start3A_940 = tpu.memref_slice %arg4[%dma_start3A_939, %multiple_of3A_887] : memref<32x1000000xf32, #tpu.memory_space<hbm>> -> memref<8x128xf32, #tpu.memory_space<hbm>>
      tpu.enqueue_dma source(%dma_start3A_940 : memref<8x128xf32, #tpu.memory_space<hbm>>) target(%dma_start3A_938 : memref<8x128xf32, #tpu.memory_space<vmem>>) target_semaphore(%arg15 : memref<!tpu.dma_semaphore, #tpu.memory_space<semaphore_mem>>)
      %dma_start3A_941 = arith.constant 272 : i32
      %dma_start3A_942 = arith.constant 0 : i32
      %dma_start3A_943 = tpu.memref_slice %arg10[%dma_start3A_941, %dma_start3A_942] : memref<384x128xf32, #tpu.memory_space<vmem>> -> memref<8x128xf32, #tpu.memory_space<vmem>>
      %dma_start3A_944 = arith.constant 16 : i32
      %dma_start3A_945 = tpu.memref_slice %arg5[%dma_start3A_944, %multiple_of3A_890] : memref<32x1000000xf32, #tpu.memory_space<hbm>> -> memref<8x128xf32, #tpu.memory_space<hbm>>
      %dma_start3A_946 = arith.constant 272 : i32
      %dma_start3A_947 = arith.constant 0 : i32
      %dma_start3A_948 = tpu.memref_slice %arg10[%dma_start3A_946, %dma_start3A_947] : memref<384x128xf32, #tpu.memory_space<vmem>> -> memref<8x128xf32, #tpu.memory_space<vmem>>
      %dma_start3A_949 = arith.constant 16 : i32
      %dma_start3A_950 = tpu.memref_slice %arg5[%dma_start3A_949, %multiple_of3A_890] : memref<32x1000000xf32, #tpu.memory_space<hbm>> -> memref<8x128xf32, #tpu.memory_space<hbm>>
      tpu.enqueue_dma source(%dma_start3A_950 : memref<8x128xf32, #tpu.memory_space<hbm>>) target(%dma_start3A_948 : memref<8x128xf32, #tpu.memory_space<vmem>>) target_semaphore(%arg18 : memref<!tpu.dma_semaphore, #tpu.memory_space<semaphore_mem>>)
      %dma_start3A_951 = arith.constant 280 : i32
      %dma_start3A_952 = arith.constant 0 : i32
      %dma_start3A_953 = tpu.memref_slice %arg9[%dma_start3A_951, %dma_start3A_952] : memref<384x128xf32, #tpu.memory_space<vmem>> -> memref<8x128xf32, #tpu.memory_space<vmem>>
      %dma_start3A_954 = arith.constant 24 : i32
      %dma_start3A_955 = tpu.memref_slice %arg4[%dma_start3A_954, %multiple_of3A_887] : memref<32x1000000xf32, #tpu.memory_space<hbm>> -> memref<8x128xf32, #tpu.memory_space<hbm>>
      %dma_start3A_956 = arith.constant 280 : i32
      %dma_start3A_957 = arith.constant 0 : i32
      %dma_start3A_958 = tpu.memref_slice %arg9[%dma_start3A_956, %dma_start3A_957] : memref<384x128xf32, #tpu.memory_space<vmem>> -> memref<8x128xf32, #tpu.memory_space<vmem>>
      %dma_start3A_959 = arith.constant 24 : i32
      %dma_start3A_960 = tpu.memref_slice %arg4[%dma_start3A_959, %multiple_of3A_887] : memref<32x1000000xf32, #tpu.memory_space<hbm>> -> memref<8x128xf32, #tpu.memory_space<hbm>>
      tpu.enqueue_dma source(%dma_start3A_960 : memref<8x128xf32, #tpu.memory_space<hbm>>) target(%dma_start3A_958 : memref<8x128xf32, #tpu.memory_space<vmem>>) target_semaphore(%arg15 : memref<!tpu.dma_semaphore, #tpu.memory_space<semaphore_mem>>)
      %dma_start3A_961 = arith.constant 280 : i32
      %dma_start3A_962 = arith.constant 0 : i32
      %dma_start3A_963 = tpu.memref_slice %arg10[%dma_start3A_961, %dma_start3A_962] : memref<384x128xf32, #tpu.memory_space<vmem>> -> memref<8x128xf32, #tpu.memory_space<vmem>>
      %dma_start3A_964 = arith.constant 24 : i32
      %dma_start3A_965 = tpu.memref_slice %arg5[%dma_start3A_964, %multiple_of3A_890] : memref<32x1000000xf32, #tpu.memory_space<hbm>> -> memref<8x128xf32, #tpu.memory_space<hbm>>
      %dma_start3A_966 = arith.constant 280 : i32
      %dma_start3A_967 = arith.constant 0 : i32
      %dma_start3A_968 = tpu.memref_slice %arg10[%dma_start3A_966, %dma_start3A_967] : memref<384x128xf32, #tpu.memory_space<vmem>> -> memref<8x128xf32, #tpu.memory_space<vmem>>
      %dma_start3A_969 = arith.constant 24 : i32
      %dma_start3A_970 = tpu.memref_slice %arg5[%dma_start3A_969, %multiple_of3A_890] : memref<32x1000000xf32, #tpu.memory_space<hbm>> -> memref<8x128xf32, #tpu.memory_space<hbm>>
      tpu.enqueue_dma source(%dma_start3A_970 : memref<8x128xf32, #tpu.memory_space<hbm>>) target(%dma_start3A_968 : memref<8x128xf32, #tpu.memory_space<vmem>>) target_semaphore(%arg18 : memref<!tpu.dma_semaphore, #tpu.memory_space<semaphore_mem>>)
      %eq3A_971 = arith.constant 9 : i32
      %eq3A_972 = vector.broadcast %eq3A_971 : i32 to vector<16xi32>
      %eq3A_973 = arith.cmpi eq, %iota3A, %eq3A_972 : vector<16xi32>
      %jit3A_974 = arith.constant 0 : i32
      %broadcast_in_dim3A_975 = vector.broadcast %jit3A_974 : i32 to vector<16xi32>
      %select_n3A_976 = arith.select %eq3A_973, %shift_right_arithmetic3A_15, %broadcast_in_dim3A_975 : vector<16xi1>, vector<16xi32>
      %reduce_sum3A_977 = arith.constant true
      %reduce_sum3A_978 = vector.broadcast %reduce_sum3A_977 : i1 to vector<16xi1>
      %reduce_sum3A_979 = tpu.scan <sum>, %select_n3A_976 masked %reduce_sum3A_978 : vector<16xi32>, vector<16xi1> -> vector<16xi32>
      %reduce_sum3A_980 = vector.extract %reduce_sum3A_979[15] : i32 from vector<16xi32>
      %eq3A_981 = arith.constant 9 : i32
      %eq3A_982 = vector.broadcast %eq3A_981 : i32 to vector<16xi32>
      %eq3A_983 = arith.cmpi eq, %iota3A, %eq3A_982 : vector<16xi32>
      %jit3A_984 = arith.constant 0 : i32
      %broadcast_in_dim3A_985 = vector.broadcast %jit3A_984 : i32 to vector<16xi32>
      %select_n3A_986 = arith.select %eq3A_983, %shift_right_arithmetic3A_18, %broadcast_in_dim3A_985 : vector<16xi1>, vector<16xi32>
      %reduce_sum3A_987 = arith.constant true
      %reduce_sum3A_988 = vector.broadcast %reduce_sum3A_987 : i1 to vector<16xi1>
      %reduce_sum3A_989 = tpu.scan <sum>, %select_n3A_986 masked %reduce_sum3A_988 : vector<16xi32>, vector<16xi1> -> vector<16xi32>
      %reduce_sum3A_990 = vector.extract %reduce_sum3A_989[15] : i32 from vector<16xi32>
      %mul3A_991 = arith.constant 128 : i32
      %mul3A_992 = arith.muli %reduce_sum3A_980, %mul3A_991 : i32
      %multiple_of3A_993 = tpu.assume_multiple %mul3A_992, 128 : i32
      %mul3A_994 = arith.constant 128 : i32
      %mul3A_995 = arith.muli %reduce_sum3A_990, %mul3A_994 : i32
      %multiple_of3A_996 = tpu.assume_multiple %mul3A_995, 128 : i32
      %dma_start3A_997 = arith.constant 288 : i32
      %dma_start3A_998 = arith.constant 0 : i32
      %dma_start3A_999 = tpu.memref_slice %arg9[%dma_start3A_997, %dma_start3A_998] : memref<384x128xf32, #tpu.memory_space<vmem>> -> memref<8x128xf32, #tpu.memory_space<vmem>>
      %dma_start3A_1000 = arith.constant 0 : i32
      %dma_start3A_1001 = tpu.memref_slice %arg4[%dma_start3A_1000, %multiple_of3A_993] : memref<32x1000000xf32, #tpu.memory_space<hbm>> -> memref<8x128xf32, #tpu.memory_space<hbm>>
      %dma_start3A_1002 = arith.constant 288 : i32
      %dma_start3A_1003 = arith.constant 0 : i32
      %dma_start3A_1004 = tpu.memref_slice %arg9[%dma_start3A_1002, %dma_start3A_1003] : memref<384x128xf32, #tpu.memory_space<vmem>> -> memref<8x128xf32, #tpu.memory_space<vmem>>
      %dma_start3A_1005 = arith.constant 0 : i32
      %dma_start3A_1006 = tpu.memref_slice %arg4[%dma_start3A_1005, %multiple_of3A_993] : memref<32x1000000xf32, #tpu.memory_space<hbm>> -> memref<8x128xf32, #tpu.memory_space<hbm>>
      tpu.enqueue_dma source(%dma_start3A_1006 : memref<8x128xf32, #tpu.memory_space<hbm>>) target(%dma_start3A_1004 : memref<8x128xf32, #tpu.memory_space<vmem>>) target_semaphore(%arg15 : memref<!tpu.dma_semaphore, #tpu.memory_space<semaphore_mem>>)
      %dma_start3A_1007 = arith.constant 288 : i32
      %dma_start3A_1008 = arith.constant 0 : i32
      %dma_start3A_1009 = tpu.memref_slice %arg10[%dma_start3A_1007, %dma_start3A_1008] : memref<384x128xf32, #tpu.memory_space<vmem>> -> memref<8x128xf32, #tpu.memory_space<vmem>>
      %dma_start3A_1010 = arith.constant 0 : i32
      %dma_start3A_1011 = tpu.memref_slice %arg5[%dma_start3A_1010, %multiple_of3A_996] : memref<32x1000000xf32, #tpu.memory_space<hbm>> -> memref<8x128xf32, #tpu.memory_space<hbm>>
      %dma_start3A_1012 = arith.constant 288 : i32
      %dma_start3A_1013 = arith.constant 0 : i32
      %dma_start3A_1014 = tpu.memref_slice %arg10[%dma_start3A_1012, %dma_start3A_1013] : memref<384x128xf32, #tpu.memory_space<vmem>> -> memref<8x128xf32, #tpu.memory_space<vmem>>
      %dma_start3A_1015 = arith.constant 0 : i32
      %dma_start3A_1016 = tpu.memref_slice %arg5[%dma_start3A_1015, %multiple_of3A_996] : memref<32x1000000xf32, #tpu.memory_space<hbm>> -> memref<8x128xf32, #tpu.memory_space<hbm>>
      tpu.enqueue_dma source(%dma_start3A_1016 : memref<8x128xf32, #tpu.memory_space<hbm>>) target(%dma_start3A_1014 : memref<8x128xf32, #tpu.memory_space<vmem>>) target_semaphore(%arg18 : memref<!tpu.dma_semaphore, #tpu.memory_space<semaphore_mem>>)
      %dma_start3A_1017 = arith.constant 296 : i32
      %dma_start3A_1018 = arith.constant 0 : i32
      %dma_start3A_1019 = tpu.memref_slice %arg9[%dma_start3A_1017, %dma_start3A_1018] : memref<384x128xf32, #tpu.memory_space<vmem>> -> memref<8x128xf32, #tpu.memory_space<vmem>>
      %dma_start3A_1020 = arith.constant 8 : i32
      %dma_start3A_1021 = tpu.memref_slice %arg4[%dma_start3A_1020, %multiple_of3A_993] : memref<32x1000000xf32, #tpu.memory_space<hbm>> -> memref<8x128xf32, #tpu.memory_space<hbm>>
      %dma_start3A_1022 = arith.constant 296 : i32
      %dma_start3A_1023 = arith.constant 0 : i32
      %dma_start3A_1024 = tpu.memref_slice %arg9[%dma_start3A_1022, %dma_start3A_1023] : memref<384x128xf32, #tpu.memory_space<vmem>> -> memref<8x128xf32, #tpu.memory_space<vmem>>
      %dma_start3A_1025 = arith.constant 8 : i32
      %dma_start3A_1026 = tpu.memref_slice %arg4[%dma_start3A_1025, %multiple_of3A_993] : memref<32x1000000xf32, #tpu.memory_space<hbm>> -> memref<8x128xf32, #tpu.memory_space<hbm>>
      tpu.enqueue_dma source(%dma_start3A_1026 : memref<8x128xf32, #tpu.memory_space<hbm>>) target(%dma_start3A_1024 : memref<8x128xf32, #tpu.memory_space<vmem>>) target_semaphore(%arg15 : memref<!tpu.dma_semaphore, #tpu.memory_space<semaphore_mem>>)
      %dma_start3A_1027 = arith.constant 296 : i32
      %dma_start3A_1028 = arith.constant 0 : i32
      %dma_start3A_1029 = tpu.memref_slice %arg10[%dma_start3A_1027, %dma_start3A_1028] : memref<384x128xf32, #tpu.memory_space<vmem>> -> memref<8x128xf32, #tpu.memory_space<vmem>>
      %dma_start3A_1030 = arith.constant 8 : i32
      %dma_start3A_1031 = tpu.memref_slice %arg5[%dma_start3A_1030, %multiple_of3A_996] : memref<32x1000000xf32, #tpu.memory_space<hbm>> -> memref<8x128xf32, #tpu.memory_space<hbm>>
      %dma_start3A_1032 = arith.constant 296 : i32
      %dma_start3A_1033 = arith.constant 0 : i32
      %dma_start3A_1034 = tpu.memref_slice %arg10[%dma_start3A_1032, %dma_start3A_1033] : memref<384x128xf32, #tpu.memory_space<vmem>> -> memref<8x128xf32, #tpu.memory_space<vmem>>
      %dma_start3A_1035 = arith.constant 8 : i32
      %dma_start3A_1036 = tpu.memref_slice %arg5[%dma_start3A_1035, %multiple_of3A_996] : memref<32x1000000xf32, #tpu.memory_space<hbm>> -> memref<8x128xf32, #tpu.memory_space<hbm>>
      tpu.enqueue_dma source(%dma_start3A_1036 : memref<8x128xf32, #tpu.memory_space<hbm>>) target(%dma_start3A_1034 : memref<8x128xf32, #tpu.memory_space<vmem>>) target_semaphore(%arg18 : memref<!tpu.dma_semaphore, #tpu.memory_space<semaphore_mem>>)
      %dma_start3A_1037 = arith.constant 304 : i32
      %dma_start3A_1038 = arith.constant 0 : i32
      %dma_start3A_1039 = tpu.memref_slice %arg9[%dma_start3A_1037, %dma_start3A_1038] : memref<384x128xf32, #tpu.memory_space<vmem>> -> memref<8x128xf32, #tpu.memory_space<vmem>>
      %dma_start3A_1040 = arith.constant 16 : i32
      %dma_start3A_1041 = tpu.memref_slice %arg4[%dma_start3A_1040, %multiple_of3A_993] : memref<32x1000000xf32, #tpu.memory_space<hbm>> -> memref<8x128xf32, #tpu.memory_space<hbm>>
      %dma_start3A_1042 = arith.constant 304 : i32
      %dma_start3A_1043 = arith.constant 0 : i32
      %dma_start3A_1044 = tpu.memref_slice %arg9[%dma_start3A_1042, %dma_start3A_1043] : memref<384x128xf32, #tpu.memory_space<vmem>> -> memref<8x128xf32, #tpu.memory_space<vmem>>
      %dma_start3A_1045 = arith.constant 16 : i32
      %dma_start3A_1046 = tpu.memref_slice %arg4[%dma_start3A_1045, %multiple_of3A_993] : memref<32x1000000xf32, #tpu.memory_space<hbm>> -> memref<8x128xf32, #tpu.memory_space<hbm>>
      tpu.enqueue_dma source(%dma_start3A_1046 : memref<8x128xf32, #tpu.memory_space<hbm>>) target(%dma_start3A_1044 : memref<8x128xf32, #tpu.memory_space<vmem>>) target_semaphore(%arg15 : memref<!tpu.dma_semaphore, #tpu.memory_space<semaphore_mem>>)
      %dma_start3A_1047 = arith.constant 304 : i32
      %dma_start3A_1048 = arith.constant 0 : i32
      %dma_start3A_1049 = tpu.memref_slice %arg10[%dma_start3A_1047, %dma_start3A_1048] : memref<384x128xf32, #tpu.memory_space<vmem>> -> memref<8x128xf32, #tpu.memory_space<vmem>>
      %dma_start3A_1050 = arith.constant 16 : i32
      %dma_start3A_1051 = tpu.memref_slice %arg5[%dma_start3A_1050, %multiple_of3A_996] : memref<32x1000000xf32, #tpu.memory_space<hbm>> -> memref<8x128xf32, #tpu.memory_space<hbm>>
      %dma_start3A_1052 = arith.constant 304 : i32
      %dma_start3A_1053 = arith.constant 0 : i32
      %dma_start3A_1054 = tpu.memref_slice %arg10[%dma_start3A_1052, %dma_start3A_1053] : memref<384x128xf32, #tpu.memory_space<vmem>> -> memref<8x128xf32, #tpu.memory_space<vmem>>
      %dma_start3A_1055 = arith.constant 16 : i32
      %dma_start3A_1056 = tpu.memref_slice %arg5[%dma_start3A_1055, %multiple_of3A_996] : memref<32x1000000xf32, #tpu.memory_space<hbm>> -> memref<8x128xf32, #tpu.memory_space<hbm>>
      tpu.enqueue_dma source(%dma_start3A_1056 : memref<8x128xf32, #tpu.memory_space<hbm>>) target(%dma_start3A_1054 : memref<8x128xf32, #tpu.memory_space<vmem>>) target_semaphore(%arg18 : memref<!tpu.dma_semaphore, #tpu.memory_space<semaphore_mem>>)
      %dma_start3A_1057 = arith.constant 312 : i32
      %dma_start3A_1058 = arith.constant 0 : i32
      %dma_start3A_1059 = tpu.memref_slice %arg9[%dma_start3A_1057, %dma_start3A_1058] : memref<384x128xf32, #tpu.memory_space<vmem>> -> memref<8x128xf32, #tpu.memory_space<vmem>>
      %dma_start3A_1060 = arith.constant 24 : i32
      %dma_start3A_1061 = tpu.memref_slice %arg4[%dma_start3A_1060, %multiple_of3A_993] : memref<32x1000000xf32, #tpu.memory_space<hbm>> -> memref<8x128xf32, #tpu.memory_space<hbm>>
      %dma_start3A_1062 = arith.constant 312 : i32
      %dma_start3A_1063 = arith.constant 0 : i32
      %dma_start3A_1064 = tpu.memref_slice %arg9[%dma_start3A_1062, %dma_start3A_1063] : memref<384x128xf32, #tpu.memory_space<vmem>> -> memref<8x128xf32, #tpu.memory_space<vmem>>
      %dma_start3A_1065 = arith.constant 24 : i32
      %dma_start3A_1066 = tpu.memref_slice %arg4[%dma_start3A_1065, %multiple_of3A_993] : memref<32x1000000xf32, #tpu.memory_space<hbm>> -> memref<8x128xf32, #tpu.memory_space<hbm>>
      tpu.enqueue_dma source(%dma_start3A_1066 : memref<8x128xf32, #tpu.memory_space<hbm>>) target(%dma_start3A_1064 : memref<8x128xf32, #tpu.memory_space<vmem>>) target_semaphore(%arg15 : memref<!tpu.dma_semaphore, #tpu.memory_space<semaphore_mem>>)
      %dma_start3A_1067 = arith.constant 312 : i32
      %dma_start3A_1068 = arith.constant 0 : i32
      %dma_start3A_1069 = tpu.memref_slice %arg10[%dma_start3A_1067, %dma_start3A_1068] : memref<384x128xf32, #tpu.memory_space<vmem>> -> memref<8x128xf32, #tpu.memory_space<vmem>>
      %dma_start3A_1070 = arith.constant 24 : i32
      %dma_start3A_1071 = tpu.memref_slice %arg5[%dma_start3A_1070, %multiple_of3A_996] : memref<32x1000000xf32, #tpu.memory_space<hbm>> -> memref<8x128xf32, #tpu.memory_space<hbm>>
      %dma_start3A_1072 = arith.constant 312 : i32
      %dma_start3A_1073 = arith.constant 0 : i32
      %dma_start3A_1074 = tpu.memref_slice %arg10[%dma_start3A_1072, %dma_start3A_1073] : memref<384x128xf32, #tpu.memory_space<vmem>> -> memref<8x128xf32, #tpu.memory_space<vmem>>
      %dma_start3A_1075 = arith.constant 24 : i32
      %dma_start3A_1076 = tpu.memref_slice %arg5[%dma_start3A_1075, %multiple_of3A_996] : memref<32x1000000xf32, #tpu.memory_space<hbm>> -> memref<8x128xf32, #tpu.memory_space<hbm>>
      tpu.enqueue_dma source(%dma_start3A_1076 : memref<8x128xf32, #tpu.memory_space<hbm>>) target(%dma_start3A_1074 : memref<8x128xf32, #tpu.memory_space<vmem>>) target_semaphore(%arg18 : memref<!tpu.dma_semaphore, #tpu.memory_space<semaphore_mem>>)
      %eq3A_1077 = arith.constant 10 : i32
      %eq3A_1078 = vector.broadcast %eq3A_1077 : i32 to vector<16xi32>
      %eq3A_1079 = arith.cmpi eq, %iota3A, %eq3A_1078 : vector<16xi32>
      %jit3A_1080 = arith.constant 0 : i32
      %broadcast_in_dim3A_1081 = vector.broadcast %jit3A_1080 : i32 to vector<16xi32>
      %select_n3A_1082 = arith.select %eq3A_1079, %shift_right_arithmetic3A_15, %broadcast_in_dim3A_1081 : vector<16xi1>, vector<16xi32>
      %reduce_sum3A_1083 = arith.constant true
      %reduce_sum3A_1084 = vector.broadcast %reduce_sum3A_1083 : i1 to vector<16xi1>
      %reduce_sum3A_1085 = tpu.scan <sum>, %select_n3A_1082 masked %reduce_sum3A_1084 : vector<16xi32>, vector<16xi1> -> vector<16xi32>
      %reduce_sum3A_1086 = vector.extract %reduce_sum3A_1085[15] : i32 from vector<16xi32>
      %eq3A_1087 = arith.constant 10 : i32
      %eq3A_1088 = vector.broadcast %eq3A_1087 : i32 to vector<16xi32>
      %eq3A_1089 = arith.cmpi eq, %iota3A, %eq3A_1088 : vector<16xi32>
      %jit3A_1090 = arith.constant 0 : i32
      %broadcast_in_dim3A_1091 = vector.broadcast %jit3A_1090 : i32 to vector<16xi32>
      %select_n3A_1092 = arith.select %eq3A_1089, %shift_right_arithmetic3A_18, %broadcast_in_dim3A_1091 : vector<16xi1>, vector<16xi32>
      %reduce_sum3A_1093 = arith.constant true
      %reduce_sum3A_1094 = vector.broadcast %reduce_sum3A_1093 : i1 to vector<16xi1>
      %reduce_sum3A_1095 = tpu.scan <sum>, %select_n3A_1092 masked %reduce_sum3A_1094 : vector<16xi32>, vector<16xi1> -> vector<16xi32>
      %reduce_sum3A_1096 = vector.extract %reduce_sum3A_1095[15] : i32 from vector<16xi32>
      %mul3A_1097 = arith.constant 128 : i32
      %mul3A_1098 = arith.muli %reduce_sum3A_1086, %mul3A_1097 : i32
      %multiple_of3A_1099 = tpu.assume_multiple %mul3A_1098, 128 : i32
      %mul3A_1100 = arith.constant 128 : i32
      %mul3A_1101 = arith.muli %reduce_sum3A_1096, %mul3A_1100 : i32
      %multiple_of3A_1102 = tpu.assume_multiple %mul3A_1101, 128 : i32
      %dma_start3A_1103 = arith.constant 320 : i32
      %dma_start3A_1104 = arith.constant 0 : i32
      %dma_start3A_1105 = tpu.memref_slice %arg9[%dma_start3A_1103, %dma_start3A_1104] : memref<384x128xf32, #tpu.memory_space<vmem>> -> memref<8x128xf32, #tpu.memory_space<vmem>>
      %dma_start3A_1106 = arith.constant 0 : i32
      %dma_start3A_1107 = tpu.memref_slice %arg4[%dma_start3A_1106, %multiple_of3A_1099] : memref<32x1000000xf32, #tpu.memory_space<hbm>> -> memref<8x128xf32, #tpu.memory_space<hbm>>
      %dma_start3A_1108 = arith.constant 320 : i32
      %dma_start3A_1109 = arith.constant 0 : i32
      %dma_start3A_1110 = tpu.memref_slice %arg9[%dma_start3A_1108, %dma_start3A_1109] : memref<384x128xf32, #tpu.memory_space<vmem>> -> memref<8x128xf32, #tpu.memory_space<vmem>>
      %dma_start3A_1111 = arith.constant 0 : i32
      %dma_start3A_1112 = tpu.memref_slice %arg4[%dma_start3A_1111, %multiple_of3A_1099] : memref<32x1000000xf32, #tpu.memory_space<hbm>> -> memref<8x128xf32, #tpu.memory_space<hbm>>
      tpu.enqueue_dma source(%dma_start3A_1112 : memref<8x128xf32, #tpu.memory_space<hbm>>) target(%dma_start3A_1110 : memref<8x128xf32, #tpu.memory_space<vmem>>) target_semaphore(%arg15 : memref<!tpu.dma_semaphore, #tpu.memory_space<semaphore_mem>>)
      %dma_start3A_1113 = arith.constant 320 : i32
      %dma_start3A_1114 = arith.constant 0 : i32
      %dma_start3A_1115 = tpu.memref_slice %arg10[%dma_start3A_1113, %dma_start3A_1114] : memref<384x128xf32, #tpu.memory_space<vmem>> -> memref<8x128xf32, #tpu.memory_space<vmem>>
      %dma_start3A_1116 = arith.constant 0 : i32
      %dma_start3A_1117 = tpu.memref_slice %arg5[%dma_start3A_1116, %multiple_of3A_1102] : memref<32x1000000xf32, #tpu.memory_space<hbm>> -> memref<8x128xf32, #tpu.memory_space<hbm>>
      %dma_start3A_1118 = arith.constant 320 : i32
      %dma_start3A_1119 = arith.constant 0 : i32
      %dma_start3A_1120 = tpu.memref_slice %arg10[%dma_start3A_1118, %dma_start3A_1119] : memref<384x128xf32, #tpu.memory_space<vmem>> -> memref<8x128xf32, #tpu.memory_space<vmem>>
      %dma_start3A_1121 = arith.constant 0 : i32
      %dma_start3A_1122 = tpu.memref_slice %arg5[%dma_start3A_1121, %multiple_of3A_1102] : memref<32x1000000xf32, #tpu.memory_space<hbm>> -> memref<8x128xf32, #tpu.memory_space<hbm>>
      tpu.enqueue_dma source(%dma_start3A_1122 : memref<8x128xf32, #tpu.memory_space<hbm>>) target(%dma_start3A_1120 : memref<8x128xf32, #tpu.memory_space<vmem>>) target_semaphore(%arg18 : memref<!tpu.dma_semaphore, #tpu.memory_space<semaphore_mem>>)
      %dma_start3A_1123 = arith.constant 328 : i32
      %dma_start3A_1124 = arith.constant 0 : i32
      %dma_start3A_1125 = tpu.memref_slice %arg9[%dma_start3A_1123, %dma_start3A_1124] : memref<384x128xf32, #tpu.memory_space<vmem>> -> memref<8x128xf32, #tpu.memory_space<vmem>>
      %dma_start3A_1126 = arith.constant 8 : i32
      %dma_start3A_1127 = tpu.memref_slice %arg4[%dma_start3A_1126, %multiple_of3A_1099] : memref<32x1000000xf32, #tpu.memory_space<hbm>> -> memref<8x128xf32, #tpu.memory_space<hbm>>
      %dma_start3A_1128 = arith.constant 328 : i32
      %dma_start3A_1129 = arith.constant 0 : i32
      %dma_start3A_1130 = tpu.memref_slice %arg9[%dma_start3A_1128, %dma_start3A_1129] : memref<384x128xf32, #tpu.memory_space<vmem>> -> memref<8x128xf32, #tpu.memory_space<vmem>>
      %dma_start3A_1131 = arith.constant 8 : i32
      %dma_start3A_1132 = tpu.memref_slice %arg4[%dma_start3A_1131, %multiple_of3A_1099] : memref<32x1000000xf32, #tpu.memory_space<hbm>> -> memref<8x128xf32, #tpu.memory_space<hbm>>
      tpu.enqueue_dma source(%dma_start3A_1132 : memref<8x128xf32, #tpu.memory_space<hbm>>) target(%dma_start3A_1130 : memref<8x128xf32, #tpu.memory_space<vmem>>) target_semaphore(%arg15 : memref<!tpu.dma_semaphore, #tpu.memory_space<semaphore_mem>>)
      %dma_start3A_1133 = arith.constant 328 : i32
      %dma_start3A_1134 = arith.constant 0 : i32
      %dma_start3A_1135 = tpu.memref_slice %arg10[%dma_start3A_1133, %dma_start3A_1134] : memref<384x128xf32, #tpu.memory_space<vmem>> -> memref<8x128xf32, #tpu.memory_space<vmem>>
      %dma_start3A_1136 = arith.constant 8 : i32
      %dma_start3A_1137 = tpu.memref_slice %arg5[%dma_start3A_1136, %multiple_of3A_1102] : memref<32x1000000xf32, #tpu.memory_space<hbm>> -> memref<8x128xf32, #tpu.memory_space<hbm>>
      %dma_start3A_1138 = arith.constant 328 : i32
      %dma_start3A_1139 = arith.constant 0 : i32
      %dma_start3A_1140 = tpu.memref_slice %arg10[%dma_start3A_1138, %dma_start3A_1139] : memref<384x128xf32, #tpu.memory_space<vmem>> -> memref<8x128xf32, #tpu.memory_space<vmem>>
      %dma_start3A_1141 = arith.constant 8 : i32
      %dma_start3A_1142 = tpu.memref_slice %arg5[%dma_start3A_1141, %multiple_of3A_1102] : memref<32x1000000xf32, #tpu.memory_space<hbm>> -> memref<8x128xf32, #tpu.memory_space<hbm>>
      tpu.enqueue_dma source(%dma_start3A_1142 : memref<8x128xf32, #tpu.memory_space<hbm>>) target(%dma_start3A_1140 : memref<8x128xf32, #tpu.memory_space<vmem>>) target_semaphore(%arg18 : memref<!tpu.dma_semaphore, #tpu.memory_space<semaphore_mem>>)
      %dma_start3A_1143 = arith.constant 336 : i32
      %dma_start3A_1144 = arith.constant 0 : i32
      %dma_start3A_1145 = tpu.memref_slice %arg9[%dma_start3A_1143, %dma_start3A_1144] : memref<384x128xf32, #tpu.memory_space<vmem>> -> memref<8x128xf32, #tpu.memory_space<vmem>>
      %dma_start3A_1146 = arith.constant 16 : i32
      %dma_start3A_1147 = tpu.memref_slice %arg4[%dma_start3A_1146, %multiple_of3A_1099] : memref<32x1000000xf32, #tpu.memory_space<hbm>> -> memref<8x128xf32, #tpu.memory_space<hbm>>
      %dma_start3A_1148 = arith.constant 336 : i32
      %dma_start3A_1149 = arith.constant 0 : i32
      %dma_start3A_1150 = tpu.memref_slice %arg9[%dma_start3A_1148, %dma_start3A_1149] : memref<384x128xf32, #tpu.memory_space<vmem>> -> memref<8x128xf32, #tpu.memory_space<vmem>>
      %dma_start3A_1151 = arith.constant 16 : i32
      %dma_start3A_1152 = tpu.memref_slice %arg4[%dma_start3A_1151, %multiple_of3A_1099] : memref<32x1000000xf32, #tpu.memory_space<hbm>> -> memref<8x128xf32, #tpu.memory_space<hbm>>
      tpu.enqueue_dma source(%dma_start3A_1152 : memref<8x128xf32, #tpu.memory_space<hbm>>) target(%dma_start3A_1150 : memref<8x128xf32, #tpu.memory_space<vmem>>) target_semaphore(%arg15 : memref<!tpu.dma_semaphore, #tpu.memory_space<semaphore_mem>>)
      %dma_start3A_1153 = arith.constant 336 : i32
      %dma_start3A_1154 = arith.constant 0 : i32
      %dma_start3A_1155 = tpu.memref_slice %arg10[%dma_start3A_1153, %dma_start3A_1154] : memref<384x128xf32, #tpu.memory_space<vmem>> -> memref<8x128xf32, #tpu.memory_space<vmem>>
      %dma_start3A_1156 = arith.constant 16 : i32
      %dma_start3A_1157 = tpu.memref_slice %arg5[%dma_start3A_1156, %multiple_of3A_1102] : memref<32x1000000xf32, #tpu.memory_space<hbm>> -> memref<8x128xf32, #tpu.memory_space<hbm>>
      %dma_start3A_1158 = arith.constant 336 : i32
      %dma_start3A_1159 = arith.constant 0 : i32
      %dma_start3A_1160 = tpu.memref_slice %arg10[%dma_start3A_1158, %dma_start3A_1159] : memref<384x128xf32, #tpu.memory_space<vmem>> -> memref<8x128xf32, #tpu.memory_space<vmem>>
      %dma_start3A_1161 = arith.constant 16 : i32
      %dma_start3A_1162 = tpu.memref_slice %arg5[%dma_start3A_1161, %multiple_of3A_1102] : memref<32x1000000xf32, #tpu.memory_space<hbm>> -> memref<8x128xf32, #tpu.memory_space<hbm>>
      tpu.enqueue_dma source(%dma_start3A_1162 : memref<8x128xf32, #tpu.memory_space<hbm>>) target(%dma_start3A_1160 : memref<8x128xf32, #tpu.memory_space<vmem>>) target_semaphore(%arg18 : memref<!tpu.dma_semaphore, #tpu.memory_space<semaphore_mem>>)
      %dma_start3A_1163 = arith.constant 344 : i32
      %dma_start3A_1164 = arith.constant 0 : i32
      %dma_start3A_1165 = tpu.memref_slice %arg9[%dma_start3A_1163, %dma_start3A_1164] : memref<384x128xf32, #tpu.memory_space<vmem>> -> memref<8x128xf32, #tpu.memory_space<vmem>>
      %dma_start3A_1166 = arith.constant 24 : i32
      %dma_start3A_1167 = tpu.memref_slice %arg4[%dma_start3A_1166, %multiple_of3A_1099] : memref<32x1000000xf32, #tpu.memory_space<hbm>> -> memref<8x128xf32, #tpu.memory_space<hbm>>
      %dma_start3A_1168 = arith.constant 344 : i32
      %dma_start3A_1169 = arith.constant 0 : i32
      %dma_start3A_1170 = tpu.memref_slice %arg9[%dma_start3A_1168, %dma_start3A_1169] : memref<384x128xf32, #tpu.memory_space<vmem>> -> memref<8x128xf32, #tpu.memory_space<vmem>>
      %dma_start3A_1171 = arith.constant 24 : i32
      %dma_start3A_1172 = tpu.memref_slice %arg4[%dma_start3A_1171, %multiple_of3A_1099] : memref<32x1000000xf32, #tpu.memory_space<hbm>> -> memref<8x128xf32, #tpu.memory_space<hbm>>
      tpu.enqueue_dma source(%dma_start3A_1172 : memref<8x128xf32, #tpu.memory_space<hbm>>) target(%dma_start3A_1170 : memref<8x128xf32, #tpu.memory_space<vmem>>) target_semaphore(%arg15 : memref<!tpu.dma_semaphore, #tpu.memory_space<semaphore_mem>>)
      %dma_start3A_1173 = arith.constant 344 : i32
      %dma_start3A_1174 = arith.constant 0 : i32
      %dma_start3A_1175 = tpu.memref_slice %arg10[%dma_start3A_1173, %dma_start3A_1174] : memref<384x128xf32, #tpu.memory_space<vmem>> -> memref<8x128xf32, #tpu.memory_space<vmem>>
      %dma_start3A_1176 = arith.constant 24 : i32
      %dma_start3A_1177 = tpu.memref_slice %arg5[%dma_start3A_1176, %multiple_of3A_1102] : memref<32x1000000xf32, #tpu.memory_space<hbm>> -> memref<8x128xf32, #tpu.memory_space<hbm>>
      %dma_start3A_1178 = arith.constant 344 : i32
      %dma_start3A_1179 = arith.constant 0 : i32
      %dma_start3A_1180 = tpu.memref_slice %arg10[%dma_start3A_1178, %dma_start3A_1179] : memref<384x128xf32, #tpu.memory_space<vmem>> -> memref<8x128xf32, #tpu.memory_space<vmem>>
      %dma_start3A_1181 = arith.constant 24 : i32
      %dma_start3A_1182 = tpu.memref_slice %arg5[%dma_start3A_1181, %multiple_of3A_1102] : memref<32x1000000xf32, #tpu.memory_space<hbm>> -> memref<8x128xf32, #tpu.memory_space<hbm>>
      tpu.enqueue_dma source(%dma_start3A_1182 : memref<8x128xf32, #tpu.memory_space<hbm>>) target(%dma_start3A_1180 : memref<8x128xf32, #tpu.memory_space<vmem>>) target_semaphore(%arg18 : memref<!tpu.dma_semaphore, #tpu.memory_space<semaphore_mem>>)
      %eq3A_1183 = arith.constant 11 : i32
      %eq3A_1184 = vector.broadcast %eq3A_1183 : i32 to vector<16xi32>
      %eq3A_1185 = arith.cmpi eq, %iota3A, %eq3A_1184 : vector<16xi32>
      %jit3A_1186 = arith.constant 0 : i32
      %broadcast_in_dim3A_1187 = vector.broadcast %jit3A_1186 : i32 to vector<16xi32>
      %select_n3A_1188 = arith.select %eq3A_1185, %shift_right_arithmetic3A_15, %broadcast_in_dim3A_1187 : vector<16xi1>, vector<16xi32>
      %reduce_sum3A_1189 = arith.constant true
      %reduce_sum3A_1190 = vector.broadcast %reduce_sum3A_1189 : i1 to vector<16xi1>
      %reduce_sum3A_1191 = tpu.scan <sum>, %select_n3A_1188 masked %reduce_sum3A_1190 : vector<16xi32>, vector<16xi1> -> vector<16xi32>
      %reduce_sum3A_1192 = vector.extract %reduce_sum3A_1191[15] : i32 from vector<16xi32>
      %eq3A_1193 = arith.constant 11 : i32
      %eq3A_1194 = vector.broadcast %eq3A_1193 : i32 to vector<16xi32>
      %eq3A_1195 = arith.cmpi eq, %iota3A, %eq3A_1194 : vector<16xi32>
      %jit3A_1196 = arith.constant 0 : i32
      %broadcast_in_dim3A_1197 = vector.broadcast %jit3A_1196 : i32 to vector<16xi32>
      %select_n3A_1198 = arith.select %eq3A_1195, %shift_right_arithmetic3A_18, %broadcast_in_dim3A_1197 : vector<16xi1>, vector<16xi32>
      %reduce_sum3A_1199 = arith.constant true
      %reduce_sum3A_1200 = vector.broadcast %reduce_sum3A_1199 : i1 to vector<16xi1>
      %reduce_sum3A_1201 = tpu.scan <sum>, %select_n3A_1198 masked %reduce_sum3A_1200 : vector<16xi32>, vector<16xi1> -> vector<16xi32>
      %reduce_sum3A_1202 = vector.extract %reduce_sum3A_1201[15] : i32 from vector<16xi32>
      %mul3A_1203 = arith.constant 128 : i32
      %mul3A_1204 = arith.muli %reduce_sum3A_1192, %mul3A_1203 : i32
      %multiple_of3A_1205 = tpu.assume_multiple %mul3A_1204, 128 : i32
      %mul3A_1206 = arith.constant 128 : i32
      %mul3A_1207 = arith.muli %reduce_sum3A_1202, %mul3A_1206 : i32
      %multiple_of3A_1208 = tpu.assume_multiple %mul3A_1207, 128 : i32
      %dma_start3A_1209 = arith.constant 352 : i32
      %dma_start3A_1210 = arith.constant 0 : i32
      %dma_start3A_1211 = tpu.memref_slice %arg9[%dma_start3A_1209, %dma_start3A_1210] : memref<384x128xf32, #tpu.memory_space<vmem>> -> memref<8x128xf32, #tpu.memory_space<vmem>>
      %dma_start3A_1212 = arith.constant 0 : i32
      %dma_start3A_1213 = tpu.memref_slice %arg4[%dma_start3A_1212, %multiple_of3A_1205] : memref<32x1000000xf32, #tpu.memory_space<hbm>> -> memref<8x128xf32, #tpu.memory_space<hbm>>
      %dma_start3A_1214 = arith.constant 352 : i32
      %dma_start3A_1215 = arith.constant 0 : i32
      %dma_start3A_1216 = tpu.memref_slice %arg9[%dma_start3A_1214, %dma_start3A_1215] : memref<384x128xf32, #tpu.memory_space<vmem>> -> memref<8x128xf32, #tpu.memory_space<vmem>>
      %dma_start3A_1217 = arith.constant 0 : i32
      %dma_start3A_1218 = tpu.memref_slice %arg4[%dma_start3A_1217, %multiple_of3A_1205] : memref<32x1000000xf32, #tpu.memory_space<hbm>> -> memref<8x128xf32, #tpu.memory_space<hbm>>
      tpu.enqueue_dma source(%dma_start3A_1218 : memref<8x128xf32, #tpu.memory_space<hbm>>) target(%dma_start3A_1216 : memref<8x128xf32, #tpu.memory_space<vmem>>) target_semaphore(%arg15 : memref<!tpu.dma_semaphore, #tpu.memory_space<semaphore_mem>>)
      %dma_start3A_1219 = arith.constant 352 : i32
      %dma_start3A_1220 = arith.constant 0 : i32
      %dma_start3A_1221 = tpu.memref_slice %arg10[%dma_start3A_1219, %dma_start3A_1220] : memref<384x128xf32, #tpu.memory_space<vmem>> -> memref<8x128xf32, #tpu.memory_space<vmem>>
      %dma_start3A_1222 = arith.constant 0 : i32
      %dma_start3A_1223 = tpu.memref_slice %arg5[%dma_start3A_1222, %multiple_of3A_1208] : memref<32x1000000xf32, #tpu.memory_space<hbm>> -> memref<8x128xf32, #tpu.memory_space<hbm>>
      %dma_start3A_1224 = arith.constant 352 : i32
      %dma_start3A_1225 = arith.constant 0 : i32
      %dma_start3A_1226 = tpu.memref_slice %arg10[%dma_start3A_1224, %dma_start3A_1225] : memref<384x128xf32, #tpu.memory_space<vmem>> -> memref<8x128xf32, #tpu.memory_space<vmem>>
      %dma_start3A_1227 = arith.constant 0 : i32
      %dma_start3A_1228 = tpu.memref_slice %arg5[%dma_start3A_1227, %multiple_of3A_1208] : memref<32x1000000xf32, #tpu.memory_space<hbm>> -> memref<8x128xf32, #tpu.memory_space<hbm>>
      tpu.enqueue_dma source(%dma_start3A_1228 : memref<8x128xf32, #tpu.memory_space<hbm>>) target(%dma_start3A_1226 : memref<8x128xf32, #tpu.memory_space<vmem>>) target_semaphore(%arg18 : memref<!tpu.dma_semaphore, #tpu.memory_space<semaphore_mem>>)
      %dma_start3A_1229 = arith.constant 360 : i32
      %dma_start3A_1230 = arith.constant 0 : i32
      %dma_start3A_1231 = tpu.memref_slice %arg9[%dma_start3A_1229, %dma_start3A_1230] : memref<384x128xf32, #tpu.memory_space<vmem>> -> memref<8x128xf32, #tpu.memory_space<vmem>>
      %dma_start3A_1232 = arith.constant 8 : i32
      %dma_start3A_1233 = tpu.memref_slice %arg4[%dma_start3A_1232, %multiple_of3A_1205] : memref<32x1000000xf32, #tpu.memory_space<hbm>> -> memref<8x128xf32, #tpu.memory_space<hbm>>
      %dma_start3A_1234 = arith.constant 360 : i32
      %dma_start3A_1235 = arith.constant 0 : i32
      %dma_start3A_1236 = tpu.memref_slice %arg9[%dma_start3A_1234, %dma_start3A_1235] : memref<384x128xf32, #tpu.memory_space<vmem>> -> memref<8x128xf32, #tpu.memory_space<vmem>>
      %dma_start3A_1237 = arith.constant 8 : i32
      %dma_start3A_1238 = tpu.memref_slice %arg4[%dma_start3A_1237, %multiple_of3A_1205] : memref<32x1000000xf32, #tpu.memory_space<hbm>> -> memref<8x128xf32, #tpu.memory_space<hbm>>
      tpu.enqueue_dma source(%dma_start3A_1238 : memref<8x128xf32, #tpu.memory_space<hbm>>) target(%dma_start3A_1236 : memref<8x128xf32, #tpu.memory_space<vmem>>) target_semaphore(%arg15 : memref<!tpu.dma_semaphore, #tpu.memory_space<semaphore_mem>>)
      %dma_start3A_1239 = arith.constant 360 : i32
      %dma_start3A_1240 = arith.constant 0 : i32
      %dma_start3A_1241 = tpu.memref_slice %arg10[%dma_start3A_1239, %dma_start3A_1240] : memref<384x128xf32, #tpu.memory_space<vmem>> -> memref<8x128xf32, #tpu.memory_space<vmem>>
      %dma_start3A_1242 = arith.constant 8 : i32
      %dma_start3A_1243 = tpu.memref_slice %arg5[%dma_start3A_1242, %multiple_of3A_1208] : memref<32x1000000xf32, #tpu.memory_space<hbm>> -> memref<8x128xf32, #tpu.memory_space<hbm>>
      %dma_start3A_1244 = arith.constant 360 : i32
      %dma_start3A_1245 = arith.constant 0 : i32
      %dma_start3A_1246 = tpu.memref_slice %arg10[%dma_start3A_1244, %dma_start3A_1245] : memref<384x128xf32, #tpu.memory_space<vmem>> -> memref<8x128xf32, #tpu.memory_space<vmem>>
      %dma_start3A_1247 = arith.constant 8 : i32
      %dma_start3A_1248 = tpu.memref_slice %arg5[%dma_start3A_1247, %multiple_of3A_1208] : memref<32x1000000xf32, #tpu.memory_space<hbm>> -> memref<8x128xf32, #tpu.memory_space<hbm>>
      tpu.enqueue_dma source(%dma_start3A_1248 : memref<8x128xf32, #tpu.memory_space<hbm>>) target(%dma_start3A_1246 : memref<8x128xf32, #tpu.memory_space<vmem>>) target_semaphore(%arg18 : memref<!tpu.dma_semaphore, #tpu.memory_space<semaphore_mem>>)
      %dma_start3A_1249 = arith.constant 368 : i32
      %dma_start3A_1250 = arith.constant 0 : i32
      %dma_start3A_1251 = tpu.memref_slice %arg9[%dma_start3A_1249, %dma_start3A_1250] : memref<384x128xf32, #tpu.memory_space<vmem>> -> memref<8x128xf32, #tpu.memory_space<vmem>>
      %dma_start3A_1252 = arith.constant 16 : i32
      %dma_start3A_1253 = tpu.memref_slice %arg4[%dma_start3A_1252, %multiple_of3A_1205] : memref<32x1000000xf32, #tpu.memory_space<hbm>> -> memref<8x128xf32, #tpu.memory_space<hbm>>
      %dma_start3A_1254 = arith.constant 368 : i32
      %dma_start3A_1255 = arith.constant 0 : i32
      %dma_start3A_1256 = tpu.memref_slice %arg9[%dma_start3A_1254, %dma_start3A_1255] : memref<384x128xf32, #tpu.memory_space<vmem>> -> memref<8x128xf32, #tpu.memory_space<vmem>>
      %dma_start3A_1257 = arith.constant 16 : i32
      %dma_start3A_1258 = tpu.memref_slice %arg4[%dma_start3A_1257, %multiple_of3A_1205] : memref<32x1000000xf32, #tpu.memory_space<hbm>> -> memref<8x128xf32, #tpu.memory_space<hbm>>
      tpu.enqueue_dma source(%dma_start3A_1258 : memref<8x128xf32, #tpu.memory_space<hbm>>) target(%dma_start3A_1256 : memref<8x128xf32, #tpu.memory_space<vmem>>) target_semaphore(%arg15 : memref<!tpu.dma_semaphore, #tpu.memory_space<semaphore_mem>>)
      %dma_start3A_1259 = arith.constant 368 : i32
      %dma_start3A_1260 = arith.constant 0 : i32
      %dma_start3A_1261 = tpu.memref_slice %arg10[%dma_start3A_1259, %dma_start3A_1260] : memref<384x128xf32, #tpu.memory_space<vmem>> -> memref<8x128xf32, #tpu.memory_space<vmem>>
      %dma_start3A_1262 = arith.constant 16 : i32
      %dma_start3A_1263 = tpu.memref_slice %arg5[%dma_start3A_1262, %multiple_of3A_1208] : memref<32x1000000xf32, #tpu.memory_space<hbm>> -> memref<8x128xf32, #tpu.memory_space<hbm>>
      %dma_start3A_1264 = arith.constant 368 : i32
      %dma_start3A_1265 = arith.constant 0 : i32
      %dma_start3A_1266 = tpu.memref_slice %arg10[%dma_start3A_1264, %dma_start3A_1265] : memref<384x128xf32, #tpu.memory_space<vmem>> -> memref<8x128xf32, #tpu.memory_space<vmem>>
      %dma_start3A_1267 = arith.constant 16 : i32
      %dma_start3A_1268 = tpu.memref_slice %arg5[%dma_start3A_1267, %multiple_of3A_1208] : memref<32x1000000xf32, #tpu.memory_space<hbm>> -> memref<8x128xf32, #tpu.memory_space<hbm>>
      tpu.enqueue_dma source(%dma_start3A_1268 : memref<8x128xf32, #tpu.memory_space<hbm>>) target(%dma_start3A_1266 : memref<8x128xf32, #tpu.memory_space<vmem>>) target_semaphore(%arg18 : memref<!tpu.dma_semaphore, #tpu.memory_space<semaphore_mem>>)
      %dma_start3A_1269 = arith.constant 376 : i32
      %dma_start3A_1270 = arith.constant 0 : i32
      %dma_start3A_1271 = tpu.memref_slice %arg9[%dma_start3A_1269, %dma_start3A_1270] : memref<384x128xf32, #tpu.memory_space<vmem>> -> memref<8x128xf32, #tpu.memory_space<vmem>>
      %dma_start3A_1272 = arith.constant 24 : i32
      %dma_start3A_1273 = tpu.memref_slice %arg4[%dma_start3A_1272, %multiple_of3A_1205] : memref<32x1000000xf32, #tpu.memory_space<hbm>> -> memref<8x128xf32, #tpu.memory_space<hbm>>
      %dma_start3A_1274 = arith.constant 376 : i32
      %dma_start3A_1275 = arith.constant 0 : i32
      %dma_start3A_1276 = tpu.memref_slice %arg9[%dma_start3A_1274, %dma_start3A_1275] : memref<384x128xf32, #tpu.memory_space<vmem>> -> memref<8x128xf32, #tpu.memory_space<vmem>>
      %dma_start3A_1277 = arith.constant 24 : i32
      %dma_start3A_1278 = tpu.memref_slice %arg4[%dma_start3A_1277, %multiple_of3A_1205] : memref<32x1000000xf32, #tpu.memory_space<hbm>> -> memref<8x128xf32, #tpu.memory_space<hbm>>
      tpu.enqueue_dma source(%dma_start3A_1278 : memref<8x128xf32, #tpu.memory_space<hbm>>) target(%dma_start3A_1276 : memref<8x128xf32, #tpu.memory_space<vmem>>) target_semaphore(%arg15 : memref<!tpu.dma_semaphore, #tpu.memory_space<semaphore_mem>>)
      %dma_start3A_1279 = arith.constant 376 : i32
      %dma_start3A_1280 = arith.constant 0 : i32
      %dma_start3A_1281 = tpu.memref_slice %arg10[%dma_start3A_1279, %dma_start3A_1280] : memref<384x128xf32, #tpu.memory_space<vmem>> -> memref<8x128xf32, #tpu.memory_space<vmem>>
      %dma_start3A_1282 = arith.constant 24 : i32
      %dma_start3A_1283 = tpu.memref_slice %arg5[%dma_start3A_1282, %multiple_of3A_1208] : memref<32x1000000xf32, #tpu.memory_space<hbm>> -> memref<8x128xf32, #tpu.memory_space<hbm>>
      %dma_start3A_1284 = arith.constant 376 : i32
      %dma_start3A_1285 = arith.constant 0 : i32
      %dma_start3A_1286 = tpu.memref_slice %arg10[%dma_start3A_1284, %dma_start3A_1285] : memref<384x128xf32, #tpu.memory_space<vmem>> -> memref<8x128xf32, #tpu.memory_space<vmem>>
      %dma_start3A_1287 = arith.constant 24 : i32
      %dma_start3A_1288 = tpu.memref_slice %arg5[%dma_start3A_1287, %multiple_of3A_1208] : memref<32x1000000xf32, #tpu.memory_space<hbm>> -> memref<8x128xf32, #tpu.memory_space<hbm>>
      tpu.enqueue_dma source(%dma_start3A_1288 : memref<8x128xf32, #tpu.memory_space<hbm>>) target(%dma_start3A_1286 : memref<8x128xf32, #tpu.memory_space<vmem>>) target_semaphore(%arg18 : memref<!tpu.dma_semaphore, #tpu.memory_space<semaphore_mem>>)
      %dma_wait3A = arith.constant 0 : i32
      %dma_wait3A_1289 = arith.constant 0 : i32
      %dma_wait3A_1290 = tpu.memref_slice %arg9[%dma_wait3A, %dma_wait3A_1289] : memref<384x128xf32, #tpu.memory_space<vmem>> -> memref<8x128xf32, #tpu.memory_space<vmem>>
      %dma_wait3A_1291 = arith.constant 0 : i32
      %dma_wait3A_1292 = tpu.memref_slice %arg4[%dma_wait3A_1291, %multiple_of3A] : memref<32x1000000xf32, #tpu.memory_space<hbm>> -> memref<8x128xf32, #tpu.memory_space<hbm>>
      %dma_wait3A_1293 = arith.constant 0 : i32
      %dma_wait3A_1294 = arith.constant 0 : i32
      %dma_wait3A_1295 = tpu.memref_slice %arg9[%dma_wait3A_1293, %dma_wait3A_1294] : memref<384x128xf32, #tpu.memory_space<vmem>> -> memref<8x128xf32, #tpu.memory_space<vmem>>
      %dma_wait3A_1296 = arith.constant 0 : i32
      %dma_wait3A_1297 = tpu.memref_slice %arg4[%dma_wait3A_1296, %multiple_of3A] : memref<32x1000000xf32, #tpu.memory_space<hbm>> -> memref<8x128xf32, #tpu.memory_space<hbm>>
      tpu.wait_dma2 semaphore(%arg13 : memref<!tpu.dma_semaphore, #tpu.memory_space<semaphore_mem>>) src(%dma_wait3A_1297 : memref<8x128xf32, #tpu.memory_space<hbm>>) dst(%dma_wait3A_1295 : memref<8x128xf32, #tpu.memory_space<vmem>>)
      %dma_wait3A_1298 = arith.constant 0 : i32
      %dma_wait3A_1299 = arith.constant 0 : i32
      %dma_wait3A_1300 = tpu.memref_slice %arg10[%dma_wait3A_1298, %dma_wait3A_1299] : memref<384x128xf32, #tpu.memory_space<vmem>> -> memref<8x128xf32, #tpu.memory_space<vmem>>
      %dma_wait3A_1301 = arith.constant 0 : i32
      %dma_wait3A_1302 = tpu.memref_slice %arg5[%dma_wait3A_1301, %multiple_of3A_43] : memref<32x1000000xf32, #tpu.memory_space<hbm>> -> memref<8x128xf32, #tpu.memory_space<hbm>>
      %dma_wait3A_1303 = arith.constant 0 : i32
      %dma_wait3A_1304 = arith.constant 0 : i32
      %dma_wait3A_1305 = tpu.memref_slice %arg10[%dma_wait3A_1303, %dma_wait3A_1304] : memref<384x128xf32, #tpu.memory_space<vmem>> -> memref<8x128xf32, #tpu.memory_space<vmem>>
      %dma_wait3A_1306 = arith.constant 0 : i32
      %dma_wait3A_1307 = tpu.memref_slice %arg5[%dma_wait3A_1306, %multiple_of3A_43] : memref<32x1000000xf32, #tpu.memory_space<hbm>> -> memref<8x128xf32, #tpu.memory_space<hbm>>
      tpu.wait_dma2 semaphore(%arg16 : memref<!tpu.dma_semaphore, #tpu.memory_space<semaphore_mem>>) src(%dma_wait3A_1307 : memref<8x128xf32, #tpu.memory_space<hbm>>) dst(%dma_wait3A_1305 : memref<8x128xf32, #tpu.memory_space<vmem>>)
      %dma_wait3A_1308 = arith.constant 8 : i32
      %dma_wait3A_1309 = arith.constant 0 : i32
      %dma_wait3A_1310 = tpu.memref_slice %arg9[%dma_wait3A_1308, %dma_wait3A_1309] : memref<384x128xf32, #tpu.memory_space<vmem>> -> memref<8x128xf32, #tpu.memory_space<vmem>>
      %dma_wait3A_1311 = arith.constant 8 : i32
      %dma_wait3A_1312 = tpu.memref_slice %arg4[%dma_wait3A_1311, %multiple_of3A] : memref<32x1000000xf32, #tpu.memory_space<hbm>> -> memref<8x128xf32, #tpu.memory_space<hbm>>
      %dma_wait3A_1313 = arith.constant 8 : i32
      %dma_wait3A_1314 = arith.constant 0 : i32
      %dma_wait3A_1315 = tpu.memref_slice %arg9[%dma_wait3A_1313, %dma_wait3A_1314] : memref<384x128xf32, #tpu.memory_space<vmem>> -> memref<8x128xf32, #tpu.memory_space<vmem>>
      %dma_wait3A_1316 = arith.constant 8 : i32
      %dma_wait3A_1317 = tpu.memref_slice %arg4[%dma_wait3A_1316, %multiple_of3A] : memref<32x1000000xf32, #tpu.memory_space<hbm>> -> memref<8x128xf32, #tpu.memory_space<hbm>>
      tpu.wait_dma2 semaphore(%arg13 : memref<!tpu.dma_semaphore, #tpu.memory_space<semaphore_mem>>) src(%dma_wait3A_1317 : memref<8x128xf32, #tpu.memory_space<hbm>>) dst(%dma_wait3A_1315 : memref<8x128xf32, #tpu.memory_space<vmem>>)
      %dma_wait3A_1318 = arith.constant 8 : i32
      %dma_wait3A_1319 = arith.constant 0 : i32
      %dma_wait3A_1320 = tpu.memref_slice %arg10[%dma_wait3A_1318, %dma_wait3A_1319] : memref<384x128xf32, #tpu.memory_space<vmem>> -> memref<8x128xf32, #tpu.memory_space<vmem>>
      %dma_wait3A_1321 = arith.constant 8 : i32
      %dma_wait3A_1322 = tpu.memref_slice %arg5[%dma_wait3A_1321, %multiple_of3A_43] : memref<32x1000000xf32, #tpu.memory_space<hbm>> -> memref<8x128xf32, #tpu.memory_space<hbm>>
      %dma_wait3A_1323 = arith.constant 8 : i32
      %dma_wait3A_1324 = arith.constant 0 : i32
      %dma_wait3A_1325 = tpu.memref_slice %arg10[%dma_wait3A_1323, %dma_wait3A_1324] : memref<384x128xf32, #tpu.memory_space<vmem>> -> memref<8x128xf32, #tpu.memory_space<vmem>>
      %dma_wait3A_1326 = arith.constant 8 : i32
      %dma_wait3A_1327 = tpu.memref_slice %arg5[%dma_wait3A_1326, %multiple_of3A_43] : memref<32x1000000xf32, #tpu.memory_space<hbm>> -> memref<8x128xf32, #tpu.memory_space<hbm>>
      tpu.wait_dma2 semaphore(%arg16 : memref<!tpu.dma_semaphore, #tpu.memory_space<semaphore_mem>>) src(%dma_wait3A_1327 : memref<8x128xf32, #tpu.memory_space<hbm>>) dst(%dma_wait3A_1325 : memref<8x128xf32, #tpu.memory_space<vmem>>)
      %dma_wait3A_1328 = arith.constant 16 : i32
      %dma_wait3A_1329 = arith.constant 0 : i32
      %dma_wait3A_1330 = tpu.memref_slice %arg9[%dma_wait3A_1328, %dma_wait3A_1329] : memref<384x128xf32, #tpu.memory_space<vmem>> -> memref<8x128xf32, #tpu.memory_space<vmem>>
      %dma_wait3A_1331 = arith.constant 16 : i32
      %dma_wait3A_1332 = tpu.memref_slice %arg4[%dma_wait3A_1331, %multiple_of3A] : memref<32x1000000xf32, #tpu.memory_space<hbm>> -> memref<8x128xf32, #tpu.memory_space<hbm>>
      %dma_wait3A_1333 = arith.constant 16 : i32
      %dma_wait3A_1334 = arith.constant 0 : i32
      %dma_wait3A_1335 = tpu.memref_slice %arg9[%dma_wait3A_1333, %dma_wait3A_1334] : memref<384x128xf32, #tpu.memory_space<vmem>> -> memref<8x128xf32, #tpu.memory_space<vmem>>
      %dma_wait3A_1336 = arith.constant 16 : i32
      %dma_wait3A_1337 = tpu.memref_slice %arg4[%dma_wait3A_1336, %multiple_of3A] : memref<32x1000000xf32, #tpu.memory_space<hbm>> -> memref<8x128xf32, #tpu.memory_space<hbm>>
      tpu.wait_dma2 semaphore(%arg13 : memref<!tpu.dma_semaphore, #tpu.memory_space<semaphore_mem>>) src(%dma_wait3A_1337 : memref<8x128xf32, #tpu.memory_space<hbm>>) dst(%dma_wait3A_1335 : memref<8x128xf32, #tpu.memory_space<vmem>>)
      %dma_wait3A_1338 = arith.constant 16 : i32
      %dma_wait3A_1339 = arith.constant 0 : i32
      %dma_wait3A_1340 = tpu.memref_slice %arg10[%dma_wait3A_1338, %dma_wait3A_1339] : memref<384x128xf32, #tpu.memory_space<vmem>> -> memref<8x128xf32, #tpu.memory_space<vmem>>
      %dma_wait3A_1341 = arith.constant 16 : i32
      %dma_wait3A_1342 = tpu.memref_slice %arg5[%dma_wait3A_1341, %multiple_of3A_43] : memref<32x1000000xf32, #tpu.memory_space<hbm>> -> memref<8x128xf32, #tpu.memory_space<hbm>>
      %dma_wait3A_1343 = arith.constant 16 : i32
      %dma_wait3A_1344 = arith.constant 0 : i32
      %dma_wait3A_1345 = tpu.memref_slice %arg10[%dma_wait3A_1343, %dma_wait3A_1344] : memref<384x128xf32, #tpu.memory_space<vmem>> -> memref<8x128xf32, #tpu.memory_space<vmem>>
      %dma_wait3A_1346 = arith.constant 16 : i32
      %dma_wait3A_1347 = tpu.memref_slice %arg5[%dma_wait3A_1346, %multiple_of3A_43] : memref<32x1000000xf32, #tpu.memory_space<hbm>> -> memref<8x128xf32, #tpu.memory_space<hbm>>
      tpu.wait_dma2 semaphore(%arg16 : memref<!tpu.dma_semaphore, #tpu.memory_space<semaphore_mem>>) src(%dma_wait3A_1347 : memref<8x128xf32, #tpu.memory_space<hbm>>) dst(%dma_wait3A_1345 : memref<8x128xf32, #tpu.memory_space<vmem>>)
      %dma_wait3A_1348 = arith.constant 24 : i32
      %dma_wait3A_1349 = arith.constant 0 : i32
      %dma_wait3A_1350 = tpu.memref_slice %arg9[%dma_wait3A_1348, %dma_wait3A_1349] : memref<384x128xf32, #tpu.memory_space<vmem>> -> memref<8x128xf32, #tpu.memory_space<vmem>>
      %dma_wait3A_1351 = arith.constant 24 : i32
      %dma_wait3A_1352 = tpu.memref_slice %arg4[%dma_wait3A_1351, %multiple_of3A] : memref<32x1000000xf32, #tpu.memory_space<hbm>> -> memref<8x128xf32, #tpu.memory_space<hbm>>
      %dma_wait3A_1353 = arith.constant 24 : i32
      %dma_wait3A_1354 = arith.constant 0 : i32
      %dma_wait3A_1355 = tpu.memref_slice %arg9[%dma_wait3A_1353, %dma_wait3A_1354] : memref<384x128xf32, #tpu.memory_space<vmem>> -> memref<8x128xf32, #tpu.memory_space<vmem>>
      %dma_wait3A_1356 = arith.constant 24 : i32
      %dma_wait3A_1357 = tpu.memref_slice %arg4[%dma_wait3A_1356, %multiple_of3A] : memref<32x1000000xf32, #tpu.memory_space<hbm>> -> memref<8x128xf32, #tpu.memory_space<hbm>>
      tpu.wait_dma2 semaphore(%arg13 : memref<!tpu.dma_semaphore, #tpu.memory_space<semaphore_mem>>) src(%dma_wait3A_1357 : memref<8x128xf32, #tpu.memory_space<hbm>>) dst(%dma_wait3A_1355 : memref<8x128xf32, #tpu.memory_space<vmem>>)
      %dma_wait3A_1358 = arith.constant 24 : i32
      %dma_wait3A_1359 = arith.constant 0 : i32
      %dma_wait3A_1360 = tpu.memref_slice %arg10[%dma_wait3A_1358, %dma_wait3A_1359] : memref<384x128xf32, #tpu.memory_space<vmem>> -> memref<8x128xf32, #tpu.memory_space<vmem>>
      %dma_wait3A_1361 = arith.constant 24 : i32
      %dma_wait3A_1362 = tpu.memref_slice %arg5[%dma_wait3A_1361, %multiple_of3A_43] : memref<32x1000000xf32, #tpu.memory_space<hbm>> -> memref<8x128xf32, #tpu.memory_space<hbm>>
      %dma_wait3A_1363 = arith.constant 24 : i32
      %dma_wait3A_1364 = arith.constant 0 : i32
      %dma_wait3A_1365 = tpu.memref_slice %arg10[%dma_wait3A_1363, %dma_wait3A_1364] : memref<384x128xf32, #tpu.memory_space<vmem>> -> memref<8x128xf32, #tpu.memory_space<vmem>>
      %dma_wait3A_1366 = arith.constant 24 : i32
      %dma_wait3A_1367 = tpu.memref_slice %arg5[%dma_wait3A_1366, %multiple_of3A_43] : memref<32x1000000xf32, #tpu.memory_space<hbm>> -> memref<8x128xf32, #tpu.memory_space<hbm>>
      tpu.wait_dma2 semaphore(%arg16 : memref<!tpu.dma_semaphore, #tpu.memory_space<semaphore_mem>>) src(%dma_wait3A_1367 : memref<8x128xf32, #tpu.memory_space<hbm>>) dst(%dma_wait3A_1365 : memref<8x128xf32, #tpu.memory_space<vmem>>)
      %dma_wait3A_1368 = arith.constant 32 : i32
      %dma_wait3A_1369 = arith.constant 0 : i32
      %dma_wait3A_1370 = tpu.memref_slice %arg9[%dma_wait3A_1368, %dma_wait3A_1369] : memref<384x128xf32, #tpu.memory_space<vmem>> -> memref<8x128xf32, #tpu.memory_space<vmem>>
      %dma_wait3A_1371 = arith.constant 0 : i32
      %dma_wait3A_1372 = tpu.memref_slice %arg4[%dma_wait3A_1371, %multiple_of3A_145] : memref<32x1000000xf32, #tpu.memory_space<hbm>> -> memref<8x128xf32, #tpu.memory_space<hbm>>
      %dma_wait3A_1373 = arith.constant 32 : i32
      %dma_wait3A_1374 = arith.constant 0 : i32
      %dma_wait3A_1375 = tpu.memref_slice %arg9[%dma_wait3A_1373, %dma_wait3A_1374] : memref<384x128xf32, #tpu.memory_space<vmem>> -> memref<8x128xf32, #tpu.memory_space<vmem>>
      %dma_wait3A_1376 = arith.constant 0 : i32
      %dma_wait3A_1377 = tpu.memref_slice %arg4[%dma_wait3A_1376, %multiple_of3A_145] : memref<32x1000000xf32, #tpu.memory_space<hbm>> -> memref<8x128xf32, #tpu.memory_space<hbm>>
      tpu.wait_dma2 semaphore(%arg13 : memref<!tpu.dma_semaphore, #tpu.memory_space<semaphore_mem>>) src(%dma_wait3A_1377 : memref<8x128xf32, #tpu.memory_space<hbm>>) dst(%dma_wait3A_1375 : memref<8x128xf32, #tpu.memory_space<vmem>>)
      %dma_wait3A_1378 = arith.constant 32 : i32
      %dma_wait3A_1379 = arith.constant 0 : i32
      %dma_wait3A_1380 = tpu.memref_slice %arg10[%dma_wait3A_1378, %dma_wait3A_1379] : memref<384x128xf32, #tpu.memory_space<vmem>> -> memref<8x128xf32, #tpu.memory_space<vmem>>
      %dma_wait3A_1381 = arith.constant 0 : i32
      %dma_wait3A_1382 = tpu.memref_slice %arg5[%dma_wait3A_1381, %multiple_of3A_148] : memref<32x1000000xf32, #tpu.memory_space<hbm>> -> memref<8x128xf32, #tpu.memory_space<hbm>>
      %dma_wait3A_1383 = arith.constant 32 : i32
      %dma_wait3A_1384 = arith.constant 0 : i32
      %dma_wait3A_1385 = tpu.memref_slice %arg10[%dma_wait3A_1383, %dma_wait3A_1384] : memref<384x128xf32, #tpu.memory_space<vmem>> -> memref<8x128xf32, #tpu.memory_space<vmem>>
      %dma_wait3A_1386 = arith.constant 0 : i32
      %dma_wait3A_1387 = tpu.memref_slice %arg5[%dma_wait3A_1386, %multiple_of3A_148] : memref<32x1000000xf32, #tpu.memory_space<hbm>> -> memref<8x128xf32, #tpu.memory_space<hbm>>
      tpu.wait_dma2 semaphore(%arg16 : memref<!tpu.dma_semaphore, #tpu.memory_space<semaphore_mem>>) src(%dma_wait3A_1387 : memref<8x128xf32, #tpu.memory_space<hbm>>) dst(%dma_wait3A_1385 : memref<8x128xf32, #tpu.memory_space<vmem>>)
      %dma_wait3A_1388 = arith.constant 40 : i32
      %dma_wait3A_1389 = arith.constant 0 : i32
      %dma_wait3A_1390 = tpu.memref_slice %arg9[%dma_wait3A_1388, %dma_wait3A_1389] : memref<384x128xf32, #tpu.memory_space<vmem>> -> memref<8x128xf32, #tpu.memory_space<vmem>>
      %dma_wait3A_1391 = arith.constant 8 : i32
      %dma_wait3A_1392 = tpu.memref_slice %arg4[%dma_wait3A_1391, %multiple_of3A_145] : memref<32x1000000xf32, #tpu.memory_space<hbm>> -> memref<8x128xf32, #tpu.memory_space<hbm>>
      %dma_wait3A_1393 = arith.constant 40 : i32
      %dma_wait3A_1394 = arith.constant 0 : i32
      %dma_wait3A_1395 = tpu.memref_slice %arg9[%dma_wait3A_1393, %dma_wait3A_1394] : memref<384x128xf32, #tpu.memory_space<vmem>> -> memref<8x128xf32, #tpu.memory_space<vmem>>
      %dma_wait3A_1396 = arith.constant 8 : i32
      %dma_wait3A_1397 = tpu.memref_slice %arg4[%dma_wait3A_1396, %multiple_of3A_145] : memref<32x1000000xf32, #tpu.memory_space<hbm>> -> memref<8x128xf32, #tpu.memory_space<hbm>>
      tpu.wait_dma2 semaphore(%arg13 : memref<!tpu.dma_semaphore, #tpu.memory_space<semaphore_mem>>) src(%dma_wait3A_1397 : memref<8x128xf32, #tpu.memory_space<hbm>>) dst(%dma_wait3A_1395 : memref<8x128xf32, #tpu.memory_space<vmem>>)
      %dma_wait3A_1398 = arith.constant 40 : i32
      %dma_wait3A_1399 = arith.constant 0 : i32
      %dma_wait3A_1400 = tpu.memref_slice %arg10[%dma_wait3A_1398, %dma_wait3A_1399] : memref<384x128xf32, #tpu.memory_space<vmem>> -> memref<8x128xf32, #tpu.memory_space<vmem>>
      %dma_wait3A_1401 = arith.constant 8 : i32
      %dma_wait3A_1402 = tpu.memref_slice %arg5[%dma_wait3A_1401, %multiple_of3A_148] : memref<32x1000000xf32, #tpu.memory_space<hbm>> -> memref<8x128xf32, #tpu.memory_space<hbm>>
      %dma_wait3A_1403 = arith.constant 40 : i32
      %dma_wait3A_1404 = arith.constant 0 : i32
      %dma_wait3A_1405 = tpu.memref_slice %arg10[%dma_wait3A_1403, %dma_wait3A_1404] : memref<384x128xf32, #tpu.memory_space<vmem>> -> memref<8x128xf32, #tpu.memory_space<vmem>>
      %dma_wait3A_1406 = arith.constant 8 : i32
      %dma_wait3A_1407 = tpu.memref_slice %arg5[%dma_wait3A_1406, %multiple_of3A_148] : memref<32x1000000xf32, #tpu.memory_space<hbm>> -> memref<8x128xf32, #tpu.memory_space<hbm>>
      tpu.wait_dma2 semaphore(%arg16 : memref<!tpu.dma_semaphore, #tpu.memory_space<semaphore_mem>>) src(%dma_wait3A_1407 : memref<8x128xf32, #tpu.memory_space<hbm>>) dst(%dma_wait3A_1405 : memref<8x128xf32, #tpu.memory_space<vmem>>)
      %dma_wait3A_1408 = arith.constant 48 : i32
      %dma_wait3A_1409 = arith.constant 0 : i32
      %dma_wait3A_1410 = tpu.memref_slice %arg9[%dma_wait3A_1408, %dma_wait3A_1409] : memref<384x128xf32, #tpu.memory_space<vmem>> -> memref<8x128xf32, #tpu.memory_space<vmem>>
      %dma_wait3A_1411 = arith.constant 16 : i32
      %dma_wait3A_1412 = tpu.memref_slice %arg4[%dma_wait3A_1411, %multiple_of3A_145] : memref<32x1000000xf32, #tpu.memory_space<hbm>> -> memref<8x128xf32, #tpu.memory_space<hbm>>
      %dma_wait3A_1413 = arith.constant 48 : i32
      %dma_wait3A_1414 = arith.constant 0 : i32
      %dma_wait3A_1415 = tpu.memref_slice %arg9[%dma_wait3A_1413, %dma_wait3A_1414] : memref<384x128xf32, #tpu.memory_space<vmem>> -> memref<8x128xf32, #tpu.memory_space<vmem>>
      %dma_wait3A_1416 = arith.constant 16 : i32
      %dma_wait3A_1417 = tpu.memref_slice %arg4[%dma_wait3A_1416, %multiple_of3A_145] : memref<32x1000000xf32, #tpu.memory_space<hbm>> -> memref<8x128xf32, #tpu.memory_space<hbm>>
      tpu.wait_dma2 semaphore(%arg13 : memref<!tpu.dma_semaphore, #tpu.memory_space<semaphore_mem>>) src(%dma_wait3A_1417 : memref<8x128xf32, #tpu.memory_space<hbm>>) dst(%dma_wait3A_1415 : memref<8x128xf32, #tpu.memory_space<vmem>>)
      %dma_wait3A_1418 = arith.constant 48 : i32
      %dma_wait3A_1419 = arith.constant 0 : i32
      %dma_wait3A_1420 = tpu.memref_slice %arg10[%dma_wait3A_1418, %dma_wait3A_1419] : memref<384x128xf32, #tpu.memory_space<vmem>> -> memref<8x128xf32, #tpu.memory_space<vmem>>
      %dma_wait3A_1421 = arith.constant 16 : i32
      %dma_wait3A_1422 = tpu.memref_slice %arg5[%dma_wait3A_1421, %multiple_of3A_148] : memref<32x1000000xf32, #tpu.memory_space<hbm>> -> memref<8x128xf32, #tpu.memory_space<hbm>>
      %dma_wait3A_1423 = arith.constant 48 : i32
      %dma_wait3A_1424 = arith.constant 0 : i32
      %dma_wait3A_1425 = tpu.memref_slice %arg10[%dma_wait3A_1423, %dma_wait3A_1424] : memref<384x128xf32, #tpu.memory_space<vmem>> -> memref<8x128xf32, #tpu.memory_space<vmem>>
      %dma_wait3A_1426 = arith.constant 16 : i32
      %dma_wait3A_1427 = tpu.memref_slice %arg5[%dma_wait3A_1426, %multiple_of3A_148] : memref<32x1000000xf32, #tpu.memory_space<hbm>> -> memref<8x128xf32, #tpu.memory_space<hbm>>
      tpu.wait_dma2 semaphore(%arg16 : memref<!tpu.dma_semaphore, #tpu.memory_space<semaphore_mem>>) src(%dma_wait3A_1427 : memref<8x128xf32, #tpu.memory_space<hbm>>) dst(%dma_wait3A_1425 : memref<8x128xf32, #tpu.memory_space<vmem>>)
      %dma_wait3A_1428 = arith.constant 56 : i32
      %dma_wait3A_1429 = arith.constant 0 : i32
      %dma_wait3A_1430 = tpu.memref_slice %arg9[%dma_wait3A_1428, %dma_wait3A_1429] : memref<384x128xf32, #tpu.memory_space<vmem>> -> memref<8x128xf32, #tpu.memory_space<vmem>>
      %dma_wait3A_1431 = arith.constant 24 : i32
      %dma_wait3A_1432 = tpu.memref_slice %arg4[%dma_wait3A_1431, %multiple_of3A_145] : memref<32x1000000xf32, #tpu.memory_space<hbm>> -> memref<8x128xf32, #tpu.memory_space<hbm>>
      %dma_wait3A_1433 = arith.constant 56 : i32
      %dma_wait3A_1434 = arith.constant 0 : i32
      %dma_wait3A_1435 = tpu.memref_slice %arg9[%dma_wait3A_1433, %dma_wait3A_1434] : memref<384x128xf32, #tpu.memory_space<vmem>> -> memref<8x128xf32, #tpu.memory_space<vmem>>
      %dma_wait3A_1436 = arith.constant 24 : i32
      %dma_wait3A_1437 = tpu.memref_slice %arg4[%dma_wait3A_1436, %multiple_of3A_145] : memref<32x1000000xf32, #tpu.memory_space<hbm>> -> memref<8x128xf32, #tpu.memory_space<hbm>>
      tpu.wait_dma2 semaphore(%arg13 : memref<!tpu.dma_semaphore, #tpu.memory_space<semaphore_mem>>) src(%dma_wait3A_1437 : memref<8x128xf32, #tpu.memory_space<hbm>>) dst(%dma_wait3A_1435 : memref<8x128xf32, #tpu.memory_space<vmem>>)
      %dma_wait3A_1438 = arith.constant 56 : i32
      %dma_wait3A_1439 = arith.constant 0 : i32
      %dma_wait3A_1440 = tpu.memref_slice %arg10[%dma_wait3A_1438, %dma_wait3A_1439] : memref<384x128xf32, #tpu.memory_space<vmem>> -> memref<8x128xf32, #tpu.memory_space<vmem>>
      %dma_wait3A_1441 = arith.constant 24 : i32
      %dma_wait3A_1442 = tpu.memref_slice %arg5[%dma_wait3A_1441, %multiple_of3A_148] : memref<32x1000000xf32, #tpu.memory_space<hbm>> -> memref<8x128xf32, #tpu.memory_space<hbm>>
      %dma_wait3A_1443 = arith.constant 56 : i32
      %dma_wait3A_1444 = arith.constant 0 : i32
      %dma_wait3A_1445 = tpu.memref_slice %arg10[%dma_wait3A_1443, %dma_wait3A_1444] : memref<384x128xf32, #tpu.memory_space<vmem>> -> memref<8x128xf32, #tpu.memory_space<vmem>>
      %dma_wait3A_1446 = arith.constant 24 : i32
      %dma_wait3A_1447 = tpu.memref_slice %arg5[%dma_wait3A_1446, %multiple_of3A_148] : memref<32x1000000xf32, #tpu.memory_space<hbm>> -> memref<8x128xf32, #tpu.memory_space<hbm>>
      tpu.wait_dma2 semaphore(%arg16 : memref<!tpu.dma_semaphore, #tpu.memory_space<semaphore_mem>>) src(%dma_wait3A_1447 : memref<8x128xf32, #tpu.memory_space<hbm>>) dst(%dma_wait3A_1445 : memref<8x128xf32, #tpu.memory_space<vmem>>)
      %dma_wait3A_1448 = arith.constant 64 : i32
      %dma_wait3A_1449 = arith.constant 0 : i32
      %dma_wait3A_1450 = tpu.memref_slice %arg9[%dma_wait3A_1448, %dma_wait3A_1449] : memref<384x128xf32, #tpu.memory_space<vmem>> -> memref<8x128xf32, #tpu.memory_space<vmem>>
      %dma_wait3A_1451 = arith.constant 0 : i32
      %dma_wait3A_1452 = tpu.memref_slice %arg4[%dma_wait3A_1451, %multiple_of3A_251] : memref<32x1000000xf32, #tpu.memory_space<hbm>> -> memref<8x128xf32, #tpu.memory_space<hbm>>
      %dma_wait3A_1453 = arith.constant 64 : i32
      %dma_wait3A_1454 = arith.constant 0 : i32
      %dma_wait3A_1455 = tpu.memref_slice %arg9[%dma_wait3A_1453, %dma_wait3A_1454] : memref<384x128xf32, #tpu.memory_space<vmem>> -> memref<8x128xf32, #tpu.memory_space<vmem>>
      %dma_wait3A_1456 = arith.constant 0 : i32
      %dma_wait3A_1457 = tpu.memref_slice %arg4[%dma_wait3A_1456, %multiple_of3A_251] : memref<32x1000000xf32, #tpu.memory_space<hbm>> -> memref<8x128xf32, #tpu.memory_space<hbm>>
      tpu.wait_dma2 semaphore(%arg13 : memref<!tpu.dma_semaphore, #tpu.memory_space<semaphore_mem>>) src(%dma_wait3A_1457 : memref<8x128xf32, #tpu.memory_space<hbm>>) dst(%dma_wait3A_1455 : memref<8x128xf32, #tpu.memory_space<vmem>>)
      %dma_wait3A_1458 = arith.constant 64 : i32
      %dma_wait3A_1459 = arith.constant 0 : i32
      %dma_wait3A_1460 = tpu.memref_slice %arg10[%dma_wait3A_1458, %dma_wait3A_1459] : memref<384x128xf32, #tpu.memory_space<vmem>> -> memref<8x128xf32, #tpu.memory_space<vmem>>
      %dma_wait3A_1461 = arith.constant 0 : i32
      %dma_wait3A_1462 = tpu.memref_slice %arg5[%dma_wait3A_1461, %multiple_of3A_254] : memref<32x1000000xf32, #tpu.memory_space<hbm>> -> memref<8x128xf32, #tpu.memory_space<hbm>>
      %dma_wait3A_1463 = arith.constant 64 : i32
      %dma_wait3A_1464 = arith.constant 0 : i32
      %dma_wait3A_1465 = tpu.memref_slice %arg10[%dma_wait3A_1463, %dma_wait3A_1464] : memref<384x128xf32, #tpu.memory_space<vmem>> -> memref<8x128xf32, #tpu.memory_space<vmem>>
      %dma_wait3A_1466 = arith.constant 0 : i32
      %dma_wait3A_1467 = tpu.memref_slice %arg5[%dma_wait3A_1466, %multiple_of3A_254] : memref<32x1000000xf32, #tpu.memory_space<hbm>> -> memref<8x128xf32, #tpu.memory_space<hbm>>
      tpu.wait_dma2 semaphore(%arg16 : memref<!tpu.dma_semaphore, #tpu.memory_space<semaphore_mem>>) src(%dma_wait3A_1467 : memref<8x128xf32, #tpu.memory_space<hbm>>) dst(%dma_wait3A_1465 : memref<8x128xf32, #tpu.memory_space<vmem>>)
      %dma_wait3A_1468 = arith.constant 72 : i32
      %dma_wait3A_1469 = arith.constant 0 : i32
      %dma_wait3A_1470 = tpu.memref_slice %arg9[%dma_wait3A_1468, %dma_wait3A_1469] : memref<384x128xf32, #tpu.memory_space<vmem>> -> memref<8x128xf32, #tpu.memory_space<vmem>>
      %dma_wait3A_1471 = arith.constant 8 : i32
      %dma_wait3A_1472 = tpu.memref_slice %arg4[%dma_wait3A_1471, %multiple_of3A_251] : memref<32x1000000xf32, #tpu.memory_space<hbm>> -> memref<8x128xf32, #tpu.memory_space<hbm>>
      %dma_wait3A_1473 = arith.constant 72 : i32
      %dma_wait3A_1474 = arith.constant 0 : i32
      %dma_wait3A_1475 = tpu.memref_slice %arg9[%dma_wait3A_1473, %dma_wait3A_1474] : memref<384x128xf32, #tpu.memory_space<vmem>> -> memref<8x128xf32, #tpu.memory_space<vmem>>
      %dma_wait3A_1476 = arith.constant 8 : i32
      %dma_wait3A_1477 = tpu.memref_slice %arg4[%dma_wait3A_1476, %multiple_of3A_251] : memref<32x1000000xf32, #tpu.memory_space<hbm>> -> memref<8x128xf32, #tpu.memory_space<hbm>>
      tpu.wait_dma2 semaphore(%arg13 : memref<!tpu.dma_semaphore, #tpu.memory_space<semaphore_mem>>) src(%dma_wait3A_1477 : memref<8x128xf32, #tpu.memory_space<hbm>>) dst(%dma_wait3A_1475 : memref<8x128xf32, #tpu.memory_space<vmem>>)
      %dma_wait3A_1478 = arith.constant 72 : i32
      %dma_wait3A_1479 = arith.constant 0 : i32
      %dma_wait3A_1480 = tpu.memref_slice %arg10[%dma_wait3A_1478, %dma_wait3A_1479] : memref<384x128xf32, #tpu.memory_space<vmem>> -> memref<8x128xf32, #tpu.memory_space<vmem>>
      %dma_wait3A_1481 = arith.constant 8 : i32
      %dma_wait3A_1482 = tpu.memref_slice %arg5[%dma_wait3A_1481, %multiple_of3A_254] : memref<32x1000000xf32, #tpu.memory_space<hbm>> -> memref<8x128xf32, #tpu.memory_space<hbm>>
      %dma_wait3A_1483 = arith.constant 72 : i32
      %dma_wait3A_1484 = arith.constant 0 : i32
      %dma_wait3A_1485 = tpu.memref_slice %arg10[%dma_wait3A_1483, %dma_wait3A_1484] : memref<384x128xf32, #tpu.memory_space<vmem>> -> memref<8x128xf32, #tpu.memory_space<vmem>>
      %dma_wait3A_1486 = arith.constant 8 : i32
      %dma_wait3A_1487 = tpu.memref_slice %arg5[%dma_wait3A_1486, %multiple_of3A_254] : memref<32x1000000xf32, #tpu.memory_space<hbm>> -> memref<8x128xf32, #tpu.memory_space<hbm>>
      tpu.wait_dma2 semaphore(%arg16 : memref<!tpu.dma_semaphore, #tpu.memory_space<semaphore_mem>>) src(%dma_wait3A_1487 : memref<8x128xf32, #tpu.memory_space<hbm>>) dst(%dma_wait3A_1485 : memref<8x128xf32, #tpu.memory_space<vmem>>)
      %dma_wait3A_1488 = arith.constant 80 : i32
      %dma_wait3A_1489 = arith.constant 0 : i32
      %dma_wait3A_1490 = tpu.memref_slice %arg9[%dma_wait3A_1488, %dma_wait3A_1489] : memref<384x128xf32, #tpu.memory_space<vmem>> -> memref<8x128xf32, #tpu.memory_space<vmem>>
      %dma_wait3A_1491 = arith.constant 16 : i32
      %dma_wait3A_1492 = tpu.memref_slice %arg4[%dma_wait3A_1491, %multiple_of3A_251] : memref<32x1000000xf32, #tpu.memory_space<hbm>> -> memref<8x128xf32, #tpu.memory_space<hbm>>
      %dma_wait3A_1493 = arith.constant 80 : i32
      %dma_wait3A_1494 = arith.constant 0 : i32
      %dma_wait3A_1495 = tpu.memref_slice %arg9[%dma_wait3A_1493, %dma_wait3A_1494] : memref<384x128xf32, #tpu.memory_space<vmem>> -> memref<8x128xf32, #tpu.memory_space<vmem>>
      %dma_wait3A_1496 = arith.constant 16 : i32
      %dma_wait3A_1497 = tpu.memref_slice %arg4[%dma_wait3A_1496, %multiple_of3A_251] : memref<32x1000000xf32, #tpu.memory_space<hbm>> -> memref<8x128xf32, #tpu.memory_space<hbm>>
      tpu.wait_dma2 semaphore(%arg13 : memref<!tpu.dma_semaphore, #tpu.memory_space<semaphore_mem>>) src(%dma_wait3A_1497 : memref<8x128xf32, #tpu.memory_space<hbm>>) dst(%dma_wait3A_1495 : memref<8x128xf32, #tpu.memory_space<vmem>>)
      %dma_wait3A_1498 = arith.constant 80 : i32
      %dma_wait3A_1499 = arith.constant 0 : i32
      %dma_wait3A_1500 = tpu.memref_slice %arg10[%dma_wait3A_1498, %dma_wait3A_1499] : memref<384x128xf32, #tpu.memory_space<vmem>> -> memref<8x128xf32, #tpu.memory_space<vmem>>
      %dma_wait3A_1501 = arith.constant 16 : i32
      %dma_wait3A_1502 = tpu.memref_slice %arg5[%dma_wait3A_1501, %multiple_of3A_254] : memref<32x1000000xf32, #tpu.memory_space<hbm>> -> memref<8x128xf32, #tpu.memory_space<hbm>>
      %dma_wait3A_1503 = arith.constant 80 : i32
      %dma_wait3A_1504 = arith.constant 0 : i32
      %dma_wait3A_1505 = tpu.memref_slice %arg10[%dma_wait3A_1503, %dma_wait3A_1504] : memref<384x128xf32, #tpu.memory_space<vmem>> -> memref<8x128xf32, #tpu.memory_space<vmem>>
      %dma_wait3A_1506 = arith.constant 16 : i32
      %dma_wait3A_1507 = tpu.memref_slice %arg5[%dma_wait3A_1506, %multiple_of3A_254] : memref<32x1000000xf32, #tpu.memory_space<hbm>> -> memref<8x128xf32, #tpu.memory_space<hbm>>
      tpu.wait_dma2 semaphore(%arg16 : memref<!tpu.dma_semaphore, #tpu.memory_space<semaphore_mem>>) src(%dma_wait3A_1507 : memref<8x128xf32, #tpu.memory_space<hbm>>) dst(%dma_wait3A_1505 : memref<8x128xf32, #tpu.memory_space<vmem>>)
      %dma_wait3A_1508 = arith.constant 88 : i32
      %dma_wait3A_1509 = arith.constant 0 : i32
      %dma_wait3A_1510 = tpu.memref_slice %arg9[%dma_wait3A_1508, %dma_wait3A_1509] : memref<384x128xf32, #tpu.memory_space<vmem>> -> memref<8x128xf32, #tpu.memory_space<vmem>>
      %dma_wait3A_1511 = arith.constant 24 : i32
      %dma_wait3A_1512 = tpu.memref_slice %arg4[%dma_wait3A_1511, %multiple_of3A_251] : memref<32x1000000xf32, #tpu.memory_space<hbm>> -> memref<8x128xf32, #tpu.memory_space<hbm>>
      %dma_wait3A_1513 = arith.constant 88 : i32
      %dma_wait3A_1514 = arith.constant 0 : i32
      %dma_wait3A_1515 = tpu.memref_slice %arg9[%dma_wait3A_1513, %dma_wait3A_1514] : memref<384x128xf32, #tpu.memory_space<vmem>> -> memref<8x128xf32, #tpu.memory_space<vmem>>
      %dma_wait3A_1516 = arith.constant 24 : i32
      %dma_wait3A_1517 = tpu.memref_slice %arg4[%dma_wait3A_1516, %multiple_of3A_251] : memref<32x1000000xf32, #tpu.memory_space<hbm>> -> memref<8x128xf32, #tpu.memory_space<hbm>>
      tpu.wait_dma2 semaphore(%arg13 : memref<!tpu.dma_semaphore, #tpu.memory_space<semaphore_mem>>) src(%dma_wait3A_1517 : memref<8x128xf32, #tpu.memory_space<hbm>>) dst(%dma_wait3A_1515 : memref<8x128xf32, #tpu.memory_space<vmem>>)
      %dma_wait3A_1518 = arith.constant 88 : i32
      %dma_wait3A_1519 = arith.constant 0 : i32
      %dma_wait3A_1520 = tpu.memref_slice %arg10[%dma_wait3A_1518, %dma_wait3A_1519] : memref<384x128xf32, #tpu.memory_space<vmem>> -> memref<8x128xf32, #tpu.memory_space<vmem>>
      %dma_wait3A_1521 = arith.constant 24 : i32
      %dma_wait3A_1522 = tpu.memref_slice %arg5[%dma_wait3A_1521, %multiple_of3A_254] : memref<32x1000000xf32, #tpu.memory_space<hbm>> -> memref<8x128xf32, #tpu.memory_space<hbm>>
      %dma_wait3A_1523 = arith.constant 88 : i32
      %dma_wait3A_1524 = arith.constant 0 : i32
      %dma_wait3A_1525 = tpu.memref_slice %arg10[%dma_wait3A_1523, %dma_wait3A_1524] : memref<384x128xf32, #tpu.memory_space<vmem>> -> memref<8x128xf32, #tpu.memory_space<vmem>>
      %dma_wait3A_1526 = arith.constant 24 : i32
      %dma_wait3A_1527 = tpu.memref_slice %arg5[%dma_wait3A_1526, %multiple_of3A_254] : memref<32x1000000xf32, #tpu.memory_space<hbm>> -> memref<8x128xf32, #tpu.memory_space<hbm>>
      tpu.wait_dma2 semaphore(%arg16 : memref<!tpu.dma_semaphore, #tpu.memory_space<semaphore_mem>>) src(%dma_wait3A_1527 : memref<8x128xf32, #tpu.memory_space<hbm>>) dst(%dma_wait3A_1525 : memref<8x128xf32, #tpu.memory_space<vmem>>)
      %dma_wait3A_1528 = arith.constant 96 : i32
      %dma_wait3A_1529 = arith.constant 0 : i32
      %dma_wait3A_1530 = tpu.memref_slice %arg9[%dma_wait3A_1528, %dma_wait3A_1529] : memref<384x128xf32, #tpu.memory_space<vmem>> -> memref<8x128xf32, #tpu.memory_space<vmem>>
      %dma_wait3A_1531 = arith.constant 0 : i32
      %dma_wait3A_1532 = tpu.memref_slice %arg4[%dma_wait3A_1531, %multiple_of3A_357] : memref<32x1000000xf32, #tpu.memory_space<hbm>> -> memref<8x128xf32, #tpu.memory_space<hbm>>
      %dma_wait3A_1533 = arith.constant 96 : i32
      %dma_wait3A_1534 = arith.constant 0 : i32
      %dma_wait3A_1535 = tpu.memref_slice %arg9[%dma_wait3A_1533, %dma_wait3A_1534] : memref<384x128xf32, #tpu.memory_space<vmem>> -> memref<8x128xf32, #tpu.memory_space<vmem>>
      %dma_wait3A_1536 = arith.constant 0 : i32
      %dma_wait3A_1537 = tpu.memref_slice %arg4[%dma_wait3A_1536, %multiple_of3A_357] : memref<32x1000000xf32, #tpu.memory_space<hbm>> -> memref<8x128xf32, #tpu.memory_space<hbm>>
      tpu.wait_dma2 semaphore(%arg13 : memref<!tpu.dma_semaphore, #tpu.memory_space<semaphore_mem>>) src(%dma_wait3A_1537 : memref<8x128xf32, #tpu.memory_space<hbm>>) dst(%dma_wait3A_1535 : memref<8x128xf32, #tpu.memory_space<vmem>>)
      %dma_wait3A_1538 = arith.constant 96 : i32
      %dma_wait3A_1539 = arith.constant 0 : i32
      %dma_wait3A_1540 = tpu.memref_slice %arg10[%dma_wait3A_1538, %dma_wait3A_1539] : memref<384x128xf32, #tpu.memory_space<vmem>> -> memref<8x128xf32, #tpu.memory_space<vmem>>
      %dma_wait3A_1541 = arith.constant 0 : i32
      %dma_wait3A_1542 = tpu.memref_slice %arg5[%dma_wait3A_1541, %multiple_of3A_360] : memref<32x1000000xf32, #tpu.memory_space<hbm>> -> memref<8x128xf32, #tpu.memory_space<hbm>>
      %dma_wait3A_1543 = arith.constant 96 : i32
      %dma_wait3A_1544 = arith.constant 0 : i32
      %dma_wait3A_1545 = tpu.memref_slice %arg10[%dma_wait3A_1543, %dma_wait3A_1544] : memref<384x128xf32, #tpu.memory_space<vmem>> -> memref<8x128xf32, #tpu.memory_space<vmem>>
      %dma_wait3A_1546 = arith.constant 0 : i32
      %dma_wait3A_1547 = tpu.memref_slice %arg5[%dma_wait3A_1546, %multiple_of3A_360] : memref<32x1000000xf32, #tpu.memory_space<hbm>> -> memref<8x128xf32, #tpu.memory_space<hbm>>
      tpu.wait_dma2 semaphore(%arg16 : memref<!tpu.dma_semaphore, #tpu.memory_space<semaphore_mem>>) src(%dma_wait3A_1547 : memref<8x128xf32, #tpu.memory_space<hbm>>) dst(%dma_wait3A_1545 : memref<8x128xf32, #tpu.memory_space<vmem>>)
      %dma_wait3A_1548 = arith.constant 104 : i32
      %dma_wait3A_1549 = arith.constant 0 : i32
      %dma_wait3A_1550 = tpu.memref_slice %arg9[%dma_wait3A_1548, %dma_wait3A_1549] : memref<384x128xf32, #tpu.memory_space<vmem>> -> memref<8x128xf32, #tpu.memory_space<vmem>>
      %dma_wait3A_1551 = arith.constant 8 : i32
      %dma_wait3A_1552 = tpu.memref_slice %arg4[%dma_wait3A_1551, %multiple_of3A_357] : memref<32x1000000xf32, #tpu.memory_space<hbm>> -> memref<8x128xf32, #tpu.memory_space<hbm>>
      %dma_wait3A_1553 = arith.constant 104 : i32
      %dma_wait3A_1554 = arith.constant 0 : i32
      %dma_wait3A_1555 = tpu.memref_slice %arg9[%dma_wait3A_1553, %dma_wait3A_1554] : memref<384x128xf32, #tpu.memory_space<vmem>> -> memref<8x128xf32, #tpu.memory_space<vmem>>
      %dma_wait3A_1556 = arith.constant 8 : i32
      %dma_wait3A_1557 = tpu.memref_slice %arg4[%dma_wait3A_1556, %multiple_of3A_357] : memref<32x1000000xf32, #tpu.memory_space<hbm>> -> memref<8x128xf32, #tpu.memory_space<hbm>>
      tpu.wait_dma2 semaphore(%arg13 : memref<!tpu.dma_semaphore, #tpu.memory_space<semaphore_mem>>) src(%dma_wait3A_1557 : memref<8x128xf32, #tpu.memory_space<hbm>>) dst(%dma_wait3A_1555 : memref<8x128xf32, #tpu.memory_space<vmem>>)
      %dma_wait3A_1558 = arith.constant 104 : i32
      %dma_wait3A_1559 = arith.constant 0 : i32
      %dma_wait3A_1560 = tpu.memref_slice %arg10[%dma_wait3A_1558, %dma_wait3A_1559] : memref<384x128xf32, #tpu.memory_space<vmem>> -> memref<8x128xf32, #tpu.memory_space<vmem>>
      %dma_wait3A_1561 = arith.constant 8 : i32
      %dma_wait3A_1562 = tpu.memref_slice %arg5[%dma_wait3A_1561, %multiple_of3A_360] : memref<32x1000000xf32, #tpu.memory_space<hbm>> -> memref<8x128xf32, #tpu.memory_space<hbm>>
      %dma_wait3A_1563 = arith.constant 104 : i32
      %dma_wait3A_1564 = arith.constant 0 : i32
      %dma_wait3A_1565 = tpu.memref_slice %arg10[%dma_wait3A_1563, %dma_wait3A_1564] : memref<384x128xf32, #tpu.memory_space<vmem>> -> memref<8x128xf32, #tpu.memory_space<vmem>>
      %dma_wait3A_1566 = arith.constant 8 : i32
      %dma_wait3A_1567 = tpu.memref_slice %arg5[%dma_wait3A_1566, %multiple_of3A_360] : memref<32x1000000xf32, #tpu.memory_space<hbm>> -> memref<8x128xf32, #tpu.memory_space<hbm>>
      tpu.wait_dma2 semaphore(%arg16 : memref<!tpu.dma_semaphore, #tpu.memory_space<semaphore_mem>>) src(%dma_wait3A_1567 : memref<8x128xf32, #tpu.memory_space<hbm>>) dst(%dma_wait3A_1565 : memref<8x128xf32, #tpu.memory_space<vmem>>)
      %dma_wait3A_1568 = arith.constant 112 : i32
      %dma_wait3A_1569 = arith.constant 0 : i32
      %dma_wait3A_1570 = tpu.memref_slice %arg9[%dma_wait3A_1568, %dma_wait3A_1569] : memref<384x128xf32, #tpu.memory_space<vmem>> -> memref<8x128xf32, #tpu.memory_space<vmem>>
      %dma_wait3A_1571 = arith.constant 16 : i32
      %dma_wait3A_1572 = tpu.memref_slice %arg4[%dma_wait3A_1571, %multiple_of3A_357] : memref<32x1000000xf32, #tpu.memory_space<hbm>> -> memref<8x128xf32, #tpu.memory_space<hbm>>
      %dma_wait3A_1573 = arith.constant 112 : i32
      %dma_wait3A_1574 = arith.constant 0 : i32
      %dma_wait3A_1575 = tpu.memref_slice %arg9[%dma_wait3A_1573, %dma_wait3A_1574] : memref<384x128xf32, #tpu.memory_space<vmem>> -> memref<8x128xf32, #tpu.memory_space<vmem>>
      %dma_wait3A_1576 = arith.constant 16 : i32
      %dma_wait3A_1577 = tpu.memref_slice %arg4[%dma_wait3A_1576, %multiple_of3A_357] : memref<32x1000000xf32, #tpu.memory_space<hbm>> -> memref<8x128xf32, #tpu.memory_space<hbm>>
      tpu.wait_dma2 semaphore(%arg13 : memref<!tpu.dma_semaphore, #tpu.memory_space<semaphore_mem>>) src(%dma_wait3A_1577 : memref<8x128xf32, #tpu.memory_space<hbm>>) dst(%dma_wait3A_1575 : memref<8x128xf32, #tpu.memory_space<vmem>>)
      %dma_wait3A_1578 = arith.constant 112 : i32
      %dma_wait3A_1579 = arith.constant 0 : i32
      %dma_wait3A_1580 = tpu.memref_slice %arg10[%dma_wait3A_1578, %dma_wait3A_1579] : memref<384x128xf32, #tpu.memory_space<vmem>> -> memref<8x128xf32, #tpu.memory_space<vmem>>
      %dma_wait3A_1581 = arith.constant 16 : i32
      %dma_wait3A_1582 = tpu.memref_slice %arg5[%dma_wait3A_1581, %multiple_of3A_360] : memref<32x1000000xf32, #tpu.memory_space<hbm>> -> memref<8x128xf32, #tpu.memory_space<hbm>>
      %dma_wait3A_1583 = arith.constant 112 : i32
      %dma_wait3A_1584 = arith.constant 0 : i32
      %dma_wait3A_1585 = tpu.memref_slice %arg10[%dma_wait3A_1583, %dma_wait3A_1584] : memref<384x128xf32, #tpu.memory_space<vmem>> -> memref<8x128xf32, #tpu.memory_space<vmem>>
      %dma_wait3A_1586 = arith.constant 16 : i32
      %dma_wait3A_1587 = tpu.memref_slice %arg5[%dma_wait3A_1586, %multiple_of3A_360] : memref<32x1000000xf32, #tpu.memory_space<hbm>> -> memref<8x128xf32, #tpu.memory_space<hbm>>
      tpu.wait_dma2 semaphore(%arg16 : memref<!tpu.dma_semaphore, #tpu.memory_space<semaphore_mem>>) src(%dma_wait3A_1587 : memref<8x128xf32, #tpu.memory_space<hbm>>) dst(%dma_wait3A_1585 : memref<8x128xf32, #tpu.memory_space<vmem>>)
      %dma_wait3A_1588 = arith.constant 120 : i32
      %dma_wait3A_1589 = arith.constant 0 : i32
      %dma_wait3A_1590 = tpu.memref_slice %arg9[%dma_wait3A_1588, %dma_wait3A_1589] : memref<384x128xf32, #tpu.memory_space<vmem>> -> memref<8x128xf32, #tpu.memory_space<vmem>>
      %dma_wait3A_1591 = arith.constant 24 : i32
      %dma_wait3A_1592 = tpu.memref_slice %arg4[%dma_wait3A_1591, %multiple_of3A_357] : memref<32x1000000xf32, #tpu.memory_space<hbm>> -> memref<8x128xf32, #tpu.memory_space<hbm>>
      %dma_wait3A_1593 = arith.constant 120 : i32
      %dma_wait3A_1594 = arith.constant 0 : i32
      %dma_wait3A_1595 = tpu.memref_slice %arg9[%dma_wait3A_1593, %dma_wait3A_1594] : memref<384x128xf32, #tpu.memory_space<vmem>> -> memref<8x128xf32, #tpu.memory_space<vmem>>
      %dma_wait3A_1596 = arith.constant 24 : i32
      %dma_wait3A_1597 = tpu.memref_slice %arg4[%dma_wait3A_1596, %multiple_of3A_357] : memref<32x1000000xf32, #tpu.memory_space<hbm>> -> memref<8x128xf32, #tpu.memory_space<hbm>>
      tpu.wait_dma2 semaphore(%arg13 : memref<!tpu.dma_semaphore, #tpu.memory_space<semaphore_mem>>) src(%dma_wait3A_1597 : memref<8x128xf32, #tpu.memory_space<hbm>>) dst(%dma_wait3A_1595 : memref<8x128xf32, #tpu.memory_space<vmem>>)
      %dma_wait3A_1598 = arith.constant 120 : i32
      %dma_wait3A_1599 = arith.constant 0 : i32
      %dma_wait3A_1600 = tpu.memref_slice %arg10[%dma_wait3A_1598, %dma_wait3A_1599] : memref<384x128xf32, #tpu.memory_space<vmem>> -> memref<8x128xf32, #tpu.memory_space<vmem>>
      %dma_wait3A_1601 = arith.constant 24 : i32
      %dma_wait3A_1602 = tpu.memref_slice %arg5[%dma_wait3A_1601, %multiple_of3A_360] : memref<32x1000000xf32, #tpu.memory_space<hbm>> -> memref<8x128xf32, #tpu.memory_space<hbm>>
      %dma_wait3A_1603 = arith.constant 120 : i32
      %dma_wait3A_1604 = arith.constant 0 : i32
      %dma_wait3A_1605 = tpu.memref_slice %arg10[%dma_wait3A_1603, %dma_wait3A_1604] : memref<384x128xf32, #tpu.memory_space<vmem>> -> memref<8x128xf32, #tpu.memory_space<vmem>>
      %dma_wait3A_1606 = arith.constant 24 : i32
      %dma_wait3A_1607 = tpu.memref_slice %arg5[%dma_wait3A_1606, %multiple_of3A_360] : memref<32x1000000xf32, #tpu.memory_space<hbm>> -> memref<8x128xf32, #tpu.memory_space<hbm>>
      tpu.wait_dma2 semaphore(%arg16 : memref<!tpu.dma_semaphore, #tpu.memory_space<semaphore_mem>>) src(%dma_wait3A_1607 : memref<8x128xf32, #tpu.memory_space<hbm>>) dst(%dma_wait3A_1605 : memref<8x128xf32, #tpu.memory_space<vmem>>)
      %broadcast_in_dim3A_1608 = arith.constant 0 : i32
      %broadcast_in_dim3A_1609 = vector.broadcast %broadcast_in_dim3A_1608 : i32 to vector<16xi32>
      %lt3A = arith.constant 0 : i32
      %lt3A_1610 = vector.broadcast %lt3A : i32 to vector<16xi32>
      %lt3A_1611 = arith.cmpi slt, %broadcast_in_dim3A_1609, %lt3A_1610 : vector<16xi32>
      %add3A_1612 = arith.constant 16 : i32
      %add3A_1613 = vector.broadcast %add3A_1612 : i32 to vector<16xi32>
      %add3A_1614 = arith.addi %broadcast_in_dim3A_1609, %add3A_1613 : vector<16xi32>
      %select_n3A_1615 = arith.select %lt3A_1611, %add3A_1614, %broadcast_in_dim3A_1609 : vector<16xi1>, vector<16xi32>
      %reshape3A = vector.shape_cast %select_n3A_1615 : vector<16xi32> to vector<16x1xi32>
      %gather3A = vector.shape_cast %reshape3A : vector<16x1xi32> to vector<16xi32>
      %gather3A_1616 = tpu.dynamic_gather %and3A_20[%gather3A] in [0] : vector<16xi32>, vector<16xi32> -> vector<16xi32>
      %lt3A_1617 = arith.constant 0 : i32
      %lt3A_1618 = vector.broadcast %lt3A_1617 : i32 to vector<16xi32>
      %lt3A_1619 = arith.cmpi slt, %broadcast_in_dim3A_1609, %lt3A_1618 : vector<16xi32>
      %add3A_1620 = arith.constant 16 : i32
      %add3A_1621 = vector.broadcast %add3A_1620 : i32 to vector<16xi32>
      %add3A_1622 = arith.addi %broadcast_in_dim3A_1609, %add3A_1621 : vector<16xi32>
      %select_n3A_1623 = arith.select %lt3A_1619, %add3A_1622, %broadcast_in_dim3A_1609 : vector<16xi1>, vector<16xi32>
      %reshape3A_1624 = vector.shape_cast %select_n3A_1623 : vector<16xi32> to vector<16x1xi32>
      %gather3A_1625 = vector.shape_cast %reshape3A_1624 : vector<16x1xi32> to vector<16xi32>
      %gather3A_1626 = tpu.dynamic_gather %and3A_23[%gather3A_1625] in [0] : vector<16xi32>, vector<16xi32> -> vector<16xi32>
      %add3A_1627 = arith.constant 0 : i32
      %add3A_1628 = vector.broadcast %add3A_1627 : i32 to vector<16xi32>
      %add3A_1629 = arith.addi %add3A_1628, %iota3A : vector<16xi32>
      %gather3A_1630 = tpu.vector_load_idx %arg9[%add3A_1629, %gather3A_1616] : memref<384x128xf32, #tpu.memory_space<vmem>>[vector<16xi32>, vector<16xi32>], vector<16xf32>,
      %add3A_1631 = arith.constant 16 : i32
      %add3A_1632 = vector.broadcast %add3A_1631 : i32 to vector<16xi32>
      %add3A_1633 = arith.addi %add3A_1632, %iota3A : vector<16xi32>
      %gather3A_1634 = tpu.vector_load_idx %arg9[%add3A_1633, %gather3A_1616] : memref<384x128xf32, #tpu.memory_space<vmem>>[vector<16xi32>, vector<16xi32>], vector<16xf32>,
      %add3A_1635 = arith.constant 0 : i32
      %add3A_1636 = vector.broadcast %add3A_1635 : i32 to vector<16xi32>
      %add3A_1637 = arith.addi %add3A_1636, %iota3A : vector<16xi32>
      %gather3A_1638 = tpu.vector_load_idx %arg10[%add3A_1637, %gather3A_1626] : memref<384x128xf32, #tpu.memory_space<vmem>>[vector<16xi32>, vector<16xi32>], vector<16xf32>,
      %add3A_1639 = arith.constant 16 : i32
      %add3A_1640 = vector.broadcast %add3A_1639 : i32 to vector<16xi32>
      %add3A_1641 = arith.addi %add3A_1640, %iota3A : vector<16xi32>
      %gather3A_1642 = tpu.vector_load_idx %arg10[%add3A_1641, %gather3A_1626] : memref<384x128xf32, #tpu.memory_space<vmem>>[vector<16xi32>, vector<16xi32>], vector<16xf32>,
      %mul3A_1643 = arith.mulf %gather3A_1630, %gather3A_1638 : vector<16xf32>
      %mul3A_1644 = arith.mulf %gather3A_1634, %gather3A_1642 : vector<16xf32>
      %add3A_1645 = arith.addf %mul3A_1643, %mul3A_1644 : vector<16xf32>
      %swap3A = arith.constant 0 : index
      %swap3A_1646 = tpu.vector_load %arg11[%swap3A] {strides = array<i32>} : memref<272xf32, #tpu.memory_space<vmem>>, vector<16xf32>,
      tpu.vector_store %arg11[%swap3A], %add3A_1645 {strides = array<i32>} : memref<272xf32, #tpu.memory_space<vmem>>, vector<16xf32>,
      %broadcast_in_dim3A_1647 = arith.constant 1 : i32
      %broadcast_in_dim3A_1648 = vector.broadcast %broadcast_in_dim3A_1647 : i32 to vector<16xi32>
      %lt3A_1649 = arith.constant 0 : i32
      %lt3A_1650 = vector.broadcast %lt3A_1649 : i32 to vector<16xi32>
      %lt3A_1651 = arith.cmpi slt, %broadcast_in_dim3A_1648, %lt3A_1650 : vector<16xi32>
      %add3A_1652 = arith.constant 16 : i32
      %add3A_1653 = vector.broadcast %add3A_1652 : i32 to vector<16xi32>
      %add3A_1654 = arith.addi %broadcast_in_dim3A_1648, %add3A_1653 : vector<16xi32>
      %select_n3A_1655 = arith.select %lt3A_1651, %add3A_1654, %broadcast_in_dim3A_1648 : vector<16xi1>, vector<16xi32>
      %reshape3A_1656 = vector.shape_cast %select_n3A_1655 : vector<16xi32> to vector<16x1xi32>
      %gather3A_1657 = vector.shape_cast %reshape3A_1656 : vector<16x1xi32> to vector<16xi32>
      %gather3A_1658 = tpu.dynamic_gather %and3A_20[%gather3A_1657] in [0] : vector<16xi32>, vector<16xi32> -> vector<16xi32>
      %lt3A_1659 = arith.constant 0 : i32
      %lt3A_1660 = vector.broadcast %lt3A_1659 : i32 to vector<16xi32>
      %lt3A_1661 = arith.cmpi slt, %broadcast_in_dim3A_1648, %lt3A_1660 : vector<16xi32>
      %add3A_1662 = arith.constant 16 : i32
      %add3A_1663 = vector.broadcast %add3A_1662 : i32 to vector<16xi32>
      %add3A_1664 = arith.addi %broadcast_in_dim3A_1648, %add3A_1663 : vector<16xi32>
      %select_n3A_1665 = arith.select %lt3A_1661, %add3A_1664, %broadcast_in_dim3A_1648 : vector<16xi1>, vector<16xi32>
      %reshape3A_1666 = vector.shape_cast %select_n3A_1665 : vector<16xi32> to vector<16x1xi32>
      %gather3A_1667 = vector.shape_cast %reshape3A_1666 : vector<16x1xi32> to vector<16xi32>
      %gather3A_1668 = tpu.dynamic_gather %and3A_23[%gather3A_1667] in [0] : vector<16xi32>, vector<16xi32> -> vector<16xi32>
      %add3A_1669 = arith.constant 32 : i32
      %add3A_1670 = vector.broadcast %add3A_1669 : i32 to vector<16xi32>
      %add3A_1671 = arith.addi %add3A_1670, %iota3A : vector<16xi32>
      %gather3A_1672 = tpu.vector_load_idx %arg9[%add3A_1671, %gather3A_1658] : memref<384x128xf32, #tpu.memory_space<vmem>>[vector<16xi32>, vector<16xi32>], vector<16xf32>,
      %add3A_1673 = arith.constant 48 : i32
      %add3A_1674 = vector.broadcast %add3A_1673 : i32 to vector<16xi32>
      %add3A_1675 = arith.addi %add3A_1674, %iota3A : vector<16xi32>
      %gather3A_1676 = tpu.vector_load_idx %arg9[%add3A_1675, %gather3A_1658] : memref<384x128xf32, #tpu.memory_space<vmem>>[vector<16xi32>, vector<16xi32>], vector<16xf32>,
      %add3A_1677 = arith.constant 32 : i32
      %add3A_1678 = vector.broadcast %add3A_1677 : i32 to vector<16xi32>
      %add3A_1679 = arith.addi %add3A_1678, %iota3A : vector<16xi32>
      %gather3A_1680 = tpu.vector_load_idx %arg10[%add3A_1679, %gather3A_1668] : memref<384x128xf32, #tpu.memory_space<vmem>>[vector<16xi32>, vector<16xi32>], vector<16xf32>,
      %add3A_1681 = arith.constant 48 : i32
      %add3A_1682 = vector.broadcast %add3A_1681 : i32 to vector<16xi32>
      %add3A_1683 = arith.addi %add3A_1682, %iota3A : vector<16xi32>
      %gather3A_1684 = tpu.vector_load_idx %arg10[%add3A_1683, %gather3A_1668] : memref<384x128xf32, #tpu.memory_space<vmem>>[vector<16xi32>, vector<16xi32>], vector<16xf32>,
      %mul3A_1685 = arith.mulf %gather3A_1672, %gather3A_1680 : vector<16xf32>
      %mul3A_1686 = arith.mulf %gather3A_1676, %gather3A_1684 : vector<16xf32>
      %add3A_1687 = arith.addf %mul3A_1685, %mul3A_1686 : vector<16xf32>
      %swap3A_1688 = arith.constant 17 : index
      %swap3A_1689 = tpu.vector_load %arg11[%swap3A_1688] {strides = array<i32>} : memref<272xf32, #tpu.memory_space<vmem>>, vector<16xf32>,
      tpu.vector_store %arg11[%swap3A_1688], %add3A_1687 {strides = array<i32>} : memref<272xf32, #tpu.memory_space<vmem>>, vector<16xf32>,
      %broadcast_in_dim3A_1690 = arith.constant 2 : i32
      %broadcast_in_dim3A_1691 = vector.broadcast %broadcast_in_dim3A_1690 : i32 to vector<16xi32>
      %lt3A_1692 = arith.constant 0 : i32
      %lt3A_1693 = vector.broadcast %lt3A_1692 : i32 to vector<16xi32>
      %lt3A_1694 = arith.cmpi slt, %broadcast_in_dim3A_1691, %lt3A_1693 : vector<16xi32>
      %add3A_1695 = arith.constant 16 : i32
      %add3A_1696 = vector.broadcast %add3A_1695 : i32 to vector<16xi32>
      %add3A_1697 = arith.addi %broadcast_in_dim3A_1691, %add3A_1696 : vector<16xi32>
      %select_n3A_1698 = arith.select %lt3A_1694, %add3A_1697, %broadcast_in_dim3A_1691 : vector<16xi1>, vector<16xi32>
      %reshape3A_1699 = vector.shape_cast %select_n3A_1698 : vector<16xi32> to vector<16x1xi32>
      %gather3A_1700 = vector.shape_cast %reshape3A_1699 : vector<16x1xi32> to vector<16xi32>
      %gather3A_1701 = tpu.dynamic_gather %and3A_20[%gather3A_1700] in [0] : vector<16xi32>, vector<16xi32> -> vector<16xi32>
      %lt3A_1702 = arith.constant 0 : i32
      %lt3A_1703 = vector.broadcast %lt3A_1702 : i32 to vector<16xi32>
      %lt3A_1704 = arith.cmpi slt, %broadcast_in_dim3A_1691, %lt3A_1703 : vector<16xi32>
      %add3A_1705 = arith.constant 16 : i32
      %add3A_1706 = vector.broadcast %add3A_1705 : i32 to vector<16xi32>
      %add3A_1707 = arith.addi %broadcast_in_dim3A_1691, %add3A_1706 : vector<16xi32>
      %select_n3A_1708 = arith.select %lt3A_1704, %add3A_1707, %broadcast_in_dim3A_1691 : vector<16xi1>, vector<16xi32>
      %reshape3A_1709 = vector.shape_cast %select_n3A_1708 : vector<16xi32> to vector<16x1xi32>
      %gather3A_1710 = vector.shape_cast %reshape3A_1709 : vector<16x1xi32> to vector<16xi32>
      %gather3A_1711 = tpu.dynamic_gather %and3A_23[%gather3A_1710] in [0] : vector<16xi32>, vector<16xi32> -> vector<16xi32>
      %add3A_1712 = arith.constant 64 : i32
      %add3A_1713 = vector.broadcast %add3A_1712 : i32 to vector<16xi32>
      %add3A_1714 = arith.addi %add3A_1713, %iota3A : vector<16xi32>
      %gather3A_1715 = tpu.vector_load_idx %arg9[%add3A_1714, %gather3A_1701] : memref<384x128xf32, #tpu.memory_space<vmem>>[vector<16xi32>, vector<16xi32>], vector<16xf32>,
      %add3A_1716 = arith.constant 80 : i32
      %add3A_1717 = vector.broadcast %add3A_1716 : i32 to vector<16xi32>
      %add3A_1718 = arith.addi %add3A_1717, %iota3A : vector<16xi32>
      %gather3A_1719 = tpu.vector_load_idx %arg9[%add3A_1718, %gather3A_1701] : memref<384x128xf32, #tpu.memory_space<vmem>>[vector<16xi32>, vector<16xi32>], vector<16xf32>,
      %add3A_1720 = arith.constant 64 : i32
      %add3A_1721 = vector.broadcast %add3A_1720 : i32 to vector<16xi32>
      %add3A_1722 = arith.addi %add3A_1721, %iota3A : vector<16xi32>
      %gather3A_1723 = tpu.vector_load_idx %arg10[%add3A_1722, %gather3A_1711] : memref<384x128xf32, #tpu.memory_space<vmem>>[vector<16xi32>, vector<16xi32>], vector<16xf32>,
      %add3A_1724 = arith.constant 80 : i32
      %add3A_1725 = vector.broadcast %add3A_1724 : i32 to vector<16xi32>
      %add3A_1726 = arith.addi %add3A_1725, %iota3A : vector<16xi32>
      %gather3A_1727 = tpu.vector_load_idx %arg10[%add3A_1726, %gather3A_1711] : memref<384x128xf32, #tpu.memory_space<vmem>>[vector<16xi32>, vector<16xi32>], vector<16xf32>,
      %mul3A_1728 = arith.mulf %gather3A_1715, %gather3A_1723 : vector<16xf32>
      %mul3A_1729 = arith.mulf %gather3A_1719, %gather3A_1727 : vector<16xf32>
      %add3A_1730 = arith.addf %mul3A_1728, %mul3A_1729 : vector<16xf32>
      %swap3A_1731 = arith.constant 34 : index
      %swap3A_1732 = tpu.vector_load %arg11[%swap3A_1731] {strides = array<i32>} : memref<272xf32, #tpu.memory_space<vmem>>, vector<16xf32>,
      tpu.vector_store %arg11[%swap3A_1731], %add3A_1730 {strides = array<i32>} : memref<272xf32, #tpu.memory_space<vmem>>, vector<16xf32>,
      %broadcast_in_dim3A_1733 = arith.constant 3 : i32
      %broadcast_in_dim3A_1734 = vector.broadcast %broadcast_in_dim3A_1733 : i32 to vector<16xi32>
      %lt3A_1735 = arith.constant 0 : i32
      %lt3A_1736 = vector.broadcast %lt3A_1735 : i32 to vector<16xi32>
      %lt3A_1737 = arith.cmpi slt, %broadcast_in_dim3A_1734, %lt3A_1736 : vector<16xi32>
      %add3A_1738 = arith.constant 16 : i32
      %add3A_1739 = vector.broadcast %add3A_1738 : i32 to vector<16xi32>
      %add3A_1740 = arith.addi %broadcast_in_dim3A_1734, %add3A_1739 : vector<16xi32>
      %select_n3A_1741 = arith.select %lt3A_1737, %add3A_1740, %broadcast_in_dim3A_1734 : vector<16xi1>, vector<16xi32>
      %reshape3A_1742 = vector.shape_cast %select_n3A_1741 : vector<16xi32> to vector<16x1xi32>
      %gather3A_1743 = vector.shape_cast %reshape3A_1742 : vector<16x1xi32> to vector<16xi32>
      %gather3A_1744 = tpu.dynamic_gather %and3A_20[%gather3A_1743] in [0] : vector<16xi32>, vector<16xi32> -> vector<16xi32>
      %lt3A_1745 = arith.constant 0 : i32
      %lt3A_1746 = vector.broadcast %lt3A_1745 : i32 to vector<16xi32>
      %lt3A_1747 = arith.cmpi slt, %broadcast_in_dim3A_1734, %lt3A_1746 : vector<16xi32>
      %add3A_1748 = arith.constant 16 : i32
      %add3A_1749 = vector.broadcast %add3A_1748 : i32 to vector<16xi32>
      %add3A_1750 = arith.addi %broadcast_in_dim3A_1734, %add3A_1749 : vector<16xi32>
      %select_n3A_1751 = arith.select %lt3A_1747, %add3A_1750, %broadcast_in_dim3A_1734 : vector<16xi1>, vector<16xi32>
      %reshape3A_1752 = vector.shape_cast %select_n3A_1751 : vector<16xi32> to vector<16x1xi32>
      %gather3A_1753 = vector.shape_cast %reshape3A_1752 : vector<16x1xi32> to vector<16xi32>
      %gather3A_1754 = tpu.dynamic_gather %and3A_23[%gather3A_1753] in [0] : vector<16xi32>, vector<16xi32> -> vector<16xi32>
      %add3A_1755 = arith.constant 96 : i32
      %add3A_1756 = vector.broadcast %add3A_1755 : i32 to vector<16xi32>
      %add3A_1757 = arith.addi %add3A_1756, %iota3A : vector<16xi32>
      %gather3A_1758 = tpu.vector_load_idx %arg9[%add3A_1757, %gather3A_1744] : memref<384x128xf32, #tpu.memory_space<vmem>>[vector<16xi32>, vector<16xi32>], vector<16xf32>,
      %add3A_1759 = arith.constant 112 : i32
      %add3A_1760 = vector.broadcast %add3A_1759 : i32 to vector<16xi32>
      %add3A_1761 = arith.addi %add3A_1760, %iota3A : vector<16xi32>
      %gather3A_1762 = tpu.vector_load_idx %arg9[%add3A_1761, %gather3A_1744] : memref<384x128xf32, #tpu.memory_space<vmem>>[vector<16xi32>, vector<16xi32>], vector<16xf32>,
      %add3A_1763 = arith.constant 96 : i32
      %add3A_1764 = vector.broadcast %add3A_1763 : i32 to vector<16xi32>
      %add3A_1765 = arith.addi %add3A_1764, %iota3A : vector<16xi32>
      %gather3A_1766 = tpu.vector_load_idx %arg10[%add3A_1765, %gather3A_1754] : memref<384x128xf32, #tpu.memory_space<vmem>>[vector<16xi32>, vector<16xi32>], vector<16xf32>,
      %add3A_1767 = arith.constant 112 : i32
      %add3A_1768 = vector.broadcast %add3A_1767 : i32 to vector<16xi32>
      %add3A_1769 = arith.addi %add3A_1768, %iota3A : vector<16xi32>
      %gather3A_1770 = tpu.vector_load_idx %arg10[%add3A_1769, %gather3A_1754] : memref<384x128xf32, #tpu.memory_space<vmem>>[vector<16xi32>, vector<16xi32>], vector<16xf32>,
      %mul3A_1771 = arith.mulf %gather3A_1758, %gather3A_1766 : vector<16xf32>
      %mul3A_1772 = arith.mulf %gather3A_1762, %gather3A_1770 : vector<16xf32>
      %add3A_1773 = arith.addf %mul3A_1771, %mul3A_1772 : vector<16xf32>
      %swap3A_1774 = arith.constant 51 : index
      %swap3A_1775 = tpu.vector_load %arg11[%swap3A_1774] {strides = array<i32>} : memref<272xf32, #tpu.memory_space<vmem>>, vector<16xf32>,
      tpu.vector_store %arg11[%swap3A_1774], %add3A_1773 {strides = array<i32>} : memref<272xf32, #tpu.memory_space<vmem>>, vector<16xf32>,
      %eq3A_1776 = arith.constant 12 : i32
      %eq3A_1777 = vector.broadcast %eq3A_1776 : i32 to vector<16xi32>
      %eq3A_1778 = arith.cmpi eq, %iota3A, %eq3A_1777 : vector<16xi32>
      %jit3A_1779 = arith.constant 0 : i32
      %broadcast_in_dim3A_1780 = vector.broadcast %jit3A_1779 : i32 to vector<16xi32>
      %select_n3A_1781 = arith.select %eq3A_1778, %shift_right_arithmetic3A_15, %broadcast_in_dim3A_1780 : vector<16xi1>, vector<16xi32>
      %reduce_sum3A_1782 = arith.constant true
      %reduce_sum3A_1783 = vector.broadcast %reduce_sum3A_1782 : i1 to vector<16xi1>
      %reduce_sum3A_1784 = tpu.scan <sum>, %select_n3A_1781 masked %reduce_sum3A_1783 : vector<16xi32>, vector<16xi1> -> vector<16xi32>
      %reduce_sum3A_1785 = vector.extract %reduce_sum3A_1784[15] : i32 from vector<16xi32>
      %eq3A_1786 = arith.constant 12 : i32
      %eq3A_1787 = vector.broadcast %eq3A_1786 : i32 to vector<16xi32>
      %eq3A_1788 = arith.cmpi eq, %iota3A, %eq3A_1787 : vector<16xi32>
      %jit3A_1789 = arith.constant 0 : i32
      %broadcast_in_dim3A_1790 = vector.broadcast %jit3A_1789 : i32 to vector<16xi32>
      %select_n3A_1791 = arith.select %eq3A_1788, %shift_right_arithmetic3A_18, %broadcast_in_dim3A_1790 : vector<16xi1>, vector<16xi32>
      %reduce_sum3A_1792 = arith.constant true
      %reduce_sum3A_1793 = vector.broadcast %reduce_sum3A_1792 : i1 to vector<16xi1>
      %reduce_sum3A_1794 = tpu.scan <sum>, %select_n3A_1791 masked %reduce_sum3A_1793 : vector<16xi32>, vector<16xi1> -> vector<16xi32>
      %reduce_sum3A_1795 = vector.extract %reduce_sum3A_1794[15] : i32 from vector<16xi32>
      %mul3A_1796 = arith.constant 128 : i32
      %mul3A_1797 = arith.muli %reduce_sum3A_1785, %mul3A_1796 : i32
      %multiple_of3A_1798 = tpu.assume_multiple %mul3A_1797, 128 : i32
      %mul3A_1799 = arith.constant 128 : i32
      %mul3A_1800 = arith.muli %reduce_sum3A_1795, %mul3A_1799 : i32
      %multiple_of3A_1801 = tpu.assume_multiple %mul3A_1800, 128 : i32
      %dma_start3A_1802 = arith.constant 0 : i32
      %dma_start3A_1803 = arith.constant 0 : i32
      %dma_start3A_1804 = tpu.memref_slice %arg9[%dma_start3A_1802, %dma_start3A_1803] : memref<384x128xf32, #tpu.memory_space<vmem>> -> memref<8x128xf32, #tpu.memory_space<vmem>>
      %dma_start3A_1805 = arith.constant 0 : i32
      %dma_start3A_1806 = tpu.memref_slice %arg4[%dma_start3A_1805, %multiple_of3A_1798] : memref<32x1000000xf32, #tpu.memory_space<hbm>> -> memref<8x128xf32, #tpu.memory_space<hbm>>
      %dma_start3A_1807 = arith.constant 0 : i32
      %dma_start3A_1808 = arith.constant 0 : i32
      %dma_start3A_1809 = tpu.memref_slice %arg9[%dma_start3A_1807, %dma_start3A_1808] : memref<384x128xf32, #tpu.memory_space<vmem>> -> memref<8x128xf32, #tpu.memory_space<vmem>>
      %dma_start3A_1810 = arith.constant 0 : i32
      %dma_start3A_1811 = tpu.memref_slice %arg4[%dma_start3A_1810, %multiple_of3A_1798] : memref<32x1000000xf32, #tpu.memory_space<hbm>> -> memref<8x128xf32, #tpu.memory_space<hbm>>
      tpu.enqueue_dma source(%dma_start3A_1811 : memref<8x128xf32, #tpu.memory_space<hbm>>) target(%dma_start3A_1809 : memref<8x128xf32, #tpu.memory_space<vmem>>) target_semaphore(%arg13 : memref<!tpu.dma_semaphore, #tpu.memory_space<semaphore_mem>>)
      %dma_start3A_1812 = arith.constant 0 : i32
      %dma_start3A_1813 = arith.constant 0 : i32
      %dma_start3A_1814 = tpu.memref_slice %arg10[%dma_start3A_1812, %dma_start3A_1813] : memref<384x128xf32, #tpu.memory_space<vmem>> -> memref<8x128xf32, #tpu.memory_space<vmem>>
      %dma_start3A_1815 = arith.constant 0 : i32
      %dma_start3A_1816 = tpu.memref_slice %arg5[%dma_start3A_1815, %multiple_of3A_1801] : memref<32x1000000xf32, #tpu.memory_space<hbm>> -> memref<8x128xf32, #tpu.memory_space<hbm>>
      %dma_start3A_1817 = arith.constant 0 : i32
      %dma_start3A_1818 = arith.constant 0 : i32
      %dma_start3A_1819 = tpu.memref_slice %arg10[%dma_start3A_1817, %dma_start3A_1818] : memref<384x128xf32, #tpu.memory_space<vmem>> -> memref<8x128xf32, #tpu.memory_space<vmem>>
      %dma_start3A_1820 = arith.constant 0 : i32
      %dma_start3A_1821 = tpu.memref_slice %arg5[%dma_start3A_1820, %multiple_of3A_1801] : memref<32x1000000xf32, #tpu.memory_space<hbm>> -> memref<8x128xf32, #tpu.memory_space<hbm>>
      tpu.enqueue_dma source(%dma_start3A_1821 : memref<8x128xf32, #tpu.memory_space<hbm>>) target(%dma_start3A_1819 : memref<8x128xf32, #tpu.memory_space<vmem>>) target_semaphore(%arg16 : memref<!tpu.dma_semaphore, #tpu.memory_space<semaphore_mem>>)
      %dma_start3A_1822 = arith.constant 8 : i32
      %dma_start3A_1823 = arith.constant 0 : i32
      %dma_start3A_1824 = tpu.memref_slice %arg9[%dma_start3A_1822, %dma_start3A_1823] : memref<384x128xf32, #tpu.memory_space<vmem>> -> memref<8x128xf32, #tpu.memory_space<vmem>>
      %dma_start3A_1825 = arith.constant 8 : i32
      %dma_start3A_1826 = tpu.memref_slice %arg4[%dma_start3A_1825, %multiple_of3A_1798] : memref<32x1000000xf32, #tpu.memory_space<hbm>> -> memref<8x128xf32, #tpu.memory_space<hbm>>
      %dma_start3A_1827 = arith.constant 8 : i32
      %dma_start3A_1828 = arith.constant 0 : i32
      %dma_start3A_1829 = tpu.memref_slice %arg9[%dma_start3A_1827, %dma_start3A_1828] : memref<384x128xf32, #tpu.memory_space<vmem>> -> memref<8x128xf32, #tpu.memory_space<vmem>>
      %dma_start3A_1830 = arith.constant 8 : i32
      %dma_start3A_1831 = tpu.memref_slice %arg4[%dma_start3A_1830, %multiple_of3A_1798] : memref<32x1000000xf32, #tpu.memory_space<hbm>> -> memref<8x128xf32, #tpu.memory_space<hbm>>
      tpu.enqueue_dma source(%dma_start3A_1831 : memref<8x128xf32, #tpu.memory_space<hbm>>) target(%dma_start3A_1829 : memref<8x128xf32, #tpu.memory_space<vmem>>) target_semaphore(%arg13 : memref<!tpu.dma_semaphore, #tpu.memory_space<semaphore_mem>>)
      %dma_start3A_1832 = arith.constant 8 : i32
      %dma_start3A_1833 = arith.constant 0 : i32
      %dma_start3A_1834 = tpu.memref_slice %arg10[%dma_start3A_1832, %dma_start3A_1833] : memref<384x128xf32, #tpu.memory_space<vmem>> -> memref<8x128xf32, #tpu.memory_space<vmem>>
      %dma_start3A_1835 = arith.constant 8 : i32
      %dma_start3A_1836 = tpu.memref_slice %arg5[%dma_start3A_1835, %multiple_of3A_1801] : memref<32x1000000xf32, #tpu.memory_space<hbm>> -> memref<8x128xf32, #tpu.memory_space<hbm>>
      %dma_start3A_1837 = arith.constant 8 : i32
      %dma_start3A_1838 = arith.constant 0 : i32
      %dma_start3A_1839 = tpu.memref_slice %arg10[%dma_start3A_1837, %dma_start3A_1838] : memref<384x128xf32, #tpu.memory_space<vmem>> -> memref<8x128xf32, #tpu.memory_space<vmem>>
      %dma_start3A_1840 = arith.constant 8 : i32
      %dma_start3A_1841 = tpu.memref_slice %arg5[%dma_start3A_1840, %multiple_of3A_1801] : memref<32x1000000xf32, #tpu.memory_space<hbm>> -> memref<8x128xf32, #tpu.memory_space<hbm>>
      tpu.enqueue_dma source(%dma_start3A_1841 : memref<8x128xf32, #tpu.memory_space<hbm>>) target(%dma_start3A_1839 : memref<8x128xf32, #tpu.memory_space<vmem>>) target_semaphore(%arg16 : memref<!tpu.dma_semaphore, #tpu.memory_space<semaphore_mem>>)
      %dma_start3A_1842 = arith.constant 16 : i32
      %dma_start3A_1843 = arith.constant 0 : i32
      %dma_start3A_1844 = tpu.memref_slice %arg9[%dma_start3A_1842, %dma_start3A_1843] : memref<384x128xf32, #tpu.memory_space<vmem>> -> memref<8x128xf32, #tpu.memory_space<vmem>>
      %dma_start3A_1845 = arith.constant 16 : i32
      %dma_start3A_1846 = tpu.memref_slice %arg4[%dma_start3A_1845, %multiple_of3A_1798] : memref<32x1000000xf32, #tpu.memory_space<hbm>> -> memref<8x128xf32, #tpu.memory_space<hbm>>
      %dma_start3A_1847 = arith.constant 16 : i32
      %dma_start3A_1848 = arith.constant 0 : i32
      %dma_start3A_1849 = tpu.memref_slice %arg9[%dma_start3A_1847, %dma_start3A_1848] : memref<384x128xf32, #tpu.memory_space<vmem>> -> memref<8x128xf32, #tpu.memory_space<vmem>>
      %dma_start3A_1850 = arith.constant 16 : i32
      %dma_start3A_1851 = tpu.memref_slice %arg4[%dma_start3A_1850, %multiple_of3A_1798] : memref<32x1000000xf32, #tpu.memory_space<hbm>> -> memref<8x128xf32, #tpu.memory_space<hbm>>
      tpu.enqueue_dma source(%dma_start3A_1851 : memref<8x128xf32, #tpu.memory_space<hbm>>) target(%dma_start3A_1849 : memref<8x128xf32, #tpu.memory_space<vmem>>) target_semaphore(%arg13 : memref<!tpu.dma_semaphore, #tpu.memory_space<semaphore_mem>>)
      %dma_start3A_1852 = arith.constant 16 : i32
      %dma_start3A_1853 = arith.constant 0 : i32
      %dma_start3A_1854 = tpu.memref_slice %arg10[%dma_start3A_1852, %dma_start3A_1853] : memref<384x128xf32, #tpu.memory_space<vmem>> -> memref<8x128xf32, #tpu.memory_space<vmem>>
      %dma_start3A_1855 = arith.constant 16 : i32
      %dma_start3A_1856 = tpu.memref_slice %arg5[%dma_start3A_1855, %multiple_of3A_1801] : memref<32x1000000xf32, #tpu.memory_space<hbm>> -> memref<8x128xf32, #tpu.memory_space<hbm>>
      %dma_start3A_1857 = arith.constant 16 : i32
      %dma_start3A_1858 = arith.constant 0 : i32
      %dma_start3A_1859 = tpu.memref_slice %arg10[%dma_start3A_1857, %dma_start3A_1858] : memref<384x128xf32, #tpu.memory_space<vmem>> -> memref<8x128xf32, #tpu.memory_space<vmem>>
      %dma_start3A_1860 = arith.constant 16 : i32
      %dma_start3A_1861 = tpu.memref_slice %arg5[%dma_start3A_1860, %multiple_of3A_1801] : memref<32x1000000xf32, #tpu.memory_space<hbm>> -> memref<8x128xf32, #tpu.memory_space<hbm>>
      tpu.enqueue_dma source(%dma_start3A_1861 : memref<8x128xf32, #tpu.memory_space<hbm>>) target(%dma_start3A_1859 : memref<8x128xf32, #tpu.memory_space<vmem>>) target_semaphore(%arg16 : memref<!tpu.dma_semaphore, #tpu.memory_space<semaphore_mem>>)
      %dma_start3A_1862 = arith.constant 24 : i32
      %dma_start3A_1863 = arith.constant 0 : i32
      %dma_start3A_1864 = tpu.memref_slice %arg9[%dma_start3A_1862, %dma_start3A_1863] : memref<384x128xf32, #tpu.memory_space<vmem>> -> memref<8x128xf32, #tpu.memory_space<vmem>>
      %dma_start3A_1865 = arith.constant 24 : i32
      %dma_start3A_1866 = tpu.memref_slice %arg4[%dma_start3A_1865, %multiple_of3A_1798] : memref<32x1000000xf32, #tpu.memory_space<hbm>> -> memref<8x128xf32, #tpu.memory_space<hbm>>
      %dma_start3A_1867 = arith.constant 24 : i32
      %dma_start3A_1868 = arith.constant 0 : i32
      %dma_start3A_1869 = tpu.memref_slice %arg9[%dma_start3A_1867, %dma_start3A_1868] : memref<384x128xf32, #tpu.memory_space<vmem>> -> memref<8x128xf32, #tpu.memory_space<vmem>>
      %dma_start3A_1870 = arith.constant 24 : i32
      %dma_start3A_1871 = tpu.memref_slice %arg4[%dma_start3A_1870, %multiple_of3A_1798] : memref<32x1000000xf32, #tpu.memory_space<hbm>> -> memref<8x128xf32, #tpu.memory_space<hbm>>
      tpu.enqueue_dma source(%dma_start3A_1871 : memref<8x128xf32, #tpu.memory_space<hbm>>) target(%dma_start3A_1869 : memref<8x128xf32, #tpu.memory_space<vmem>>) target_semaphore(%arg13 : memref<!tpu.dma_semaphore, #tpu.memory_space<semaphore_mem>>)
      %dma_start3A_1872 = arith.constant 24 : i32
      %dma_start3A_1873 = arith.constant 0 : i32
      %dma_start3A_1874 = tpu.memref_slice %arg10[%dma_start3A_1872, %dma_start3A_1873] : memref<384x128xf32, #tpu.memory_space<vmem>> -> memref<8x128xf32, #tpu.memory_space<vmem>>
      %dma_start3A_1875 = arith.constant 24 : i32
      %dma_start3A_1876 = tpu.memref_slice %arg5[%dma_start3A_1875, %multiple_of3A_1801] : memref<32x1000000xf32, #tpu.memory_space<hbm>> -> memref<8x128xf32, #tpu.memory_space<hbm>>
      %dma_start3A_1877 = arith.constant 24 : i32
      %dma_start3A_1878 = arith.constant 0 : i32
      %dma_start3A_1879 = tpu.memref_slice %arg10[%dma_start3A_1877, %dma_start3A_1878] : memref<384x128xf32, #tpu.memory_space<vmem>> -> memref<8x128xf32, #tpu.memory_space<vmem>>
      %dma_start3A_1880 = arith.constant 24 : i32
      %dma_start3A_1881 = tpu.memref_slice %arg5[%dma_start3A_1880, %multiple_of3A_1801] : memref<32x1000000xf32, #tpu.memory_space<hbm>> -> memref<8x128xf32, #tpu.memory_space<hbm>>
      tpu.enqueue_dma source(%dma_start3A_1881 : memref<8x128xf32, #tpu.memory_space<hbm>>) target(%dma_start3A_1879 : memref<8x128xf32, #tpu.memory_space<vmem>>) target_semaphore(%arg16 : memref<!tpu.dma_semaphore, #tpu.memory_space<semaphore_mem>>)
      %eq3A_1882 = arith.constant 13 : i32
      %eq3A_1883 = vector.broadcast %eq3A_1882 : i32 to vector<16xi32>
      %eq3A_1884 = arith.cmpi eq, %iota3A, %eq3A_1883 : vector<16xi32>
      %jit3A_1885 = arith.constant 0 : i32
      %broadcast_in_dim3A_1886 = vector.broadcast %jit3A_1885 : i32 to vector<16xi32>
      %select_n3A_1887 = arith.select %eq3A_1884, %shift_right_arithmetic3A_15, %broadcast_in_dim3A_1886 : vector<16xi1>, vector<16xi32>
      %reduce_sum3A_1888 = arith.constant true
      %reduce_sum3A_1889 = vector.broadcast %reduce_sum3A_1888 : i1 to vector<16xi1>
      %reduce_sum3A_1890 = tpu.scan <sum>, %select_n3A_1887 masked %reduce_sum3A_1889 : vector<16xi32>, vector<16xi1> -> vector<16xi32>
      %reduce_sum3A_1891 = vector.extract %reduce_sum3A_1890[15] : i32 from vector<16xi32>
      %eq3A_1892 = arith.constant 13 : i32
      %eq3A_1893 = vector.broadcast %eq3A_1892 : i32 to vector<16xi32>
      %eq3A_1894 = arith.cmpi eq, %iota3A, %eq3A_1893 : vector<16xi32>
      %jit3A_1895 = arith.constant 0 : i32
      %broadcast_in_dim3A_1896 = vector.broadcast %jit3A_1895 : i32 to vector<16xi32>
      %select_n3A_1897 = arith.select %eq3A_1894, %shift_right_arithmetic3A_18, %broadcast_in_dim3A_1896 : vector<16xi1>, vector<16xi32>
      %reduce_sum3A_1898 = arith.constant true
      %reduce_sum3A_1899 = vector.broadcast %reduce_sum3A_1898 : i1 to vector<16xi1>
      %reduce_sum3A_1900 = tpu.scan <sum>, %select_n3A_1897 masked %reduce_sum3A_1899 : vector<16xi32>, vector<16xi1> -> vector<16xi32>
      %reduce_sum3A_1901 = vector.extract %reduce_sum3A_1900[15] : i32 from vector<16xi32>
      %mul3A_1902 = arith.constant 128 : i32
      %mul3A_1903 = arith.muli %reduce_sum3A_1891, %mul3A_1902 : i32
      %multiple_of3A_1904 = tpu.assume_multiple %mul3A_1903, 128 : i32
      %mul3A_1905 = arith.constant 128 : i32
      %mul3A_1906 = arith.muli %reduce_sum3A_1901, %mul3A_1905 : i32
      %multiple_of3A_1907 = tpu.assume_multiple %mul3A_1906, 128 : i32
      %dma_start3A_1908 = arith.constant 32 : i32
      %dma_start3A_1909 = arith.constant 0 : i32
      %dma_start3A_1910 = tpu.memref_slice %arg9[%dma_start3A_1908, %dma_start3A_1909] : memref<384x128xf32, #tpu.memory_space<vmem>> -> memref<8x128xf32, #tpu.memory_space<vmem>>
      %dma_start3A_1911 = arith.constant 0 : i32
      %dma_start3A_1912 = tpu.memref_slice %arg4[%dma_start3A_1911, %multiple_of3A_1904] : memref<32x1000000xf32, #tpu.memory_space<hbm>> -> memref<8x128xf32, #tpu.memory_space<hbm>>
      %dma_start3A_1913 = arith.constant 32 : i32
      %dma_start3A_1914 = arith.constant 0 : i32
      %dma_start3A_1915 = tpu.memref_slice %arg9[%dma_start3A_1913, %dma_start3A_1914] : memref<384x128xf32, #tpu.memory_space<vmem>> -> memref<8x128xf32, #tpu.memory_space<vmem>>
      %dma_start3A_1916 = arith.constant 0 : i32
      %dma_start3A_1917 = tpu.memref_slice %arg4[%dma_start3A_1916, %multiple_of3A_1904] : memref<32x1000000xf32, #tpu.memory_space<hbm>> -> memref<8x128xf32, #tpu.memory_space<hbm>>
      tpu.enqueue_dma source(%dma_start3A_1917 : memref<8x128xf32, #tpu.memory_space<hbm>>) target(%dma_start3A_1915 : memref<8x128xf32, #tpu.memory_space<vmem>>) target_semaphore(%arg13 : memref<!tpu.dma_semaphore, #tpu.memory_space<semaphore_mem>>)
      %dma_start3A_1918 = arith.constant 32 : i32
      %dma_start3A_1919 = arith.constant 0 : i32
      %dma_start3A_1920 = tpu.memref_slice %arg10[%dma_start3A_1918, %dma_start3A_1919] : memref<384x128xf32, #tpu.memory_space<vmem>> -> memref<8x128xf32, #tpu.memory_space<vmem>>
      %dma_start3A_1921 = arith.constant 0 : i32
      %dma_start3A_1922 = tpu.memref_slice %arg5[%dma_start3A_1921, %multiple_of3A_1907] : memref<32x1000000xf32, #tpu.memory_space<hbm>> -> memref<8x128xf32, #tpu.memory_space<hbm>>
      %dma_start3A_1923 = arith.constant 32 : i32
      %dma_start3A_1924 = arith.constant 0 : i32
      %dma_start3A_1925 = tpu.memref_slice %arg10[%dma_start3A_1923, %dma_start3A_1924] : memref<384x128xf32, #tpu.memory_space<vmem>> -> memref<8x128xf32, #tpu.memory_space<vmem>>
      %dma_start3A_1926 = arith.constant 0 : i32
      %dma_start3A_1927 = tpu.memref_slice %arg5[%dma_start3A_1926, %multiple_of3A_1907] : memref<32x1000000xf32, #tpu.memory_space<hbm>> -> memref<8x128xf32, #tpu.memory_space<hbm>>
      tpu.enqueue_dma source(%dma_start3A_1927 : memref<8x128xf32, #tpu.memory_space<hbm>>) target(%dma_start3A_1925 : memref<8x128xf32, #tpu.memory_space<vmem>>) target_semaphore(%arg16 : memref<!tpu.dma_semaphore, #tpu.memory_space<semaphore_mem>>)
      %dma_start3A_1928 = arith.constant 40 : i32
      %dma_start3A_1929 = arith.constant 0 : i32
      %dma_start3A_1930 = tpu.memref_slice %arg9[%dma_start3A_1928, %dma_start3A_1929] : memref<384x128xf32, #tpu.memory_space<vmem>> -> memref<8x128xf32, #tpu.memory_space<vmem>>
      %dma_start3A_1931 = arith.constant 8 : i32
      %dma_start3A_1932 = tpu.memref_slice %arg4[%dma_start3A_1931, %multiple_of3A_1904] : memref<32x1000000xf32, #tpu.memory_space<hbm>> -> memref<8x128xf32, #tpu.memory_space<hbm>>
      %dma_start3A_1933 = arith.constant 40 : i32
      %dma_start3A_1934 = arith.constant 0 : i32
      %dma_start3A_1935 = tpu.memref_slice %arg9[%dma_start3A_1933, %dma_start3A_1934] : memref<384x128xf32, #tpu.memory_space<vmem>> -> memref<8x128xf32, #tpu.memory_space<vmem>>
      %dma_start3A_1936 = arith.constant 8 : i32
      %dma_start3A_1937 = tpu.memref_slice %arg4[%dma_start3A_1936, %multiple_of3A_1904] : memref<32x1000000xf32, #tpu.memory_space<hbm>> -> memref<8x128xf32, #tpu.memory_space<hbm>>
      tpu.enqueue_dma source(%dma_start3A_1937 : memref<8x128xf32, #tpu.memory_space<hbm>>) target(%dma_start3A_1935 : memref<8x128xf32, #tpu.memory_space<vmem>>) target_semaphore(%arg13 : memref<!tpu.dma_semaphore, #tpu.memory_space<semaphore_mem>>)
      %dma_start3A_1938 = arith.constant 40 : i32
      %dma_start3A_1939 = arith.constant 0 : i32
      %dma_start3A_1940 = tpu.memref_slice %arg10[%dma_start3A_1938, %dma_start3A_1939] : memref<384x128xf32, #tpu.memory_space<vmem>> -> memref<8x128xf32, #tpu.memory_space<vmem>>
      %dma_start3A_1941 = arith.constant 8 : i32
      %dma_start3A_1942 = tpu.memref_slice %arg5[%dma_start3A_1941, %multiple_of3A_1907] : memref<32x1000000xf32, #tpu.memory_space<hbm>> -> memref<8x128xf32, #tpu.memory_space<hbm>>
      %dma_start3A_1943 = arith.constant 40 : i32
      %dma_start3A_1944 = arith.constant 0 : i32
      %dma_start3A_1945 = tpu.memref_slice %arg10[%dma_start3A_1943, %dma_start3A_1944] : memref<384x128xf32, #tpu.memory_space<vmem>> -> memref<8x128xf32, #tpu.memory_space<vmem>>
      %dma_start3A_1946 = arith.constant 8 : i32
      %dma_start3A_1947 = tpu.memref_slice %arg5[%dma_start3A_1946, %multiple_of3A_1907] : memref<32x1000000xf32, #tpu.memory_space<hbm>> -> memref<8x128xf32, #tpu.memory_space<hbm>>
      tpu.enqueue_dma source(%dma_start3A_1947 : memref<8x128xf32, #tpu.memory_space<hbm>>) target(%dma_start3A_1945 : memref<8x128xf32, #tpu.memory_space<vmem>>) target_semaphore(%arg16 : memref<!tpu.dma_semaphore, #tpu.memory_space<semaphore_mem>>)
      %dma_start3A_1948 = arith.constant 48 : i32
      %dma_start3A_1949 = arith.constant 0 : i32
      %dma_start3A_1950 = tpu.memref_slice %arg9[%dma_start3A_1948, %dma_start3A_1949] : memref<384x128xf32, #tpu.memory_space<vmem>> -> memref<8x128xf32, #tpu.memory_space<vmem>>
      %dma_start3A_1951 = arith.constant 16 : i32
      %dma_start3A_1952 = tpu.memref_slice %arg4[%dma_start3A_1951, %multiple_of3A_1904] : memref<32x1000000xf32, #tpu.memory_space<hbm>> -> memref<8x128xf32, #tpu.memory_space<hbm>>
      %dma_start3A_1953 = arith.constant 48 : i32
      %dma_start3A_1954 = arith.constant 0 : i32
      %dma_start3A_1955 = tpu.memref_slice %arg9[%dma_start3A_1953, %dma_start3A_1954] : memref<384x128xf32, #tpu.memory_space<vmem>> -> memref<8x128xf32, #tpu.memory_space<vmem>>
      %dma_start3A_1956 = arith.constant 16 : i32
      %dma_start3A_1957 = tpu.memref_slice %arg4[%dma_start3A_1956, %multiple_of3A_1904] : memref<32x1000000xf32, #tpu.memory_space<hbm>> -> memref<8x128xf32, #tpu.memory_space<hbm>>
      tpu.enqueue_dma source(%dma_start3A_1957 : memref<8x128xf32, #tpu.memory_space<hbm>>) target(%dma_start3A_1955 : memref<8x128xf32, #tpu.memory_space<vmem>>) target_semaphore(%arg13 : memref<!tpu.dma_semaphore, #tpu.memory_space<semaphore_mem>>)
      %dma_start3A_1958 = arith.constant 48 : i32
      %dma_start3A_1959 = arith.constant 0 : i32
      %dma_start3A_1960 = tpu.memref_slice %arg10[%dma_start3A_1958, %dma_start3A_1959] : memref<384x128xf32, #tpu.memory_space<vmem>> -> memref<8x128xf32, #tpu.memory_space<vmem>>
      %dma_start3A_1961 = arith.constant 16 : i32
      %dma_start3A_1962 = tpu.memref_slice %arg5[%dma_start3A_1961, %multiple_of3A_1907] : memref<32x1000000xf32, #tpu.memory_space<hbm>> -> memref<8x128xf32, #tpu.memory_space<hbm>>
      %dma_start3A_1963 = arith.constant 48 : i32
      %dma_start3A_1964 = arith.constant 0 : i32
      %dma_start3A_1965 = tpu.memref_slice %arg10[%dma_start3A_1963, %dma_start3A_1964] : memref<384x128xf32, #tpu.memory_space<vmem>> -> memref<8x128xf32, #tpu.memory_space<vmem>>
      %dma_start3A_1966 = arith.constant 16 : i32
      %dma_start3A_1967 = tpu.memref_slice %arg5[%dma_start3A_1966, %multiple_of3A_1907] : memref<32x1000000xf32, #tpu.memory_space<hbm>> -> memref<8x128xf32, #tpu.memory_space<hbm>>
      tpu.enqueue_dma source(%dma_start3A_1967 : memref<8x128xf32, #tpu.memory_space<hbm>>) target(%dma_start3A_1965 : memref<8x128xf32, #tpu.memory_space<vmem>>) target_semaphore(%arg16 : memref<!tpu.dma_semaphore, #tpu.memory_space<semaphore_mem>>)
      %dma_start3A_1968 = arith.constant 56 : i32
      %dma_start3A_1969 = arith.constant 0 : i32
      %dma_start3A_1970 = tpu.memref_slice %arg9[%dma_start3A_1968, %dma_start3A_1969] : memref<384x128xf32, #tpu.memory_space<vmem>> -> memref<8x128xf32, #tpu.memory_space<vmem>>
      %dma_start3A_1971 = arith.constant 24 : i32
      %dma_start3A_1972 = tpu.memref_slice %arg4[%dma_start3A_1971, %multiple_of3A_1904] : memref<32x1000000xf32, #tpu.memory_space<hbm>> -> memref<8x128xf32, #tpu.memory_space<hbm>>
      %dma_start3A_1973 = arith.constant 56 : i32
      %dma_start3A_1974 = arith.constant 0 : i32
      %dma_start3A_1975 = tpu.memref_slice %arg9[%dma_start3A_1973, %dma_start3A_1974] : memref<384x128xf32, #tpu.memory_space<vmem>> -> memref<8x128xf32, #tpu.memory_space<vmem>>
      %dma_start3A_1976 = arith.constant 24 : i32
      %dma_start3A_1977 = tpu.memref_slice %arg4[%dma_start3A_1976, %multiple_of3A_1904] : memref<32x1000000xf32, #tpu.memory_space<hbm>> -> memref<8x128xf32, #tpu.memory_space<hbm>>
      tpu.enqueue_dma source(%dma_start3A_1977 : memref<8x128xf32, #tpu.memory_space<hbm>>) target(%dma_start3A_1975 : memref<8x128xf32, #tpu.memory_space<vmem>>) target_semaphore(%arg13 : memref<!tpu.dma_semaphore, #tpu.memory_space<semaphore_mem>>)
      %dma_start3A_1978 = arith.constant 56 : i32
      %dma_start3A_1979 = arith.constant 0 : i32
      %dma_start3A_1980 = tpu.memref_slice %arg10[%dma_start3A_1978, %dma_start3A_1979] : memref<384x128xf32, #tpu.memory_space<vmem>> -> memref<8x128xf32, #tpu.memory_space<vmem>>
      %dma_start3A_1981 = arith.constant 24 : i32
      %dma_start3A_1982 = tpu.memref_slice %arg5[%dma_start3A_1981, %multiple_of3A_1907] : memref<32x1000000xf32, #tpu.memory_space<hbm>> -> memref<8x128xf32, #tpu.memory_space<hbm>>
      %dma_start3A_1983 = arith.constant 56 : i32
      %dma_start3A_1984 = arith.constant 0 : i32
      %dma_start3A_1985 = tpu.memref_slice %arg10[%dma_start3A_1983, %dma_start3A_1984] : memref<384x128xf32, #tpu.memory_space<vmem>> -> memref<8x128xf32, #tpu.memory_space<vmem>>
      %dma_start3A_1986 = arith.constant 24 : i32
      %dma_start3A_1987 = tpu.memref_slice %arg5[%dma_start3A_1986, %multiple_of3A_1907] : memref<32x1000000xf32, #tpu.memory_space<hbm>> -> memref<8x128xf32, #tpu.memory_space<hbm>>
      tpu.enqueue_dma source(%dma_start3A_1987 : memref<8x128xf32, #tpu.memory_space<hbm>>) target(%dma_start3A_1985 : memref<8x128xf32, #tpu.memory_space<vmem>>) target_semaphore(%arg16 : memref<!tpu.dma_semaphore, #tpu.memory_space<semaphore_mem>>)
      %eq3A_1988 = arith.constant 14 : i32
      %eq3A_1989 = vector.broadcast %eq3A_1988 : i32 to vector<16xi32>
      %eq3A_1990 = arith.cmpi eq, %iota3A, %eq3A_1989 : vector<16xi32>
      %jit3A_1991 = arith.constant 0 : i32
      %broadcast_in_dim3A_1992 = vector.broadcast %jit3A_1991 : i32 to vector<16xi32>
      %select_n3A_1993 = arith.select %eq3A_1990, %shift_right_arithmetic3A_15, %broadcast_in_dim3A_1992 : vector<16xi1>, vector<16xi32>
      %reduce_sum3A_1994 = arith.constant true
      %reduce_sum3A_1995 = vector.broadcast %reduce_sum3A_1994 : i1 to vector<16xi1>
      %reduce_sum3A_1996 = tpu.scan <sum>, %select_n3A_1993 masked %reduce_sum3A_1995 : vector<16xi32>, vector<16xi1> -> vector<16xi32>
      %reduce_sum3A_1997 = vector.extract %reduce_sum3A_1996[15] : i32 from vector<16xi32>
      %eq3A_1998 = arith.constant 14 : i32
      %eq3A_1999 = vector.broadcast %eq3A_1998 : i32 to vector<16xi32>
      %eq3A_2000 = arith.cmpi eq, %iota3A, %eq3A_1999 : vector<16xi32>
      %jit3A_2001 = arith.constant 0 : i32
      %broadcast_in_dim3A_2002 = vector.broadcast %jit3A_2001 : i32 to vector<16xi32>
      %select_n3A_2003 = arith.select %eq3A_2000, %shift_right_arithmetic3A_18, %broadcast_in_dim3A_2002 : vector<16xi1>, vector<16xi32>
      %reduce_sum3A_2004 = arith.constant true
      %reduce_sum3A_2005 = vector.broadcast %reduce_sum3A_2004 : i1 to vector<16xi1>
      %reduce_sum3A_2006 = tpu.scan <sum>, %select_n3A_2003 masked %reduce_sum3A_2005 : vector<16xi32>, vector<16xi1> -> vector<16xi32>
      %reduce_sum3A_2007 = vector.extract %reduce_sum3A_2006[15] : i32 from vector<16xi32>
      %mul3A_2008 = arith.constant 128 : i32
      %mul3A_2009 = arith.muli %reduce_sum3A_1997, %mul3A_2008 : i32
      %multiple_of3A_2010 = tpu.assume_multiple %mul3A_2009, 128 : i32
      %mul3A_2011 = arith.constant 128 : i32
      %mul3A_2012 = arith.muli %reduce_sum3A_2007, %mul3A_2011 : i32
      %multiple_of3A_2013 = tpu.assume_multiple %mul3A_2012, 128 : i32
      %dma_start3A_2014 = arith.constant 64 : i32
      %dma_start3A_2015 = arith.constant 0 : i32
      %dma_start3A_2016 = tpu.memref_slice %arg9[%dma_start3A_2014, %dma_start3A_2015] : memref<384x128xf32, #tpu.memory_space<vmem>> -> memref<8x128xf32, #tpu.memory_space<vmem>>
      %dma_start3A_2017 = arith.constant 0 : i32
      %dma_start3A_2018 = tpu.memref_slice %arg4[%dma_start3A_2017, %multiple_of3A_2010] : memref<32x1000000xf32, #tpu.memory_space<hbm>> -> memref<8x128xf32, #tpu.memory_space<hbm>>
      %dma_start3A_2019 = arith.constant 64 : i32
      %dma_start3A_2020 = arith.constant 0 : i32
      %dma_start3A_2021 = tpu.memref_slice %arg9[%dma_start3A_2019, %dma_start3A_2020] : memref<384x128xf32, #tpu.memory_space<vmem>> -> memref<8x128xf32, #tpu.memory_space<vmem>>
      %dma_start3A_2022 = arith.constant 0 : i32
      %dma_start3A_2023 = tpu.memref_slice %arg4[%dma_start3A_2022, %multiple_of3A_2010] : memref<32x1000000xf32, #tpu.memory_space<hbm>> -> memref<8x128xf32, #tpu.memory_space<hbm>>
      tpu.enqueue_dma source(%dma_start3A_2023 : memref<8x128xf32, #tpu.memory_space<hbm>>) target(%dma_start3A_2021 : memref<8x128xf32, #tpu.memory_space<vmem>>) target_semaphore(%arg13 : memref<!tpu.dma_semaphore, #tpu.memory_space<semaphore_mem>>)
      %dma_start3A_2024 = arith.constant 64 : i32
      %dma_start3A_2025 = arith.constant 0 : i32
      %dma_start3A_2026 = tpu.memref_slice %arg10[%dma_start3A_2024, %dma_start3A_2025] : memref<384x128xf32, #tpu.memory_space<vmem>> -> memref<8x128xf32, #tpu.memory_space<vmem>>
      %dma_start3A_2027 = arith.constant 0 : i32
      %dma_start3A_2028 = tpu.memref_slice %arg5[%dma_start3A_2027, %multiple_of3A_2013] : memref<32x1000000xf32, #tpu.memory_space<hbm>> -> memref<8x128xf32, #tpu.memory_space<hbm>>
      %dma_start3A_2029 = arith.constant 64 : i32
      %dma_start3A_2030 = arith.constant 0 : i32
      %dma_start3A_2031 = tpu.memref_slice %arg10[%dma_start3A_2029, %dma_start3A_2030] : memref<384x128xf32, #tpu.memory_space<vmem>> -> memref<8x128xf32, #tpu.memory_space<vmem>>
      %dma_start3A_2032 = arith.constant 0 : i32
      %dma_start3A_2033 = tpu.memref_slice %arg5[%dma_start3A_2032, %multiple_of3A_2013] : memref<32x1000000xf32, #tpu.memory_space<hbm>> -> memref<8x128xf32, #tpu.memory_space<hbm>>
      tpu.enqueue_dma source(%dma_start3A_2033 : memref<8x128xf32, #tpu.memory_space<hbm>>) target(%dma_start3A_2031 : memref<8x128xf32, #tpu.memory_space<vmem>>) target_semaphore(%arg16 : memref<!tpu.dma_semaphore, #tpu.memory_space<semaphore_mem>>)
      %dma_start3A_2034 = arith.constant 72 : i32
      %dma_start3A_2035 = arith.constant 0 : i32
      %dma_start3A_2036 = tpu.memref_slice %arg9[%dma_start3A_2034, %dma_start3A_2035] : memref<384x128xf32, #tpu.memory_space<vmem>> -> memref<8x128xf32, #tpu.memory_space<vmem>>
      %dma_start3A_2037 = arith.constant 8 : i32
      %dma_start3A_2038 = tpu.memref_slice %arg4[%dma_start3A_2037, %multiple_of3A_2010] : memref<32x1000000xf32, #tpu.memory_space<hbm>> -> memref<8x128xf32, #tpu.memory_space<hbm>>
      %dma_start3A_2039 = arith.constant 72 : i32
      %dma_start3A_2040 = arith.constant 0 : i32
      %dma_start3A_2041 = tpu.memref_slice %arg9[%dma_start3A_2039, %dma_start3A_2040] : memref<384x128xf32, #tpu.memory_space<vmem>> -> memref<8x128xf32, #tpu.memory_space<vmem>>
      %dma_start3A_2042 = arith.constant 8 : i32
      %dma_start3A_2043 = tpu.memref_slice %arg4[%dma_start3A_2042, %multiple_of3A_2010] : memref<32x1000000xf32, #tpu.memory_space<hbm>> -> memref<8x128xf32, #tpu.memory_space<hbm>>
      tpu.enqueue_dma source(%dma_start3A_2043 : memref<8x128xf32, #tpu.memory_space<hbm>>) target(%dma_start3A_2041 : memref<8x128xf32, #tpu.memory_space<vmem>>) target_semaphore(%arg13 : memref<!tpu.dma_semaphore, #tpu.memory_space<semaphore_mem>>)
      %dma_start3A_2044 = arith.constant 72 : i32
      %dma_start3A_2045 = arith.constant 0 : i32
      %dma_start3A_2046 = tpu.memref_slice %arg10[%dma_start3A_2044, %dma_start3A_2045] : memref<384x128xf32, #tpu.memory_space<vmem>> -> memref<8x128xf32, #tpu.memory_space<vmem>>
      %dma_start3A_2047 = arith.constant 8 : i32
      %dma_start3A_2048 = tpu.memref_slice %arg5[%dma_start3A_2047, %multiple_of3A_2013] : memref<32x1000000xf32, #tpu.memory_space<hbm>> -> memref<8x128xf32, #tpu.memory_space<hbm>>
      %dma_start3A_2049 = arith.constant 72 : i32
      %dma_start3A_2050 = arith.constant 0 : i32
      %dma_start3A_2051 = tpu.memref_slice %arg10[%dma_start3A_2049, %dma_start3A_2050] : memref<384x128xf32, #tpu.memory_space<vmem>> -> memref<8x128xf32, #tpu.memory_space<vmem>>
      %dma_start3A_2052 = arith.constant 8 : i32
      %dma_start3A_2053 = tpu.memref_slice %arg5[%dma_start3A_2052, %multiple_of3A_2013] : memref<32x1000000xf32, #tpu.memory_space<hbm>> -> memref<8x128xf32, #tpu.memory_space<hbm>>
      tpu.enqueue_dma source(%dma_start3A_2053 : memref<8x128xf32, #tpu.memory_space<hbm>>) target(%dma_start3A_2051 : memref<8x128xf32, #tpu.memory_space<vmem>>) target_semaphore(%arg16 : memref<!tpu.dma_semaphore, #tpu.memory_space<semaphore_mem>>)
      %dma_start3A_2054 = arith.constant 80 : i32
      %dma_start3A_2055 = arith.constant 0 : i32
      %dma_start3A_2056 = tpu.memref_slice %arg9[%dma_start3A_2054, %dma_start3A_2055] : memref<384x128xf32, #tpu.memory_space<vmem>> -> memref<8x128xf32, #tpu.memory_space<vmem>>
      %dma_start3A_2057 = arith.constant 16 : i32
      %dma_start3A_2058 = tpu.memref_slice %arg4[%dma_start3A_2057, %multiple_of3A_2010] : memref<32x1000000xf32, #tpu.memory_space<hbm>> -> memref<8x128xf32, #tpu.memory_space<hbm>>
      %dma_start3A_2059 = arith.constant 80 : i32
      %dma_start3A_2060 = arith.constant 0 : i32
      %dma_start3A_2061 = tpu.memref_slice %arg9[%dma_start3A_2059, %dma_start3A_2060] : memref<384x128xf32, #tpu.memory_space<vmem>> -> memref<8x128xf32, #tpu.memory_space<vmem>>
      %dma_start3A_2062 = arith.constant 16 : i32
      %dma_start3A_2063 = tpu.memref_slice %arg4[%dma_start3A_2062, %multiple_of3A_2010] : memref<32x1000000xf32, #tpu.memory_space<hbm>> -> memref<8x128xf32, #tpu.memory_space<hbm>>
      tpu.enqueue_dma source(%dma_start3A_2063 : memref<8x128xf32, #tpu.memory_space<hbm>>) target(%dma_start3A_2061 : memref<8x128xf32, #tpu.memory_space<vmem>>) target_semaphore(%arg13 : memref<!tpu.dma_semaphore, #tpu.memory_space<semaphore_mem>>)
      %dma_start3A_2064 = arith.constant 80 : i32
      %dma_start3A_2065 = arith.constant 0 : i32
      %dma_start3A_2066 = tpu.memref_slice %arg10[%dma_start3A_2064, %dma_start3A_2065] : memref<384x128xf32, #tpu.memory_space<vmem>> -> memref<8x128xf32, #tpu.memory_space<vmem>>
      %dma_start3A_2067 = arith.constant 16 : i32
      %dma_start3A_2068 = tpu.memref_slice %arg5[%dma_start3A_2067, %multiple_of3A_2013] : memref<32x1000000xf32, #tpu.memory_space<hbm>> -> memref<8x128xf32, #tpu.memory_space<hbm>>
      %dma_start3A_2069 = arith.constant 80 : i32
      %dma_start3A_2070 = arith.constant 0 : i32
      %dma_start3A_2071 = tpu.memref_slice %arg10[%dma_start3A_2069, %dma_start3A_2070] : memref<384x128xf32, #tpu.memory_space<vmem>> -> memref<8x128xf32, #tpu.memory_space<vmem>>
      %dma_start3A_2072 = arith.constant 16 : i32
      %dma_start3A_2073 = tpu.memref_slice %arg5[%dma_start3A_2072, %multiple_of3A_2013] : memref<32x1000000xf32, #tpu.memory_space<hbm>> -> memref<8x128xf32, #tpu.memory_space<hbm>>
      tpu.enqueue_dma source(%dma_start3A_2073 : memref<8x128xf32, #tpu.memory_space<hbm>>) target(%dma_start3A_2071 : memref<8x128xf32, #tpu.memory_space<vmem>>) target_semaphore(%arg16 : memref<!tpu.dma_semaphore, #tpu.memory_space<semaphore_mem>>)
      %dma_start3A_2074 = arith.constant 88 : i32
      %dma_start3A_2075 = arith.constant 0 : i32
      %dma_start3A_2076 = tpu.memref_slice %arg9[%dma_start3A_2074, %dma_start3A_2075] : memref<384x128xf32, #tpu.memory_space<vmem>> -> memref<8x128xf32, #tpu.memory_space<vmem>>
      %dma_start3A_2077 = arith.constant 24 : i32
      %dma_start3A_2078 = tpu.memref_slice %arg4[%dma_start3A_2077, %multiple_of3A_2010] : memref<32x1000000xf32, #tpu.memory_space<hbm>> -> memref<8x128xf32, #tpu.memory_space<hbm>>
      %dma_start3A_2079 = arith.constant 88 : i32
      %dma_start3A_2080 = arith.constant 0 : i32
      %dma_start3A_2081 = tpu.memref_slice %arg9[%dma_start3A_2079, %dma_start3A_2080] : memref<384x128xf32, #tpu.memory_space<vmem>> -> memref<8x128xf32, #tpu.memory_space<vmem>>
      %dma_start3A_2082 = arith.constant 24 : i32
      %dma_start3A_2083 = tpu.memref_slice %arg4[%dma_start3A_2082, %multiple_of3A_2010] : memref<32x1000000xf32, #tpu.memory_space<hbm>> -> memref<8x128xf32, #tpu.memory_space<hbm>>
      tpu.enqueue_dma source(%dma_start3A_2083 : memref<8x128xf32, #tpu.memory_space<hbm>>) target(%dma_start3A_2081 : memref<8x128xf32, #tpu.memory_space<vmem>>) target_semaphore(%arg13 : memref<!tpu.dma_semaphore, #tpu.memory_space<semaphore_mem>>)
      %dma_start3A_2084 = arith.constant 88 : i32
      %dma_start3A_2085 = arith.constant 0 : i32
      %dma_start3A_2086 = tpu.memref_slice %arg10[%dma_start3A_2084, %dma_start3A_2085] : memref<384x128xf32, #tpu.memory_space<vmem>> -> memref<8x128xf32, #tpu.memory_space<vmem>>
      %dma_start3A_2087 = arith.constant 24 : i32
      %dma_start3A_2088 = tpu.memref_slice %arg5[%dma_start3A_2087, %multiple_of3A_2013] : memref<32x1000000xf32, #tpu.memory_space<hbm>> -> memref<8x128xf32, #tpu.memory_space<hbm>>
      %dma_start3A_2089 = arith.constant 88 : i32
      %dma_start3A_2090 = arith.constant 0 : i32
      %dma_start3A_2091 = tpu.memref_slice %arg10[%dma_start3A_2089, %dma_start3A_2090] : memref<384x128xf32, #tpu.memory_space<vmem>> -> memref<8x128xf32, #tpu.memory_space<vmem>>
      %dma_start3A_2092 = arith.constant 24 : i32
      %dma_start3A_2093 = tpu.memref_slice %arg5[%dma_start3A_2092, %multiple_of3A_2013] : memref<32x1000000xf32, #tpu.memory_space<hbm>> -> memref<8x128xf32, #tpu.memory_space<hbm>>
      tpu.enqueue_dma source(%dma_start3A_2093 : memref<8x128xf32, #tpu.memory_space<hbm>>) target(%dma_start3A_2091 : memref<8x128xf32, #tpu.memory_space<vmem>>) target_semaphore(%arg16 : memref<!tpu.dma_semaphore, #tpu.memory_space<semaphore_mem>>)
      %eq3A_2094 = arith.constant 15 : i32
      %eq3A_2095 = vector.broadcast %eq3A_2094 : i32 to vector<16xi32>
      %eq3A_2096 = arith.cmpi eq, %iota3A, %eq3A_2095 : vector<16xi32>
      %jit3A_2097 = arith.constant 0 : i32
      %broadcast_in_dim3A_2098 = vector.broadcast %jit3A_2097 : i32 to vector<16xi32>
      %select_n3A_2099 = arith.select %eq3A_2096, %shift_right_arithmetic3A_15, %broadcast_in_dim3A_2098 : vector<16xi1>, vector<16xi32>
      %reduce_sum3A_2100 = arith.constant true
      %reduce_sum3A_2101 = vector.broadcast %reduce_sum3A_2100 : i1 to vector<16xi1>
      %reduce_sum3A_2102 = tpu.scan <sum>, %select_n3A_2099 masked %reduce_sum3A_2101 : vector<16xi32>, vector<16xi1> -> vector<16xi32>
      %reduce_sum3A_2103 = vector.extract %reduce_sum3A_2102[15] : i32 from vector<16xi32>
      %eq3A_2104 = arith.constant 15 : i32
      %eq3A_2105 = vector.broadcast %eq3A_2104 : i32 to vector<16xi32>
      %eq3A_2106 = arith.cmpi eq, %iota3A, %eq3A_2105 : vector<16xi32>
      %jit3A_2107 = arith.constant 0 : i32
      %broadcast_in_dim3A_2108 = vector.broadcast %jit3A_2107 : i32 to vector<16xi32>
      %select_n3A_2109 = arith.select %eq3A_2106, %shift_right_arithmetic3A_18, %broadcast_in_dim3A_2108 : vector<16xi1>, vector<16xi32>
      %reduce_sum3A_2110 = arith.constant true
      %reduce_sum3A_2111 = vector.broadcast %reduce_sum3A_2110 : i1 to vector<16xi1>
      %reduce_sum3A_2112 = tpu.scan <sum>, %select_n3A_2109 masked %reduce_sum3A_2111 : vector<16xi32>, vector<16xi1> -> vector<16xi32>
      %reduce_sum3A_2113 = vector.extract %reduce_sum3A_2112[15] : i32 from vector<16xi32>
      %mul3A_2114 = arith.constant 128 : i32
      %mul3A_2115 = arith.muli %reduce_sum3A_2103, %mul3A_2114 : i32
      %multiple_of3A_2116 = tpu.assume_multiple %mul3A_2115, 128 : i32
      %mul3A_2117 = arith.constant 128 : i32
      %mul3A_2118 = arith.muli %reduce_sum3A_2113, %mul3A_2117 : i32
      %multiple_of3A_2119 = tpu.assume_multiple %mul3A_2118, 128 : i32
      %dma_start3A_2120 = arith.constant 96 : i32
      %dma_start3A_2121 = arith.constant 0 : i32
      %dma_start3A_2122 = tpu.memref_slice %arg9[%dma_start3A_2120, %dma_start3A_2121] : memref<384x128xf32, #tpu.memory_space<vmem>> -> memref<8x128xf32, #tpu.memory_space<vmem>>
      %dma_start3A_2123 = arith.constant 0 : i32
      %dma_start3A_2124 = tpu.memref_slice %arg4[%dma_start3A_2123, %multiple_of3A_2116] : memref<32x1000000xf32, #tpu.memory_space<hbm>> -> memref<8x128xf32, #tpu.memory_space<hbm>>
      %dma_start3A_2125 = arith.constant 96 : i32
      %dma_start3A_2126 = arith.constant 0 : i32
      %dma_start3A_2127 = tpu.memref_slice %arg9[%dma_start3A_2125, %dma_start3A_2126] : memref<384x128xf32, #tpu.memory_space<vmem>> -> memref<8x128xf32, #tpu.memory_space<vmem>>
      %dma_start3A_2128 = arith.constant 0 : i32
      %dma_start3A_2129 = tpu.memref_slice %arg4[%dma_start3A_2128, %multiple_of3A_2116] : memref<32x1000000xf32, #tpu.memory_space<hbm>> -> memref<8x128xf32, #tpu.memory_space<hbm>>
      tpu.enqueue_dma source(%dma_start3A_2129 : memref<8x128xf32, #tpu.memory_space<hbm>>) target(%dma_start3A_2127 : memref<8x128xf32, #tpu.memory_space<vmem>>) target_semaphore(%arg13 : memref<!tpu.dma_semaphore, #tpu.memory_space<semaphore_mem>>)
      %dma_start3A_2130 = arith.constant 96 : i32
      %dma_start3A_2131 = arith.constant 0 : i32
      %dma_start3A_2132 = tpu.memref_slice %arg10[%dma_start3A_2130, %dma_start3A_2131] : memref<384x128xf32, #tpu.memory_space<vmem>> -> memref<8x128xf32, #tpu.memory_space<vmem>>
      %dma_start3A_2133 = arith.constant 0 : i32
      %dma_start3A_2134 = tpu.memref_slice %arg5[%dma_start3A_2133, %multiple_of3A_2119] : memref<32x1000000xf32, #tpu.memory_space<hbm>> -> memref<8x128xf32, #tpu.memory_space<hbm>>
      %dma_start3A_2135 = arith.constant 96 : i32
      %dma_start3A_2136 = arith.constant 0 : i32
      %dma_start3A_2137 = tpu.memref_slice %arg10[%dma_start3A_2135, %dma_start3A_2136] : memref<384x128xf32, #tpu.memory_space<vmem>> -> memref<8x128xf32, #tpu.memory_space<vmem>>
      %dma_start3A_2138 = arith.constant 0 : i32
      %dma_start3A_2139 = tpu.memref_slice %arg5[%dma_start3A_2138, %multiple_of3A_2119] : memref<32x1000000xf32, #tpu.memory_space<hbm>> -> memref<8x128xf32, #tpu.memory_space<hbm>>
      tpu.enqueue_dma source(%dma_start3A_2139 : memref<8x128xf32, #tpu.memory_space<hbm>>) target(%dma_start3A_2137 : memref<8x128xf32, #tpu.memory_space<vmem>>) target_semaphore(%arg16 : memref<!tpu.dma_semaphore, #tpu.memory_space<semaphore_mem>>)
      %dma_start3A_2140 = arith.constant 104 : i32
      %dma_start3A_2141 = arith.constant 0 : i32
      %dma_start3A_2142 = tpu.memref_slice %arg9[%dma_start3A_2140, %dma_start3A_2141] : memref<384x128xf32, #tpu.memory_space<vmem>> -> memref<8x128xf32, #tpu.memory_space<vmem>>
      %dma_start3A_2143 = arith.constant 8 : i32
      %dma_start3A_2144 = tpu.memref_slice %arg4[%dma_start3A_2143, %multiple_of3A_2116] : memref<32x1000000xf32, #tpu.memory_space<hbm>> -> memref<8x128xf32, #tpu.memory_space<hbm>>
      %dma_start3A_2145 = arith.constant 104 : i32
      %dma_start3A_2146 = arith.constant 0 : i32
      %dma_start3A_2147 = tpu.memref_slice %arg9[%dma_start3A_2145, %dma_start3A_2146] : memref<384x128xf32, #tpu.memory_space<vmem>> -> memref<8x128xf32, #tpu.memory_space<vmem>>
      %dma_start3A_2148 = arith.constant 8 : i32
      %dma_start3A_2149 = tpu.memref_slice %arg4[%dma_start3A_2148, %multiple_of3A_2116] : memref<32x1000000xf32, #tpu.memory_space<hbm>> -> memref<8x128xf32, #tpu.memory_space<hbm>>
      tpu.enqueue_dma source(%dma_start3A_2149 : memref<8x128xf32, #tpu.memory_space<hbm>>) target(%dma_start3A_2147 : memref<8x128xf32, #tpu.memory_space<vmem>>) target_semaphore(%arg13 : memref<!tpu.dma_semaphore, #tpu.memory_space<semaphore_mem>>)
      %dma_start3A_2150 = arith.constant 104 : i32
      %dma_start3A_2151 = arith.constant 0 : i32
      %dma_start3A_2152 = tpu.memref_slice %arg10[%dma_start3A_2150, %dma_start3A_2151] : memref<384x128xf32, #tpu.memory_space<vmem>> -> memref<8x128xf32, #tpu.memory_space<vmem>>
      %dma_start3A_2153 = arith.constant 8 : i32
      %dma_start3A_2154 = tpu.memref_slice %arg5[%dma_start3A_2153, %multiple_of3A_2119] : memref<32x1000000xf32, #tpu.memory_space<hbm>> -> memref<8x128xf32, #tpu.memory_space<hbm>>
      %dma_start3A_2155 = arith.constant 104 : i32
      %dma_start3A_2156 = arith.constant 0 : i32
      %dma_start3A_2157 = tpu.memref_slice %arg10[%dma_start3A_2155, %dma_start3A_2156] : memref<384x128xf32, #tpu.memory_space<vmem>> -> memref<8x128xf32, #tpu.memory_space<vmem>>
      %dma_start3A_2158 = arith.constant 8 : i32
      %dma_start3A_2159 = tpu.memref_slice %arg5[%dma_start3A_2158, %multiple_of3A_2119] : memref<32x1000000xf32, #tpu.memory_space<hbm>> -> memref<8x128xf32, #tpu.memory_space<hbm>>
      tpu.enqueue_dma source(%dma_start3A_2159 : memref<8x128xf32, #tpu.memory_space<hbm>>) target(%dma_start3A_2157 : memref<8x128xf32, #tpu.memory_space<vmem>>) target_semaphore(%arg16 : memref<!tpu.dma_semaphore, #tpu.memory_space<semaphore_mem>>)
      %dma_start3A_2160 = arith.constant 112 : i32
      %dma_start3A_2161 = arith.constant 0 : i32
      %dma_start3A_2162 = tpu.memref_slice %arg9[%dma_start3A_2160, %dma_start3A_2161] : memref<384x128xf32, #tpu.memory_space<vmem>> -> memref<8x128xf32, #tpu.memory_space<vmem>>
      %dma_start3A_2163 = arith.constant 16 : i32
      %dma_start3A_2164 = tpu.memref_slice %arg4[%dma_start3A_2163, %multiple_of3A_2116] : memref<32x1000000xf32, #tpu.memory_space<hbm>> -> memref<8x128xf32, #tpu.memory_space<hbm>>
      %dma_start3A_2165 = arith.constant 112 : i32
      %dma_start3A_2166 = arith.constant 0 : i32
      %dma_start3A_2167 = tpu.memref_slice %arg9[%dma_start3A_2165, %dma_start3A_2166] : memref<384x128xf32, #tpu.memory_space<vmem>> -> memref<8x128xf32, #tpu.memory_space<vmem>>
      %dma_start3A_2168 = arith.constant 16 : i32
      %dma_start3A_2169 = tpu.memref_slice %arg4[%dma_start3A_2168, %multiple_of3A_2116] : memref<32x1000000xf32, #tpu.memory_space<hbm>> -> memref<8x128xf32, #tpu.memory_space<hbm>>
      tpu.enqueue_dma source(%dma_start3A_2169 : memref<8x128xf32, #tpu.memory_space<hbm>>) target(%dma_start3A_2167 : memref<8x128xf32, #tpu.memory_space<vmem>>) target_semaphore(%arg13 : memref<!tpu.dma_semaphore, #tpu.memory_space<semaphore_mem>>)
      %dma_start3A_2170 = arith.constant 112 : i32
      %dma_start3A_2171 = arith.constant 0 : i32
      %dma_start3A_2172 = tpu.memref_slice %arg10[%dma_start3A_2170, %dma_start3A_2171] : memref<384x128xf32, #tpu.memory_space<vmem>> -> memref<8x128xf32, #tpu.memory_space<vmem>>
      %dma_start3A_2173 = arith.constant 16 : i32
      %dma_start3A_2174 = tpu.memref_slice %arg5[%dma_start3A_2173, %multiple_of3A_2119] : memref<32x1000000xf32, #tpu.memory_space<hbm>> -> memref<8x128xf32, #tpu.memory_space<hbm>>
      %dma_start3A_2175 = arith.constant 112 : i32
      %dma_start3A_2176 = arith.constant 0 : i32
      %dma_start3A_2177 = tpu.memref_slice %arg10[%dma_start3A_2175, %dma_start3A_2176] : memref<384x128xf32, #tpu.memory_space<vmem>> -> memref<8x128xf32, #tpu.memory_space<vmem>>
      %dma_start3A_2178 = arith.constant 16 : i32
      %dma_start3A_2179 = tpu.memref_slice %arg5[%dma_start3A_2178, %multiple_of3A_2119] : memref<32x1000000xf32, #tpu.memory_space<hbm>> -> memref<8x128xf32, #tpu.memory_space<hbm>>
      tpu.enqueue_dma source(%dma_start3A_2179 : memref<8x128xf32, #tpu.memory_space<hbm>>) target(%dma_start3A_2177 : memref<8x128xf32, #tpu.memory_space<vmem>>) target_semaphore(%arg16 : memref<!tpu.dma_semaphore, #tpu.memory_space<semaphore_mem>>)
      %dma_start3A_2180 = arith.constant 120 : i32
      %dma_start3A_2181 = arith.constant 0 : i32
      %dma_start3A_2182 = tpu.memref_slice %arg9[%dma_start3A_2180, %dma_start3A_2181] : memref<384x128xf32, #tpu.memory_space<vmem>> -> memref<8x128xf32, #tpu.memory_space<vmem>>
      %dma_start3A_2183 = arith.constant 24 : i32
      %dma_start3A_2184 = tpu.memref_slice %arg4[%dma_start3A_2183, %multiple_of3A_2116] : memref<32x1000000xf32, #tpu.memory_space<hbm>> -> memref<8x128xf32, #tpu.memory_space<hbm>>
      %dma_start3A_2185 = arith.constant 120 : i32
      %dma_start3A_2186 = arith.constant 0 : i32
      %dma_start3A_2187 = tpu.memref_slice %arg9[%dma_start3A_2185, %dma_start3A_2186] : memref<384x128xf32, #tpu.memory_space<vmem>> -> memref<8x128xf32, #tpu.memory_space<vmem>>
      %dma_start3A_2188 = arith.constant 24 : i32
      %dma_start3A_2189 = tpu.memref_slice %arg4[%dma_start3A_2188, %multiple_of3A_2116] : memref<32x1000000xf32, #tpu.memory_space<hbm>> -> memref<8x128xf32, #tpu.memory_space<hbm>>
      tpu.enqueue_dma source(%dma_start3A_2189 : memref<8x128xf32, #tpu.memory_space<hbm>>) target(%dma_start3A_2187 : memref<8x128xf32, #tpu.memory_space<vmem>>) target_semaphore(%arg13 : memref<!tpu.dma_semaphore, #tpu.memory_space<semaphore_mem>>)
      %dma_start3A_2190 = arith.constant 120 : i32
      %dma_start3A_2191 = arith.constant 0 : i32
      %dma_start3A_2192 = tpu.memref_slice %arg10[%dma_start3A_2190, %dma_start3A_2191] : memref<384x128xf32, #tpu.memory_space<vmem>> -> memref<8x128xf32, #tpu.memory_space<vmem>>
      %dma_start3A_2193 = arith.constant 24 : i32
      %dma_start3A_2194 = tpu.memref_slice %arg5[%dma_start3A_2193, %multiple_of3A_2119] : memref<32x1000000xf32, #tpu.memory_space<hbm>> -> memref<8x128xf32, #tpu.memory_space<hbm>>
      %dma_start3A_2195 = arith.constant 120 : i32
      %dma_start3A_2196 = arith.constant 0 : i32
      %dma_start3A_2197 = tpu.memref_slice %arg10[%dma_start3A_2195, %dma_start3A_2196] : memref<384x128xf32, #tpu.memory_space<vmem>> -> memref<8x128xf32, #tpu.memory_space<vmem>>
      %dma_start3A_2198 = arith.constant 24 : i32
      %dma_start3A_2199 = tpu.memref_slice %arg5[%dma_start3A_2198, %multiple_of3A_2119] : memref<32x1000000xf32, #tpu.memory_space<hbm>> -> memref<8x128xf32, #tpu.memory_space<hbm>>
      tpu.enqueue_dma source(%dma_start3A_2199 : memref<8x128xf32, #tpu.memory_space<hbm>>) target(%dma_start3A_2197 : memref<8x128xf32, #tpu.memory_space<vmem>>) target_semaphore(%arg16 : memref<!tpu.dma_semaphore, #tpu.memory_space<semaphore_mem>>)
      %dma_wait3A_2200 = arith.constant 128 : i32
      %dma_wait3A_2201 = arith.constant 0 : i32
      %dma_wait3A_2202 = tpu.memref_slice %arg9[%dma_wait3A_2200, %dma_wait3A_2201] : memref<384x128xf32, #tpu.memory_space<vmem>> -> memref<8x128xf32, #tpu.memory_space<vmem>>
      %dma_wait3A_2203 = arith.constant 0 : i32
      %dma_wait3A_2204 = tpu.memref_slice %arg4[%dma_wait3A_2203, %multiple_of3A_463] : memref<32x1000000xf32, #tpu.memory_space<hbm>> -> memref<8x128xf32, #tpu.memory_space<hbm>>
      %dma_wait3A_2205 = arith.constant 128 : i32
      %dma_wait3A_2206 = arith.constant 0 : i32
      %dma_wait3A_2207 = tpu.memref_slice %arg9[%dma_wait3A_2205, %dma_wait3A_2206] : memref<384x128xf32, #tpu.memory_space<vmem>> -> memref<8x128xf32, #tpu.memory_space<vmem>>
      %dma_wait3A_2208 = arith.constant 0 : i32
      %dma_wait3A_2209 = tpu.memref_slice %arg4[%dma_wait3A_2208, %multiple_of3A_463] : memref<32x1000000xf32, #tpu.memory_space<hbm>> -> memref<8x128xf32, #tpu.memory_space<hbm>>
      tpu.wait_dma2 semaphore(%arg14 : memref<!tpu.dma_semaphore, #tpu.memory_space<semaphore_mem>>) src(%dma_wait3A_2209 : memref<8x128xf32, #tpu.memory_space<hbm>>) dst(%dma_wait3A_2207 : memref<8x128xf32, #tpu.memory_space<vmem>>)
      %dma_wait3A_2210 = arith.constant 128 : i32
      %dma_wait3A_2211 = arith.constant 0 : i32
      %dma_wait3A_2212 = tpu.memref_slice %arg10[%dma_wait3A_2210, %dma_wait3A_2211] : memref<384x128xf32, #tpu.memory_space<vmem>> -> memref<8x128xf32, #tpu.memory_space<vmem>>
      %dma_wait3A_2213 = arith.constant 0 : i32
      %dma_wait3A_2214 = tpu.memref_slice %arg5[%dma_wait3A_2213, %multiple_of3A_466] : memref<32x1000000xf32, #tpu.memory_space<hbm>> -> memref<8x128xf32, #tpu.memory_space<hbm>>
      %dma_wait3A_2215 = arith.constant 128 : i32
      %dma_wait3A_2216 = arith.constant 0 : i32
      %dma_wait3A_2217 = tpu.memref_slice %arg10[%dma_wait3A_2215, %dma_wait3A_2216] : memref<384x128xf32, #tpu.memory_space<vmem>> -> memref<8x128xf32, #tpu.memory_space<vmem>>
      %dma_wait3A_2218 = arith.constant 0 : i32
      %dma_wait3A_2219 = tpu.memref_slice %arg5[%dma_wait3A_2218, %multiple_of3A_466] : memref<32x1000000xf32, #tpu.memory_space<hbm>> -> memref<8x128xf32, #tpu.memory_space<hbm>>
      tpu.wait_dma2 semaphore(%arg17 : memref<!tpu.dma_semaphore, #tpu.memory_space<semaphore_mem>>) src(%dma_wait3A_2219 : memref<8x128xf32, #tpu.memory_space<hbm>>) dst(%dma_wait3A_2217 : memref<8x128xf32, #tpu.memory_space<vmem>>)
      %dma_wait3A_2220 = arith.constant 136 : i32
      %dma_wait3A_2221 = arith.constant 0 : i32
      %dma_wait3A_2222 = tpu.memref_slice %arg9[%dma_wait3A_2220, %dma_wait3A_2221] : memref<384x128xf32, #tpu.memory_space<vmem>> -> memref<8x128xf32, #tpu.memory_space<vmem>>
      %dma_wait3A_2223 = arith.constant 8 : i32
      %dma_wait3A_2224 = tpu.memref_slice %arg4[%dma_wait3A_2223, %multiple_of3A_463] : memref<32x1000000xf32, #tpu.memory_space<hbm>> -> memref<8x128xf32, #tpu.memory_space<hbm>>
      %dma_wait3A_2225 = arith.constant 136 : i32
      %dma_wait3A_2226 = arith.constant 0 : i32
      %dma_wait3A_2227 = tpu.memref_slice %arg9[%dma_wait3A_2225, %dma_wait3A_2226] : memref<384x128xf32, #tpu.memory_space<vmem>> -> memref<8x128xf32, #tpu.memory_space<vmem>>
      %dma_wait3A_2228 = arith.constant 8 : i32
      %dma_wait3A_2229 = tpu.memref_slice %arg4[%dma_wait3A_2228, %multiple_of3A_463] : memref<32x1000000xf32, #tpu.memory_space<hbm>> -> memref<8x128xf32, #tpu.memory_space<hbm>>
      tpu.wait_dma2 semaphore(%arg14 : memref<!tpu.dma_semaphore, #tpu.memory_space<semaphore_mem>>) src(%dma_wait3A_2229 : memref<8x128xf32, #tpu.memory_space<hbm>>) dst(%dma_wait3A_2227 : memref<8x128xf32, #tpu.memory_space<vmem>>)
      %dma_wait3A_2230 = arith.constant 136 : i32
      %dma_wait3A_2231 = arith.constant 0 : i32
      %dma_wait3A_2232 = tpu.memref_slice %arg10[%dma_wait3A_2230, %dma_wait3A_2231] : memref<384x128xf32, #tpu.memory_space<vmem>> -> memref<8x128xf32, #tpu.memory_space<vmem>>
      %dma_wait3A_2233 = arith.constant 8 : i32
      %dma_wait3A_2234 = tpu.memref_slice %arg5[%dma_wait3A_2233, %multiple_of3A_466] : memref<32x1000000xf32, #tpu.memory_space<hbm>> -> memref<8x128xf32, #tpu.memory_space<hbm>>
      %dma_wait3A_2235 = arith.constant 136 : i32
      %dma_wait3A_2236 = arith.constant 0 : i32
      %dma_wait3A_2237 = tpu.memref_slice %arg10[%dma_wait3A_2235, %dma_wait3A_2236] : memref<384x128xf32, #tpu.memory_space<vmem>> -> memref<8x128xf32, #tpu.memory_space<vmem>>
      %dma_wait3A_2238 = arith.constant 8 : i32
      %dma_wait3A_2239 = tpu.memref_slice %arg5[%dma_wait3A_2238, %multiple_of3A_466] : memref<32x1000000xf32, #tpu.memory_space<hbm>> -> memref<8x128xf32, #tpu.memory_space<hbm>>
      tpu.wait_dma2 semaphore(%arg17 : memref<!tpu.dma_semaphore, #tpu.memory_space<semaphore_mem>>) src(%dma_wait3A_2239 : memref<8x128xf32, #tpu.memory_space<hbm>>) dst(%dma_wait3A_2237 : memref<8x128xf32, #tpu.memory_space<vmem>>)
      %dma_wait3A_2240 = arith.constant 144 : i32
      %dma_wait3A_2241 = arith.constant 0 : i32
      %dma_wait3A_2242 = tpu.memref_slice %arg9[%dma_wait3A_2240, %dma_wait3A_2241] : memref<384x128xf32, #tpu.memory_space<vmem>> -> memref<8x128xf32, #tpu.memory_space<vmem>>
      %dma_wait3A_2243 = arith.constant 16 : i32
      %dma_wait3A_2244 = tpu.memref_slice %arg4[%dma_wait3A_2243, %multiple_of3A_463] : memref<32x1000000xf32, #tpu.memory_space<hbm>> -> memref<8x128xf32, #tpu.memory_space<hbm>>
      %dma_wait3A_2245 = arith.constant 144 : i32
      %dma_wait3A_2246 = arith.constant 0 : i32
      %dma_wait3A_2247 = tpu.memref_slice %arg9[%dma_wait3A_2245, %dma_wait3A_2246] : memref<384x128xf32, #tpu.memory_space<vmem>> -> memref<8x128xf32, #tpu.memory_space<vmem>>
      %dma_wait3A_2248 = arith.constant 16 : i32
      %dma_wait3A_2249 = tpu.memref_slice %arg4[%dma_wait3A_2248, %multiple_of3A_463] : memref<32x1000000xf32, #tpu.memory_space<hbm>> -> memref<8x128xf32, #tpu.memory_space<hbm>>
      tpu.wait_dma2 semaphore(%arg14 : memref<!tpu.dma_semaphore, #tpu.memory_space<semaphore_mem>>) src(%dma_wait3A_2249 : memref<8x128xf32, #tpu.memory_space<hbm>>) dst(%dma_wait3A_2247 : memref<8x128xf32, #tpu.memory_space<vmem>>)
      %dma_wait3A_2250 = arith.constant 144 : i32
      %dma_wait3A_2251 = arith.constant 0 : i32
      %dma_wait3A_2252 = tpu.memref_slice %arg10[%dma_wait3A_2250, %dma_wait3A_2251] : memref<384x128xf32, #tpu.memory_space<vmem>> -> memref<8x128xf32, #tpu.memory_space<vmem>>
      %dma_wait3A_2253 = arith.constant 16 : i32
      %dma_wait3A_2254 = tpu.memref_slice %arg5[%dma_wait3A_2253, %multiple_of3A_466] : memref<32x1000000xf32, #tpu.memory_space<hbm>> -> memref<8x128xf32, #tpu.memory_space<hbm>>
      %dma_wait3A_2255 = arith.constant 144 : i32
      %dma_wait3A_2256 = arith.constant 0 : i32
      %dma_wait3A_2257 = tpu.memref_slice %arg10[%dma_wait3A_2255, %dma_wait3A_2256] : memref<384x128xf32, #tpu.memory_space<vmem>> -> memref<8x128xf32, #tpu.memory_space<vmem>>
      %dma_wait3A_2258 = arith.constant 16 : i32
      %dma_wait3A_2259 = tpu.memref_slice %arg5[%dma_wait3A_2258, %multiple_of3A_466] : memref<32x1000000xf32, #tpu.memory_space<hbm>> -> memref<8x128xf32, #tpu.memory_space<hbm>>
      tpu.wait_dma2 semaphore(%arg17 : memref<!tpu.dma_semaphore, #tpu.memory_space<semaphore_mem>>) src(%dma_wait3A_2259 : memref<8x128xf32, #tpu.memory_space<hbm>>) dst(%dma_wait3A_2257 : memref<8x128xf32, #tpu.memory_space<vmem>>)
      %dma_wait3A_2260 = arith.constant 152 : i32
      %dma_wait3A_2261 = arith.constant 0 : i32
      %dma_wait3A_2262 = tpu.memref_slice %arg9[%dma_wait3A_2260, %dma_wait3A_2261] : memref<384x128xf32, #tpu.memory_space<vmem>> -> memref<8x128xf32, #tpu.memory_space<vmem>>
      %dma_wait3A_2263 = arith.constant 24 : i32
      %dma_wait3A_2264 = tpu.memref_slice %arg4[%dma_wait3A_2263, %multiple_of3A_463] : memref<32x1000000xf32, #tpu.memory_space<hbm>> -> memref<8x128xf32, #tpu.memory_space<hbm>>
      %dma_wait3A_2265 = arith.constant 152 : i32
      %dma_wait3A_2266 = arith.constant 0 : i32
      %dma_wait3A_2267 = tpu.memref_slice %arg9[%dma_wait3A_2265, %dma_wait3A_2266] : memref<384x128xf32, #tpu.memory_space<vmem>> -> memref<8x128xf32, #tpu.memory_space<vmem>>
      %dma_wait3A_2268 = arith.constant 24 : i32
      %dma_wait3A_2269 = tpu.memref_slice %arg4[%dma_wait3A_2268, %multiple_of3A_463] : memref<32x1000000xf32, #tpu.memory_space<hbm>> -> memref<8x128xf32, #tpu.memory_space<hbm>>
      tpu.wait_dma2 semaphore(%arg14 : memref<!tpu.dma_semaphore, #tpu.memory_space<semaphore_mem>>) src(%dma_wait3A_2269 : memref<8x128xf32, #tpu.memory_space<hbm>>) dst(%dma_wait3A_2267 : memref<8x128xf32, #tpu.memory_space<vmem>>)
      %dma_wait3A_2270 = arith.constant 152 : i32
      %dma_wait3A_2271 = arith.constant 0 : i32
      %dma_wait3A_2272 = tpu.memref_slice %arg10[%dma_wait3A_2270, %dma_wait3A_2271] : memref<384x128xf32, #tpu.memory_space<vmem>> -> memref<8x128xf32, #tpu.memory_space<vmem>>
      %dma_wait3A_2273 = arith.constant 24 : i32
      %dma_wait3A_2274 = tpu.memref_slice %arg5[%dma_wait3A_2273, %multiple_of3A_466] : memref<32x1000000xf32, #tpu.memory_space<hbm>> -> memref<8x128xf32, #tpu.memory_space<hbm>>
      %dma_wait3A_2275 = arith.constant 152 : i32
      %dma_wait3A_2276 = arith.constant 0 : i32
      %dma_wait3A_2277 = tpu.memref_slice %arg10[%dma_wait3A_2275, %dma_wait3A_2276] : memref<384x128xf32, #tpu.memory_space<vmem>> -> memref<8x128xf32, #tpu.memory_space<vmem>>
      %dma_wait3A_2278 = arith.constant 24 : i32
      %dma_wait3A_2279 = tpu.memref_slice %arg5[%dma_wait3A_2278, %multiple_of3A_466] : memref<32x1000000xf32, #tpu.memory_space<hbm>> -> memref<8x128xf32, #tpu.memory_space<hbm>>
      tpu.wait_dma2 semaphore(%arg17 : memref<!tpu.dma_semaphore, #tpu.memory_space<semaphore_mem>>) src(%dma_wait3A_2279 : memref<8x128xf32, #tpu.memory_space<hbm>>) dst(%dma_wait3A_2277 : memref<8x128xf32, #tpu.memory_space<vmem>>)
      %dma_wait3A_2280 = arith.constant 160 : i32
      %dma_wait3A_2281 = arith.constant 0 : i32
      %dma_wait3A_2282 = tpu.memref_slice %arg9[%dma_wait3A_2280, %dma_wait3A_2281] : memref<384x128xf32, #tpu.memory_space<vmem>> -> memref<8x128xf32, #tpu.memory_space<vmem>>
      %dma_wait3A_2283 = arith.constant 0 : i32
      %dma_wait3A_2284 = tpu.memref_slice %arg4[%dma_wait3A_2283, %multiple_of3A_569] : memref<32x1000000xf32, #tpu.memory_space<hbm>> -> memref<8x128xf32, #tpu.memory_space<hbm>>
      %dma_wait3A_2285 = arith.constant 160 : i32
      %dma_wait3A_2286 = arith.constant 0 : i32
      %dma_wait3A_2287 = tpu.memref_slice %arg9[%dma_wait3A_2285, %dma_wait3A_2286] : memref<384x128xf32, #tpu.memory_space<vmem>> -> memref<8x128xf32, #tpu.memory_space<vmem>>
      %dma_wait3A_2288 = arith.constant 0 : i32
      %dma_wait3A_2289 = tpu.memref_slice %arg4[%dma_wait3A_2288, %multiple_of3A_569] : memref<32x1000000xf32, #tpu.memory_space<hbm>> -> memref<8x128xf32, #tpu.memory_space<hbm>>
      tpu.wait_dma2 semaphore(%arg14 : memref<!tpu.dma_semaphore, #tpu.memory_space<semaphore_mem>>) src(%dma_wait3A_2289 : memref<8x128xf32, #tpu.memory_space<hbm>>) dst(%dma_wait3A_2287 : memref<8x128xf32, #tpu.memory_space<vmem>>)
      %dma_wait3A_2290 = arith.constant 160 : i32
      %dma_wait3A_2291 = arith.constant 0 : i32
      %dma_wait3A_2292 = tpu.memref_slice %arg10[%dma_wait3A_2290, %dma_wait3A_2291] : memref<384x128xf32, #tpu.memory_space<vmem>> -> memref<8x128xf32, #tpu.memory_space<vmem>>
      %dma_wait3A_2293 = arith.constant 0 : i32
      %dma_wait3A_2294 = tpu.memref_slice %arg5[%dma_wait3A_2293, %multiple_of3A_572] : memref<32x1000000xf32, #tpu.memory_space<hbm>> -> memref<8x128xf32, #tpu.memory_space<hbm>>
      %dma_wait3A_2295 = arith.constant 160 : i32
      %dma_wait3A_2296 = arith.constant 0 : i32
      %dma_wait3A_2297 = tpu.memref_slice %arg10[%dma_wait3A_2295, %dma_wait3A_2296] : memref<384x128xf32, #tpu.memory_space<vmem>> -> memref<8x128xf32, #tpu.memory_space<vmem>>
      %dma_wait3A_2298 = arith.constant 0 : i32
      %dma_wait3A_2299 = tpu.memref_slice %arg5[%dma_wait3A_2298, %multiple_of3A_572] : memref<32x1000000xf32, #tpu.memory_space<hbm>> -> memref<8x128xf32, #tpu.memory_space<hbm>>
      tpu.wait_dma2 semaphore(%arg17 : memref<!tpu.dma_semaphore, #tpu.memory_space<semaphore_mem>>) src(%dma_wait3A_2299 : memref<8x128xf32, #tpu.memory_space<hbm>>) dst(%dma_wait3A_2297 : memref<8x128xf32, #tpu.memory_space<vmem>>)
      %dma_wait3A_2300 = arith.constant 168 : i32
      %dma_wait3A_2301 = arith.constant 0 : i32
      %dma_wait3A_2302 = tpu.memref_slice %arg9[%dma_wait3A_2300, %dma_wait3A_2301] : memref<384x128xf32, #tpu.memory_space<vmem>> -> memref<8x128xf32, #tpu.memory_space<vmem>>
      %dma_wait3A_2303 = arith.constant 8 : i32
      %dma_wait3A_2304 = tpu.memref_slice %arg4[%dma_wait3A_2303, %multiple_of3A_569] : memref<32x1000000xf32, #tpu.memory_space<hbm>> -> memref<8x128xf32, #tpu.memory_space<hbm>>
      %dma_wait3A_2305 = arith.constant 168 : i32
      %dma_wait3A_2306 = arith.constant 0 : i32
      %dma_wait3A_2307 = tpu.memref_slice %arg9[%dma_wait3A_2305, %dma_wait3A_2306] : memref<384x128xf32, #tpu.memory_space<vmem>> -> memref<8x128xf32, #tpu.memory_space<vmem>>
      %dma_wait3A_2308 = arith.constant 8 : i32
      %dma_wait3A_2309 = tpu.memref_slice %arg4[%dma_wait3A_2308, %multiple_of3A_569] : memref<32x1000000xf32, #tpu.memory_space<hbm>> -> memref<8x128xf32, #tpu.memory_space<hbm>>
      tpu.wait_dma2 semaphore(%arg14 : memref<!tpu.dma_semaphore, #tpu.memory_space<semaphore_mem>>) src(%dma_wait3A_2309 : memref<8x128xf32, #tpu.memory_space<hbm>>) dst(%dma_wait3A_2307 : memref<8x128xf32, #tpu.memory_space<vmem>>)
      %dma_wait3A_2310 = arith.constant 168 : i32
      %dma_wait3A_2311 = arith.constant 0 : i32
      %dma_wait3A_2312 = tpu.memref_slice %arg10[%dma_wait3A_2310, %dma_wait3A_2311] : memref<384x128xf32, #tpu.memory_space<vmem>> -> memref<8x128xf32, #tpu.memory_space<vmem>>
      %dma_wait3A_2313 = arith.constant 8 : i32
      %dma_wait3A_2314 = tpu.memref_slice %arg5[%dma_wait3A_2313, %multiple_of3A_572] : memref<32x1000000xf32, #tpu.memory_space<hbm>> -> memref<8x128xf32, #tpu.memory_space<hbm>>
      %dma_wait3A_2315 = arith.constant 168 : i32
      %dma_wait3A_2316 = arith.constant 0 : i32
      %dma_wait3A_2317 = tpu.memref_slice %arg10[%dma_wait3A_2315, %dma_wait3A_2316] : memref<384x128xf32, #tpu.memory_space<vmem>> -> memref<8x128xf32, #tpu.memory_space<vmem>>
      %dma_wait3A_2318 = arith.constant 8 : i32
      %dma_wait3A_2319 = tpu.memref_slice %arg5[%dma_wait3A_2318, %multiple_of3A_572] : memref<32x1000000xf32, #tpu.memory_space<hbm>> -> memref<8x128xf32, #tpu.memory_space<hbm>>
      tpu.wait_dma2 semaphore(%arg17 : memref<!tpu.dma_semaphore, #tpu.memory_space<semaphore_mem>>) src(%dma_wait3A_2319 : memref<8x128xf32, #tpu.memory_space<hbm>>) dst(%dma_wait3A_2317 : memref<8x128xf32, #tpu.memory_space<vmem>>)
      %dma_wait3A_2320 = arith.constant 176 : i32
      %dma_wait3A_2321 = arith.constant 0 : i32
      %dma_wait3A_2322 = tpu.memref_slice %arg9[%dma_wait3A_2320, %dma_wait3A_2321] : memref<384x128xf32, #tpu.memory_space<vmem>> -> memref<8x128xf32, #tpu.memory_space<vmem>>
      %dma_wait3A_2323 = arith.constant 16 : i32
      %dma_wait3A_2324 = tpu.memref_slice %arg4[%dma_wait3A_2323, %multiple_of3A_569] : memref<32x1000000xf32, #tpu.memory_space<hbm>> -> memref<8x128xf32, #tpu.memory_space<hbm>>
      %dma_wait3A_2325 = arith.constant 176 : i32
      %dma_wait3A_2326 = arith.constant 0 : i32
      %dma_wait3A_2327 = tpu.memref_slice %arg9[%dma_wait3A_2325, %dma_wait3A_2326] : memref<384x128xf32, #tpu.memory_space<vmem>> -> memref<8x128xf32, #tpu.memory_space<vmem>>
      %dma_wait3A_2328 = arith.constant 16 : i32
      %dma_wait3A_2329 = tpu.memref_slice %arg4[%dma_wait3A_2328, %multiple_of3A_569] : memref<32x1000000xf32, #tpu.memory_space<hbm>> -> memref<8x128xf32, #tpu.memory_space<hbm>>
      tpu.wait_dma2 semaphore(%arg14 : memref<!tpu.dma_semaphore, #tpu.memory_space<semaphore_mem>>) src(%dma_wait3A_2329 : memref<8x128xf32, #tpu.memory_space<hbm>>) dst(%dma_wait3A_2327 : memref<8x128xf32, #tpu.memory_space<vmem>>)
      %dma_wait3A_2330 = arith.constant 176 : i32
      %dma_wait3A_2331 = arith.constant 0 : i32
      %dma_wait3A_2332 = tpu.memref_slice %arg10[%dma_wait3A_2330, %dma_wait3A_2331] : memref<384x128xf32, #tpu.memory_space<vmem>> -> memref<8x128xf32, #tpu.memory_space<vmem>>
      %dma_wait3A_2333 = arith.constant 16 : i32
      %dma_wait3A_2334 = tpu.memref_slice %arg5[%dma_wait3A_2333, %multiple_of3A_572] : memref<32x1000000xf32, #tpu.memory_space<hbm>> -> memref<8x128xf32, #tpu.memory_space<hbm>>
      %dma_wait3A_2335 = arith.constant 176 : i32
      %dma_wait3A_2336 = arith.constant 0 : i32
      %dma_wait3A_2337 = tpu.memref_slice %arg10[%dma_wait3A_2335, %dma_wait3A_2336] : memref<384x128xf32, #tpu.memory_space<vmem>> -> memref<8x128xf32, #tpu.memory_space<vmem>>
      %dma_wait3A_2338 = arith.constant 16 : i32
      %dma_wait3A_2339 = tpu.memref_slice %arg5[%dma_wait3A_2338, %multiple_of3A_572] : memref<32x1000000xf32, #tpu.memory_space<hbm>> -> memref<8x128xf32, #tpu.memory_space<hbm>>
      tpu.wait_dma2 semaphore(%arg17 : memref<!tpu.dma_semaphore, #tpu.memory_space<semaphore_mem>>) src(%dma_wait3A_2339 : memref<8x128xf32, #tpu.memory_space<hbm>>) dst(%dma_wait3A_2337 : memref<8x128xf32, #tpu.memory_space<vmem>>)
      %dma_wait3A_2340 = arith.constant 184 : i32
      %dma_wait3A_2341 = arith.constant 0 : i32
      %dma_wait3A_2342 = tpu.memref_slice %arg9[%dma_wait3A_2340, %dma_wait3A_2341] : memref<384x128xf32, #tpu.memory_space<vmem>> -> memref<8x128xf32, #tpu.memory_space<vmem>>
      %dma_wait3A_2343 = arith.constant 24 : i32
      %dma_wait3A_2344 = tpu.memref_slice %arg4[%dma_wait3A_2343, %multiple_of3A_569] : memref<32x1000000xf32, #tpu.memory_space<hbm>> -> memref<8x128xf32, #tpu.memory_space<hbm>>
      %dma_wait3A_2345 = arith.constant 184 : i32
      %dma_wait3A_2346 = arith.constant 0 : i32
      %dma_wait3A_2347 = tpu.memref_slice %arg9[%dma_wait3A_2345, %dma_wait3A_2346] : memref<384x128xf32, #tpu.memory_space<vmem>> -> memref<8x128xf32, #tpu.memory_space<vmem>>
      %dma_wait3A_2348 = arith.constant 24 : i32
      %dma_wait3A_2349 = tpu.memref_slice %arg4[%dma_wait3A_2348, %multiple_of3A_569] : memref<32x1000000xf32, #tpu.memory_space<hbm>> -> memref<8x128xf32, #tpu.memory_space<hbm>>
      tpu.wait_dma2 semaphore(%arg14 : memref<!tpu.dma_semaphore, #tpu.memory_space<semaphore_mem>>) src(%dma_wait3A_2349 : memref<8x128xf32, #tpu.memory_space<hbm>>) dst(%dma_wait3A_2347 : memref<8x128xf32, #tpu.memory_space<vmem>>)
      %dma_wait3A_2350 = arith.constant 184 : i32
      %dma_wait3A_2351 = arith.constant 0 : i32
      %dma_wait3A_2352 = tpu.memref_slice %arg10[%dma_wait3A_2350, %dma_wait3A_2351] : memref<384x128xf32, #tpu.memory_space<vmem>> -> memref<8x128xf32, #tpu.memory_space<vmem>>
      %dma_wait3A_2353 = arith.constant 24 : i32
      %dma_wait3A_2354 = tpu.memref_slice %arg5[%dma_wait3A_2353, %multiple_of3A_572] : memref<32x1000000xf32, #tpu.memory_space<hbm>> -> memref<8x128xf32, #tpu.memory_space<hbm>>
      %dma_wait3A_2355 = arith.constant 184 : i32
      %dma_wait3A_2356 = arith.constant 0 : i32
      %dma_wait3A_2357 = tpu.memref_slice %arg10[%dma_wait3A_2355, %dma_wait3A_2356] : memref<384x128xf32, #tpu.memory_space<vmem>> -> memref<8x128xf32, #tpu.memory_space<vmem>>
      %dma_wait3A_2358 = arith.constant 24 : i32
      %dma_wait3A_2359 = tpu.memref_slice %arg5[%dma_wait3A_2358, %multiple_of3A_572] : memref<32x1000000xf32, #tpu.memory_space<hbm>> -> memref<8x128xf32, #tpu.memory_space<hbm>>
      tpu.wait_dma2 semaphore(%arg17 : memref<!tpu.dma_semaphore, #tpu.memory_space<semaphore_mem>>) src(%dma_wait3A_2359 : memref<8x128xf32, #tpu.memory_space<hbm>>) dst(%dma_wait3A_2357 : memref<8x128xf32, #tpu.memory_space<vmem>>)
      %dma_wait3A_2360 = arith.constant 192 : i32
      %dma_wait3A_2361 = arith.constant 0 : i32
      %dma_wait3A_2362 = tpu.memref_slice %arg9[%dma_wait3A_2360, %dma_wait3A_2361] : memref<384x128xf32, #tpu.memory_space<vmem>> -> memref<8x128xf32, #tpu.memory_space<vmem>>
      %dma_wait3A_2363 = arith.constant 0 : i32
      %dma_wait3A_2364 = tpu.memref_slice %arg4[%dma_wait3A_2363, %multiple_of3A_675] : memref<32x1000000xf32, #tpu.memory_space<hbm>> -> memref<8x128xf32, #tpu.memory_space<hbm>>
      %dma_wait3A_2365 = arith.constant 192 : i32
      %dma_wait3A_2366 = arith.constant 0 : i32
      %dma_wait3A_2367 = tpu.memref_slice %arg9[%dma_wait3A_2365, %dma_wait3A_2366] : memref<384x128xf32, #tpu.memory_space<vmem>> -> memref<8x128xf32, #tpu.memory_space<vmem>>
      %dma_wait3A_2368 = arith.constant 0 : i32
      %dma_wait3A_2369 = tpu.memref_slice %arg4[%dma_wait3A_2368, %multiple_of3A_675] : memref<32x1000000xf32, #tpu.memory_space<hbm>> -> memref<8x128xf32, #tpu.memory_space<hbm>>
      tpu.wait_dma2 semaphore(%arg14 : memref<!tpu.dma_semaphore, #tpu.memory_space<semaphore_mem>>) src(%dma_wait3A_2369 : memref<8x128xf32, #tpu.memory_space<hbm>>) dst(%dma_wait3A_2367 : memref<8x128xf32, #tpu.memory_space<vmem>>)
      %dma_wait3A_2370 = arith.constant 192 : i32
      %dma_wait3A_2371 = arith.constant 0 : i32
      %dma_wait3A_2372 = tpu.memref_slice %arg10[%dma_wait3A_2370, %dma_wait3A_2371] : memref<384x128xf32, #tpu.memory_space<vmem>> -> memref<8x128xf32, #tpu.memory_space<vmem>>
      %dma_wait3A_2373 = arith.constant 0 : i32
      %dma_wait3A_2374 = tpu.memref_slice %arg5[%dma_wait3A_2373, %multiple_of3A_678] : memref<32x1000000xf32, #tpu.memory_space<hbm>> -> memref<8x128xf32, #tpu.memory_space<hbm>>
      %dma_wait3A_2375 = arith.constant 192 : i32
      %dma_wait3A_2376 = arith.constant 0 : i32
      %dma_wait3A_2377 = tpu.memref_slice %arg10[%dma_wait3A_2375, %dma_wait3A_2376] : memref<384x128xf32, #tpu.memory_space<vmem>> -> memref<8x128xf32, #tpu.memory_space<vmem>>
      %dma_wait3A_2378 = arith.constant 0 : i32
      %dma_wait3A_2379 = tpu.memref_slice %arg5[%dma_wait3A_2378, %multiple_of3A_678] : memref<32x1000000xf32, #tpu.memory_space<hbm>> -> memref<8x128xf32, #tpu.memory_space<hbm>>
      tpu.wait_dma2 semaphore(%arg17 : memref<!tpu.dma_semaphore, #tpu.memory_space<semaphore_mem>>) src(%dma_wait3A_2379 : memref<8x128xf32, #tpu.memory_space<hbm>>) dst(%dma_wait3A_2377 : memref<8x128xf32, #tpu.memory_space<vmem>>)
      %dma_wait3A_2380 = arith.constant 200 : i32
      %dma_wait3A_2381 = arith.constant 0 : i32
      %dma_wait3A_2382 = tpu.memref_slice %arg9[%dma_wait3A_2380, %dma_wait3A_2381] : memref<384x128xf32, #tpu.memory_space<vmem>> -> memref<8x128xf32, #tpu.memory_space<vmem>>
      %dma_wait3A_2383 = arith.constant 8 : i32
      %dma_wait3A_2384 = tpu.memref_slice %arg4[%dma_wait3A_2383, %multiple_of3A_675] : memref<32x1000000xf32, #tpu.memory_space<hbm>> -> memref<8x128xf32, #tpu.memory_space<hbm>>
      %dma_wait3A_2385 = arith.constant 200 : i32
      %dma_wait3A_2386 = arith.constant 0 : i32
      %dma_wait3A_2387 = tpu.memref_slice %arg9[%dma_wait3A_2385, %dma_wait3A_2386] : memref<384x128xf32, #tpu.memory_space<vmem>> -> memref<8x128xf32, #tpu.memory_space<vmem>>
      %dma_wait3A_2388 = arith.constant 8 : i32
      %dma_wait3A_2389 = tpu.memref_slice %arg4[%dma_wait3A_2388, %multiple_of3A_675] : memref<32x1000000xf32, #tpu.memory_space<hbm>> -> memref<8x128xf32, #tpu.memory_space<hbm>>
      tpu.wait_dma2 semaphore(%arg14 : memref<!tpu.dma_semaphore, #tpu.memory_space<semaphore_mem>>) src(%dma_wait3A_2389 : memref<8x128xf32, #tpu.memory_space<hbm>>) dst(%dma_wait3A_2387 : memref<8x128xf32, #tpu.memory_space<vmem>>)
      %dma_wait3A_2390 = arith.constant 200 : i32
      %dma_wait3A_2391 = arith.constant 0 : i32
      %dma_wait3A_2392 = tpu.memref_slice %arg10[%dma_wait3A_2390, %dma_wait3A_2391] : memref<384x128xf32, #tpu.memory_space<vmem>> -> memref<8x128xf32, #tpu.memory_space<vmem>>
      %dma_wait3A_2393 = arith.constant 8 : i32
      %dma_wait3A_2394 = tpu.memref_slice %arg5[%dma_wait3A_2393, %multiple_of3A_678] : memref<32x1000000xf32, #tpu.memory_space<hbm>> -> memref<8x128xf32, #tpu.memory_space<hbm>>
      %dma_wait3A_2395 = arith.constant 200 : i32
      %dma_wait3A_2396 = arith.constant 0 : i32
      %dma_wait3A_2397 = tpu.memref_slice %arg10[%dma_wait3A_2395, %dma_wait3A_2396] : memref<384x128xf32, #tpu.memory_space<vmem>> -> memref<8x128xf32, #tpu.memory_space<vmem>>
      %dma_wait3A_2398 = arith.constant 8 : i32
      %dma_wait3A_2399 = tpu.memref_slice %arg5[%dma_wait3A_2398, %multiple_of3A_678] : memref<32x1000000xf32, #tpu.memory_space<hbm>> -> memref<8x128xf32, #tpu.memory_space<hbm>>
      tpu.wait_dma2 semaphore(%arg17 : memref<!tpu.dma_semaphore, #tpu.memory_space<semaphore_mem>>) src(%dma_wait3A_2399 : memref<8x128xf32, #tpu.memory_space<hbm>>) dst(%dma_wait3A_2397 : memref<8x128xf32, #tpu.memory_space<vmem>>)
      %dma_wait3A_2400 = arith.constant 208 : i32
      %dma_wait3A_2401 = arith.constant 0 : i32
      %dma_wait3A_2402 = tpu.memref_slice %arg9[%dma_wait3A_2400, %dma_wait3A_2401] : memref<384x128xf32, #tpu.memory_space<vmem>> -> memref<8x128xf32, #tpu.memory_space<vmem>>
      %dma_wait3A_2403 = arith.constant 16 : i32
      %dma_wait3A_2404 = tpu.memref_slice %arg4[%dma_wait3A_2403, %multiple_of3A_675] : memref<32x1000000xf32, #tpu.memory_space<hbm>> -> memref<8x128xf32, #tpu.memory_space<hbm>>
      %dma_wait3A_2405 = arith.constant 208 : i32
      %dma_wait3A_2406 = arith.constant 0 : i32
      %dma_wait3A_2407 = tpu.memref_slice %arg9[%dma_wait3A_2405, %dma_wait3A_2406] : memref<384x128xf32, #tpu.memory_space<vmem>> -> memref<8x128xf32, #tpu.memory_space<vmem>>
      %dma_wait3A_2408 = arith.constant 16 : i32
      %dma_wait3A_2409 = tpu.memref_slice %arg4[%dma_wait3A_2408, %multiple_of3A_675] : memref<32x1000000xf32, #tpu.memory_space<hbm>> -> memref<8x128xf32, #tpu.memory_space<hbm>>
      tpu.wait_dma2 semaphore(%arg14 : memref<!tpu.dma_semaphore, #tpu.memory_space<semaphore_mem>>) src(%dma_wait3A_2409 : memref<8x128xf32, #tpu.memory_space<hbm>>) dst(%dma_wait3A_2407 : memref<8x128xf32, #tpu.memory_space<vmem>>)
      %dma_wait3A_2410 = arith.constant 208 : i32
      %dma_wait3A_2411 = arith.constant 0 : i32
      %dma_wait3A_2412 = tpu.memref_slice %arg10[%dma_wait3A_2410, %dma_wait3A_2411] : memref<384x128xf32, #tpu.memory_space<vmem>> -> memref<8x128xf32, #tpu.memory_space<vmem>>
      %dma_wait3A_2413 = arith.constant 16 : i32
      %dma_wait3A_2414 = tpu.memref_slice %arg5[%dma_wait3A_2413, %multiple_of3A_678] : memref<32x1000000xf32, #tpu.memory_space<hbm>> -> memref<8x128xf32, #tpu.memory_space<hbm>>
      %dma_wait3A_2415 = arith.constant 208 : i32
      %dma_wait3A_2416 = arith.constant 0 : i32
      %dma_wait3A_2417 = tpu.memref_slice %arg10[%dma_wait3A_2415, %dma_wait3A_2416] : memref<384x128xf32, #tpu.memory_space<vmem>> -> memref<8x128xf32, #tpu.memory_space<vmem>>
      %dma_wait3A_2418 = arith.constant 16 : i32
      %dma_wait3A_2419 = tpu.memref_slice %arg5[%dma_wait3A_2418, %multiple_of3A_678] : memref<32x1000000xf32, #tpu.memory_space<hbm>> -> memref<8x128xf32, #tpu.memory_space<hbm>>
      tpu.wait_dma2 semaphore(%arg17 : memref<!tpu.dma_semaphore, #tpu.memory_space<semaphore_mem>>) src(%dma_wait3A_2419 : memref<8x128xf32, #tpu.memory_space<hbm>>) dst(%dma_wait3A_2417 : memref<8x128xf32, #tpu.memory_space<vmem>>)
      %dma_wait3A_2420 = arith.constant 216 : i32
      %dma_wait3A_2421 = arith.constant 0 : i32
      %dma_wait3A_2422 = tpu.memref_slice %arg9[%dma_wait3A_2420, %dma_wait3A_2421] : memref<384x128xf32, #tpu.memory_space<vmem>> -> memref<8x128xf32, #tpu.memory_space<vmem>>
      %dma_wait3A_2423 = arith.constant 24 : i32
      %dma_wait3A_2424 = tpu.memref_slice %arg4[%dma_wait3A_2423, %multiple_of3A_675] : memref<32x1000000xf32, #tpu.memory_space<hbm>> -> memref<8x128xf32, #tpu.memory_space<hbm>>
      %dma_wait3A_2425 = arith.constant 216 : i32
      %dma_wait3A_2426 = arith.constant 0 : i32
      %dma_wait3A_2427 = tpu.memref_slice %arg9[%dma_wait3A_2425, %dma_wait3A_2426] : memref<384x128xf32, #tpu.memory_space<vmem>> -> memref<8x128xf32, #tpu.memory_space<vmem>>
      %dma_wait3A_2428 = arith.constant 24 : i32
      %dma_wait3A_2429 = tpu.memref_slice %arg4[%dma_wait3A_2428, %multiple_of3A_675] : memref<32x1000000xf32, #tpu.memory_space<hbm>> -> memref<8x128xf32, #tpu.memory_space<hbm>>
      tpu.wait_dma2 semaphore(%arg14 : memref<!tpu.dma_semaphore, #tpu.memory_space<semaphore_mem>>) src(%dma_wait3A_2429 : memref<8x128xf32, #tpu.memory_space<hbm>>) dst(%dma_wait3A_2427 : memref<8x128xf32, #tpu.memory_space<vmem>>)
      %dma_wait3A_2430 = arith.constant 216 : i32
      %dma_wait3A_2431 = arith.constant 0 : i32
      %dma_wait3A_2432 = tpu.memref_slice %arg10[%dma_wait3A_2430, %dma_wait3A_2431] : memref<384x128xf32, #tpu.memory_space<vmem>> -> memref<8x128xf32, #tpu.memory_space<vmem>>
      %dma_wait3A_2433 = arith.constant 24 : i32
      %dma_wait3A_2434 = tpu.memref_slice %arg5[%dma_wait3A_2433, %multiple_of3A_678] : memref<32x1000000xf32, #tpu.memory_space<hbm>> -> memref<8x128xf32, #tpu.memory_space<hbm>>
      %dma_wait3A_2435 = arith.constant 216 : i32
      %dma_wait3A_2436 = arith.constant 0 : i32
      %dma_wait3A_2437 = tpu.memref_slice %arg10[%dma_wait3A_2435, %dma_wait3A_2436] : memref<384x128xf32, #tpu.memory_space<vmem>> -> memref<8x128xf32, #tpu.memory_space<vmem>>
      %dma_wait3A_2438 = arith.constant 24 : i32
      %dma_wait3A_2439 = tpu.memref_slice %arg5[%dma_wait3A_2438, %multiple_of3A_678] : memref<32x1000000xf32, #tpu.memory_space<hbm>> -> memref<8x128xf32, #tpu.memory_space<hbm>>
      tpu.wait_dma2 semaphore(%arg17 : memref<!tpu.dma_semaphore, #tpu.memory_space<semaphore_mem>>) src(%dma_wait3A_2439 : memref<8x128xf32, #tpu.memory_space<hbm>>) dst(%dma_wait3A_2437 : memref<8x128xf32, #tpu.memory_space<vmem>>)
      %dma_wait3A_2440 = arith.constant 224 : i32
      %dma_wait3A_2441 = arith.constant 0 : i32
      %dma_wait3A_2442 = tpu.memref_slice %arg9[%dma_wait3A_2440, %dma_wait3A_2441] : memref<384x128xf32, #tpu.memory_space<vmem>> -> memref<8x128xf32, #tpu.memory_space<vmem>>
      %dma_wait3A_2443 = arith.constant 0 : i32
      %dma_wait3A_2444 = tpu.memref_slice %arg4[%dma_wait3A_2443, %multiple_of3A_781] : memref<32x1000000xf32, #tpu.memory_space<hbm>> -> memref<8x128xf32, #tpu.memory_space<hbm>>
      %dma_wait3A_2445 = arith.constant 224 : i32
      %dma_wait3A_2446 = arith.constant 0 : i32
      %dma_wait3A_2447 = tpu.memref_slice %arg9[%dma_wait3A_2445, %dma_wait3A_2446] : memref<384x128xf32, #tpu.memory_space<vmem>> -> memref<8x128xf32, #tpu.memory_space<vmem>>
      %dma_wait3A_2448 = arith.constant 0 : i32
      %dma_wait3A_2449 = tpu.memref_slice %arg4[%dma_wait3A_2448, %multiple_of3A_781] : memref<32x1000000xf32, #tpu.memory_space<hbm>> -> memref<8x128xf32, #tpu.memory_space<hbm>>
      tpu.wait_dma2 semaphore(%arg14 : memref<!tpu.dma_semaphore, #tpu.memory_space<semaphore_mem>>) src(%dma_wait3A_2449 : memref<8x128xf32, #tpu.memory_space<hbm>>) dst(%dma_wait3A_2447 : memref<8x128xf32, #tpu.memory_space<vmem>>)
      %dma_wait3A_2450 = arith.constant 224 : i32
      %dma_wait3A_2451 = arith.constant 0 : i32
      %dma_wait3A_2452 = tpu.memref_slice %arg10[%dma_wait3A_2450, %dma_wait3A_2451] : memref<384x128xf32, #tpu.memory_space<vmem>> -> memref<8x128xf32, #tpu.memory_space<vmem>>
      %dma_wait3A_2453 = arith.constant 0 : i32
      %dma_wait3A_2454 = tpu.memref_slice %arg5[%dma_wait3A_2453, %multiple_of3A_784] : memref<32x1000000xf32, #tpu.memory_space<hbm>> -> memref<8x128xf32, #tpu.memory_space<hbm>>
      %dma_wait3A_2455 = arith.constant 224 : i32
      %dma_wait3A_2456 = arith.constant 0 : i32
      %dma_wait3A_2457 = tpu.memref_slice %arg10[%dma_wait3A_2455, %dma_wait3A_2456] : memref<384x128xf32, #tpu.memory_space<vmem>> -> memref<8x128xf32, #tpu.memory_space<vmem>>
      %dma_wait3A_2458 = arith.constant 0 : i32
      %dma_wait3A_2459 = tpu.memref_slice %arg5[%dma_wait3A_2458, %multiple_of3A_784] : memref<32x1000000xf32, #tpu.memory_space<hbm>> -> memref<8x128xf32, #tpu.memory_space<hbm>>
      tpu.wait_dma2 semaphore(%arg17 : memref<!tpu.dma_semaphore, #tpu.memory_space<semaphore_mem>>) src(%dma_wait3A_2459 : memref<8x128xf32, #tpu.memory_space<hbm>>) dst(%dma_wait3A_2457 : memref<8x128xf32, #tpu.memory_space<vmem>>)
      %dma_wait3A_2460 = arith.constant 232 : i32
      %dma_wait3A_2461 = arith.constant 0 : i32
      %dma_wait3A_2462 = tpu.memref_slice %arg9[%dma_wait3A_2460, %dma_wait3A_2461] : memref<384x128xf32, #tpu.memory_space<vmem>> -> memref<8x128xf32, #tpu.memory_space<vmem>>
      %dma_wait3A_2463 = arith.constant 8 : i32
      %dma_wait3A_2464 = tpu.memref_slice %arg4[%dma_wait3A_2463, %multiple_of3A_781] : memref<32x1000000xf32, #tpu.memory_space<hbm>> -> memref<8x128xf32, #tpu.memory_space<hbm>>
      %dma_wait3A_2465 = arith.constant 232 : i32
      %dma_wait3A_2466 = arith.constant 0 : i32
      %dma_wait3A_2467 = tpu.memref_slice %arg9[%dma_wait3A_2465, %dma_wait3A_2466] : memref<384x128xf32, #tpu.memory_space<vmem>> -> memref<8x128xf32, #tpu.memory_space<vmem>>
      %dma_wait3A_2468 = arith.constant 8 : i32
      %dma_wait3A_2469 = tpu.memref_slice %arg4[%dma_wait3A_2468, %multiple_of3A_781] : memref<32x1000000xf32, #tpu.memory_space<hbm>> -> memref<8x128xf32, #tpu.memory_space<hbm>>
      tpu.wait_dma2 semaphore(%arg14 : memref<!tpu.dma_semaphore, #tpu.memory_space<semaphore_mem>>) src(%dma_wait3A_2469 : memref<8x128xf32, #tpu.memory_space<hbm>>) dst(%dma_wait3A_2467 : memref<8x128xf32, #tpu.memory_space<vmem>>)
      %dma_wait3A_2470 = arith.constant 232 : i32
      %dma_wait3A_2471 = arith.constant 0 : i32
      %dma_wait3A_2472 = tpu.memref_slice %arg10[%dma_wait3A_2470, %dma_wait3A_2471] : memref<384x128xf32, #tpu.memory_space<vmem>> -> memref<8x128xf32, #tpu.memory_space<vmem>>
      %dma_wait3A_2473 = arith.constant 8 : i32
      %dma_wait3A_2474 = tpu.memref_slice %arg5[%dma_wait3A_2473, %multiple_of3A_784] : memref<32x1000000xf32, #tpu.memory_space<hbm>> -> memref<8x128xf32, #tpu.memory_space<hbm>>
      %dma_wait3A_2475 = arith.constant 232 : i32
      %dma_wait3A_2476 = arith.constant 0 : i32
      %dma_wait3A_2477 = tpu.memref_slice %arg10[%dma_wait3A_2475, %dma_wait3A_2476] : memref<384x128xf32, #tpu.memory_space<vmem>> -> memref<8x128xf32, #tpu.memory_space<vmem>>
      %dma_wait3A_2478 = arith.constant 8 : i32
      %dma_wait3A_2479 = tpu.memref_slice %arg5[%dma_wait3A_2478, %multiple_of3A_784] : memref<32x1000000xf32, #tpu.memory_space<hbm>> -> memref<8x128xf32, #tpu.memory_space<hbm>>
      tpu.wait_dma2 semaphore(%arg17 : memref<!tpu.dma_semaphore, #tpu.memory_space<semaphore_mem>>) src(%dma_wait3A_2479 : memref<8x128xf32, #tpu.memory_space<hbm>>) dst(%dma_wait3A_2477 : memref<8x128xf32, #tpu.memory_space<vmem>>)
      %dma_wait3A_2480 = arith.constant 240 : i32
      %dma_wait3A_2481 = arith.constant 0 : i32
      %dma_wait3A_2482 = tpu.memref_slice %arg9[%dma_wait3A_2480, %dma_wait3A_2481] : memref<384x128xf32, #tpu.memory_space<vmem>> -> memref<8x128xf32, #tpu.memory_space<vmem>>
      %dma_wait3A_2483 = arith.constant 16 : i32
      %dma_wait3A_2484 = tpu.memref_slice %arg4[%dma_wait3A_2483, %multiple_of3A_781] : memref<32x1000000xf32, #tpu.memory_space<hbm>> -> memref<8x128xf32, #tpu.memory_space<hbm>>
      %dma_wait3A_2485 = arith.constant 240 : i32
      %dma_wait3A_2486 = arith.constant 0 : i32
      %dma_wait3A_2487 = tpu.memref_slice %arg9[%dma_wait3A_2485, %dma_wait3A_2486] : memref<384x128xf32, #tpu.memory_space<vmem>> -> memref<8x128xf32, #tpu.memory_space<vmem>>
      %dma_wait3A_2488 = arith.constant 16 : i32
      %dma_wait3A_2489 = tpu.memref_slice %arg4[%dma_wait3A_2488, %multiple_of3A_781] : memref<32x1000000xf32, #tpu.memory_space<hbm>> -> memref<8x128xf32, #tpu.memory_space<hbm>>
      tpu.wait_dma2 semaphore(%arg14 : memref<!tpu.dma_semaphore, #tpu.memory_space<semaphore_mem>>) src(%dma_wait3A_2489 : memref<8x128xf32, #tpu.memory_space<hbm>>) dst(%dma_wait3A_2487 : memref<8x128xf32, #tpu.memory_space<vmem>>)
      %dma_wait3A_2490 = arith.constant 240 : i32
      %dma_wait3A_2491 = arith.constant 0 : i32
      %dma_wait3A_2492 = tpu.memref_slice %arg10[%dma_wait3A_2490, %dma_wait3A_2491] : memref<384x128xf32, #tpu.memory_space<vmem>> -> memref<8x128xf32, #tpu.memory_space<vmem>>
      %dma_wait3A_2493 = arith.constant 16 : i32
      %dma_wait3A_2494 = tpu.memref_slice %arg5[%dma_wait3A_2493, %multiple_of3A_784] : memref<32x1000000xf32, #tpu.memory_space<hbm>> -> memref<8x128xf32, #tpu.memory_space<hbm>>
      %dma_wait3A_2495 = arith.constant 240 : i32
      %dma_wait3A_2496 = arith.constant 0 : i32
      %dma_wait3A_2497 = tpu.memref_slice %arg10[%dma_wait3A_2495, %dma_wait3A_2496] : memref<384x128xf32, #tpu.memory_space<vmem>> -> memref<8x128xf32, #tpu.memory_space<vmem>>
      %dma_wait3A_2498 = arith.constant 16 : i32
      %dma_wait3A_2499 = tpu.memref_slice %arg5[%dma_wait3A_2498, %multiple_of3A_784] : memref<32x1000000xf32, #tpu.memory_space<hbm>> -> memref<8x128xf32, #tpu.memory_space<hbm>>
      tpu.wait_dma2 semaphore(%arg17 : memref<!tpu.dma_semaphore, #tpu.memory_space<semaphore_mem>>) src(%dma_wait3A_2499 : memref<8x128xf32, #tpu.memory_space<hbm>>) dst(%dma_wait3A_2497 : memref<8x128xf32, #tpu.memory_space<vmem>>)
      %dma_wait3A_2500 = arith.constant 248 : i32
      %dma_wait3A_2501 = arith.constant 0 : i32
      %dma_wait3A_2502 = tpu.memref_slice %arg9[%dma_wait3A_2500, %dma_wait3A_2501] : memref<384x128xf32, #tpu.memory_space<vmem>> -> memref<8x128xf32, #tpu.memory_space<vmem>>
      %dma_wait3A_2503 = arith.constant 24 : i32
      %dma_wait3A_2504 = tpu.memref_slice %arg4[%dma_wait3A_2503, %multiple_of3A_781] : memref<32x1000000xf32, #tpu.memory_space<hbm>> -> memref<8x128xf32, #tpu.memory_space<hbm>>
      %dma_wait3A_2505 = arith.constant 248 : i32
      %dma_wait3A_2506 = arith.constant 0 : i32
      %dma_wait3A_2507 = tpu.memref_slice %arg9[%dma_wait3A_2505, %dma_wait3A_2506] : memref<384x128xf32, #tpu.memory_space<vmem>> -> memref<8x128xf32, #tpu.memory_space<vmem>>
      %dma_wait3A_2508 = arith.constant 24 : i32
      %dma_wait3A_2509 = tpu.memref_slice %arg4[%dma_wait3A_2508, %multiple_of3A_781] : memref<32x1000000xf32, #tpu.memory_space<hbm>> -> memref<8x128xf32, #tpu.memory_space<hbm>>
      tpu.wait_dma2 semaphore(%arg14 : memref<!tpu.dma_semaphore, #tpu.memory_space<semaphore_mem>>) src(%dma_wait3A_2509 : memref<8x128xf32, #tpu.memory_space<hbm>>) dst(%dma_wait3A_2507 : memref<8x128xf32, #tpu.memory_space<vmem>>)
      %dma_wait3A_2510 = arith.constant 248 : i32
      %dma_wait3A_2511 = arith.constant 0 : i32
      %dma_wait3A_2512 = tpu.memref_slice %arg10[%dma_wait3A_2510, %dma_wait3A_2511] : memref<384x128xf32, #tpu.memory_space<vmem>> -> memref<8x128xf32, #tpu.memory_space<vmem>>
      %dma_wait3A_2513 = arith.constant 24 : i32
      %dma_wait3A_2514 = tpu.memref_slice %arg5[%dma_wait3A_2513, %multiple_of3A_784] : memref<32x1000000xf32, #tpu.memory_space<hbm>> -> memref<8x128xf32, #tpu.memory_space<hbm>>
      %dma_wait3A_2515 = arith.constant 248 : i32
      %dma_wait3A_2516 = arith.constant 0 : i32
      %dma_wait3A_2517 = tpu.memref_slice %arg10[%dma_wait3A_2515, %dma_wait3A_2516] : memref<384x128xf32, #tpu.memory_space<vmem>> -> memref<8x128xf32, #tpu.memory_space<vmem>>
      %dma_wait3A_2518 = arith.constant 24 : i32
      %dma_wait3A_2519 = tpu.memref_slice %arg5[%dma_wait3A_2518, %multiple_of3A_784] : memref<32x1000000xf32, #tpu.memory_space<hbm>> -> memref<8x128xf32, #tpu.memory_space<hbm>>
      tpu.wait_dma2 semaphore(%arg17 : memref<!tpu.dma_semaphore, #tpu.memory_space<semaphore_mem>>) src(%dma_wait3A_2519 : memref<8x128xf32, #tpu.memory_space<hbm>>) dst(%dma_wait3A_2517 : memref<8x128xf32, #tpu.memory_space<vmem>>)
      %broadcast_in_dim3A_2520 = arith.constant 4 : i32
      %broadcast_in_dim3A_2521 = vector.broadcast %broadcast_in_dim3A_2520 : i32 to vector<16xi32>
      %lt3A_2522 = arith.constant 0 : i32
      %lt3A_2523 = vector.broadcast %lt3A_2522 : i32 to vector<16xi32>
      %lt3A_2524 = arith.cmpi slt, %broadcast_in_dim3A_2521, %lt3A_2523 : vector<16xi32>
      %add3A_2525 = arith.constant 16 : i32
      %add3A_2526 = vector.broadcast %add3A_2525 : i32 to vector<16xi32>
      %add3A_2527 = arith.addi %broadcast_in_dim3A_2521, %add3A_2526 : vector<16xi32>
      %select_n3A_2528 = arith.select %lt3A_2524, %add3A_2527, %broadcast_in_dim3A_2521 : vector<16xi1>, vector<16xi32>
      %reshape3A_2529 = vector.shape_cast %select_n3A_2528 : vector<16xi32> to vector<16x1xi32>
      %gather3A_2530 = vector.shape_cast %reshape3A_2529 : vector<16x1xi32> to vector<16xi32>
      %gather3A_2531 = tpu.dynamic_gather %and3A_20[%gather3A_2530] in [0] : vector<16xi32>, vector<16xi32> -> vector<16xi32>
      %lt3A_2532 = arith.constant 0 : i32
      %lt3A_2533 = vector.broadcast %lt3A_2532 : i32 to vector<16xi32>
      %lt3A_2534 = arith.cmpi slt, %broadcast_in_dim3A_2521, %lt3A_2533 : vector<16xi32>
      %add3A_2535 = arith.constant 16 : i32
      %add3A_2536 = vector.broadcast %add3A_2535 : i32 to vector<16xi32>
      %add3A_2537 = arith.addi %broadcast_in_dim3A_2521, %add3A_2536 : vector<16xi32>
      %select_n3A_2538 = arith.select %lt3A_2534, %add3A_2537, %broadcast_in_dim3A_2521 : vector<16xi1>, vector<16xi32>
      %reshape3A_2539 = vector.shape_cast %select_n3A_2538 : vector<16xi32> to vector<16x1xi32>
      %gather3A_2540 = vector.shape_cast %reshape3A_2539 : vector<16x1xi32> to vector<16xi32>
      %gather3A_2541 = tpu.dynamic_gather %and3A_23[%gather3A_2540] in [0] : vector<16xi32>, vector<16xi32> -> vector<16xi32>
      %add3A_2542 = arith.constant 128 : i32
      %add3A_2543 = vector.broadcast %add3A_2542 : i32 to vector<16xi32>
      %add3A_2544 = arith.addi %add3A_2543, %iota3A : vector<16xi32>
      %gather3A_2545 = tpu.vector_load_idx %arg9[%add3A_2544, %gather3A_2531] : memref<384x128xf32, #tpu.memory_space<vmem>>[vector<16xi32>, vector<16xi32>], vector<16xf32>,
      %add3A_2546 = arith.constant 144 : i32
      %add3A_2547 = vector.broadcast %add3A_2546 : i32 to vector<16xi32>
      %add3A_2548 = arith.addi %add3A_2547, %iota3A : vector<16xi32>
      %gather3A_2549 = tpu.vector_load_idx %arg9[%add3A_2548, %gather3A_2531] : memref<384x128xf32, #tpu.memory_space<vmem>>[vector<16xi32>, vector<16xi32>], vector<16xf32>,
      %add3A_2550 = arith.constant 128 : i32
      %add3A_2551 = vector.broadcast %add3A_2550 : i32 to vector<16xi32>
      %add3A_2552 = arith.addi %add3A_2551, %iota3A : vector<16xi32>
      %gather3A_2553 = tpu.vector_load_idx %arg10[%add3A_2552, %gather3A_2541] : memref<384x128xf32, #tpu.memory_space<vmem>>[vector<16xi32>, vector<16xi32>], vector<16xf32>,
      %add3A_2554 = arith.constant 144 : i32
      %add3A_2555 = vector.broadcast %add3A_2554 : i32 to vector<16xi32>
      %add3A_2556 = arith.addi %add3A_2555, %iota3A : vector<16xi32>
      %gather3A_2557 = tpu.vector_load_idx %arg10[%add3A_2556, %gather3A_2541] : memref<384x128xf32, #tpu.memory_space<vmem>>[vector<16xi32>, vector<16xi32>], vector<16xf32>,
      %mul3A_2558 = arith.mulf %gather3A_2545, %gather3A_2553 : vector<16xf32>
      %mul3A_2559 = arith.mulf %gather3A_2549, %gather3A_2557 : vector<16xf32>
      %add3A_2560 = arith.addf %mul3A_2558, %mul3A_2559 : vector<16xf32>
      %swap3A_2561 = arith.constant 68 : index
      %swap3A_2562 = tpu.vector_load %arg11[%swap3A_2561] {strides = array<i32>} : memref<272xf32, #tpu.memory_space<vmem>>, vector<16xf32>,
      tpu.vector_store %arg11[%swap3A_2561], %add3A_2560 {strides = array<i32>} : memref<272xf32, #tpu.memory_space<vmem>>, vector<16xf32>,
      %broadcast_in_dim3A_2563 = arith.constant 5 : i32
      %broadcast_in_dim3A_2564 = vector.broadcast %broadcast_in_dim3A_2563 : i32 to vector<16xi32>
      %lt3A_2565 = arith.constant 0 : i32
      %lt3A_2566 = vector.broadcast %lt3A_2565 : i32 to vector<16xi32>
      %lt3A_2567 = arith.cmpi slt, %broadcast_in_dim3A_2564, %lt3A_2566 : vector<16xi32>
      %add3A_2568 = arith.constant 16 : i32
      %add3A_2569 = vector.broadcast %add3A_2568 : i32 to vector<16xi32>
      %add3A_2570 = arith.addi %broadcast_in_dim3A_2564, %add3A_2569 : vector<16xi32>
      %select_n3A_2571 = arith.select %lt3A_2567, %add3A_2570, %broadcast_in_dim3A_2564 : vector<16xi1>, vector<16xi32>
      %reshape3A_2572 = vector.shape_cast %select_n3A_2571 : vector<16xi32> to vector<16x1xi32>
      %gather3A_2573 = vector.shape_cast %reshape3A_2572 : vector<16x1xi32> to vector<16xi32>
      %gather3A_2574 = tpu.dynamic_gather %and3A_20[%gather3A_2573] in [0] : vector<16xi32>, vector<16xi32> -> vector<16xi32>
      %lt3A_2575 = arith.constant 0 : i32
      %lt3A_2576 = vector.broadcast %lt3A_2575 : i32 to vector<16xi32>
      %lt3A_2577 = arith.cmpi slt, %broadcast_in_dim3A_2564, %lt3A_2576 : vector<16xi32>
      %add3A_2578 = arith.constant 16 : i32
      %add3A_2579 = vector.broadcast %add3A_2578 : i32 to vector<16xi32>
      %add3A_2580 = arith.addi %broadcast_in_dim3A_2564, %add3A_2579 : vector<16xi32>
      %select_n3A_2581 = arith.select %lt3A_2577, %add3A_2580, %broadcast_in_dim3A_2564 : vector<16xi1>, vector<16xi32>
      %reshape3A_2582 = vector.shape_cast %select_n3A_2581 : vector<16xi32> to vector<16x1xi32>
      %gather3A_2583 = vector.shape_cast %reshape3A_2582 : vector<16x1xi32> to vector<16xi32>
      %gather3A_2584 = tpu.dynamic_gather %and3A_23[%gather3A_2583] in [0] : vector<16xi32>, vector<16xi32> -> vector<16xi32>
      %add3A_2585 = arith.constant 160 : i32
      %add3A_2586 = vector.broadcast %add3A_2585 : i32 to vector<16xi32>
      %add3A_2587 = arith.addi %add3A_2586, %iota3A : vector<16xi32>
      %gather3A_2588 = tpu.vector_load_idx %arg9[%add3A_2587, %gather3A_2574] : memref<384x128xf32, #tpu.memory_space<vmem>>[vector<16xi32>, vector<16xi32>], vector<16xf32>,
      %add3A_2589 = arith.constant 176 : i32
      %add3A_2590 = vector.broadcast %add3A_2589 : i32 to vector<16xi32>
      %add3A_2591 = arith.addi %add3A_2590, %iota3A : vector<16xi32>
      %gather3A_2592 = tpu.vector_load_idx %arg9[%add3A_2591, %gather3A_2574] : memref<384x128xf32, #tpu.memory_space<vmem>>[vector<16xi32>, vector<16xi32>], vector<16xf32>,
      %add3A_2593 = arith.constant 160 : i32
      %add3A_2594 = vector.broadcast %add3A_2593 : i32 to vector<16xi32>
      %add3A_2595 = arith.addi %add3A_2594, %iota3A : vector<16xi32>
      %gather3A_2596 = tpu.vector_load_idx %arg10[%add3A_2595, %gather3A_2584] : memref<384x128xf32, #tpu.memory_space<vmem>>[vector<16xi32>, vector<16xi32>], vector<16xf32>,
      %add3A_2597 = arith.constant 176 : i32
      %add3A_2598 = vector.broadcast %add3A_2597 : i32 to vector<16xi32>
      %add3A_2599 = arith.addi %add3A_2598, %iota3A : vector<16xi32>
      %gather3A_2600 = tpu.vector_load_idx %arg10[%add3A_2599, %gather3A_2584] : memref<384x128xf32, #tpu.memory_space<vmem>>[vector<16xi32>, vector<16xi32>], vector<16xf32>,
      %mul3A_2601 = arith.mulf %gather3A_2588, %gather3A_2596 : vector<16xf32>
      %mul3A_2602 = arith.mulf %gather3A_2592, %gather3A_2600 : vector<16xf32>
      %add3A_2603 = arith.addf %mul3A_2601, %mul3A_2602 : vector<16xf32>
      %swap3A_2604 = arith.constant 85 : index
      %swap3A_2605 = tpu.vector_load %arg11[%swap3A_2604] {strides = array<i32>} : memref<272xf32, #tpu.memory_space<vmem>>, vector<16xf32>,
      tpu.vector_store %arg11[%swap3A_2604], %add3A_2603 {strides = array<i32>} : memref<272xf32, #tpu.memory_space<vmem>>, vector<16xf32>,
      %broadcast_in_dim3A_2606 = arith.constant 6 : i32
      %broadcast_in_dim3A_2607 = vector.broadcast %broadcast_in_dim3A_2606 : i32 to vector<16xi32>
      %lt3A_2608 = arith.constant 0 : i32
      %lt3A_2609 = vector.broadcast %lt3A_2608 : i32 to vector<16xi32>
      %lt3A_2610 = arith.cmpi slt, %broadcast_in_dim3A_2607, %lt3A_2609 : vector<16xi32>
      %add3A_2611 = arith.constant 16 : i32
      %add3A_2612 = vector.broadcast %add3A_2611 : i32 to vector<16xi32>
      %add3A_2613 = arith.addi %broadcast_in_dim3A_2607, %add3A_2612 : vector<16xi32>
      %select_n3A_2614 = arith.select %lt3A_2610, %add3A_2613, %broadcast_in_dim3A_2607 : vector<16xi1>, vector<16xi32>
      %reshape3A_2615 = vector.shape_cast %select_n3A_2614 : vector<16xi32> to vector<16x1xi32>
      %gather3A_2616 = vector.shape_cast %reshape3A_2615 : vector<16x1xi32> to vector<16xi32>
      %gather3A_2617 = tpu.dynamic_gather %and3A_20[%gather3A_2616] in [0] : vector<16xi32>, vector<16xi32> -> vector<16xi32>
      %lt3A_2618 = arith.constant 0 : i32
      %lt3A_2619 = vector.broadcast %lt3A_2618 : i32 to vector<16xi32>
      %lt3A_2620 = arith.cmpi slt, %broadcast_in_dim3A_2607, %lt3A_2619 : vector<16xi32>
      %add3A_2621 = arith.constant 16 : i32
      %add3A_2622 = vector.broadcast %add3A_2621 : i32 to vector<16xi32>
      %add3A_2623 = arith.addi %broadcast_in_dim3A_2607, %add3A_2622 : vector<16xi32>
      %select_n3A_2624 = arith.select %lt3A_2620, %add3A_2623, %broadcast_in_dim3A_2607 : vector<16xi1>, vector<16xi32>
      %reshape3A_2625 = vector.shape_cast %select_n3A_2624 : vector<16xi32> to vector<16x1xi32>
      %gather3A_2626 = vector.shape_cast %reshape3A_2625 : vector<16x1xi32> to vector<16xi32>
      %gather3A_2627 = tpu.dynamic_gather %and3A_23[%gather3A_2626] in [0] : vector<16xi32>, vector<16xi32> -> vector<16xi32>
      %add3A_2628 = arith.constant 192 : i32
      %add3A_2629 = vector.broadcast %add3A_2628 : i32 to vector<16xi32>
      %add3A_2630 = arith.addi %add3A_2629, %iota3A : vector<16xi32>
      %gather3A_2631 = tpu.vector_load_idx %arg9[%add3A_2630, %gather3A_2617] : memref<384x128xf32, #tpu.memory_space<vmem>>[vector<16xi32>, vector<16xi32>], vector<16xf32>,
      %add3A_2632 = arith.constant 208 : i32
      %add3A_2633 = vector.broadcast %add3A_2632 : i32 to vector<16xi32>
      %add3A_2634 = arith.addi %add3A_2633, %iota3A : vector<16xi32>
      %gather3A_2635 = tpu.vector_load_idx %arg9[%add3A_2634, %gather3A_2617] : memref<384x128xf32, #tpu.memory_space<vmem>>[vector<16xi32>, vector<16xi32>], vector<16xf32>,
      %add3A_2636 = arith.constant 192 : i32
      %add3A_2637 = vector.broadcast %add3A_2636 : i32 to vector<16xi32>
      %add3A_2638 = arith.addi %add3A_2637, %iota3A : vector<16xi32>
      %gather3A_2639 = tpu.vector_load_idx %arg10[%add3A_2638, %gather3A_2627] : memref<384x128xf32, #tpu.memory_space<vmem>>[vector<16xi32>, vector<16xi32>], vector<16xf32>,
      %add3A_2640 = arith.constant 208 : i32
      %add3A_2641 = vector.broadcast %add3A_2640 : i32 to vector<16xi32>
      %add3A_2642 = arith.addi %add3A_2641, %iota3A : vector<16xi32>
      %gather3A_2643 = tpu.vector_load_idx %arg10[%add3A_2642, %gather3A_2627] : memref<384x128xf32, #tpu.memory_space<vmem>>[vector<16xi32>, vector<16xi32>], vector<16xf32>,
      %mul3A_2644 = arith.mulf %gather3A_2631, %gather3A_2639 : vector<16xf32>
      %mul3A_2645 = arith.mulf %gather3A_2635, %gather3A_2643 : vector<16xf32>
      %add3A_2646 = arith.addf %mul3A_2644, %mul3A_2645 : vector<16xf32>
      %swap3A_2647 = arith.constant 102 : index
      %swap3A_2648 = tpu.vector_load %arg11[%swap3A_2647] {strides = array<i32>} : memref<272xf32, #tpu.memory_space<vmem>>, vector<16xf32>,
      tpu.vector_store %arg11[%swap3A_2647], %add3A_2646 {strides = array<i32>} : memref<272xf32, #tpu.memory_space<vmem>>, vector<16xf32>,
      %broadcast_in_dim3A_2649 = arith.constant 7 : i32
      %broadcast_in_dim3A_2650 = vector.broadcast %broadcast_in_dim3A_2649 : i32 to vector<16xi32>
      %lt3A_2651 = arith.constant 0 : i32
      %lt3A_2652 = vector.broadcast %lt3A_2651 : i32 to vector<16xi32>
      %lt3A_2653 = arith.cmpi slt, %broadcast_in_dim3A_2650, %lt3A_2652 : vector<16xi32>
      %add3A_2654 = arith.constant 16 : i32
      %add3A_2655 = vector.broadcast %add3A_2654 : i32 to vector<16xi32>
      %add3A_2656 = arith.addi %broadcast_in_dim3A_2650, %add3A_2655 : vector<16xi32>
      %select_n3A_2657 = arith.select %lt3A_2653, %add3A_2656, %broadcast_in_dim3A_2650 : vector<16xi1>, vector<16xi32>
      %reshape3A_2658 = vector.shape_cast %select_n3A_2657 : vector<16xi32> to vector<16x1xi32>
      %gather3A_2659 = vector.shape_cast %reshape3A_2658 : vector<16x1xi32> to vector<16xi32>
      %gather3A_2660 = tpu.dynamic_gather %and3A_20[%gather3A_2659] in [0] : vector<16xi32>, vector<16xi32> -> vector<16xi32>
      %lt3A_2661 = arith.constant 0 : i32
      %lt3A_2662 = vector.broadcast %lt3A_2661 : i32 to vector<16xi32>
      %lt3A_2663 = arith.cmpi slt, %broadcast_in_dim3A_2650, %lt3A_2662 : vector<16xi32>
      %add3A_2664 = arith.constant 16 : i32
      %add3A_2665 = vector.broadcast %add3A_2664 : i32 to vector<16xi32>
      %add3A_2666 = arith.addi %broadcast_in_dim3A_2650, %add3A_2665 : vector<16xi32>
      %select_n3A_2667 = arith.select %lt3A_2663, %add3A_2666, %broadcast_in_dim3A_2650 : vector<16xi1>, vector<16xi32>
      %reshape3A_2668 = vector.shape_cast %select_n3A_2667 : vector<16xi32> to vector<16x1xi32>
      %gather3A_2669 = vector.shape_cast %reshape3A_2668 : vector<16x1xi32> to vector<16xi32>
      %gather3A_2670 = tpu.dynamic_gather %and3A_23[%gather3A_2669] in [0] : vector<16xi32>, vector<16xi32> -> vector<16xi32>
      %add3A_2671 = arith.constant 224 : i32
      %add3A_2672 = vector.broadcast %add3A_2671 : i32 to vector<16xi32>
      %add3A_2673 = arith.addi %add3A_2672, %iota3A : vector<16xi32>
      %gather3A_2674 = tpu.vector_load_idx %arg9[%add3A_2673, %gather3A_2660] : memref<384x128xf32, #tpu.memory_space<vmem>>[vector<16xi32>, vector<16xi32>], vector<16xf32>,
      %add3A_2675 = arith.constant 240 : i32
      %add3A_2676 = vector.broadcast %add3A_2675 : i32 to vector<16xi32>
      %add3A_2677 = arith.addi %add3A_2676, %iota3A : vector<16xi32>
      %gather3A_2678 = tpu.vector_load_idx %arg9[%add3A_2677, %gather3A_2660] : memref<384x128xf32, #tpu.memory_space<vmem>>[vector<16xi32>, vector<16xi32>], vector<16xf32>,
      %add3A_2679 = arith.constant 224 : i32
      %add3A_2680 = vector.broadcast %add3A_2679 : i32 to vector<16xi32>
      %add3A_2681 = arith.addi %add3A_2680, %iota3A : vector<16xi32>
      %gather3A_2682 = tpu.vector_load_idx %arg10[%add3A_2681, %gather3A_2670] : memref<384x128xf32, #tpu.memory_space<vmem>>[vector<16xi32>, vector<16xi32>], vector<16xf32>,
      %add3A_2683 = arith.constant 240 : i32
      %add3A_2684 = vector.broadcast %add3A_2683 : i32 to vector<16xi32>
      %add3A_2685 = arith.addi %add3A_2684, %iota3A : vector<16xi32>
      %gather3A_2686 = tpu.vector_load_idx %arg10[%add3A_2685, %gather3A_2670] : memref<384x128xf32, #tpu.memory_space<vmem>>[vector<16xi32>, vector<16xi32>], vector<16xf32>,
      %mul3A_2687 = arith.mulf %gather3A_2674, %gather3A_2682 : vector<16xf32>
      %mul3A_2688 = arith.mulf %gather3A_2678, %gather3A_2686 : vector<16xf32>
      %add3A_2689 = arith.addf %mul3A_2687, %mul3A_2688 : vector<16xf32>
      %swap3A_2690 = arith.constant 119 : index
      %swap3A_2691 = tpu.vector_load %arg11[%swap3A_2690] {strides = array<i32>} : memref<272xf32, #tpu.memory_space<vmem>>, vector<16xf32>,
      tpu.vector_store %arg11[%swap3A_2690], %add3A_2689 {strides = array<i32>} : memref<272xf32, #tpu.memory_space<vmem>>, vector<16xf32>,
      %dma_wait3A_2692 = arith.constant 256 : i32
      %dma_wait3A_2693 = arith.constant 0 : i32
      %dma_wait3A_2694 = tpu.memref_slice %arg9[%dma_wait3A_2692, %dma_wait3A_2693] : memref<384x128xf32, #tpu.memory_space<vmem>> -> memref<8x128xf32, #tpu.memory_space<vmem>>
      %dma_wait3A_2695 = arith.constant 0 : i32
      %dma_wait3A_2696 = tpu.memref_slice %arg4[%dma_wait3A_2695, %multiple_of3A_887] : memref<32x1000000xf32, #tpu.memory_space<hbm>> -> memref<8x128xf32, #tpu.memory_space<hbm>>
      %dma_wait3A_2697 = arith.constant 256 : i32
      %dma_wait3A_2698 = arith.constant 0 : i32
      %dma_wait3A_2699 = tpu.memref_slice %arg9[%dma_wait3A_2697, %dma_wait3A_2698] : memref<384x128xf32, #tpu.memory_space<vmem>> -> memref<8x128xf32, #tpu.memory_space<vmem>>
      %dma_wait3A_2700 = arith.constant 0 : i32
      %dma_wait3A_2701 = tpu.memref_slice %arg4[%dma_wait3A_2700, %multiple_of3A_887] : memref<32x1000000xf32, #tpu.memory_space<hbm>> -> memref<8x128xf32, #tpu.memory_space<hbm>>
      tpu.wait_dma2 semaphore(%arg15 : memref<!tpu.dma_semaphore, #tpu.memory_space<semaphore_mem>>) src(%dma_wait3A_2701 : memref<8x128xf32, #tpu.memory_space<hbm>>) dst(%dma_wait3A_2699 : memref<8x128xf32, #tpu.memory_space<vmem>>)
      %dma_wait3A_2702 = arith.constant 256 : i32
      %dma_wait3A_2703 = arith.constant 0 : i32
      %dma_wait3A_2704 = tpu.memref_slice %arg10[%dma_wait3A_2702, %dma_wait3A_2703] : memref<384x128xf32, #tpu.memory_space<vmem>> -> memref<8x128xf32, #tpu.memory_space<vmem>>
      %dma_wait3A_2705 = arith.constant 0 : i32
      %dma_wait3A_2706 = tpu.memref_slice %arg5[%dma_wait3A_2705, %multiple_of3A_890] : memref<32x1000000xf32, #tpu.memory_space<hbm>> -> memref<8x128xf32, #tpu.memory_space<hbm>>
      %dma_wait3A_2707 = arith.constant 256 : i32
      %dma_wait3A_2708 = arith.constant 0 : i32
      %dma_wait3A_2709 = tpu.memref_slice %arg10[%dma_wait3A_2707, %dma_wait3A_2708] : memref<384x128xf32, #tpu.memory_space<vmem>> -> memref<8x128xf32, #tpu.memory_space<vmem>>
      %dma_wait3A_2710 = arith.constant 0 : i32
      %dma_wait3A_2711 = tpu.memref_slice %arg5[%dma_wait3A_2710, %multiple_of3A_890] : memref<32x1000000xf32, #tpu.memory_space<hbm>> -> memref<8x128xf32, #tpu.memory_space<hbm>>
      tpu.wait_dma2 semaphore(%arg18 : memref<!tpu.dma_semaphore, #tpu.memory_space<semaphore_mem>>) src(%dma_wait3A_2711 : memref<8x128xf32, #tpu.memory_space<hbm>>) dst(%dma_wait3A_2709 : memref<8x128xf32, #tpu.memory_space<vmem>>)
      %dma_wait3A_2712 = arith.constant 264 : i32
      %dma_wait3A_2713 = arith.constant 0 : i32
      %dma_wait3A_2714 = tpu.memref_slice %arg9[%dma_wait3A_2712, %dma_wait3A_2713] : memref<384x128xf32, #tpu.memory_space<vmem>> -> memref<8x128xf32, #tpu.memory_space<vmem>>
      %dma_wait3A_2715 = arith.constant 8 : i32
      %dma_wait3A_2716 = tpu.memref_slice %arg4[%dma_wait3A_2715, %multiple_of3A_887] : memref<32x1000000xf32, #tpu.memory_space<hbm>> -> memref<8x128xf32, #tpu.memory_space<hbm>>
      %dma_wait3A_2717 = arith.constant 264 : i32
      %dma_wait3A_2718 = arith.constant 0 : i32
      %dma_wait3A_2719 = tpu.memref_slice %arg9[%dma_wait3A_2717, %dma_wait3A_2718] : memref<384x128xf32, #tpu.memory_space<vmem>> -> memref<8x128xf32, #tpu.memory_space<vmem>>
      %dma_wait3A_2720 = arith.constant 8 : i32
      %dma_wait3A_2721 = tpu.memref_slice %arg4[%dma_wait3A_2720, %multiple_of3A_887] : memref<32x1000000xf32, #tpu.memory_space<hbm>> -> memref<8x128xf32, #tpu.memory_space<hbm>>
      tpu.wait_dma2 semaphore(%arg15 : memref<!tpu.dma_semaphore, #tpu.memory_space<semaphore_mem>>) src(%dma_wait3A_2721 : memref<8x128xf32, #tpu.memory_space<hbm>>) dst(%dma_wait3A_2719 : memref<8x128xf32, #tpu.memory_space<vmem>>)
      %dma_wait3A_2722 = arith.constant 264 : i32
      %dma_wait3A_2723 = arith.constant 0 : i32
      %dma_wait3A_2724 = tpu.memref_slice %arg10[%dma_wait3A_2722, %dma_wait3A_2723] : memref<384x128xf32, #tpu.memory_space<vmem>> -> memref<8x128xf32, #tpu.memory_space<vmem>>
      %dma_wait3A_2725 = arith.constant 8 : i32
      %dma_wait3A_2726 = tpu.memref_slice %arg5[%dma_wait3A_2725, %multiple_of3A_890] : memref<32x1000000xf32, #tpu.memory_space<hbm>> -> memref<8x128xf32, #tpu.memory_space<hbm>>
      %dma_wait3A_2727 = arith.constant 264 : i32
      %dma_wait3A_2728 = arith.constant 0 : i32
      %dma_wait3A_2729 = tpu.memref_slice %arg10[%dma_wait3A_2727, %dma_wait3A_2728] : memref<384x128xf32, #tpu.memory_space<vmem>> -> memref<8x128xf32, #tpu.memory_space<vmem>>
      %dma_wait3A_2730 = arith.constant 8 : i32
      %dma_wait3A_2731 = tpu.memref_slice %arg5[%dma_wait3A_2730, %multiple_of3A_890] : memref<32x1000000xf32, #tpu.memory_space<hbm>> -> memref<8x128xf32, #tpu.memory_space<hbm>>
      tpu.wait_dma2 semaphore(%arg18 : memref<!tpu.dma_semaphore, #tpu.memory_space<semaphore_mem>>) src(%dma_wait3A_2731 : memref<8x128xf32, #tpu.memory_space<hbm>>) dst(%dma_wait3A_2729 : memref<8x128xf32, #tpu.memory_space<vmem>>)
      %dma_wait3A_2732 = arith.constant 272 : i32
      %dma_wait3A_2733 = arith.constant 0 : i32
      %dma_wait3A_2734 = tpu.memref_slice %arg9[%dma_wait3A_2732, %dma_wait3A_2733] : memref<384x128xf32, #tpu.memory_space<vmem>> -> memref<8x128xf32, #tpu.memory_space<vmem>>
      %dma_wait3A_2735 = arith.constant 16 : i32
      %dma_wait3A_2736 = tpu.memref_slice %arg4[%dma_wait3A_2735, %multiple_of3A_887] : memref<32x1000000xf32, #tpu.memory_space<hbm>> -> memref<8x128xf32, #tpu.memory_space<hbm>>
      %dma_wait3A_2737 = arith.constant 272 : i32
      %dma_wait3A_2738 = arith.constant 0 : i32
      %dma_wait3A_2739 = tpu.memref_slice %arg9[%dma_wait3A_2737, %dma_wait3A_2738] : memref<384x128xf32, #tpu.memory_space<vmem>> -> memref<8x128xf32, #tpu.memory_space<vmem>>
      %dma_wait3A_2740 = arith.constant 16 : i32
      %dma_wait3A_2741 = tpu.memref_slice %arg4[%dma_wait3A_2740, %multiple_of3A_887] : memref<32x1000000xf32, #tpu.memory_space<hbm>> -> memref<8x128xf32, #tpu.memory_space<hbm>>
      tpu.wait_dma2 semaphore(%arg15 : memref<!tpu.dma_semaphore, #tpu.memory_space<semaphore_mem>>) src(%dma_wait3A_2741 : memref<8x128xf32, #tpu.memory_space<hbm>>) dst(%dma_wait3A_2739 : memref<8x128xf32, #tpu.memory_space<vmem>>)
      %dma_wait3A_2742 = arith.constant 272 : i32
      %dma_wait3A_2743 = arith.constant 0 : i32
      %dma_wait3A_2744 = tpu.memref_slice %arg10[%dma_wait3A_2742, %dma_wait3A_2743] : memref<384x128xf32, #tpu.memory_space<vmem>> -> memref<8x128xf32, #tpu.memory_space<vmem>>
      %dma_wait3A_2745 = arith.constant 16 : i32
      %dma_wait3A_2746 = tpu.memref_slice %arg5[%dma_wait3A_2745, %multiple_of3A_890] : memref<32x1000000xf32, #tpu.memory_space<hbm>> -> memref<8x128xf32, #tpu.memory_space<hbm>>
      %dma_wait3A_2747 = arith.constant 272 : i32
      %dma_wait3A_2748 = arith.constant 0 : i32
      %dma_wait3A_2749 = tpu.memref_slice %arg10[%dma_wait3A_2747, %dma_wait3A_2748] : memref<384x128xf32, #tpu.memory_space<vmem>> -> memref<8x128xf32, #tpu.memory_space<vmem>>
      %dma_wait3A_2750 = arith.constant 16 : i32
      %dma_wait3A_2751 = tpu.memref_slice %arg5[%dma_wait3A_2750, %multiple_of3A_890] : memref<32x1000000xf32, #tpu.memory_space<hbm>> -> memref<8x128xf32, #tpu.memory_space<hbm>>
      tpu.wait_dma2 semaphore(%arg18 : memref<!tpu.dma_semaphore, #tpu.memory_space<semaphore_mem>>) src(%dma_wait3A_2751 : memref<8x128xf32, #tpu.memory_space<hbm>>) dst(%dma_wait3A_2749 : memref<8x128xf32, #tpu.memory_space<vmem>>)
      %dma_wait3A_2752 = arith.constant 280 : i32
      %dma_wait3A_2753 = arith.constant 0 : i32
      %dma_wait3A_2754 = tpu.memref_slice %arg9[%dma_wait3A_2752, %dma_wait3A_2753] : memref<384x128xf32, #tpu.memory_space<vmem>> -> memref<8x128xf32, #tpu.memory_space<vmem>>
      %dma_wait3A_2755 = arith.constant 24 : i32
      %dma_wait3A_2756 = tpu.memref_slice %arg4[%dma_wait3A_2755, %multiple_of3A_887] : memref<32x1000000xf32, #tpu.memory_space<hbm>> -> memref<8x128xf32, #tpu.memory_space<hbm>>
      %dma_wait3A_2757 = arith.constant 280 : i32
      %dma_wait3A_2758 = arith.constant 0 : i32
      %dma_wait3A_2759 = tpu.memref_slice %arg9[%dma_wait3A_2757, %dma_wait3A_2758] : memref<384x128xf32, #tpu.memory_space<vmem>> -> memref<8x128xf32, #tpu.memory_space<vmem>>
      %dma_wait3A_2760 = arith.constant 24 : i32
      %dma_wait3A_2761 = tpu.memref_slice %arg4[%dma_wait3A_2760, %multiple_of3A_887] : memref<32x1000000xf32, #tpu.memory_space<hbm>> -> memref<8x128xf32, #tpu.memory_space<hbm>>
      tpu.wait_dma2 semaphore(%arg15 : memref<!tpu.dma_semaphore, #tpu.memory_space<semaphore_mem>>) src(%dma_wait3A_2761 : memref<8x128xf32, #tpu.memory_space<hbm>>) dst(%dma_wait3A_2759 : memref<8x128xf32, #tpu.memory_space<vmem>>)
      %dma_wait3A_2762 = arith.constant 280 : i32
      %dma_wait3A_2763 = arith.constant 0 : i32
      %dma_wait3A_2764 = tpu.memref_slice %arg10[%dma_wait3A_2762, %dma_wait3A_2763] : memref<384x128xf32, #tpu.memory_space<vmem>> -> memref<8x128xf32, #tpu.memory_space<vmem>>
      %dma_wait3A_2765 = arith.constant 24 : i32
      %dma_wait3A_2766 = tpu.memref_slice %arg5[%dma_wait3A_2765, %multiple_of3A_890] : memref<32x1000000xf32, #tpu.memory_space<hbm>> -> memref<8x128xf32, #tpu.memory_space<hbm>>
      %dma_wait3A_2767 = arith.constant 280 : i32
      %dma_wait3A_2768 = arith.constant 0 : i32
      %dma_wait3A_2769 = tpu.memref_slice %arg10[%dma_wait3A_2767, %dma_wait3A_2768] : memref<384x128xf32, #tpu.memory_space<vmem>> -> memref<8x128xf32, #tpu.memory_space<vmem>>
      %dma_wait3A_2770 = arith.constant 24 : i32
      %dma_wait3A_2771 = tpu.memref_slice %arg5[%dma_wait3A_2770, %multiple_of3A_890] : memref<32x1000000xf32, #tpu.memory_space<hbm>> -> memref<8x128xf32, #tpu.memory_space<hbm>>
      tpu.wait_dma2 semaphore(%arg18 : memref<!tpu.dma_semaphore, #tpu.memory_space<semaphore_mem>>) src(%dma_wait3A_2771 : memref<8x128xf32, #tpu.memory_space<hbm>>) dst(%dma_wait3A_2769 : memref<8x128xf32, #tpu.memory_space<vmem>>)
      %dma_wait3A_2772 = arith.constant 288 : i32
      %dma_wait3A_2773 = arith.constant 0 : i32
      %dma_wait3A_2774 = tpu.memref_slice %arg9[%dma_wait3A_2772, %dma_wait3A_2773] : memref<384x128xf32, #tpu.memory_space<vmem>> -> memref<8x128xf32, #tpu.memory_space<vmem>>
      %dma_wait3A_2775 = arith.constant 0 : i32
      %dma_wait3A_2776 = tpu.memref_slice %arg4[%dma_wait3A_2775, %multiple_of3A_993] : memref<32x1000000xf32, #tpu.memory_space<hbm>> -> memref<8x128xf32, #tpu.memory_space<hbm>>
      %dma_wait3A_2777 = arith.constant 288 : i32
      %dma_wait3A_2778 = arith.constant 0 : i32
      %dma_wait3A_2779 = tpu.memref_slice %arg9[%dma_wait3A_2777, %dma_wait3A_2778] : memref<384x128xf32, #tpu.memory_space<vmem>> -> memref<8x128xf32, #tpu.memory_space<vmem>>
      %dma_wait3A_2780 = arith.constant 0 : i32
      %dma_wait3A_2781 = tpu.memref_slice %arg4[%dma_wait3A_2780, %multiple_of3A_993] : memref<32x1000000xf32, #tpu.memory_space<hbm>> -> memref<8x128xf32, #tpu.memory_space<hbm>>
      tpu.wait_dma2 semaphore(%arg15 : memref<!tpu.dma_semaphore, #tpu.memory_space<semaphore_mem>>) src(%dma_wait3A_2781 : memref<8x128xf32, #tpu.memory_space<hbm>>) dst(%dma_wait3A_2779 : memref<8x128xf32, #tpu.memory_space<vmem>>)
      %dma_wait3A_2782 = arith.constant 288 : i32
      %dma_wait3A_2783 = arith.constant 0 : i32
      %dma_wait3A_2784 = tpu.memref_slice %arg10[%dma_wait3A_2782, %dma_wait3A_2783] : memref<384x128xf32, #tpu.memory_space<vmem>> -> memref<8x128xf32, #tpu.memory_space<vmem>>
      %dma_wait3A_2785 = arith.constant 0 : i32
      %dma_wait3A_2786 = tpu.memref_slice %arg5[%dma_wait3A_2785, %multiple_of3A_996] : memref<32x1000000xf32, #tpu.memory_space<hbm>> -> memref<8x128xf32, #tpu.memory_space<hbm>>
      %dma_wait3A_2787 = arith.constant 288 : i32
      %dma_wait3A_2788 = arith.constant 0 : i32
      %dma_wait3A_2789 = tpu.memref_slice %arg10[%dma_wait3A_2787, %dma_wait3A_2788] : memref<384x128xf32, #tpu.memory_space<vmem>> -> memref<8x128xf32, #tpu.memory_space<vmem>>
      %dma_wait3A_2790 = arith.constant 0 : i32
      %dma_wait3A_2791 = tpu.memref_slice %arg5[%dma_wait3A_2790, %multiple_of3A_996] : memref<32x1000000xf32, #tpu.memory_space<hbm>> -> memref<8x128xf32, #tpu.memory_space<hbm>>
      tpu.wait_dma2 semaphore(%arg18 : memref<!tpu.dma_semaphore, #tpu.memory_space<semaphore_mem>>) src(%dma_wait3A_2791 : memref<8x128xf32, #tpu.memory_space<hbm>>) dst(%dma_wait3A_2789 : memref<8x128xf32, #tpu.memory_space<vmem>>)
      %dma_wait3A_2792 = arith.constant 296 : i32
      %dma_wait3A_2793 = arith.constant 0 : i32
      %dma_wait3A_2794 = tpu.memref_slice %arg9[%dma_wait3A_2792, %dma_wait3A_2793] : memref<384x128xf32, #tpu.memory_space<vmem>> -> memref<8x128xf32, #tpu.memory_space<vmem>>
      %dma_wait3A_2795 = arith.constant 8 : i32
      %dma_wait3A_2796 = tpu.memref_slice %arg4[%dma_wait3A_2795, %multiple_of3A_993] : memref<32x1000000xf32, #tpu.memory_space<hbm>> -> memref<8x128xf32, #tpu.memory_space<hbm>>
      %dma_wait3A_2797 = arith.constant 296 : i32
      %dma_wait3A_2798 = arith.constant 0 : i32
      %dma_wait3A_2799 = tpu.memref_slice %arg9[%dma_wait3A_2797, %dma_wait3A_2798] : memref<384x128xf32, #tpu.memory_space<vmem>> -> memref<8x128xf32, #tpu.memory_space<vmem>>
      %dma_wait3A_2800 = arith.constant 8 : i32
      %dma_wait3A_2801 = tpu.memref_slice %arg4[%dma_wait3A_2800, %multiple_of3A_993] : memref<32x1000000xf32, #tpu.memory_space<hbm>> -> memref<8x128xf32, #tpu.memory_space<hbm>>
      tpu.wait_dma2 semaphore(%arg15 : memref<!tpu.dma_semaphore, #tpu.memory_space<semaphore_mem>>) src(%dma_wait3A_2801 : memref<8x128xf32, #tpu.memory_space<hbm>>) dst(%dma_wait3A_2799 : memref<8x128xf32, #tpu.memory_space<vmem>>)
      %dma_wait3A_2802 = arith.constant 296 : i32
      %dma_wait3A_2803 = arith.constant 0 : i32
      %dma_wait3A_2804 = tpu.memref_slice %arg10[%dma_wait3A_2802, %dma_wait3A_2803] : memref<384x128xf32, #tpu.memory_space<vmem>> -> memref<8x128xf32, #tpu.memory_space<vmem>>
      %dma_wait3A_2805 = arith.constant 8 : i32
      %dma_wait3A_2806 = tpu.memref_slice %arg5[%dma_wait3A_2805, %multiple_of3A_996] : memref<32x1000000xf32, #tpu.memory_space<hbm>> -> memref<8x128xf32, #tpu.memory_space<hbm>>
      %dma_wait3A_2807 = arith.constant 296 : i32
      %dma_wait3A_2808 = arith.constant 0 : i32
      %dma_wait3A_2809 = tpu.memref_slice %arg10[%dma_wait3A_2807, %dma_wait3A_2808] : memref<384x128xf32, #tpu.memory_space<vmem>> -> memref<8x128xf32, #tpu.memory_space<vmem>>
      %dma_wait3A_2810 = arith.constant 8 : i32
      %dma_wait3A_2811 = tpu.memref_slice %arg5[%dma_wait3A_2810, %multiple_of3A_996] : memref<32x1000000xf32, #tpu.memory_space<hbm>> -> memref<8x128xf32, #tpu.memory_space<hbm>>
      tpu.wait_dma2 semaphore(%arg18 : memref<!tpu.dma_semaphore, #tpu.memory_space<semaphore_mem>>) src(%dma_wait3A_2811 : memref<8x128xf32, #tpu.memory_space<hbm>>) dst(%dma_wait3A_2809 : memref<8x128xf32, #tpu.memory_space<vmem>>)
      %dma_wait3A_2812 = arith.constant 304 : i32
      %dma_wait3A_2813 = arith.constant 0 : i32
      %dma_wait3A_2814 = tpu.memref_slice %arg9[%dma_wait3A_2812, %dma_wait3A_2813] : memref<384x128xf32, #tpu.memory_space<vmem>> -> memref<8x128xf32, #tpu.memory_space<vmem>>
      %dma_wait3A_2815 = arith.constant 16 : i32
      %dma_wait3A_2816 = tpu.memref_slice %arg4[%dma_wait3A_2815, %multiple_of3A_993] : memref<32x1000000xf32, #tpu.memory_space<hbm>> -> memref<8x128xf32, #tpu.memory_space<hbm>>
      %dma_wait3A_2817 = arith.constant 304 : i32
      %dma_wait3A_2818 = arith.constant 0 : i32
      %dma_wait3A_2819 = tpu.memref_slice %arg9[%dma_wait3A_2817, %dma_wait3A_2818] : memref<384x128xf32, #tpu.memory_space<vmem>> -> memref<8x128xf32, #tpu.memory_space<vmem>>
      %dma_wait3A_2820 = arith.constant 16 : i32
      %dma_wait3A_2821 = tpu.memref_slice %arg4[%dma_wait3A_2820, %multiple_of3A_993] : memref<32x1000000xf32, #tpu.memory_space<hbm>> -> memref<8x128xf32, #tpu.memory_space<hbm>>
      tpu.wait_dma2 semaphore(%arg15 : memref<!tpu.dma_semaphore, #tpu.memory_space<semaphore_mem>>) src(%dma_wait3A_2821 : memref<8x128xf32, #tpu.memory_space<hbm>>) dst(%dma_wait3A_2819 : memref<8x128xf32, #tpu.memory_space<vmem>>)
      %dma_wait3A_2822 = arith.constant 304 : i32
      %dma_wait3A_2823 = arith.constant 0 : i32
      %dma_wait3A_2824 = tpu.memref_slice %arg10[%dma_wait3A_2822, %dma_wait3A_2823] : memref<384x128xf32, #tpu.memory_space<vmem>> -> memref<8x128xf32, #tpu.memory_space<vmem>>
      %dma_wait3A_2825 = arith.constant 16 : i32
      %dma_wait3A_2826 = tpu.memref_slice %arg5[%dma_wait3A_2825, %multiple_of3A_996] : memref<32x1000000xf32, #tpu.memory_space<hbm>> -> memref<8x128xf32, #tpu.memory_space<hbm>>
      %dma_wait3A_2827 = arith.constant 304 : i32
      %dma_wait3A_2828 = arith.constant 0 : i32
      %dma_wait3A_2829 = tpu.memref_slice %arg10[%dma_wait3A_2827, %dma_wait3A_2828] : memref<384x128xf32, #tpu.memory_space<vmem>> -> memref<8x128xf32, #tpu.memory_space<vmem>>
      %dma_wait3A_2830 = arith.constant 16 : i32
      %dma_wait3A_2831 = tpu.memref_slice %arg5[%dma_wait3A_2830, %multiple_of3A_996] : memref<32x1000000xf32, #tpu.memory_space<hbm>> -> memref<8x128xf32, #tpu.memory_space<hbm>>
      tpu.wait_dma2 semaphore(%arg18 : memref<!tpu.dma_semaphore, #tpu.memory_space<semaphore_mem>>) src(%dma_wait3A_2831 : memref<8x128xf32, #tpu.memory_space<hbm>>) dst(%dma_wait3A_2829 : memref<8x128xf32, #tpu.memory_space<vmem>>)
      %dma_wait3A_2832 = arith.constant 312 : i32
      %dma_wait3A_2833 = arith.constant 0 : i32
      %dma_wait3A_2834 = tpu.memref_slice %arg9[%dma_wait3A_2832, %dma_wait3A_2833] : memref<384x128xf32, #tpu.memory_space<vmem>> -> memref<8x128xf32, #tpu.memory_space<vmem>>
      %dma_wait3A_2835 = arith.constant 24 : i32
      %dma_wait3A_2836 = tpu.memref_slice %arg4[%dma_wait3A_2835, %multiple_of3A_993] : memref<32x1000000xf32, #tpu.memory_space<hbm>> -> memref<8x128xf32, #tpu.memory_space<hbm>>
      %dma_wait3A_2837 = arith.constant 312 : i32
      %dma_wait3A_2838 = arith.constant 0 : i32
      %dma_wait3A_2839 = tpu.memref_slice %arg9[%dma_wait3A_2837, %dma_wait3A_2838] : memref<384x128xf32, #tpu.memory_space<vmem>> -> memref<8x128xf32, #tpu.memory_space<vmem>>
      %dma_wait3A_2840 = arith.constant 24 : i32
      %dma_wait3A_2841 = tpu.memref_slice %arg4[%dma_wait3A_2840, %multiple_of3A_993] : memref<32x1000000xf32, #tpu.memory_space<hbm>> -> memref<8x128xf32, #tpu.memory_space<hbm>>
      tpu.wait_dma2 semaphore(%arg15 : memref<!tpu.dma_semaphore, #tpu.memory_space<semaphore_mem>>) src(%dma_wait3A_2841 : memref<8x128xf32, #tpu.memory_space<hbm>>) dst(%dma_wait3A_2839 : memref<8x128xf32, #tpu.memory_space<vmem>>)
      %dma_wait3A_2842 = arith.constant 312 : i32
      %dma_wait3A_2843 = arith.constant 0 : i32
      %dma_wait3A_2844 = tpu.memref_slice %arg10[%dma_wait3A_2842, %dma_wait3A_2843] : memref<384x128xf32, #tpu.memory_space<vmem>> -> memref<8x128xf32, #tpu.memory_space<vmem>>
      %dma_wait3A_2845 = arith.constant 24 : i32
      %dma_wait3A_2846 = tpu.memref_slice %arg5[%dma_wait3A_2845, %multiple_of3A_996] : memref<32x1000000xf32, #tpu.memory_space<hbm>> -> memref<8x128xf32, #tpu.memory_space<hbm>>
      %dma_wait3A_2847 = arith.constant 312 : i32
      %dma_wait3A_2848 = arith.constant 0 : i32
      %dma_wait3A_2849 = tpu.memref_slice %arg10[%dma_wait3A_2847, %dma_wait3A_2848] : memref<384x128xf32, #tpu.memory_space<vmem>> -> memref<8x128xf32, #tpu.memory_space<vmem>>
      %dma_wait3A_2850 = arith.constant 24 : i32
      %dma_wait3A_2851 = tpu.memref_slice %arg5[%dma_wait3A_2850, %multiple_of3A_996] : memref<32x1000000xf32, #tpu.memory_space<hbm>> -> memref<8x128xf32, #tpu.memory_space<hbm>>
      tpu.wait_dma2 semaphore(%arg18 : memref<!tpu.dma_semaphore, #tpu.memory_space<semaphore_mem>>) src(%dma_wait3A_2851 : memref<8x128xf32, #tpu.memory_space<hbm>>) dst(%dma_wait3A_2849 : memref<8x128xf32, #tpu.memory_space<vmem>>)
      %dma_wait3A_2852 = arith.constant 320 : i32
      %dma_wait3A_2853 = arith.constant 0 : i32
      %dma_wait3A_2854 = tpu.memref_slice %arg9[%dma_wait3A_2852, %dma_wait3A_2853] : memref<384x128xf32, #tpu.memory_space<vmem>> -> memref<8x128xf32, #tpu.memory_space<vmem>>
      %dma_wait3A_2855 = arith.constant 0 : i32
      %dma_wait3A_2856 = tpu.memref_slice %arg4[%dma_wait3A_2855, %multiple_of3A_1099] : memref<32x1000000xf32, #tpu.memory_space<hbm>> -> memref<8x128xf32, #tpu.memory_space<hbm>>
      %dma_wait3A_2857 = arith.constant 320 : i32
      %dma_wait3A_2858 = arith.constant 0 : i32
      %dma_wait3A_2859 = tpu.memref_slice %arg9[%dma_wait3A_2857, %dma_wait3A_2858] : memref<384x128xf32, #tpu.memory_space<vmem>> -> memref<8x128xf32, #tpu.memory_space<vmem>>
      %dma_wait3A_2860 = arith.constant 0 : i32
      %dma_wait3A_2861 = tpu.memref_slice %arg4[%dma_wait3A_2860, %multiple_of3A_1099] : memref<32x1000000xf32, #tpu.memory_space<hbm>> -> memref<8x128xf32, #tpu.memory_space<hbm>>
      tpu.wait_dma2 semaphore(%arg15 : memref<!tpu.dma_semaphore, #tpu.memory_space<semaphore_mem>>) src(%dma_wait3A_2861 : memref<8x128xf32, #tpu.memory_space<hbm>>) dst(%dma_wait3A_2859 : memref<8x128xf32, #tpu.memory_space<vmem>>)
      %dma_wait3A_2862 = arith.constant 320 : i32
      %dma_wait3A_2863 = arith.constant 0 : i32
      %dma_wait3A_2864 = tpu.memref_slice %arg10[%dma_wait3A_2862, %dma_wait3A_2863] : memref<384x128xf32, #tpu.memory_space<vmem>> -> memref<8x128xf32, #tpu.memory_space<vmem>>
      %dma_wait3A_2865 = arith.constant 0 : i32
      %dma_wait3A_2866 = tpu.memref_slice %arg5[%dma_wait3A_2865, %multiple_of3A_1102] : memref<32x1000000xf32, #tpu.memory_space<hbm>> -> memref<8x128xf32, #tpu.memory_space<hbm>>
      %dma_wait3A_2867 = arith.constant 320 : i32
      %dma_wait3A_2868 = arith.constant 0 : i32
      %dma_wait3A_2869 = tpu.memref_slice %arg10[%dma_wait3A_2867, %dma_wait3A_2868] : memref<384x128xf32, #tpu.memory_space<vmem>> -> memref<8x128xf32, #tpu.memory_space<vmem>>
      %dma_wait3A_2870 = arith.constant 0 : i32
      %dma_wait3A_2871 = tpu.memref_slice %arg5[%dma_wait3A_2870, %multiple_of3A_1102] : memref<32x1000000xf32, #tpu.memory_space<hbm>> -> memref<8x128xf32, #tpu.memory_space<hbm>>
      tpu.wait_dma2 semaphore(%arg18 : memref<!tpu.dma_semaphore, #tpu.memory_space<semaphore_mem>>) src(%dma_wait3A_2871 : memref<8x128xf32, #tpu.memory_space<hbm>>) dst(%dma_wait3A_2869 : memref<8x128xf32, #tpu.memory_space<vmem>>)
      %dma_wait3A_2872 = arith.constant 328 : i32
      %dma_wait3A_2873 = arith.constant 0 : i32
      %dma_wait3A_2874 = tpu.memref_slice %arg9[%dma_wait3A_2872, %dma_wait3A_2873] : memref<384x128xf32, #tpu.memory_space<vmem>> -> memref<8x128xf32, #tpu.memory_space<vmem>>
      %dma_wait3A_2875 = arith.constant 8 : i32
      %dma_wait3A_2876 = tpu.memref_slice %arg4[%dma_wait3A_2875, %multiple_of3A_1099] : memref<32x1000000xf32, #tpu.memory_space<hbm>> -> memref<8x128xf32, #tpu.memory_space<hbm>>
      %dma_wait3A_2877 = arith.constant 328 : i32
      %dma_wait3A_2878 = arith.constant 0 : i32
      %dma_wait3A_2879 = tpu.memref_slice %arg9[%dma_wait3A_2877, %dma_wait3A_2878] : memref<384x128xf32, #tpu.memory_space<vmem>> -> memref<8x128xf32, #tpu.memory_space<vmem>>
      %dma_wait3A_2880 = arith.constant 8 : i32
      %dma_wait3A_2881 = tpu.memref_slice %arg4[%dma_wait3A_2880, %multiple_of3A_1099] : memref<32x1000000xf32, #tpu.memory_space<hbm>> -> memref<8x128xf32, #tpu.memory_space<hbm>>
      tpu.wait_dma2 semaphore(%arg15 : memref<!tpu.dma_semaphore, #tpu.memory_space<semaphore_mem>>) src(%dma_wait3A_2881 : memref<8x128xf32, #tpu.memory_space<hbm>>) dst(%dma_wait3A_2879 : memref<8x128xf32, #tpu.memory_space<vmem>>)
      %dma_wait3A_2882 = arith.constant 328 : i32
      %dma_wait3A_2883 = arith.constant 0 : i32
      %dma_wait3A_2884 = tpu.memref_slice %arg10[%dma_wait3A_2882, %dma_wait3A_2883] : memref<384x128xf32, #tpu.memory_space<vmem>> -> memref<8x128xf32, #tpu.memory_space<vmem>>
      %dma_wait3A_2885 = arith.constant 8 : i32
      %dma_wait3A_2886 = tpu.memref_slice %arg5[%dma_wait3A_2885, %multiple_of3A_1102] : memref<32x1000000xf32, #tpu.memory_space<hbm>> -> memref<8x128xf32, #tpu.memory_space<hbm>>
      %dma_wait3A_2887 = arith.constant 328 : i32
      %dma_wait3A_2888 = arith.constant 0 : i32
      %dma_wait3A_2889 = tpu.memref_slice %arg10[%dma_wait3A_2887, %dma_wait3A_2888] : memref<384x128xf32, #tpu.memory_space<vmem>> -> memref<8x128xf32, #tpu.memory_space<vmem>>
      %dma_wait3A_2890 = arith.constant 8 : i32
      %dma_wait3A_2891 = tpu.memref_slice %arg5[%dma_wait3A_2890, %multiple_of3A_1102] : memref<32x1000000xf32, #tpu.memory_space<hbm>> -> memref<8x128xf32, #tpu.memory_space<hbm>>
      tpu.wait_dma2 semaphore(%arg18 : memref<!tpu.dma_semaphore, #tpu.memory_space<semaphore_mem>>) src(%dma_wait3A_2891 : memref<8x128xf32, #tpu.memory_space<hbm>>) dst(%dma_wait3A_2889 : memref<8x128xf32, #tpu.memory_space<vmem>>)
      %dma_wait3A_2892 = arith.constant 336 : i32
      %dma_wait3A_2893 = arith.constant 0 : i32
      %dma_wait3A_2894 = tpu.memref_slice %arg9[%dma_wait3A_2892, %dma_wait3A_2893] : memref<384x128xf32, #tpu.memory_space<vmem>> -> memref<8x128xf32, #tpu.memory_space<vmem>>
      %dma_wait3A_2895 = arith.constant 16 : i32
      %dma_wait3A_2896 = tpu.memref_slice %arg4[%dma_wait3A_2895, %multiple_of3A_1099] : memref<32x1000000xf32, #tpu.memory_space<hbm>> -> memref<8x128xf32, #tpu.memory_space<hbm>>
      %dma_wait3A_2897 = arith.constant 336 : i32
      %dma_wait3A_2898 = arith.constant 0 : i32
      %dma_wait3A_2899 = tpu.memref_slice %arg9[%dma_wait3A_2897, %dma_wait3A_2898] : memref<384x128xf32, #tpu.memory_space<vmem>> -> memref<8x128xf32, #tpu.memory_space<vmem>>
      %dma_wait3A_2900 = arith.constant 16 : i32
      %dma_wait3A_2901 = tpu.memref_slice %arg4[%dma_wait3A_2900, %multiple_of3A_1099] : memref<32x1000000xf32, #tpu.memory_space<hbm>> -> memref<8x128xf32, #tpu.memory_space<hbm>>
      tpu.wait_dma2 semaphore(%arg15 : memref<!tpu.dma_semaphore, #tpu.memory_space<semaphore_mem>>) src(%dma_wait3A_2901 : memref<8x128xf32, #tpu.memory_space<hbm>>) dst(%dma_wait3A_2899 : memref<8x128xf32, #tpu.memory_space<vmem>>)
      %dma_wait3A_2902 = arith.constant 336 : i32
      %dma_wait3A_2903 = arith.constant 0 : i32
      %dma_wait3A_2904 = tpu.memref_slice %arg10[%dma_wait3A_2902, %dma_wait3A_2903] : memref<384x128xf32, #tpu.memory_space<vmem>> -> memref<8x128xf32, #tpu.memory_space<vmem>>
      %dma_wait3A_2905 = arith.constant 16 : i32
      %dma_wait3A_2906 = tpu.memref_slice %arg5[%dma_wait3A_2905, %multiple_of3A_1102] : memref<32x1000000xf32, #tpu.memory_space<hbm>> -> memref<8x128xf32, #tpu.memory_space<hbm>>
      %dma_wait3A_2907 = arith.constant 336 : i32
      %dma_wait3A_2908 = arith.constant 0 : i32
      %dma_wait3A_2909 = tpu.memref_slice %arg10[%dma_wait3A_2907, %dma_wait3A_2908] : memref<384x128xf32, #tpu.memory_space<vmem>> -> memref<8x128xf32, #tpu.memory_space<vmem>>
      %dma_wait3A_2910 = arith.constant 16 : i32
      %dma_wait3A_2911 = tpu.memref_slice %arg5[%dma_wait3A_2910, %multiple_of3A_1102] : memref<32x1000000xf32, #tpu.memory_space<hbm>> -> memref<8x128xf32, #tpu.memory_space<hbm>>
      tpu.wait_dma2 semaphore(%arg18 : memref<!tpu.dma_semaphore, #tpu.memory_space<semaphore_mem>>) src(%dma_wait3A_2911 : memref<8x128xf32, #tpu.memory_space<hbm>>) dst(%dma_wait3A_2909 : memref<8x128xf32, #tpu.memory_space<vmem>>)
      %dma_wait3A_2912 = arith.constant 344 : i32
      %dma_wait3A_2913 = arith.constant 0 : i32
      %dma_wait3A_2914 = tpu.memref_slice %arg9[%dma_wait3A_2912, %dma_wait3A_2913] : memref<384x128xf32, #tpu.memory_space<vmem>> -> memref<8x128xf32, #tpu.memory_space<vmem>>
      %dma_wait3A_2915 = arith.constant 24 : i32
      %dma_wait3A_2916 = tpu.memref_slice %arg4[%dma_wait3A_2915, %multiple_of3A_1099] : memref<32x1000000xf32, #tpu.memory_space<hbm>> -> memref<8x128xf32, #tpu.memory_space<hbm>>
      %dma_wait3A_2917 = arith.constant 344 : i32
      %dma_wait3A_2918 = arith.constant 0 : i32
      %dma_wait3A_2919 = tpu.memref_slice %arg9[%dma_wait3A_2917, %dma_wait3A_2918] : memref<384x128xf32, #tpu.memory_space<vmem>> -> memref<8x128xf32, #tpu.memory_space<vmem>>
      %dma_wait3A_2920 = arith.constant 24 : i32
      %dma_wait3A_2921 = tpu.memref_slice %arg4[%dma_wait3A_2920, %multiple_of3A_1099] : memref<32x1000000xf32, #tpu.memory_space<hbm>> -> memref<8x128xf32, #tpu.memory_space<hbm>>
      tpu.wait_dma2 semaphore(%arg15 : memref<!tpu.dma_semaphore, #tpu.memory_space<semaphore_mem>>) src(%dma_wait3A_2921 : memref<8x128xf32, #tpu.memory_space<hbm>>) dst(%dma_wait3A_2919 : memref<8x128xf32, #tpu.memory_space<vmem>>)
      %dma_wait3A_2922 = arith.constant 344 : i32
      %dma_wait3A_2923 = arith.constant 0 : i32
      %dma_wait3A_2924 = tpu.memref_slice %arg10[%dma_wait3A_2922, %dma_wait3A_2923] : memref<384x128xf32, #tpu.memory_space<vmem>> -> memref<8x128xf32, #tpu.memory_space<vmem>>
      %dma_wait3A_2925 = arith.constant 24 : i32
      %dma_wait3A_2926 = tpu.memref_slice %arg5[%dma_wait3A_2925, %multiple_of3A_1102] : memref<32x1000000xf32, #tpu.memory_space<hbm>> -> memref<8x128xf32, #tpu.memory_space<hbm>>
      %dma_wait3A_2927 = arith.constant 344 : i32
      %dma_wait3A_2928 = arith.constant 0 : i32
      %dma_wait3A_2929 = tpu.memref_slice %arg10[%dma_wait3A_2927, %dma_wait3A_2928] : memref<384x128xf32, #tpu.memory_space<vmem>> -> memref<8x128xf32, #tpu.memory_space<vmem>>
      %dma_wait3A_2930 = arith.constant 24 : i32
      %dma_wait3A_2931 = tpu.memref_slice %arg5[%dma_wait3A_2930, %multiple_of3A_1102] : memref<32x1000000xf32, #tpu.memory_space<hbm>> -> memref<8x128xf32, #tpu.memory_space<hbm>>
      tpu.wait_dma2 semaphore(%arg18 : memref<!tpu.dma_semaphore, #tpu.memory_space<semaphore_mem>>) src(%dma_wait3A_2931 : memref<8x128xf32, #tpu.memory_space<hbm>>) dst(%dma_wait3A_2929 : memref<8x128xf32, #tpu.memory_space<vmem>>)
      %dma_wait3A_2932 = arith.constant 352 : i32
      %dma_wait3A_2933 = arith.constant 0 : i32
      %dma_wait3A_2934 = tpu.memref_slice %arg9[%dma_wait3A_2932, %dma_wait3A_2933] : memref<384x128xf32, #tpu.memory_space<vmem>> -> memref<8x128xf32, #tpu.memory_space<vmem>>
      %dma_wait3A_2935 = arith.constant 0 : i32
      %dma_wait3A_2936 = tpu.memref_slice %arg4[%dma_wait3A_2935, %multiple_of3A_1205] : memref<32x1000000xf32, #tpu.memory_space<hbm>> -> memref<8x128xf32, #tpu.memory_space<hbm>>
      %dma_wait3A_2937 = arith.constant 352 : i32
      %dma_wait3A_2938 = arith.constant 0 : i32
      %dma_wait3A_2939 = tpu.memref_slice %arg9[%dma_wait3A_2937, %dma_wait3A_2938] : memref<384x128xf32, #tpu.memory_space<vmem>> -> memref<8x128xf32, #tpu.memory_space<vmem>>
      %dma_wait3A_2940 = arith.constant 0 : i32
      %dma_wait3A_2941 = tpu.memref_slice %arg4[%dma_wait3A_2940, %multiple_of3A_1205] : memref<32x1000000xf32, #tpu.memory_space<hbm>> -> memref<8x128xf32, #tpu.memory_space<hbm>>
      tpu.wait_dma2 semaphore(%arg15 : memref<!tpu.dma_semaphore, #tpu.memory_space<semaphore_mem>>) src(%dma_wait3A_2941 : memref<8x128xf32, #tpu.memory_space<hbm>>) dst(%dma_wait3A_2939 : memref<8x128xf32, #tpu.memory_space<vmem>>)
      %dma_wait3A_2942 = arith.constant 352 : i32
      %dma_wait3A_2943 = arith.constant 0 : i32
      %dma_wait3A_2944 = tpu.memref_slice %arg10[%dma_wait3A_2942, %dma_wait3A_2943] : memref<384x128xf32, #tpu.memory_space<vmem>> -> memref<8x128xf32, #tpu.memory_space<vmem>>
      %dma_wait3A_2945 = arith.constant 0 : i32
      %dma_wait3A_2946 = tpu.memref_slice %arg5[%dma_wait3A_2945, %multiple_of3A_1208] : memref<32x1000000xf32, #tpu.memory_space<hbm>> -> memref<8x128xf32, #tpu.memory_space<hbm>>
      %dma_wait3A_2947 = arith.constant 352 : i32
      %dma_wait3A_2948 = arith.constant 0 : i32
      %dma_wait3A_2949 = tpu.memref_slice %arg10[%dma_wait3A_2947, %dma_wait3A_2948] : memref<384x128xf32, #tpu.memory_space<vmem>> -> memref<8x128xf32, #tpu.memory_space<vmem>>
      %dma_wait3A_2950 = arith.constant 0 : i32
      %dma_wait3A_2951 = tpu.memref_slice %arg5[%dma_wait3A_2950, %multiple_of3A_1208] : memref<32x1000000xf32, #tpu.memory_space<hbm>> -> memref<8x128xf32, #tpu.memory_space<hbm>>
      tpu.wait_dma2 semaphore(%arg18 : memref<!tpu.dma_semaphore, #tpu.memory_space<semaphore_mem>>) src(%dma_wait3A_2951 : memref<8x128xf32, #tpu.memory_space<hbm>>) dst(%dma_wait3A_2949 : memref<8x128xf32, #tpu.memory_space<vmem>>)
      %dma_wait3A_2952 = arith.constant 360 : i32
      %dma_wait3A_2953 = arith.constant 0 : i32
      %dma_wait3A_2954 = tpu.memref_slice %arg9[%dma_wait3A_2952, %dma_wait3A_2953] : memref<384x128xf32, #tpu.memory_space<vmem>> -> memref<8x128xf32, #tpu.memory_space<vmem>>
      %dma_wait3A_2955 = arith.constant 8 : i32
      %dma_wait3A_2956 = tpu.memref_slice %arg4[%dma_wait3A_2955, %multiple_of3A_1205] : memref<32x1000000xf32, #tpu.memory_space<hbm>> -> memref<8x128xf32, #tpu.memory_space<hbm>>
      %dma_wait3A_2957 = arith.constant 360 : i32
      %dma_wait3A_2958 = arith.constant 0 : i32
      %dma_wait3A_2959 = tpu.memref_slice %arg9[%dma_wait3A_2957, %dma_wait3A_2958] : memref<384x128xf32, #tpu.memory_space<vmem>> -> memref<8x128xf32, #tpu.memory_space<vmem>>
      %dma_wait3A_2960 = arith.constant 8 : i32
      %dma_wait3A_2961 = tpu.memref_slice %arg4[%dma_wait3A_2960, %multiple_of3A_1205] : memref<32x1000000xf32, #tpu.memory_space<hbm>> -> memref<8x128xf32, #tpu.memory_space<hbm>>
      tpu.wait_dma2 semaphore(%arg15 : memref<!tpu.dma_semaphore, #tpu.memory_space<semaphore_mem>>) src(%dma_wait3A_2961 : memref<8x128xf32, #tpu.memory_space<hbm>>) dst(%dma_wait3A_2959 : memref<8x128xf32, #tpu.memory_space<vmem>>)
      %dma_wait3A_2962 = arith.constant 360 : i32
      %dma_wait3A_2963 = arith.constant 0 : i32
      %dma_wait3A_2964 = tpu.memref_slice %arg10[%dma_wait3A_2962, %dma_wait3A_2963] : memref<384x128xf32, #tpu.memory_space<vmem>> -> memref<8x128xf32, #tpu.memory_space<vmem>>
      %dma_wait3A_2965 = arith.constant 8 : i32
      %dma_wait3A_2966 = tpu.memref_slice %arg5[%dma_wait3A_2965, %multiple_of3A_1208] : memref<32x1000000xf32, #tpu.memory_space<hbm>> -> memref<8x128xf32, #tpu.memory_space<hbm>>
      %dma_wait3A_2967 = arith.constant 360 : i32
      %dma_wait3A_2968 = arith.constant 0 : i32
      %dma_wait3A_2969 = tpu.memref_slice %arg10[%dma_wait3A_2967, %dma_wait3A_2968] : memref<384x128xf32, #tpu.memory_space<vmem>> -> memref<8x128xf32, #tpu.memory_space<vmem>>
      %dma_wait3A_2970 = arith.constant 8 : i32
      %dma_wait3A_2971 = tpu.memref_slice %arg5[%dma_wait3A_2970, %multiple_of3A_1208] : memref<32x1000000xf32, #tpu.memory_space<hbm>> -> memref<8x128xf32, #tpu.memory_space<hbm>>
      tpu.wait_dma2 semaphore(%arg18 : memref<!tpu.dma_semaphore, #tpu.memory_space<semaphore_mem>>) src(%dma_wait3A_2971 : memref<8x128xf32, #tpu.memory_space<hbm>>) dst(%dma_wait3A_2969 : memref<8x128xf32, #tpu.memory_space<vmem>>)
      %dma_wait3A_2972 = arith.constant 368 : i32
      %dma_wait3A_2973 = arith.constant 0 : i32
      %dma_wait3A_2974 = tpu.memref_slice %arg9[%dma_wait3A_2972, %dma_wait3A_2973] : memref<384x128xf32, #tpu.memory_space<vmem>> -> memref<8x128xf32, #tpu.memory_space<vmem>>
      %dma_wait3A_2975 = arith.constant 16 : i32
      %dma_wait3A_2976 = tpu.memref_slice %arg4[%dma_wait3A_2975, %multiple_of3A_1205] : memref<32x1000000xf32, #tpu.memory_space<hbm>> -> memref<8x128xf32, #tpu.memory_space<hbm>>
      %dma_wait3A_2977 = arith.constant 368 : i32
      %dma_wait3A_2978 = arith.constant 0 : i32
      %dma_wait3A_2979 = tpu.memref_slice %arg9[%dma_wait3A_2977, %dma_wait3A_2978] : memref<384x128xf32, #tpu.memory_space<vmem>> -> memref<8x128xf32, #tpu.memory_space<vmem>>
      %dma_wait3A_2980 = arith.constant 16 : i32
      %dma_wait3A_2981 = tpu.memref_slice %arg4[%dma_wait3A_2980, %multiple_of3A_1205] : memref<32x1000000xf32, #tpu.memory_space<hbm>> -> memref<8x128xf32, #tpu.memory_space<hbm>>
      tpu.wait_dma2 semaphore(%arg15 : memref<!tpu.dma_semaphore, #tpu.memory_space<semaphore_mem>>) src(%dma_wait3A_2981 : memref<8x128xf32, #tpu.memory_space<hbm>>) dst(%dma_wait3A_2979 : memref<8x128xf32, #tpu.memory_space<vmem>>)
      %dma_wait3A_2982 = arith.constant 368 : i32
      %dma_wait3A_2983 = arith.constant 0 : i32
      %dma_wait3A_2984 = tpu.memref_slice %arg10[%dma_wait3A_2982, %dma_wait3A_2983] : memref<384x128xf32, #tpu.memory_space<vmem>> -> memref<8x128xf32, #tpu.memory_space<vmem>>
      %dma_wait3A_2985 = arith.constant 16 : i32
      %dma_wait3A_2986 = tpu.memref_slice %arg5[%dma_wait3A_2985, %multiple_of3A_1208] : memref<32x1000000xf32, #tpu.memory_space<hbm>> -> memref<8x128xf32, #tpu.memory_space<hbm>>
      %dma_wait3A_2987 = arith.constant 368 : i32
      %dma_wait3A_2988 = arith.constant 0 : i32
      %dma_wait3A_2989 = tpu.memref_slice %arg10[%dma_wait3A_2987, %dma_wait3A_2988] : memref<384x128xf32, #tpu.memory_space<vmem>> -> memref<8x128xf32, #tpu.memory_space<vmem>>
      %dma_wait3A_2990 = arith.constant 16 : i32
      %dma_wait3A_2991 = tpu.memref_slice %arg5[%dma_wait3A_2990, %multiple_of3A_1208] : memref<32x1000000xf32, #tpu.memory_space<hbm>> -> memref<8x128xf32, #tpu.memory_space<hbm>>
      tpu.wait_dma2 semaphore(%arg18 : memref<!tpu.dma_semaphore, #tpu.memory_space<semaphore_mem>>) src(%dma_wait3A_2991 : memref<8x128xf32, #tpu.memory_space<hbm>>) dst(%dma_wait3A_2989 : memref<8x128xf32, #tpu.memory_space<vmem>>)
      %dma_wait3A_2992 = arith.constant 376 : i32
      %dma_wait3A_2993 = arith.constant 0 : i32
      %dma_wait3A_2994 = tpu.memref_slice %arg9[%dma_wait3A_2992, %dma_wait3A_2993] : memref<384x128xf32, #tpu.memory_space<vmem>> -> memref<8x128xf32, #tpu.memory_space<vmem>>
      %dma_wait3A_2995 = arith.constant 24 : i32
      %dma_wait3A_2996 = tpu.memref_slice %arg4[%dma_wait3A_2995, %multiple_of3A_1205] : memref<32x1000000xf32, #tpu.memory_space<hbm>> -> memref<8x128xf32, #tpu.memory_space<hbm>>
      %dma_wait3A_2997 = arith.constant 376 : i32
      %dma_wait3A_2998 = arith.constant 0 : i32
      %dma_wait3A_2999 = tpu.memref_slice %arg9[%dma_wait3A_2997, %dma_wait3A_2998] : memref<384x128xf32, #tpu.memory_space<vmem>> -> memref<8x128xf32, #tpu.memory_space<vmem>>
      %dma_wait3A_3000 = arith.constant 24 : i32
      %dma_wait3A_3001 = tpu.memref_slice %arg4[%dma_wait3A_3000, %multiple_of3A_1205] : memref<32x1000000xf32, #tpu.memory_space<hbm>> -> memref<8x128xf32, #tpu.memory_space<hbm>>
      tpu.wait_dma2 semaphore(%arg15 : memref<!tpu.dma_semaphore, #tpu.memory_space<semaphore_mem>>) src(%dma_wait3A_3001 : memref<8x128xf32, #tpu.memory_space<hbm>>) dst(%dma_wait3A_2999 : memref<8x128xf32, #tpu.memory_space<vmem>>)
      %dma_wait3A_3002 = arith.constant 376 : i32
      %dma_wait3A_3003 = arith.constant 0 : i32
      %dma_wait3A_3004 = tpu.memref_slice %arg10[%dma_wait3A_3002, %dma_wait3A_3003] : memref<384x128xf32, #tpu.memory_space<vmem>> -> memref<8x128xf32, #tpu.memory_space<vmem>>
      %dma_wait3A_3005 = arith.constant 24 : i32
      %dma_wait3A_3006 = tpu.memref_slice %arg5[%dma_wait3A_3005, %multiple_of3A_1208] : memref<32x1000000xf32, #tpu.memory_space<hbm>> -> memref<8x128xf32, #tpu.memory_space<hbm>>
      %dma_wait3A_3007 = arith.constant 376 : i32
      %dma_wait3A_3008 = arith.constant 0 : i32
      %dma_wait3A_3009 = tpu.memref_slice %arg10[%dma_wait3A_3007, %dma_wait3A_3008] : memref<384x128xf32, #tpu.memory_space<vmem>> -> memref<8x128xf32, #tpu.memory_space<vmem>>
      %dma_wait3A_3010 = arith.constant 24 : i32
      %dma_wait3A_3011 = tpu.memref_slice %arg5[%dma_wait3A_3010, %multiple_of3A_1208] : memref<32x1000000xf32, #tpu.memory_space<hbm>> -> memref<8x128xf32, #tpu.memory_space<hbm>>
      tpu.wait_dma2 semaphore(%arg18 : memref<!tpu.dma_semaphore, #tpu.memory_space<semaphore_mem>>) src(%dma_wait3A_3011 : memref<8x128xf32, #tpu.memory_space<hbm>>) dst(%dma_wait3A_3009 : memref<8x128xf32, #tpu.memory_space<vmem>>)
      %broadcast_in_dim3A_3012 = arith.constant 8 : i32
      %broadcast_in_dim3A_3013 = vector.broadcast %broadcast_in_dim3A_3012 : i32 to vector<16xi32>
      %lt3A_3014 = arith.constant 0 : i32
      %lt3A_3015 = vector.broadcast %lt3A_3014 : i32 to vector<16xi32>
      %lt3A_3016 = arith.cmpi slt, %broadcast_in_dim3A_3013, %lt3A_3015 : vector<16xi32>
      %add3A_3017 = arith.constant 16 : i32
      %add3A_3018 = vector.broadcast %add3A_3017 : i32 to vector<16xi32>
      %add3A_3019 = arith.addi %broadcast_in_dim3A_3013, %add3A_3018 : vector<16xi32>
      %select_n3A_3020 = arith.select %lt3A_3016, %add3A_3019, %broadcast_in_dim3A_3013 : vector<16xi1>, vector<16xi32>
      %reshape3A_3021 = vector.shape_cast %select_n3A_3020 : vector<16xi32> to vector<16x1xi32>
      %gather3A_3022 = vector.shape_cast %reshape3A_3021 : vector<16x1xi32> to vector<16xi32>
      %gather3A_3023 = tpu.dynamic_gather %and3A_20[%gather3A_3022] in [0] : vector<16xi32>, vector<16xi32> -> vector<16xi32>
      %lt3A_3024 = arith.constant 0 : i32
      %lt3A_3025 = vector.broadcast %lt3A_3024 : i32 to vector<16xi32>
      %lt3A_3026 = arith.cmpi slt, %broadcast_in_dim3A_3013, %lt3A_3025 : vector<16xi32>
      %add3A_3027 = arith.constant 16 : i32
      %add3A_3028 = vector.broadcast %add3A_3027 : i32 to vector<16xi32>
      %add3A_3029 = arith.addi %broadcast_in_dim3A_3013, %add3A_3028 : vector<16xi32>
      %select_n3A_3030 = arith.select %lt3A_3026, %add3A_3029, %broadcast_in_dim3A_3013 : vector<16xi1>, vector<16xi32>
      %reshape3A_3031 = vector.shape_cast %select_n3A_3030 : vector<16xi32> to vector<16x1xi32>
      %gather3A_3032 = vector.shape_cast %reshape3A_3031 : vector<16x1xi32> to vector<16xi32>
      %gather3A_3033 = tpu.dynamic_gather %and3A_23[%gather3A_3032] in [0] : vector<16xi32>, vector<16xi32> -> vector<16xi32>
      %add3A_3034 = arith.constant 256 : i32
      %add3A_3035 = vector.broadcast %add3A_3034 : i32 to vector<16xi32>
      %add3A_3036 = arith.addi %add3A_3035, %iota3A : vector<16xi32>
      %gather3A_3037 = tpu.vector_load_idx %arg9[%add3A_3036, %gather3A_3023] : memref<384x128xf32, #tpu.memory_space<vmem>>[vector<16xi32>, vector<16xi32>], vector<16xf32>,
      %add3A_3038 = arith.constant 272 : i32
      %add3A_3039 = vector.broadcast %add3A_3038 : i32 to vector<16xi32>
      %add3A_3040 = arith.addi %add3A_3039, %iota3A : vector<16xi32>
      %gather3A_3041 = tpu.vector_load_idx %arg9[%add3A_3040, %gather3A_3023] : memref<384x128xf32, #tpu.memory_space<vmem>>[vector<16xi32>, vector<16xi32>], vector<16xf32>,
      %add3A_3042 = arith.constant 256 : i32
      %add3A_3043 = vector.broadcast %add3A_3042 : i32 to vector<16xi32>
      %add3A_3044 = arith.addi %add3A_3043, %iota3A : vector<16xi32>
      %gather3A_3045 = tpu.vector_load_idx %arg10[%add3A_3044, %gather3A_3033] : memref<384x128xf32, #tpu.memory_space<vmem>>[vector<16xi32>, vector<16xi32>], vector<16xf32>,
      %add3A_3046 = arith.constant 272 : i32
      %add3A_3047 = vector.broadcast %add3A_3046 : i32 to vector<16xi32>
      %add3A_3048 = arith.addi %add3A_3047, %iota3A : vector<16xi32>
      %gather3A_3049 = tpu.vector_load_idx %arg10[%add3A_3048, %gather3A_3033] : memref<384x128xf32, #tpu.memory_space<vmem>>[vector<16xi32>, vector<16xi32>], vector<16xf32>,
      %mul3A_3050 = arith.mulf %gather3A_3037, %gather3A_3045 : vector<16xf32>
      %mul3A_3051 = arith.mulf %gather3A_3041, %gather3A_3049 : vector<16xf32>
      %add3A_3052 = arith.addf %mul3A_3050, %mul3A_3051 : vector<16xf32>
      %swap3A_3053 = arith.constant 136 : index
      %swap3A_3054 = tpu.vector_load %arg11[%swap3A_3053] {strides = array<i32>} : memref<272xf32, #tpu.memory_space<vmem>>, vector<16xf32>,
      tpu.vector_store %arg11[%swap3A_3053], %add3A_3052 {strides = array<i32>} : memref<272xf32, #tpu.memory_space<vmem>>, vector<16xf32>,
      %broadcast_in_dim3A_3055 = arith.constant 9 : i32
      %broadcast_in_dim3A_3056 = vector.broadcast %broadcast_in_dim3A_3055 : i32 to vector<16xi32>
      %lt3A_3057 = arith.constant 0 : i32
      %lt3A_3058 = vector.broadcast %lt3A_3057 : i32 to vector<16xi32>
      %lt3A_3059 = arith.cmpi slt, %broadcast_in_dim3A_3056, %lt3A_3058 : vector<16xi32>
      %add3A_3060 = arith.constant 16 : i32
      %add3A_3061 = vector.broadcast %add3A_3060 : i32 to vector<16xi32>
      %add3A_3062 = arith.addi %broadcast_in_dim3A_3056, %add3A_3061 : vector<16xi32>
      %select_n3A_3063 = arith.select %lt3A_3059, %add3A_3062, %broadcast_in_dim3A_3056 : vector<16xi1>, vector<16xi32>
      %reshape3A_3064 = vector.shape_cast %select_n3A_3063 : vector<16xi32> to vector<16x1xi32>
      %gather3A_3065 = vector.shape_cast %reshape3A_3064 : vector<16x1xi32> to vector<16xi32>
      %gather3A_3066 = tpu.dynamic_gather %and3A_20[%gather3A_3065] in [0] : vector<16xi32>, vector<16xi32> -> vector<16xi32>
      %lt3A_3067 = arith.constant 0 : i32
      %lt3A_3068 = vector.broadcast %lt3A_3067 : i32 to vector<16xi32>
      %lt3A_3069 = arith.cmpi slt, %broadcast_in_dim3A_3056, %lt3A_3068 : vector<16xi32>
      %add3A_3070 = arith.constant 16 : i32
      %add3A_3071 = vector.broadcast %add3A_3070 : i32 to vector<16xi32>
      %add3A_3072 = arith.addi %broadcast_in_dim3A_3056, %add3A_3071 : vector<16xi32>
      %select_n3A_3073 = arith.select %lt3A_3069, %add3A_3072, %broadcast_in_dim3A_3056 : vector<16xi1>, vector<16xi32>
      %reshape3A_3074 = vector.shape_cast %select_n3A_3073 : vector<16xi32> to vector<16x1xi32>
      %gather3A_3075 = vector.shape_cast %reshape3A_3074 : vector<16x1xi32> to vector<16xi32>
      %gather3A_3076 = tpu.dynamic_gather %and3A_23[%gather3A_3075] in [0] : vector<16xi32>, vector<16xi32> -> vector<16xi32>
      %add3A_3077 = arith.constant 288 : i32
      %add3A_3078 = vector.broadcast %add3A_3077 : i32 to vector<16xi32>
      %add3A_3079 = arith.addi %add3A_3078, %iota3A : vector<16xi32>
      %gather3A_3080 = tpu.vector_load_idx %arg9[%add3A_3079, %gather3A_3066] : memref<384x128xf32, #tpu.memory_space<vmem>>[vector<16xi32>, vector<16xi32>], vector<16xf32>,
      %add3A_3081 = arith.constant 304 : i32
      %add3A_3082 = vector.broadcast %add3A_3081 : i32 to vector<16xi32>
      %add3A_3083 = arith.addi %add3A_3082, %iota3A : vector<16xi32>
      %gather3A_3084 = tpu.vector_load_idx %arg9[%add3A_3083, %gather3A_3066] : memref<384x128xf32, #tpu.memory_space<vmem>>[vector<16xi32>, vector<16xi32>], vector<16xf32>,
      %add3A_3085 = arith.constant 288 : i32
      %add3A_3086 = vector.broadcast %add3A_3085 : i32 to vector<16xi32>
      %add3A_3087 = arith.addi %add3A_3086, %iota3A : vector<16xi32>
      %gather3A_3088 = tpu.vector_load_idx %arg10[%add3A_3087, %gather3A_3076] : memref<384x128xf32, #tpu.memory_space<vmem>>[vector<16xi32>, vector<16xi32>], vector<16xf32>,
      %add3A_3089 = arith.constant 304 : i32
      %add3A_3090 = vector.broadcast %add3A_3089 : i32 to vector<16xi32>
      %add3A_3091 = arith.addi %add3A_3090, %iota3A : vector<16xi32>
      %gather3A_3092 = tpu.vector_load_idx %arg10[%add3A_3091, %gather3A_3076] : memref<384x128xf32, #tpu.memory_space<vmem>>[vector<16xi32>, vector<16xi32>], vector<16xf32>,
      %mul3A_3093 = arith.mulf %gather3A_3080, %gather3A_3088 : vector<16xf32>
      %mul3A_3094 = arith.mulf %gather3A_3084, %gather3A_3092 : vector<16xf32>
      %add3A_3095 = arith.addf %mul3A_3093, %mul3A_3094 : vector<16xf32>
      %swap3A_3096 = arith.constant 153 : index
      %swap3A_3097 = tpu.vector_load %arg11[%swap3A_3096] {strides = array<i32>} : memref<272xf32, #tpu.memory_space<vmem>>, vector<16xf32>,
      tpu.vector_store %arg11[%swap3A_3096], %add3A_3095 {strides = array<i32>} : memref<272xf32, #tpu.memory_space<vmem>>, vector<16xf32>,
      %broadcast_in_dim3A_3098 = arith.constant 10 : i32
      %broadcast_in_dim3A_3099 = vector.broadcast %broadcast_in_dim3A_3098 : i32 to vector<16xi32>
      %lt3A_3100 = arith.constant 0 : i32
      %lt3A_3101 = vector.broadcast %lt3A_3100 : i32 to vector<16xi32>
      %lt3A_3102 = arith.cmpi slt, %broadcast_in_dim3A_3099, %lt3A_3101 : vector<16xi32>
      %add3A_3103 = arith.constant 16 : i32
      %add3A_3104 = vector.broadcast %add3A_3103 : i32 to vector<16xi32>
      %add3A_3105 = arith.addi %broadcast_in_dim3A_3099, %add3A_3104 : vector<16xi32>
      %select_n3A_3106 = arith.select %lt3A_3102, %add3A_3105, %broadcast_in_dim3A_3099 : vector<16xi1>, vector<16xi32>
      %reshape3A_3107 = vector.shape_cast %select_n3A_3106 : vector<16xi32> to vector<16x1xi32>
      %gather3A_3108 = vector.shape_cast %reshape3A_3107 : vector<16x1xi32> to vector<16xi32>
      %gather3A_3109 = tpu.dynamic_gather %and3A_20[%gather3A_3108] in [0] : vector<16xi32>, vector<16xi32> -> vector<16xi32>
      %lt3A_3110 = arith.constant 0 : i32
      %lt3A_3111 = vector.broadcast %lt3A_3110 : i32 to vector<16xi32>
      %lt3A_3112 = arith.cmpi slt, %broadcast_in_dim3A_3099, %lt3A_3111 : vector<16xi32>
      %add3A_3113 = arith.constant 16 : i32
      %add3A_3114 = vector.broadcast %add3A_3113 : i32 to vector<16xi32>
      %add3A_3115 = arith.addi %broadcast_in_dim3A_3099, %add3A_3114 : vector<16xi32>
      %select_n3A_3116 = arith.select %lt3A_3112, %add3A_3115, %broadcast_in_dim3A_3099 : vector<16xi1>, vector<16xi32>
      %reshape3A_3117 = vector.shape_cast %select_n3A_3116 : vector<16xi32> to vector<16x1xi32>
      %gather3A_3118 = vector.shape_cast %reshape3A_3117 : vector<16x1xi32> to vector<16xi32>
      %gather3A_3119 = tpu.dynamic_gather %and3A_23[%gather3A_3118] in [0] : vector<16xi32>, vector<16xi32> -> vector<16xi32>
      %add3A_3120 = arith.constant 320 : i32
      %add3A_3121 = vector.broadcast %add3A_3120 : i32 to vector<16xi32>
      %add3A_3122 = arith.addi %add3A_3121, %iota3A : vector<16xi32>
      %gather3A_3123 = tpu.vector_load_idx %arg9[%add3A_3122, %gather3A_3109] : memref<384x128xf32, #tpu.memory_space<vmem>>[vector<16xi32>, vector<16xi32>], vector<16xf32>,
      %add3A_3124 = arith.constant 336 : i32
      %add3A_3125 = vector.broadcast %add3A_3124 : i32 to vector<16xi32>
      %add3A_3126 = arith.addi %add3A_3125, %iota3A : vector<16xi32>
      %gather3A_3127 = tpu.vector_load_idx %arg9[%add3A_3126, %gather3A_3109] : memref<384x128xf32, #tpu.memory_space<vmem>>[vector<16xi32>, vector<16xi32>], vector<16xf32>,
      %add3A_3128 = arith.constant 320 : i32
      %add3A_3129 = vector.broadcast %add3A_3128 : i32 to vector<16xi32>
      %add3A_3130 = arith.addi %add3A_3129, %iota3A : vector<16xi32>
      %gather3A_3131 = tpu.vector_load_idx %arg10[%add3A_3130, %gather3A_3119] : memref<384x128xf32, #tpu.memory_space<vmem>>[vector<16xi32>, vector<16xi32>], vector<16xf32>,
      %add3A_3132 = arith.constant 336 : i32
      %add3A_3133 = vector.broadcast %add3A_3132 : i32 to vector<16xi32>
      %add3A_3134 = arith.addi %add3A_3133, %iota3A : vector<16xi32>
      %gather3A_3135 = tpu.vector_load_idx %arg10[%add3A_3134, %gather3A_3119] : memref<384x128xf32, #tpu.memory_space<vmem>>[vector<16xi32>, vector<16xi32>], vector<16xf32>,
      %mul3A_3136 = arith.mulf %gather3A_3123, %gather3A_3131 : vector<16xf32>
      %mul3A_3137 = arith.mulf %gather3A_3127, %gather3A_3135 : vector<16xf32>
      %add3A_3138 = arith.addf %mul3A_3136, %mul3A_3137 : vector<16xf32>
      %swap3A_3139 = arith.constant 170 : index
      %swap3A_3140 = tpu.vector_load %arg11[%swap3A_3139] {strides = array<i32>} : memref<272xf32, #tpu.memory_space<vmem>>, vector<16xf32>,
      tpu.vector_store %arg11[%swap3A_3139], %add3A_3138 {strides = array<i32>} : memref<272xf32, #tpu.memory_space<vmem>>, vector<16xf32>,
      %broadcast_in_dim3A_3141 = arith.constant 11 : i32
      %broadcast_in_dim3A_3142 = vector.broadcast %broadcast_in_dim3A_3141 : i32 to vector<16xi32>
      %lt3A_3143 = arith.constant 0 : i32
      %lt3A_3144 = vector.broadcast %lt3A_3143 : i32 to vector<16xi32>
      %lt3A_3145 = arith.cmpi slt, %broadcast_in_dim3A_3142, %lt3A_3144 : vector<16xi32>
      %add3A_3146 = arith.constant 16 : i32
      %add3A_3147 = vector.broadcast %add3A_3146 : i32 to vector<16xi32>
      %add3A_3148 = arith.addi %broadcast_in_dim3A_3142, %add3A_3147 : vector<16xi32>
      %select_n3A_3149 = arith.select %lt3A_3145, %add3A_3148, %broadcast_in_dim3A_3142 : vector<16xi1>, vector<16xi32>
      %reshape3A_3150 = vector.shape_cast %select_n3A_3149 : vector<16xi32> to vector<16x1xi32>
      %gather3A_3151 = vector.shape_cast %reshape3A_3150 : vector<16x1xi32> to vector<16xi32>
      %gather3A_3152 = tpu.dynamic_gather %and3A_20[%gather3A_3151] in [0] : vector<16xi32>, vector<16xi32> -> vector<16xi32>
      %lt3A_3153 = arith.constant 0 : i32
      %lt3A_3154 = vector.broadcast %lt3A_3153 : i32 to vector<16xi32>
      %lt3A_3155 = arith.cmpi slt, %broadcast_in_dim3A_3142, %lt3A_3154 : vector<16xi32>
      %add3A_3156 = arith.constant 16 : i32
      %add3A_3157 = vector.broadcast %add3A_3156 : i32 to vector<16xi32>
      %add3A_3158 = arith.addi %broadcast_in_dim3A_3142, %add3A_3157 : vector<16xi32>
      %select_n3A_3159 = arith.select %lt3A_3155, %add3A_3158, %broadcast_in_dim3A_3142 : vector<16xi1>, vector<16xi32>
      %reshape3A_3160 = vector.shape_cast %select_n3A_3159 : vector<16xi32> to vector<16x1xi32>
      %gather3A_3161 = vector.shape_cast %reshape3A_3160 : vector<16x1xi32> to vector<16xi32>
      %gather3A_3162 = tpu.dynamic_gather %and3A_23[%gather3A_3161] in [0] : vector<16xi32>, vector<16xi32> -> vector<16xi32>
      %add3A_3163 = arith.constant 352 : i32
      %add3A_3164 = vector.broadcast %add3A_3163 : i32 to vector<16xi32>
      %add3A_3165 = arith.addi %add3A_3164, %iota3A : vector<16xi32>
      %gather3A_3166 = tpu.vector_load_idx %arg9[%add3A_3165, %gather3A_3152] : memref<384x128xf32, #tpu.memory_space<vmem>>[vector<16xi32>, vector<16xi32>], vector<16xf32>,
      %add3A_3167 = arith.constant 368 : i32
      %add3A_3168 = vector.broadcast %add3A_3167 : i32 to vector<16xi32>
      %add3A_3169 = arith.addi %add3A_3168, %iota3A : vector<16xi32>
      %gather3A_3170 = tpu.vector_load_idx %arg9[%add3A_3169, %gather3A_3152] : memref<384x128xf32, #tpu.memory_space<vmem>>[vector<16xi32>, vector<16xi32>], vector<16xf32>,
      %add3A_3171 = arith.constant 352 : i32
      %add3A_3172 = vector.broadcast %add3A_3171 : i32 to vector<16xi32>
      %add3A_3173 = arith.addi %add3A_3172, %iota3A : vector<16xi32>
      %gather3A_3174 = tpu.vector_load_idx %arg10[%add3A_3173, %gather3A_3162] : memref<384x128xf32, #tpu.memory_space<vmem>>[vector<16xi32>, vector<16xi32>], vector<16xf32>,
      %add3A_3175 = arith.constant 368 : i32
      %add3A_3176 = vector.broadcast %add3A_3175 : i32 to vector<16xi32>
      %add3A_3177 = arith.addi %add3A_3176, %iota3A : vector<16xi32>
      %gather3A_3178 = tpu.vector_load_idx %arg10[%add3A_3177, %gather3A_3162] : memref<384x128xf32, #tpu.memory_space<vmem>>[vector<16xi32>, vector<16xi32>], vector<16xf32>,
      %mul3A_3179 = arith.mulf %gather3A_3166, %gather3A_3174 : vector<16xf32>
      %mul3A_3180 = arith.mulf %gather3A_3170, %gather3A_3178 : vector<16xf32>
      %add3A_3181 = arith.addf %mul3A_3179, %mul3A_3180 : vector<16xf32>
      %swap3A_3182 = arith.constant 187 : index
      %swap3A_3183 = tpu.vector_load %arg11[%swap3A_3182] {strides = array<i32>} : memref<272xf32, #tpu.memory_space<vmem>>, vector<16xf32>,
      tpu.vector_store %arg11[%swap3A_3182], %add3A_3181 {strides = array<i32>} : memref<272xf32, #tpu.memory_space<vmem>>, vector<16xf32>,
      %dma_wait3A_3184 = arith.constant 0 : i32
      %dma_wait3A_3185 = arith.constant 0 : i32
      %dma_wait3A_3186 = tpu.memref_slice %arg9[%dma_wait3A_3184, %dma_wait3A_3185] : memref<384x128xf32, #tpu.memory_space<vmem>> -> memref<8x128xf32, #tpu.memory_space<vmem>>
      %dma_wait3A_3187 = arith.constant 0 : i32
      %dma_wait3A_3188 = tpu.memref_slice %arg4[%dma_wait3A_3187, %multiple_of3A_1798] : memref<32x1000000xf32, #tpu.memory_space<hbm>> -> memref<8x128xf32, #tpu.memory_space<hbm>>
      %dma_wait3A_3189 = arith.constant 0 : i32
      %dma_wait3A_3190 = arith.constant 0 : i32
      %dma_wait3A_3191 = tpu.memref_slice %arg9[%dma_wait3A_3189, %dma_wait3A_3190] : memref<384x128xf32, #tpu.memory_space<vmem>> -> memref<8x128xf32, #tpu.memory_space<vmem>>
      %dma_wait3A_3192 = arith.constant 0 : i32
      %dma_wait3A_3193 = tpu.memref_slice %arg4[%dma_wait3A_3192, %multiple_of3A_1798] : memref<32x1000000xf32, #tpu.memory_space<hbm>> -> memref<8x128xf32, #tpu.memory_space<hbm>>
      tpu.wait_dma2 semaphore(%arg13 : memref<!tpu.dma_semaphore, #tpu.memory_space<semaphore_mem>>) src(%dma_wait3A_3193 : memref<8x128xf32, #tpu.memory_space<hbm>>) dst(%dma_wait3A_3191 : memref<8x128xf32, #tpu.memory_space<vmem>>)
      %dma_wait3A_3194 = arith.constant 0 : i32
      %dma_wait3A_3195 = arith.constant 0 : i32
      %dma_wait3A_3196 = tpu.memref_slice %arg10[%dma_wait3A_3194, %dma_wait3A_3195] : memref<384x128xf32, #tpu.memory_space<vmem>> -> memref<8x128xf32, #tpu.memory_space<vmem>>
      %dma_wait3A_3197 = arith.constant 0 : i32
      %dma_wait3A_3198 = tpu.memref_slice %arg5[%dma_wait3A_3197, %multiple_of3A_1801] : memref<32x1000000xf32, #tpu.memory_space<hbm>> -> memref<8x128xf32, #tpu.memory_space<hbm>>
      %dma_wait3A_3199 = arith.constant 0 : i32
      %dma_wait3A_3200 = arith.constant 0 : i32
      %dma_wait3A_3201 = tpu.memref_slice %arg10[%dma_wait3A_3199, %dma_wait3A_3200] : memref<384x128xf32, #tpu.memory_space<vmem>> -> memref<8x128xf32, #tpu.memory_space<vmem>>
      %dma_wait3A_3202 = arith.constant 0 : i32
      %dma_wait3A_3203 = tpu.memref_slice %arg5[%dma_wait3A_3202, %multiple_of3A_1801] : memref<32x1000000xf32, #tpu.memory_space<hbm>> -> memref<8x128xf32, #tpu.memory_space<hbm>>
      tpu.wait_dma2 semaphore(%arg16 : memref<!tpu.dma_semaphore, #tpu.memory_space<semaphore_mem>>) src(%dma_wait3A_3203 : memref<8x128xf32, #tpu.memory_space<hbm>>) dst(%dma_wait3A_3201 : memref<8x128xf32, #tpu.memory_space<vmem>>)
      %dma_wait3A_3204 = arith.constant 8 : i32
      %dma_wait3A_3205 = arith.constant 0 : i32
      %dma_wait3A_3206 = tpu.memref_slice %arg9[%dma_wait3A_3204, %dma_wait3A_3205] : memref<384x128xf32, #tpu.memory_space<vmem>> -> memref<8x128xf32, #tpu.memory_space<vmem>>
      %dma_wait3A_3207 = arith.constant 8 : i32
      %dma_wait3A_3208 = tpu.memref_slice %arg4[%dma_wait3A_3207, %multiple_of3A_1798] : memref<32x1000000xf32, #tpu.memory_space<hbm>> -> memref<8x128xf32, #tpu.memory_space<hbm>>
      %dma_wait3A_3209 = arith.constant 8 : i32
      %dma_wait3A_3210 = arith.constant 0 : i32
      %dma_wait3A_3211 = tpu.memref_slice %arg9[%dma_wait3A_3209, %dma_wait3A_3210] : memref<384x128xf32, #tpu.memory_space<vmem>> -> memref<8x128xf32, #tpu.memory_space<vmem>>
      %dma_wait3A_3212 = arith.constant 8 : i32
      %dma_wait3A_3213 = tpu.memref_slice %arg4[%dma_wait3A_3212, %multiple_of3A_1798] : memref<32x1000000xf32, #tpu.memory_space<hbm>> -> memref<8x128xf32, #tpu.memory_space<hbm>>
      tpu.wait_dma2 semaphore(%arg13 : memref<!tpu.dma_semaphore, #tpu.memory_space<semaphore_mem>>) src(%dma_wait3A_3213 : memref<8x128xf32, #tpu.memory_space<hbm>>) dst(%dma_wait3A_3211 : memref<8x128xf32, #tpu.memory_space<vmem>>)
      %dma_wait3A_3214 = arith.constant 8 : i32
      %dma_wait3A_3215 = arith.constant 0 : i32
      %dma_wait3A_3216 = tpu.memref_slice %arg10[%dma_wait3A_3214, %dma_wait3A_3215] : memref<384x128xf32, #tpu.memory_space<vmem>> -> memref<8x128xf32, #tpu.memory_space<vmem>>
      %dma_wait3A_3217 = arith.constant 8 : i32
      %dma_wait3A_3218 = tpu.memref_slice %arg5[%dma_wait3A_3217, %multiple_of3A_1801] : memref<32x1000000xf32, #tpu.memory_space<hbm>> -> memref<8x128xf32, #tpu.memory_space<hbm>>
      %dma_wait3A_3219 = arith.constant 8 : i32
      %dma_wait3A_3220 = arith.constant 0 : i32
      %dma_wait3A_3221 = tpu.memref_slice %arg10[%dma_wait3A_3219, %dma_wait3A_3220] : memref<384x128xf32, #tpu.memory_space<vmem>> -> memref<8x128xf32, #tpu.memory_space<vmem>>
      %dma_wait3A_3222 = arith.constant 8 : i32
      %dma_wait3A_3223 = tpu.memref_slice %arg5[%dma_wait3A_3222, %multiple_of3A_1801] : memref<32x1000000xf32, #tpu.memory_space<hbm>> -> memref<8x128xf32, #tpu.memory_space<hbm>>
      tpu.wait_dma2 semaphore(%arg16 : memref<!tpu.dma_semaphore, #tpu.memory_space<semaphore_mem>>) src(%dma_wait3A_3223 : memref<8x128xf32, #tpu.memory_space<hbm>>) dst(%dma_wait3A_3221 : memref<8x128xf32, #tpu.memory_space<vmem>>)
      %dma_wait3A_3224 = arith.constant 16 : i32
      %dma_wait3A_3225 = arith.constant 0 : i32
      %dma_wait3A_3226 = tpu.memref_slice %arg9[%dma_wait3A_3224, %dma_wait3A_3225] : memref<384x128xf32, #tpu.memory_space<vmem>> -> memref<8x128xf32, #tpu.memory_space<vmem>>
      %dma_wait3A_3227 = arith.constant 16 : i32
      %dma_wait3A_3228 = tpu.memref_slice %arg4[%dma_wait3A_3227, %multiple_of3A_1798] : memref<32x1000000xf32, #tpu.memory_space<hbm>> -> memref<8x128xf32, #tpu.memory_space<hbm>>
      %dma_wait3A_3229 = arith.constant 16 : i32
      %dma_wait3A_3230 = arith.constant 0 : i32
      %dma_wait3A_3231 = tpu.memref_slice %arg9[%dma_wait3A_3229, %dma_wait3A_3230] : memref<384x128xf32, #tpu.memory_space<vmem>> -> memref<8x128xf32, #tpu.memory_space<vmem>>
      %dma_wait3A_3232 = arith.constant 16 : i32
      %dma_wait3A_3233 = tpu.memref_slice %arg4[%dma_wait3A_3232, %multiple_of3A_1798] : memref<32x1000000xf32, #tpu.memory_space<hbm>> -> memref<8x128xf32, #tpu.memory_space<hbm>>
      tpu.wait_dma2 semaphore(%arg13 : memref<!tpu.dma_semaphore, #tpu.memory_space<semaphore_mem>>) src(%dma_wait3A_3233 : memref<8x128xf32, #tpu.memory_space<hbm>>) dst(%dma_wait3A_3231 : memref<8x128xf32, #tpu.memory_space<vmem>>)
      %dma_wait3A_3234 = arith.constant 16 : i32
      %dma_wait3A_3235 = arith.constant 0 : i32
      %dma_wait3A_3236 = tpu.memref_slice %arg10[%dma_wait3A_3234, %dma_wait3A_3235] : memref<384x128xf32, #tpu.memory_space<vmem>> -> memref<8x128xf32, #tpu.memory_space<vmem>>
      %dma_wait3A_3237 = arith.constant 16 : i32
      %dma_wait3A_3238 = tpu.memref_slice %arg5[%dma_wait3A_3237, %multiple_of3A_1801] : memref<32x1000000xf32, #tpu.memory_space<hbm>> -> memref<8x128xf32, #tpu.memory_space<hbm>>
      %dma_wait3A_3239 = arith.constant 16 : i32
      %dma_wait3A_3240 = arith.constant 0 : i32
      %dma_wait3A_3241 = tpu.memref_slice %arg10[%dma_wait3A_3239, %dma_wait3A_3240] : memref<384x128xf32, #tpu.memory_space<vmem>> -> memref<8x128xf32, #tpu.memory_space<vmem>>
      %dma_wait3A_3242 = arith.constant 16 : i32
      %dma_wait3A_3243 = tpu.memref_slice %arg5[%dma_wait3A_3242, %multiple_of3A_1801] : memref<32x1000000xf32, #tpu.memory_space<hbm>> -> memref<8x128xf32, #tpu.memory_space<hbm>>
      tpu.wait_dma2 semaphore(%arg16 : memref<!tpu.dma_semaphore, #tpu.memory_space<semaphore_mem>>) src(%dma_wait3A_3243 : memref<8x128xf32, #tpu.memory_space<hbm>>) dst(%dma_wait3A_3241 : memref<8x128xf32, #tpu.memory_space<vmem>>)
      %dma_wait3A_3244 = arith.constant 24 : i32
      %dma_wait3A_3245 = arith.constant 0 : i32
      %dma_wait3A_3246 = tpu.memref_slice %arg9[%dma_wait3A_3244, %dma_wait3A_3245] : memref<384x128xf32, #tpu.memory_space<vmem>> -> memref<8x128xf32, #tpu.memory_space<vmem>>
      %dma_wait3A_3247 = arith.constant 24 : i32
      %dma_wait3A_3248 = tpu.memref_slice %arg4[%dma_wait3A_3247, %multiple_of3A_1798] : memref<32x1000000xf32, #tpu.memory_space<hbm>> -> memref<8x128xf32, #tpu.memory_space<hbm>>
      %dma_wait3A_3249 = arith.constant 24 : i32
      %dma_wait3A_3250 = arith.constant 0 : i32
      %dma_wait3A_3251 = tpu.memref_slice %arg9[%dma_wait3A_3249, %dma_wait3A_3250] : memref<384x128xf32, #tpu.memory_space<vmem>> -> memref<8x128xf32, #tpu.memory_space<vmem>>
      %dma_wait3A_3252 = arith.constant 24 : i32
      %dma_wait3A_3253 = tpu.memref_slice %arg4[%dma_wait3A_3252, %multiple_of3A_1798] : memref<32x1000000xf32, #tpu.memory_space<hbm>> -> memref<8x128xf32, #tpu.memory_space<hbm>>
      tpu.wait_dma2 semaphore(%arg13 : memref<!tpu.dma_semaphore, #tpu.memory_space<semaphore_mem>>) src(%dma_wait3A_3253 : memref<8x128xf32, #tpu.memory_space<hbm>>) dst(%dma_wait3A_3251 : memref<8x128xf32, #tpu.memory_space<vmem>>)
      %dma_wait3A_3254 = arith.constant 24 : i32
      %dma_wait3A_3255 = arith.constant 0 : i32
      %dma_wait3A_3256 = tpu.memref_slice %arg10[%dma_wait3A_3254, %dma_wait3A_3255] : memref<384x128xf32, #tpu.memory_space<vmem>> -> memref<8x128xf32, #tpu.memory_space<vmem>>
      %dma_wait3A_3257 = arith.constant 24 : i32
      %dma_wait3A_3258 = tpu.memref_slice %arg5[%dma_wait3A_3257, %multiple_of3A_1801] : memref<32x1000000xf32, #tpu.memory_space<hbm>> -> memref<8x128xf32, #tpu.memory_space<hbm>>
      %dma_wait3A_3259 = arith.constant 24 : i32
      %dma_wait3A_3260 = arith.constant 0 : i32
      %dma_wait3A_3261 = tpu.memref_slice %arg10[%dma_wait3A_3259, %dma_wait3A_3260] : memref<384x128xf32, #tpu.memory_space<vmem>> -> memref<8x128xf32, #tpu.memory_space<vmem>>
      %dma_wait3A_3262 = arith.constant 24 : i32
      %dma_wait3A_3263 = tpu.memref_slice %arg5[%dma_wait3A_3262, %multiple_of3A_1801] : memref<32x1000000xf32, #tpu.memory_space<hbm>> -> memref<8x128xf32, #tpu.memory_space<hbm>>
      tpu.wait_dma2 semaphore(%arg16 : memref<!tpu.dma_semaphore, #tpu.memory_space<semaphore_mem>>) src(%dma_wait3A_3263 : memref<8x128xf32, #tpu.memory_space<hbm>>) dst(%dma_wait3A_3261 : memref<8x128xf32, #tpu.memory_space<vmem>>)
      %dma_wait3A_3264 = arith.constant 32 : i32
      %dma_wait3A_3265 = arith.constant 0 : i32
      %dma_wait3A_3266 = tpu.memref_slice %arg9[%dma_wait3A_3264, %dma_wait3A_3265] : memref<384x128xf32, #tpu.memory_space<vmem>> -> memref<8x128xf32, #tpu.memory_space<vmem>>
      %dma_wait3A_3267 = arith.constant 0 : i32
      %dma_wait3A_3268 = tpu.memref_slice %arg4[%dma_wait3A_3267, %multiple_of3A_1904] : memref<32x1000000xf32, #tpu.memory_space<hbm>> -> memref<8x128xf32, #tpu.memory_space<hbm>>
      %dma_wait3A_3269 = arith.constant 32 : i32
      %dma_wait3A_3270 = arith.constant 0 : i32
      %dma_wait3A_3271 = tpu.memref_slice %arg9[%dma_wait3A_3269, %dma_wait3A_3270] : memref<384x128xf32, #tpu.memory_space<vmem>> -> memref<8x128xf32, #tpu.memory_space<vmem>>
      %dma_wait3A_3272 = arith.constant 0 : i32
      %dma_wait3A_3273 = tpu.memref_slice %arg4[%dma_wait3A_3272, %multiple_of3A_1904] : memref<32x1000000xf32, #tpu.memory_space<hbm>> -> memref<8x128xf32, #tpu.memory_space<hbm>>
      tpu.wait_dma2 semaphore(%arg13 : memref<!tpu.dma_semaphore, #tpu.memory_space<semaphore_mem>>) src(%dma_wait3A_3273 : memref<8x128xf32, #tpu.memory_space<hbm>>) dst(%dma_wait3A_3271 : memref<8x128xf32, #tpu.memory_space<vmem>>)
      %dma_wait3A_3274 = arith.constant 32 : i32
      %dma_wait3A_3275 = arith.constant 0 : i32
      %dma_wait3A_3276 = tpu.memref_slice %arg10[%dma_wait3A_3274, %dma_wait3A_3275] : memref<384x128xf32, #tpu.memory_space<vmem>> -> memref<8x128xf32, #tpu.memory_space<vmem>>
      %dma_wait3A_3277 = arith.constant 0 : i32
      %dma_wait3A_3278 = tpu.memref_slice %arg5[%dma_wait3A_3277, %multiple_of3A_1907] : memref<32x1000000xf32, #tpu.memory_space<hbm>> -> memref<8x128xf32, #tpu.memory_space<hbm>>
      %dma_wait3A_3279 = arith.constant 32 : i32
      %dma_wait3A_3280 = arith.constant 0 : i32
      %dma_wait3A_3281 = tpu.memref_slice %arg10[%dma_wait3A_3279, %dma_wait3A_3280] : memref<384x128xf32, #tpu.memory_space<vmem>> -> memref<8x128xf32, #tpu.memory_space<vmem>>
      %dma_wait3A_3282 = arith.constant 0 : i32
      %dma_wait3A_3283 = tpu.memref_slice %arg5[%dma_wait3A_3282, %multiple_of3A_1907] : memref<32x1000000xf32, #tpu.memory_space<hbm>> -> memref<8x128xf32, #tpu.memory_space<hbm>>
      tpu.wait_dma2 semaphore(%arg16 : memref<!tpu.dma_semaphore, #tpu.memory_space<semaphore_mem>>) src(%dma_wait3A_3283 : memref<8x128xf32, #tpu.memory_space<hbm>>) dst(%dma_wait3A_3281 : memref<8x128xf32, #tpu.memory_space<vmem>>)
      %dma_wait3A_3284 = arith.constant 40 : i32
      %dma_wait3A_3285 = arith.constant 0 : i32
      %dma_wait3A_3286 = tpu.memref_slice %arg9[%dma_wait3A_3284, %dma_wait3A_3285] : memref<384x128xf32, #tpu.memory_space<vmem>> -> memref<8x128xf32, #tpu.memory_space<vmem>>
      %dma_wait3A_3287 = arith.constant 8 : i32
      %dma_wait3A_3288 = tpu.memref_slice %arg4[%dma_wait3A_3287, %multiple_of3A_1904] : memref<32x1000000xf32, #tpu.memory_space<hbm>> -> memref<8x128xf32, #tpu.memory_space<hbm>>
      %dma_wait3A_3289 = arith.constant 40 : i32
      %dma_wait3A_3290 = arith.constant 0 : i32
      %dma_wait3A_3291 = tpu.memref_slice %arg9[%dma_wait3A_3289, %dma_wait3A_3290] : memref<384x128xf32, #tpu.memory_space<vmem>> -> memref<8x128xf32, #tpu.memory_space<vmem>>
      %dma_wait3A_3292 = arith.constant 8 : i32
      %dma_wait3A_3293 = tpu.memref_slice %arg4[%dma_wait3A_3292, %multiple_of3A_1904] : memref<32x1000000xf32, #tpu.memory_space<hbm>> -> memref<8x128xf32, #tpu.memory_space<hbm>>
      tpu.wait_dma2 semaphore(%arg13 : memref<!tpu.dma_semaphore, #tpu.memory_space<semaphore_mem>>) src(%dma_wait3A_3293 : memref<8x128xf32, #tpu.memory_space<hbm>>) dst(%dma_wait3A_3291 : memref<8x128xf32, #tpu.memory_space<vmem>>)
      %dma_wait3A_3294 = arith.constant 40 : i32
      %dma_wait3A_3295 = arith.constant 0 : i32
      %dma_wait3A_3296 = tpu.memref_slice %arg10[%dma_wait3A_3294, %dma_wait3A_3295] : memref<384x128xf32, #tpu.memory_space<vmem>> -> memref<8x128xf32, #tpu.memory_space<vmem>>
      %dma_wait3A_3297 = arith.constant 8 : i32
      %dma_wait3A_3298 = tpu.memref_slice %arg5[%dma_wait3A_3297, %multiple_of3A_1907] : memref<32x1000000xf32, #tpu.memory_space<hbm>> -> memref<8x128xf32, #tpu.memory_space<hbm>>
      %dma_wait3A_3299 = arith.constant 40 : i32
      %dma_wait3A_3300 = arith.constant 0 : i32
      %dma_wait3A_3301 = tpu.memref_slice %arg10[%dma_wait3A_3299, %dma_wait3A_3300] : memref<384x128xf32, #tpu.memory_space<vmem>> -> memref<8x128xf32, #tpu.memory_space<vmem>>
      %dma_wait3A_3302 = arith.constant 8 : i32
      %dma_wait3A_3303 = tpu.memref_slice %arg5[%dma_wait3A_3302, %multiple_of3A_1907] : memref<32x1000000xf32, #tpu.memory_space<hbm>> -> memref<8x128xf32, #tpu.memory_space<hbm>>
      tpu.wait_dma2 semaphore(%arg16 : memref<!tpu.dma_semaphore, #tpu.memory_space<semaphore_mem>>) src(%dma_wait3A_3303 : memref<8x128xf32, #tpu.memory_space<hbm>>) dst(%dma_wait3A_3301 : memref<8x128xf32, #tpu.memory_space<vmem>>)
      %dma_wait3A_3304 = arith.constant 48 : i32
      %dma_wait3A_3305 = arith.constant 0 : i32
      %dma_wait3A_3306 = tpu.memref_slice %arg9[%dma_wait3A_3304, %dma_wait3A_3305] : memref<384x128xf32, #tpu.memory_space<vmem>> -> memref<8x128xf32, #tpu.memory_space<vmem>>
      %dma_wait3A_3307 = arith.constant 16 : i32
      %dma_wait3A_3308 = tpu.memref_slice %arg4[%dma_wait3A_3307, %multiple_of3A_1904] : memref<32x1000000xf32, #tpu.memory_space<hbm>> -> memref<8x128xf32, #tpu.memory_space<hbm>>
      %dma_wait3A_3309 = arith.constant 48 : i32
      %dma_wait3A_3310 = arith.constant 0 : i32
      %dma_wait3A_3311 = tpu.memref_slice %arg9[%dma_wait3A_3309, %dma_wait3A_3310] : memref<384x128xf32, #tpu.memory_space<vmem>> -> memref<8x128xf32, #tpu.memory_space<vmem>>
      %dma_wait3A_3312 = arith.constant 16 : i32
      %dma_wait3A_3313 = tpu.memref_slice %arg4[%dma_wait3A_3312, %multiple_of3A_1904] : memref<32x1000000xf32, #tpu.memory_space<hbm>> -> memref<8x128xf32, #tpu.memory_space<hbm>>
      tpu.wait_dma2 semaphore(%arg13 : memref<!tpu.dma_semaphore, #tpu.memory_space<semaphore_mem>>) src(%dma_wait3A_3313 : memref<8x128xf32, #tpu.memory_space<hbm>>) dst(%dma_wait3A_3311 : memref<8x128xf32, #tpu.memory_space<vmem>>)
      %dma_wait3A_3314 = arith.constant 48 : i32
      %dma_wait3A_3315 = arith.constant 0 : i32
      %dma_wait3A_3316 = tpu.memref_slice %arg10[%dma_wait3A_3314, %dma_wait3A_3315] : memref<384x128xf32, #tpu.memory_space<vmem>> -> memref<8x128xf32, #tpu.memory_space<vmem>>
      %dma_wait3A_3317 = arith.constant 16 : i32
      %dma_wait3A_3318 = tpu.memref_slice %arg5[%dma_wait3A_3317, %multiple_of3A_1907] : memref<32x1000000xf32, #tpu.memory_space<hbm>> -> memref<8x128xf32, #tpu.memory_space<hbm>>
      %dma_wait3A_3319 = arith.constant 48 : i32
      %dma_wait3A_3320 = arith.constant 0 : i32
      %dma_wait3A_3321 = tpu.memref_slice %arg10[%dma_wait3A_3319, %dma_wait3A_3320] : memref<384x128xf32, #tpu.memory_space<vmem>> -> memref<8x128xf32, #tpu.memory_space<vmem>>
      %dma_wait3A_3322 = arith.constant 16 : i32
      %dma_wait3A_3323 = tpu.memref_slice %arg5[%dma_wait3A_3322, %multiple_of3A_1907] : memref<32x1000000xf32, #tpu.memory_space<hbm>> -> memref<8x128xf32, #tpu.memory_space<hbm>>
      tpu.wait_dma2 semaphore(%arg16 : memref<!tpu.dma_semaphore, #tpu.memory_space<semaphore_mem>>) src(%dma_wait3A_3323 : memref<8x128xf32, #tpu.memory_space<hbm>>) dst(%dma_wait3A_3321 : memref<8x128xf32, #tpu.memory_space<vmem>>)
      %dma_wait3A_3324 = arith.constant 56 : i32
      %dma_wait3A_3325 = arith.constant 0 : i32
      %dma_wait3A_3326 = tpu.memref_slice %arg9[%dma_wait3A_3324, %dma_wait3A_3325] : memref<384x128xf32, #tpu.memory_space<vmem>> -> memref<8x128xf32, #tpu.memory_space<vmem>>
      %dma_wait3A_3327 = arith.constant 24 : i32
      %dma_wait3A_3328 = tpu.memref_slice %arg4[%dma_wait3A_3327, %multiple_of3A_1904] : memref<32x1000000xf32, #tpu.memory_space<hbm>> -> memref<8x128xf32, #tpu.memory_space<hbm>>
      %dma_wait3A_3329 = arith.constant 56 : i32
      %dma_wait3A_3330 = arith.constant 0 : i32
      %dma_wait3A_3331 = tpu.memref_slice %arg9[%dma_wait3A_3329, %dma_wait3A_3330] : memref<384x128xf32, #tpu.memory_space<vmem>> -> memref<8x128xf32, #tpu.memory_space<vmem>>
      %dma_wait3A_3332 = arith.constant 24 : i32
      %dma_wait3A_3333 = tpu.memref_slice %arg4[%dma_wait3A_3332, %multiple_of3A_1904] : memref<32x1000000xf32, #tpu.memory_space<hbm>> -> memref<8x128xf32, #tpu.memory_space<hbm>>
      tpu.wait_dma2 semaphore(%arg13 : memref<!tpu.dma_semaphore, #tpu.memory_space<semaphore_mem>>) src(%dma_wait3A_3333 : memref<8x128xf32, #tpu.memory_space<hbm>>) dst(%dma_wait3A_3331 : memref<8x128xf32, #tpu.memory_space<vmem>>)
      %dma_wait3A_3334 = arith.constant 56 : i32
      %dma_wait3A_3335 = arith.constant 0 : i32
      %dma_wait3A_3336 = tpu.memref_slice %arg10[%dma_wait3A_3334, %dma_wait3A_3335] : memref<384x128xf32, #tpu.memory_space<vmem>> -> memref<8x128xf32, #tpu.memory_space<vmem>>
      %dma_wait3A_3337 = arith.constant 24 : i32
      %dma_wait3A_3338 = tpu.memref_slice %arg5[%dma_wait3A_3337, %multiple_of3A_1907] : memref<32x1000000xf32, #tpu.memory_space<hbm>> -> memref<8x128xf32, #tpu.memory_space<hbm>>
      %dma_wait3A_3339 = arith.constant 56 : i32
      %dma_wait3A_3340 = arith.constant 0 : i32
      %dma_wait3A_3341 = tpu.memref_slice %arg10[%dma_wait3A_3339, %dma_wait3A_3340] : memref<384x128xf32, #tpu.memory_space<vmem>> -> memref<8x128xf32, #tpu.memory_space<vmem>>
      %dma_wait3A_3342 = arith.constant 24 : i32
      %dma_wait3A_3343 = tpu.memref_slice %arg5[%dma_wait3A_3342, %multiple_of3A_1907] : memref<32x1000000xf32, #tpu.memory_space<hbm>> -> memref<8x128xf32, #tpu.memory_space<hbm>>
      tpu.wait_dma2 semaphore(%arg16 : memref<!tpu.dma_semaphore, #tpu.memory_space<semaphore_mem>>) src(%dma_wait3A_3343 : memref<8x128xf32, #tpu.memory_space<hbm>>) dst(%dma_wait3A_3341 : memref<8x128xf32, #tpu.memory_space<vmem>>)
      %dma_wait3A_3344 = arith.constant 64 : i32
      %dma_wait3A_3345 = arith.constant 0 : i32
      %dma_wait3A_3346 = tpu.memref_slice %arg9[%dma_wait3A_3344, %dma_wait3A_3345] : memref<384x128xf32, #tpu.memory_space<vmem>> -> memref<8x128xf32, #tpu.memory_space<vmem>>
      %dma_wait3A_3347 = arith.constant 0 : i32
      %dma_wait3A_3348 = tpu.memref_slice %arg4[%dma_wait3A_3347, %multiple_of3A_2010] : memref<32x1000000xf32, #tpu.memory_space<hbm>> -> memref<8x128xf32, #tpu.memory_space<hbm>>
      %dma_wait3A_3349 = arith.constant 64 : i32
      %dma_wait3A_3350 = arith.constant 0 : i32
      %dma_wait3A_3351 = tpu.memref_slice %arg9[%dma_wait3A_3349, %dma_wait3A_3350] : memref<384x128xf32, #tpu.memory_space<vmem>> -> memref<8x128xf32, #tpu.memory_space<vmem>>
      %dma_wait3A_3352 = arith.constant 0 : i32
      %dma_wait3A_3353 = tpu.memref_slice %arg4[%dma_wait3A_3352, %multiple_of3A_2010] : memref<32x1000000xf32, #tpu.memory_space<hbm>> -> memref<8x128xf32, #tpu.memory_space<hbm>>
      tpu.wait_dma2 semaphore(%arg13 : memref<!tpu.dma_semaphore, #tpu.memory_space<semaphore_mem>>) src(%dma_wait3A_3353 : memref<8x128xf32, #tpu.memory_space<hbm>>) dst(%dma_wait3A_3351 : memref<8x128xf32, #tpu.memory_space<vmem>>)
      %dma_wait3A_3354 = arith.constant 64 : i32
      %dma_wait3A_3355 = arith.constant 0 : i32
      %dma_wait3A_3356 = tpu.memref_slice %arg10[%dma_wait3A_3354, %dma_wait3A_3355] : memref<384x128xf32, #tpu.memory_space<vmem>> -> memref<8x128xf32, #tpu.memory_space<vmem>>
      %dma_wait3A_3357 = arith.constant 0 : i32
      %dma_wait3A_3358 = tpu.memref_slice %arg5[%dma_wait3A_3357, %multiple_of3A_2013] : memref<32x1000000xf32, #tpu.memory_space<hbm>> -> memref<8x128xf32, #tpu.memory_space<hbm>>
      %dma_wait3A_3359 = arith.constant 64 : i32
      %dma_wait3A_3360 = arith.constant 0 : i32
      %dma_wait3A_3361 = tpu.memref_slice %arg10[%dma_wait3A_3359, %dma_wait3A_3360] : memref<384x128xf32, #tpu.memory_space<vmem>> -> memref<8x128xf32, #tpu.memory_space<vmem>>
      %dma_wait3A_3362 = arith.constant 0 : i32
      %dma_wait3A_3363 = tpu.memref_slice %arg5[%dma_wait3A_3362, %multiple_of3A_2013] : memref<32x1000000xf32, #tpu.memory_space<hbm>> -> memref<8x128xf32, #tpu.memory_space<hbm>>
      tpu.wait_dma2 semaphore(%arg16 : memref<!tpu.dma_semaphore, #tpu.memory_space<semaphore_mem>>) src(%dma_wait3A_3363 : memref<8x128xf32, #tpu.memory_space<hbm>>) dst(%dma_wait3A_3361 : memref<8x128xf32, #tpu.memory_space<vmem>>)
      %dma_wait3A_3364 = arith.constant 72 : i32
      %dma_wait3A_3365 = arith.constant 0 : i32
      %dma_wait3A_3366 = tpu.memref_slice %arg9[%dma_wait3A_3364, %dma_wait3A_3365] : memref<384x128xf32, #tpu.memory_space<vmem>> -> memref<8x128xf32, #tpu.memory_space<vmem>>
      %dma_wait3A_3367 = arith.constant 8 : i32
      %dma_wait3A_3368 = tpu.memref_slice %arg4[%dma_wait3A_3367, %multiple_of3A_2010] : memref<32x1000000xf32, #tpu.memory_space<hbm>> -> memref<8x128xf32, #tpu.memory_space<hbm>>
      %dma_wait3A_3369 = arith.constant 72 : i32
      %dma_wait3A_3370 = arith.constant 0 : i32
      %dma_wait3A_3371 = tpu.memref_slice %arg9[%dma_wait3A_3369, %dma_wait3A_3370] : memref<384x128xf32, #tpu.memory_space<vmem>> -> memref<8x128xf32, #tpu.memory_space<vmem>>
      %dma_wait3A_3372 = arith.constant 8 : i32
      %dma_wait3A_3373 = tpu.memref_slice %arg4[%dma_wait3A_3372, %multiple_of3A_2010] : memref<32x1000000xf32, #tpu.memory_space<hbm>> -> memref<8x128xf32, #tpu.memory_space<hbm>>
      tpu.wait_dma2 semaphore(%arg13 : memref<!tpu.dma_semaphore, #tpu.memory_space<semaphore_mem>>) src(%dma_wait3A_3373 : memref<8x128xf32, #tpu.memory_space<hbm>>) dst(%dma_wait3A_3371 : memref<8x128xf32, #tpu.memory_space<vmem>>)
      %dma_wait3A_3374 = arith.constant 72 : i32
      %dma_wait3A_3375 = arith.constant 0 : i32
      %dma_wait3A_3376 = tpu.memref_slice %arg10[%dma_wait3A_3374, %dma_wait3A_3375] : memref<384x128xf32, #tpu.memory_space<vmem>> -> memref<8x128xf32, #tpu.memory_space<vmem>>
      %dma_wait3A_3377 = arith.constant 8 : i32
      %dma_wait3A_3378 = tpu.memref_slice %arg5[%dma_wait3A_3377, %multiple_of3A_2013] : memref<32x1000000xf32, #tpu.memory_space<hbm>> -> memref<8x128xf32, #tpu.memory_space<hbm>>
      %dma_wait3A_3379 = arith.constant 72 : i32
      %dma_wait3A_3380 = arith.constant 0 : i32
      %dma_wait3A_3381 = tpu.memref_slice %arg10[%dma_wait3A_3379, %dma_wait3A_3380] : memref<384x128xf32, #tpu.memory_space<vmem>> -> memref<8x128xf32, #tpu.memory_space<vmem>>
      %dma_wait3A_3382 = arith.constant 8 : i32
      %dma_wait3A_3383 = tpu.memref_slice %arg5[%dma_wait3A_3382, %multiple_of3A_2013] : memref<32x1000000xf32, #tpu.memory_space<hbm>> -> memref<8x128xf32, #tpu.memory_space<hbm>>
      tpu.wait_dma2 semaphore(%arg16 : memref<!tpu.dma_semaphore, #tpu.memory_space<semaphore_mem>>) src(%dma_wait3A_3383 : memref<8x128xf32, #tpu.memory_space<hbm>>) dst(%dma_wait3A_3381 : memref<8x128xf32, #tpu.memory_space<vmem>>)
      %dma_wait3A_3384 = arith.constant 80 : i32
      %dma_wait3A_3385 = arith.constant 0 : i32
      %dma_wait3A_3386 = tpu.memref_slice %arg9[%dma_wait3A_3384, %dma_wait3A_3385] : memref<384x128xf32, #tpu.memory_space<vmem>> -> memref<8x128xf32, #tpu.memory_space<vmem>>
      %dma_wait3A_3387 = arith.constant 16 : i32
      %dma_wait3A_3388 = tpu.memref_slice %arg4[%dma_wait3A_3387, %multiple_of3A_2010] : memref<32x1000000xf32, #tpu.memory_space<hbm>> -> memref<8x128xf32, #tpu.memory_space<hbm>>
      %dma_wait3A_3389 = arith.constant 80 : i32
      %dma_wait3A_3390 = arith.constant 0 : i32
      %dma_wait3A_3391 = tpu.memref_slice %arg9[%dma_wait3A_3389, %dma_wait3A_3390] : memref<384x128xf32, #tpu.memory_space<vmem>> -> memref<8x128xf32, #tpu.memory_space<vmem>>
      %dma_wait3A_3392 = arith.constant 16 : i32
      %dma_wait3A_3393 = tpu.memref_slice %arg4[%dma_wait3A_3392, %multiple_of3A_2010] : memref<32x1000000xf32, #tpu.memory_space<hbm>> -> memref<8x128xf32, #tpu.memory_space<hbm>>
      tpu.wait_dma2 semaphore(%arg13 : memref<!tpu.dma_semaphore, #tpu.memory_space<semaphore_mem>>) src(%dma_wait3A_3393 : memref<8x128xf32, #tpu.memory_space<hbm>>) dst(%dma_wait3A_3391 : memref<8x128xf32, #tpu.memory_space<vmem>>)
      %dma_wait3A_3394 = arith.constant 80 : i32
      %dma_wait3A_3395 = arith.constant 0 : i32
      %dma_wait3A_3396 = tpu.memref_slice %arg10[%dma_wait3A_3394, %dma_wait3A_3395] : memref<384x128xf32, #tpu.memory_space<vmem>> -> memref<8x128xf32, #tpu.memory_space<vmem>>
      %dma_wait3A_3397 = arith.constant 16 : i32
      %dma_wait3A_3398 = tpu.memref_slice %arg5[%dma_wait3A_3397, %multiple_of3A_2013] : memref<32x1000000xf32, #tpu.memory_space<hbm>> -> memref<8x128xf32, #tpu.memory_space<hbm>>
      %dma_wait3A_3399 = arith.constant 80 : i32
      %dma_wait3A_3400 = arith.constant 0 : i32
      %dma_wait3A_3401 = tpu.memref_slice %arg10[%dma_wait3A_3399, %dma_wait3A_3400] : memref<384x128xf32, #tpu.memory_space<vmem>> -> memref<8x128xf32, #tpu.memory_space<vmem>>
      %dma_wait3A_3402 = arith.constant 16 : i32
      %dma_wait3A_3403 = tpu.memref_slice %arg5[%dma_wait3A_3402, %multiple_of3A_2013] : memref<32x1000000xf32, #tpu.memory_space<hbm>> -> memref<8x128xf32, #tpu.memory_space<hbm>>
      tpu.wait_dma2 semaphore(%arg16 : memref<!tpu.dma_semaphore, #tpu.memory_space<semaphore_mem>>) src(%dma_wait3A_3403 : memref<8x128xf32, #tpu.memory_space<hbm>>) dst(%dma_wait3A_3401 : memref<8x128xf32, #tpu.memory_space<vmem>>)
      %dma_wait3A_3404 = arith.constant 88 : i32
      %dma_wait3A_3405 = arith.constant 0 : i32
      %dma_wait3A_3406 = tpu.memref_slice %arg9[%dma_wait3A_3404, %dma_wait3A_3405] : memref<384x128xf32, #tpu.memory_space<vmem>> -> memref<8x128xf32, #tpu.memory_space<vmem>>
      %dma_wait3A_3407 = arith.constant 24 : i32
      %dma_wait3A_3408 = tpu.memref_slice %arg4[%dma_wait3A_3407, %multiple_of3A_2010] : memref<32x1000000xf32, #tpu.memory_space<hbm>> -> memref<8x128xf32, #tpu.memory_space<hbm>>
      %dma_wait3A_3409 = arith.constant 88 : i32
      %dma_wait3A_3410 = arith.constant 0 : i32
      %dma_wait3A_3411 = tpu.memref_slice %arg9[%dma_wait3A_3409, %dma_wait3A_3410] : memref<384x128xf32, #tpu.memory_space<vmem>> -> memref<8x128xf32, #tpu.memory_space<vmem>>
      %dma_wait3A_3412 = arith.constant 24 : i32
      %dma_wait3A_3413 = tpu.memref_slice %arg4[%dma_wait3A_3412, %multiple_of3A_2010] : memref<32x1000000xf32, #tpu.memory_space<hbm>> -> memref<8x128xf32, #tpu.memory_space<hbm>>
      tpu.wait_dma2 semaphore(%arg13 : memref<!tpu.dma_semaphore, #tpu.memory_space<semaphore_mem>>) src(%dma_wait3A_3413 : memref<8x128xf32, #tpu.memory_space<hbm>>) dst(%dma_wait3A_3411 : memref<8x128xf32, #tpu.memory_space<vmem>>)
      %dma_wait3A_3414 = arith.constant 88 : i32
      %dma_wait3A_3415 = arith.constant 0 : i32
      %dma_wait3A_3416 = tpu.memref_slice %arg10[%dma_wait3A_3414, %dma_wait3A_3415] : memref<384x128xf32, #tpu.memory_space<vmem>> -> memref<8x128xf32, #tpu.memory_space<vmem>>
      %dma_wait3A_3417 = arith.constant 24 : i32
      %dma_wait3A_3418 = tpu.memref_slice %arg5[%dma_wait3A_3417, %multiple_of3A_2013] : memref<32x1000000xf32, #tpu.memory_space<hbm>> -> memref<8x128xf32, #tpu.memory_space<hbm>>
      %dma_wait3A_3419 = arith.constant 88 : i32
      %dma_wait3A_3420 = arith.constant 0 : i32
      %dma_wait3A_3421 = tpu.memref_slice %arg10[%dma_wait3A_3419, %dma_wait3A_3420] : memref<384x128xf32, #tpu.memory_space<vmem>> -> memref<8x128xf32, #tpu.memory_space<vmem>>
      %dma_wait3A_3422 = arith.constant 24 : i32
      %dma_wait3A_3423 = tpu.memref_slice %arg5[%dma_wait3A_3422, %multiple_of3A_2013] : memref<32x1000000xf32, #tpu.memory_space<hbm>> -> memref<8x128xf32, #tpu.memory_space<hbm>>
      tpu.wait_dma2 semaphore(%arg16 : memref<!tpu.dma_semaphore, #tpu.memory_space<semaphore_mem>>) src(%dma_wait3A_3423 : memref<8x128xf32, #tpu.memory_space<hbm>>) dst(%dma_wait3A_3421 : memref<8x128xf32, #tpu.memory_space<vmem>>)
      %dma_wait3A_3424 = arith.constant 96 : i32
      %dma_wait3A_3425 = arith.constant 0 : i32
      %dma_wait3A_3426 = tpu.memref_slice %arg9[%dma_wait3A_3424, %dma_wait3A_3425] : memref<384x128xf32, #tpu.memory_space<vmem>> -> memref<8x128xf32, #tpu.memory_space<vmem>>
      %dma_wait3A_3427 = arith.constant 0 : i32
      %dma_wait3A_3428 = tpu.memref_slice %arg4[%dma_wait3A_3427, %multiple_of3A_2116] : memref<32x1000000xf32, #tpu.memory_space<hbm>> -> memref<8x128xf32, #tpu.memory_space<hbm>>
      %dma_wait3A_3429 = arith.constant 96 : i32
      %dma_wait3A_3430 = arith.constant 0 : i32
      %dma_wait3A_3431 = tpu.memref_slice %arg9[%dma_wait3A_3429, %dma_wait3A_3430] : memref<384x128xf32, #tpu.memory_space<vmem>> -> memref<8x128xf32, #tpu.memory_space<vmem>>
      %dma_wait3A_3432 = arith.constant 0 : i32
      %dma_wait3A_3433 = tpu.memref_slice %arg4[%dma_wait3A_3432, %multiple_of3A_2116] : memref<32x1000000xf32, #tpu.memory_space<hbm>> -> memref<8x128xf32, #tpu.memory_space<hbm>>
      tpu.wait_dma2 semaphore(%arg13 : memref<!tpu.dma_semaphore, #tpu.memory_space<semaphore_mem>>) src(%dma_wait3A_3433 : memref<8x128xf32, #tpu.memory_space<hbm>>) dst(%dma_wait3A_3431 : memref<8x128xf32, #tpu.memory_space<vmem>>)
      %dma_wait3A_3434 = arith.constant 96 : i32
      %dma_wait3A_3435 = arith.constant 0 : i32
      %dma_wait3A_3436 = tpu.memref_slice %arg10[%dma_wait3A_3434, %dma_wait3A_3435] : memref<384x128xf32, #tpu.memory_space<vmem>> -> memref<8x128xf32, #tpu.memory_space<vmem>>
      %dma_wait3A_3437 = arith.constant 0 : i32
      %dma_wait3A_3438 = tpu.memref_slice %arg5[%dma_wait3A_3437, %multiple_of3A_2119] : memref<32x1000000xf32, #tpu.memory_space<hbm>> -> memref<8x128xf32, #tpu.memory_space<hbm>>
      %dma_wait3A_3439 = arith.constant 96 : i32
      %dma_wait3A_3440 = arith.constant 0 : i32
      %dma_wait3A_3441 = tpu.memref_slice %arg10[%dma_wait3A_3439, %dma_wait3A_3440] : memref<384x128xf32, #tpu.memory_space<vmem>> -> memref<8x128xf32, #tpu.memory_space<vmem>>
      %dma_wait3A_3442 = arith.constant 0 : i32
      %dma_wait3A_3443 = tpu.memref_slice %arg5[%dma_wait3A_3442, %multiple_of3A_2119] : memref<32x1000000xf32, #tpu.memory_space<hbm>> -> memref<8x128xf32, #tpu.memory_space<hbm>>
      tpu.wait_dma2 semaphore(%arg16 : memref<!tpu.dma_semaphore, #tpu.memory_space<semaphore_mem>>) src(%dma_wait3A_3443 : memref<8x128xf32, #tpu.memory_space<hbm>>) dst(%dma_wait3A_3441 : memref<8x128xf32, #tpu.memory_space<vmem>>)
      %dma_wait3A_3444 = arith.constant 104 : i32
      %dma_wait3A_3445 = arith.constant 0 : i32
      %dma_wait3A_3446 = tpu.memref_slice %arg9[%dma_wait3A_3444, %dma_wait3A_3445] : memref<384x128xf32, #tpu.memory_space<vmem>> -> memref<8x128xf32, #tpu.memory_space<vmem>>
      %dma_wait3A_3447 = arith.constant 8 : i32
      %dma_wait3A_3448 = tpu.memref_slice %arg4[%dma_wait3A_3447, %multiple_of3A_2116] : memref<32x1000000xf32, #tpu.memory_space<hbm>> -> memref<8x128xf32, #tpu.memory_space<hbm>>
      %dma_wait3A_3449 = arith.constant 104 : i32
      %dma_wait3A_3450 = arith.constant 0 : i32
      %dma_wait3A_3451 = tpu.memref_slice %arg9[%dma_wait3A_3449, %dma_wait3A_3450] : memref<384x128xf32, #tpu.memory_space<vmem>> -> memref<8x128xf32, #tpu.memory_space<vmem>>
      %dma_wait3A_3452 = arith.constant 8 : i32
      %dma_wait3A_3453 = tpu.memref_slice %arg4[%dma_wait3A_3452, %multiple_of3A_2116] : memref<32x1000000xf32, #tpu.memory_space<hbm>> -> memref<8x128xf32, #tpu.memory_space<hbm>>
      tpu.wait_dma2 semaphore(%arg13 : memref<!tpu.dma_semaphore, #tpu.memory_space<semaphore_mem>>) src(%dma_wait3A_3453 : memref<8x128xf32, #tpu.memory_space<hbm>>) dst(%dma_wait3A_3451 : memref<8x128xf32, #tpu.memory_space<vmem>>)
      %dma_wait3A_3454 = arith.constant 104 : i32
      %dma_wait3A_3455 = arith.constant 0 : i32
      %dma_wait3A_3456 = tpu.memref_slice %arg10[%dma_wait3A_3454, %dma_wait3A_3455] : memref<384x128xf32, #tpu.memory_space<vmem>> -> memref<8x128xf32, #tpu.memory_space<vmem>>
      %dma_wait3A_3457 = arith.constant 8 : i32
      %dma_wait3A_3458 = tpu.memref_slice %arg5[%dma_wait3A_3457, %multiple_of3A_2119] : memref<32x1000000xf32, #tpu.memory_space<hbm>> -> memref<8x128xf32, #tpu.memory_space<hbm>>
      %dma_wait3A_3459 = arith.constant 104 : i32
      %dma_wait3A_3460 = arith.constant 0 : i32
      %dma_wait3A_3461 = tpu.memref_slice %arg10[%dma_wait3A_3459, %dma_wait3A_3460] : memref<384x128xf32, #tpu.memory_space<vmem>> -> memref<8x128xf32, #tpu.memory_space<vmem>>
      %dma_wait3A_3462 = arith.constant 8 : i32
      %dma_wait3A_3463 = tpu.memref_slice %arg5[%dma_wait3A_3462, %multiple_of3A_2119] : memref<32x1000000xf32, #tpu.memory_space<hbm>> -> memref<8x128xf32, #tpu.memory_space<hbm>>
      tpu.wait_dma2 semaphore(%arg16 : memref<!tpu.dma_semaphore, #tpu.memory_space<semaphore_mem>>) src(%dma_wait3A_3463 : memref<8x128xf32, #tpu.memory_space<hbm>>) dst(%dma_wait3A_3461 : memref<8x128xf32, #tpu.memory_space<vmem>>)
      %dma_wait3A_3464 = arith.constant 112 : i32
      %dma_wait3A_3465 = arith.constant 0 : i32
      %dma_wait3A_3466 = tpu.memref_slice %arg9[%dma_wait3A_3464, %dma_wait3A_3465] : memref<384x128xf32, #tpu.memory_space<vmem>> -> memref<8x128xf32, #tpu.memory_space<vmem>>
      %dma_wait3A_3467 = arith.constant 16 : i32
      %dma_wait3A_3468 = tpu.memref_slice %arg4[%dma_wait3A_3467, %multiple_of3A_2116] : memref<32x1000000xf32, #tpu.memory_space<hbm>> -> memref<8x128xf32, #tpu.memory_space<hbm>>
      %dma_wait3A_3469 = arith.constant 112 : i32
      %dma_wait3A_3470 = arith.constant 0 : i32
      %dma_wait3A_3471 = tpu.memref_slice %arg9[%dma_wait3A_3469, %dma_wait3A_3470] : memref<384x128xf32, #tpu.memory_space<vmem>> -> memref<8x128xf32, #tpu.memory_space<vmem>>
      %dma_wait3A_3472 = arith.constant 16 : i32
      %dma_wait3A_3473 = tpu.memref_slice %arg4[%dma_wait3A_3472, %multiple_of3A_2116] : memref<32x1000000xf32, #tpu.memory_space<hbm>> -> memref<8x128xf32, #tpu.memory_space<hbm>>
      tpu.wait_dma2 semaphore(%arg13 : memref<!tpu.dma_semaphore, #tpu.memory_space<semaphore_mem>>) src(%dma_wait3A_3473 : memref<8x128xf32, #tpu.memory_space<hbm>>) dst(%dma_wait3A_3471 : memref<8x128xf32, #tpu.memory_space<vmem>>)
      %dma_wait3A_3474 = arith.constant 112 : i32
      %dma_wait3A_3475 = arith.constant 0 : i32
      %dma_wait3A_3476 = tpu.memref_slice %arg10[%dma_wait3A_3474, %dma_wait3A_3475] : memref<384x128xf32, #tpu.memory_space<vmem>> -> memref<8x128xf32, #tpu.memory_space<vmem>>
      %dma_wait3A_3477 = arith.constant 16 : i32
      %dma_wait3A_3478 = tpu.memref_slice %arg5[%dma_wait3A_3477, %multiple_of3A_2119] : memref<32x1000000xf32, #tpu.memory_space<hbm>> -> memref<8x128xf32, #tpu.memory_space<hbm>>
      %dma_wait3A_3479 = arith.constant 112 : i32
      %dma_wait3A_3480 = arith.constant 0 : i32
      %dma_wait3A_3481 = tpu.memref_slice %arg10[%dma_wait3A_3479, %dma_wait3A_3480] : memref<384x128xf32, #tpu.memory_space<vmem>> -> memref<8x128xf32, #tpu.memory_space<vmem>>
      %dma_wait3A_3482 = arith.constant 16 : i32
      %dma_wait3A_3483 = tpu.memref_slice %arg5[%dma_wait3A_3482, %multiple_of3A_2119] : memref<32x1000000xf32, #tpu.memory_space<hbm>> -> memref<8x128xf32, #tpu.memory_space<hbm>>
      tpu.wait_dma2 semaphore(%arg16 : memref<!tpu.dma_semaphore, #tpu.memory_space<semaphore_mem>>) src(%dma_wait3A_3483 : memref<8x128xf32, #tpu.memory_space<hbm>>) dst(%dma_wait3A_3481 : memref<8x128xf32, #tpu.memory_space<vmem>>)
      %dma_wait3A_3484 = arith.constant 120 : i32
      %dma_wait3A_3485 = arith.constant 0 : i32
      %dma_wait3A_3486 = tpu.memref_slice %arg9[%dma_wait3A_3484, %dma_wait3A_3485] : memref<384x128xf32, #tpu.memory_space<vmem>> -> memref<8x128xf32, #tpu.memory_space<vmem>>
      %dma_wait3A_3487 = arith.constant 24 : i32
      %dma_wait3A_3488 = tpu.memref_slice %arg4[%dma_wait3A_3487, %multiple_of3A_2116] : memref<32x1000000xf32, #tpu.memory_space<hbm>> -> memref<8x128xf32, #tpu.memory_space<hbm>>
      %dma_wait3A_3489 = arith.constant 120 : i32
      %dma_wait3A_3490 = arith.constant 0 : i32
      %dma_wait3A_3491 = tpu.memref_slice %arg9[%dma_wait3A_3489, %dma_wait3A_3490] : memref<384x128xf32, #tpu.memory_space<vmem>> -> memref<8x128xf32, #tpu.memory_space<vmem>>
      %dma_wait3A_3492 = arith.constant 24 : i32
      %dma_wait3A_3493 = tpu.memref_slice %arg4[%dma_wait3A_3492, %multiple_of3A_2116] : memref<32x1000000xf32, #tpu.memory_space<hbm>> -> memref<8x128xf32, #tpu.memory_space<hbm>>
      tpu.wait_dma2 semaphore(%arg13 : memref<!tpu.dma_semaphore, #tpu.memory_space<semaphore_mem>>) src(%dma_wait3A_3493 : memref<8x128xf32, #tpu.memory_space<hbm>>) dst(%dma_wait3A_3491 : memref<8x128xf32, #tpu.memory_space<vmem>>)
      %dma_wait3A_3494 = arith.constant 120 : i32
      %dma_wait3A_3495 = arith.constant 0 : i32
      %dma_wait3A_3496 = tpu.memref_slice %arg10[%dma_wait3A_3494, %dma_wait3A_3495] : memref<384x128xf32, #tpu.memory_space<vmem>> -> memref<8x128xf32, #tpu.memory_space<vmem>>
      %dma_wait3A_3497 = arith.constant 24 : i32
      %dma_wait3A_3498 = tpu.memref_slice %arg5[%dma_wait3A_3497, %multiple_of3A_2119] : memref<32x1000000xf32, #tpu.memory_space<hbm>> -> memref<8x128xf32, #tpu.memory_space<hbm>>
      %dma_wait3A_3499 = arith.constant 120 : i32
      %dma_wait3A_3500 = arith.constant 0 : i32
      %dma_wait3A_3501 = tpu.memref_slice %arg10[%dma_wait3A_3499, %dma_wait3A_3500] : memref<384x128xf32, #tpu.memory_space<vmem>> -> memref<8x128xf32, #tpu.memory_space<vmem>>
      %dma_wait3A_3502 = arith.constant 24 : i32
      %dma_wait3A_3503 = tpu.memref_slice %arg5[%dma_wait3A_3502, %multiple_of3A_2119] : memref<32x1000000xf32, #tpu.memory_space<hbm>> -> memref<8x128xf32, #tpu.memory_space<hbm>>
      tpu.wait_dma2 semaphore(%arg16 : memref<!tpu.dma_semaphore, #tpu.memory_space<semaphore_mem>>) src(%dma_wait3A_3503 : memref<8x128xf32, #tpu.memory_space<hbm>>) dst(%dma_wait3A_3501 : memref<8x128xf32, #tpu.memory_space<vmem>>)
      %broadcast_in_dim3A_3504 = arith.constant 12 : i32
      %broadcast_in_dim3A_3505 = vector.broadcast %broadcast_in_dim3A_3504 : i32 to vector<16xi32>
      %lt3A_3506 = arith.constant 0 : i32
      %lt3A_3507 = vector.broadcast %lt3A_3506 : i32 to vector<16xi32>
      %lt3A_3508 = arith.cmpi slt, %broadcast_in_dim3A_3505, %lt3A_3507 : vector<16xi32>
      %add3A_3509 = arith.constant 16 : i32
      %add3A_3510 = vector.broadcast %add3A_3509 : i32 to vector<16xi32>
      %add3A_3511 = arith.addi %broadcast_in_dim3A_3505, %add3A_3510 : vector<16xi32>
      %select_n3A_3512 = arith.select %lt3A_3508, %add3A_3511, %broadcast_in_dim3A_3505 : vector<16xi1>, vector<16xi32>
      %reshape3A_3513 = vector.shape_cast %select_n3A_3512 : vector<16xi32> to vector<16x1xi32>
      %gather3A_3514 = vector.shape_cast %reshape3A_3513 : vector<16x1xi32> to vector<16xi32>
      %gather3A_3515 = tpu.dynamic_gather %and3A_20[%gather3A_3514] in [0] : vector<16xi32>, vector<16xi32> -> vector<16xi32>
      %lt3A_3516 = arith.constant 0 : i32
      %lt3A_3517 = vector.broadcast %lt3A_3516 : i32 to vector<16xi32>
      %lt3A_3518 = arith.cmpi slt, %broadcast_in_dim3A_3505, %lt3A_3517 : vector<16xi32>
      %add3A_3519 = arith.constant 16 : i32
      %add3A_3520 = vector.broadcast %add3A_3519 : i32 to vector<16xi32>
      %add3A_3521 = arith.addi %broadcast_in_dim3A_3505, %add3A_3520 : vector<16xi32>
      %select_n3A_3522 = arith.select %lt3A_3518, %add3A_3521, %broadcast_in_dim3A_3505 : vector<16xi1>, vector<16xi32>
      %reshape3A_3523 = vector.shape_cast %select_n3A_3522 : vector<16xi32> to vector<16x1xi32>
      %gather3A_3524 = vector.shape_cast %reshape3A_3523 : vector<16x1xi32> to vector<16xi32>
      %gather3A_3525 = tpu.dynamic_gather %and3A_23[%gather3A_3524] in [0] : vector<16xi32>, vector<16xi32> -> vector<16xi32>
      %add3A_3526 = arith.constant 0 : i32
      %add3A_3527 = vector.broadcast %add3A_3526 : i32 to vector<16xi32>
      %add3A_3528 = arith.addi %add3A_3527, %iota3A : vector<16xi32>
      %gather3A_3529 = tpu.vector_load_idx %arg9[%add3A_3528, %gather3A_3515] : memref<384x128xf32, #tpu.memory_space<vmem>>[vector<16xi32>, vector<16xi32>], vector<16xf32>,
      %add3A_3530 = arith.constant 16 : i32
      %add3A_3531 = vector.broadcast %add3A_3530 : i32 to vector<16xi32>
      %add3A_3532 = arith.addi %add3A_3531, %iota3A : vector<16xi32>
      %gather3A_3533 = tpu.vector_load_idx %arg9[%add3A_3532, %gather3A_3515] : memref<384x128xf32, #tpu.memory_space<vmem>>[vector<16xi32>, vector<16xi32>], vector<16xf32>,
      %add3A_3534 = arith.constant 0 : i32
      %add3A_3535 = vector.broadcast %add3A_3534 : i32 to vector<16xi32>
      %add3A_3536 = arith.addi %add3A_3535, %iota3A : vector<16xi32>
      %gather3A_3537 = tpu.vector_load_idx %arg10[%add3A_3536, %gather3A_3525] : memref<384x128xf32, #tpu.memory_space<vmem>>[vector<16xi32>, vector<16xi32>], vector<16xf32>,
      %add3A_3538 = arith.constant 16 : i32
      %add3A_3539 = vector.broadcast %add3A_3538 : i32 to vector<16xi32>
      %add3A_3540 = arith.addi %add3A_3539, %iota3A : vector<16xi32>
      %gather3A_3541 = tpu.vector_load_idx %arg10[%add3A_3540, %gather3A_3525] : memref<384x128xf32, #tpu.memory_space<vmem>>[vector<16xi32>, vector<16xi32>], vector<16xf32>,
      %mul3A_3542 = arith.mulf %gather3A_3529, %gather3A_3537 : vector<16xf32>
      %mul3A_3543 = arith.mulf %gather3A_3533, %gather3A_3541 : vector<16xf32>
      %add3A_3544 = arith.addf %mul3A_3542, %mul3A_3543 : vector<16xf32>
      %swap3A_3545 = arith.constant 204 : index
      %swap3A_3546 = tpu.vector_load %arg11[%swap3A_3545] {strides = array<i32>} : memref<272xf32, #tpu.memory_space<vmem>>, vector<16xf32>,
      tpu.vector_store %arg11[%swap3A_3545], %add3A_3544 {strides = array<i32>} : memref<272xf32, #tpu.memory_space<vmem>>, vector<16xf32>,
      %broadcast_in_dim3A_3547 = arith.constant 13 : i32
      %broadcast_in_dim3A_3548 = vector.broadcast %broadcast_in_dim3A_3547 : i32 to vector<16xi32>
      %lt3A_3549 = arith.constant 0 : i32
      %lt3A_3550 = vector.broadcast %lt3A_3549 : i32 to vector<16xi32>
      %lt3A_3551 = arith.cmpi slt, %broadcast_in_dim3A_3548, %lt3A_3550 : vector<16xi32>
      %add3A_3552 = arith.constant 16 : i32
      %add3A_3553 = vector.broadcast %add3A_3552 : i32 to vector<16xi32>
      %add3A_3554 = arith.addi %broadcast_in_dim3A_3548, %add3A_3553 : vector<16xi32>
      %select_n3A_3555 = arith.select %lt3A_3551, %add3A_3554, %broadcast_in_dim3A_3548 : vector<16xi1>, vector<16xi32>
      %reshape3A_3556 = vector.shape_cast %select_n3A_3555 : vector<16xi32> to vector<16x1xi32>
      %gather3A_3557 = vector.shape_cast %reshape3A_3556 : vector<16x1xi32> to vector<16xi32>
      %gather3A_3558 = tpu.dynamic_gather %and3A_20[%gather3A_3557] in [0] : vector<16xi32>, vector<16xi32> -> vector<16xi32>
      %lt3A_3559 = arith.constant 0 : i32
      %lt3A_3560 = vector.broadcast %lt3A_3559 : i32 to vector<16xi32>
      %lt3A_3561 = arith.cmpi slt, %broadcast_in_dim3A_3548, %lt3A_3560 : vector<16xi32>
      %add3A_3562 = arith.constant 16 : i32
      %add3A_3563 = vector.broadcast %add3A_3562 : i32 to vector<16xi32>
      %add3A_3564 = arith.addi %broadcast_in_dim3A_3548, %add3A_3563 : vector<16xi32>
      %select_n3A_3565 = arith.select %lt3A_3561, %add3A_3564, %broadcast_in_dim3A_3548 : vector<16xi1>, vector<16xi32>
      %reshape3A_3566 = vector.shape_cast %select_n3A_3565 : vector<16xi32> to vector<16x1xi32>
      %gather3A_3567 = vector.shape_cast %reshape3A_3566 : vector<16x1xi32> to vector<16xi32>
      %gather3A_3568 = tpu.dynamic_gather %and3A_23[%gather3A_3567] in [0] : vector<16xi32>, vector<16xi32> -> vector<16xi32>
      %add3A_3569 = arith.constant 32 : i32
      %add3A_3570 = vector.broadcast %add3A_3569 : i32 to vector<16xi32>
      %add3A_3571 = arith.addi %add3A_3570, %iota3A : vector<16xi32>
      %gather3A_3572 = tpu.vector_load_idx %arg9[%add3A_3571, %gather3A_3558] : memref<384x128xf32, #tpu.memory_space<vmem>>[vector<16xi32>, vector<16xi32>], vector<16xf32>,
      %add3A_3573 = arith.constant 48 : i32
      %add3A_3574 = vector.broadcast %add3A_3573 : i32 to vector<16xi32>
      %add3A_3575 = arith.addi %add3A_3574, %iota3A : vector<16xi32>
      %gather3A_3576 = tpu.vector_load_idx %arg9[%add3A_3575, %gather3A_3558] : memref<384x128xf32, #tpu.memory_space<vmem>>[vector<16xi32>, vector<16xi32>], vector<16xf32>,
      %add3A_3577 = arith.constant 32 : i32
      %add3A_3578 = vector.broadcast %add3A_3577 : i32 to vector<16xi32>
      %add3A_3579 = arith.addi %add3A_3578, %iota3A : vector<16xi32>
      %gather3A_3580 = tpu.vector_load_idx %arg10[%add3A_3579, %gather3A_3568] : memref<384x128xf32, #tpu.memory_space<vmem>>[vector<16xi32>, vector<16xi32>], vector<16xf32>,
      %add3A_3581 = arith.constant 48 : i32
      %add3A_3582 = vector.broadcast %add3A_3581 : i32 to vector<16xi32>
      %add3A_3583 = arith.addi %add3A_3582, %iota3A : vector<16xi32>
      %gather3A_3584 = tpu.vector_load_idx %arg10[%add3A_3583, %gather3A_3568] : memref<384x128xf32, #tpu.memory_space<vmem>>[vector<16xi32>, vector<16xi32>], vector<16xf32>,
      %mul3A_3585 = arith.mulf %gather3A_3572, %gather3A_3580 : vector<16xf32>
      %mul3A_3586 = arith.mulf %gather3A_3576, %gather3A_3584 : vector<16xf32>
      %add3A_3587 = arith.addf %mul3A_3585, %mul3A_3586 : vector<16xf32>
      %swap3A_3588 = arith.constant 221 : index
      %swap3A_3589 = tpu.vector_load %arg11[%swap3A_3588] {strides = array<i32>} : memref<272xf32, #tpu.memory_space<vmem>>, vector<16xf32>,
      tpu.vector_store %arg11[%swap3A_3588], %add3A_3587 {strides = array<i32>} : memref<272xf32, #tpu.memory_space<vmem>>, vector<16xf32>,
      %broadcast_in_dim3A_3590 = arith.constant 14 : i32
      %broadcast_in_dim3A_3591 = vector.broadcast %broadcast_in_dim3A_3590 : i32 to vector<16xi32>
      %lt3A_3592 = arith.constant 0 : i32
      %lt3A_3593 = vector.broadcast %lt3A_3592 : i32 to vector<16xi32>
      %lt3A_3594 = arith.cmpi slt, %broadcast_in_dim3A_3591, %lt3A_3593 : vector<16xi32>
      %add3A_3595 = arith.constant 16 : i32
      %add3A_3596 = vector.broadcast %add3A_3595 : i32 to vector<16xi32>
      %add3A_3597 = arith.addi %broadcast_in_dim3A_3591, %add3A_3596 : vector<16xi32>
      %select_n3A_3598 = arith.select %lt3A_3594, %add3A_3597, %broadcast_in_dim3A_3591 : vector<16xi1>, vector<16xi32>
      %reshape3A_3599 = vector.shape_cast %select_n3A_3598 : vector<16xi32> to vector<16x1xi32>
      %gather3A_3600 = vector.shape_cast %reshape3A_3599 : vector<16x1xi32> to vector<16xi32>
      %gather3A_3601 = tpu.dynamic_gather %and3A_20[%gather3A_3600] in [0] : vector<16xi32>, vector<16xi32> -> vector<16xi32>
      %lt3A_3602 = arith.constant 0 : i32
      %lt3A_3603 = vector.broadcast %lt3A_3602 : i32 to vector<16xi32>
      %lt3A_3604 = arith.cmpi slt, %broadcast_in_dim3A_3591, %lt3A_3603 : vector<16xi32>
      %add3A_3605 = arith.constant 16 : i32
      %add3A_3606 = vector.broadcast %add3A_3605 : i32 to vector<16xi32>
      %add3A_3607 = arith.addi %broadcast_in_dim3A_3591, %add3A_3606 : vector<16xi32>
      %select_n3A_3608 = arith.select %lt3A_3604, %add3A_3607, %broadcast_in_dim3A_3591 : vector<16xi1>, vector<16xi32>
      %reshape3A_3609 = vector.shape_cast %select_n3A_3608 : vector<16xi32> to vector<16x1xi32>
      %gather3A_3610 = vector.shape_cast %reshape3A_3609 : vector<16x1xi32> to vector<16xi32>
      %gather3A_3611 = tpu.dynamic_gather %and3A_23[%gather3A_3610] in [0] : vector<16xi32>, vector<16xi32> -> vector<16xi32>
      %add3A_3612 = arith.constant 64 : i32
      %add3A_3613 = vector.broadcast %add3A_3612 : i32 to vector<16xi32>
      %add3A_3614 = arith.addi %add3A_3613, %iota3A : vector<16xi32>
      %gather3A_3615 = tpu.vector_load_idx %arg9[%add3A_3614, %gather3A_3601] : memref<384x128xf32, #tpu.memory_space<vmem>>[vector<16xi32>, vector<16xi32>], vector<16xf32>,
      %add3A_3616 = arith.constant 80 : i32
      %add3A_3617 = vector.broadcast %add3A_3616 : i32 to vector<16xi32>
      %add3A_3618 = arith.addi %add3A_3617, %iota3A : vector<16xi32>
      %gather3A_3619 = tpu.vector_load_idx %arg9[%add3A_3618, %gather3A_3601] : memref<384x128xf32, #tpu.memory_space<vmem>>[vector<16xi32>, vector<16xi32>], vector<16xf32>,
      %add3A_3620 = arith.constant 64 : i32
      %add3A_3621 = vector.broadcast %add3A_3620 : i32 to vector<16xi32>
      %add3A_3622 = arith.addi %add3A_3621, %iota3A : vector<16xi32>
      %gather3A_3623 = tpu.vector_load_idx %arg10[%add3A_3622, %gather3A_3611] : memref<384x128xf32, #tpu.memory_space<vmem>>[vector<16xi32>, vector<16xi32>], vector<16xf32>,
      %add3A_3624 = arith.constant 80 : i32
      %add3A_3625 = vector.broadcast %add3A_3624 : i32 to vector<16xi32>
      %add3A_3626 = arith.addi %add3A_3625, %iota3A : vector<16xi32>
      %gather3A_3627 = tpu.vector_load_idx %arg10[%add3A_3626, %gather3A_3611] : memref<384x128xf32, #tpu.memory_space<vmem>>[vector<16xi32>, vector<16xi32>], vector<16xf32>,
      %mul3A_3628 = arith.mulf %gather3A_3615, %gather3A_3623 : vector<16xf32>
      %mul3A_3629 = arith.mulf %gather3A_3619, %gather3A_3627 : vector<16xf32>
      %add3A_3630 = arith.addf %mul3A_3628, %mul3A_3629 : vector<16xf32>
      %swap3A_3631 = arith.constant 238 : index
      %swap3A_3632 = tpu.vector_load %arg11[%swap3A_3631] {strides = array<i32>} : memref<272xf32, #tpu.memory_space<vmem>>, vector<16xf32>,
      tpu.vector_store %arg11[%swap3A_3631], %add3A_3630 {strides = array<i32>} : memref<272xf32, #tpu.memory_space<vmem>>, vector<16xf32>,
      %broadcast_in_dim3A_3633 = arith.constant 15 : i32
      %broadcast_in_dim3A_3634 = vector.broadcast %broadcast_in_dim3A_3633 : i32 to vector<16xi32>
      %lt3A_3635 = arith.constant 0 : i32
      %lt3A_3636 = vector.broadcast %lt3A_3635 : i32 to vector<16xi32>
      %lt3A_3637 = arith.cmpi slt, %broadcast_in_dim3A_3634, %lt3A_3636 : vector<16xi32>
      %add3A_3638 = arith.constant 16 : i32
      %add3A_3639 = vector.broadcast %add3A_3638 : i32 to vector<16xi32>
      %add3A_3640 = arith.addi %broadcast_in_dim3A_3634, %add3A_3639 : vector<16xi32>
      %select_n3A_3641 = arith.select %lt3A_3637, %add3A_3640, %broadcast_in_dim3A_3634 : vector<16xi1>, vector<16xi32>
      %reshape3A_3642 = vector.shape_cast %select_n3A_3641 : vector<16xi32> to vector<16x1xi32>
      %gather3A_3643 = vector.shape_cast %reshape3A_3642 : vector<16x1xi32> to vector<16xi32>
      %gather3A_3644 = tpu.dynamic_gather %and3A_20[%gather3A_3643] in [0] : vector<16xi32>, vector<16xi32> -> vector<16xi32>
      %lt3A_3645 = arith.constant 0 : i32
      %lt3A_3646 = vector.broadcast %lt3A_3645 : i32 to vector<16xi32>
      %lt3A_3647 = arith.cmpi slt, %broadcast_in_dim3A_3634, %lt3A_3646 : vector<16xi32>
      %add3A_3648 = arith.constant 16 : i32
      %add3A_3649 = vector.broadcast %add3A_3648 : i32 to vector<16xi32>
      %add3A_3650 = arith.addi %broadcast_in_dim3A_3634, %add3A_3649 : vector<16xi32>
      %select_n3A_3651 = arith.select %lt3A_3647, %add3A_3650, %broadcast_in_dim3A_3634 : vector<16xi1>, vector<16xi32>
      %reshape3A_3652 = vector.shape_cast %select_n3A_3651 : vector<16xi32> to vector<16x1xi32>
      %gather3A_3653 = vector.shape_cast %reshape3A_3652 : vector<16x1xi32> to vector<16xi32>
      %gather3A_3654 = tpu.dynamic_gather %and3A_23[%gather3A_3653] in [0] : vector<16xi32>, vector<16xi32> -> vector<16xi32>
      %add3A_3655 = arith.constant 96 : i32
      %add3A_3656 = vector.broadcast %add3A_3655 : i32 to vector<16xi32>
      %add3A_3657 = arith.addi %add3A_3656, %iota3A : vector<16xi32>
      %gather3A_3658 = tpu.vector_load_idx %arg9[%add3A_3657, %gather3A_3644] : memref<384x128xf32, #tpu.memory_space<vmem>>[vector<16xi32>, vector<16xi32>], vector<16xf32>,
      %add3A_3659 = arith.constant 112 : i32
      %add3A_3660 = vector.broadcast %add3A_3659 : i32 to vector<16xi32>
      %add3A_3661 = arith.addi %add3A_3660, %iota3A : vector<16xi32>
      %gather3A_3662 = tpu.vector_load_idx %arg9[%add3A_3661, %gather3A_3644] : memref<384x128xf32, #tpu.memory_space<vmem>>[vector<16xi32>, vector<16xi32>], vector<16xf32>,
      %add3A_3663 = arith.constant 96 : i32
      %add3A_3664 = vector.broadcast %add3A_3663 : i32 to vector<16xi32>
      %add3A_3665 = arith.addi %add3A_3664, %iota3A : vector<16xi32>
      %gather3A_3666 = tpu.vector_load_idx %arg10[%add3A_3665, %gather3A_3654] : memref<384x128xf32, #tpu.memory_space<vmem>>[vector<16xi32>, vector<16xi32>], vector<16xf32>,
      %add3A_3667 = arith.constant 112 : i32
      %add3A_3668 = vector.broadcast %add3A_3667 : i32 to vector<16xi32>
      %add3A_3669 = arith.addi %add3A_3668, %iota3A : vector<16xi32>
      %gather3A_3670 = tpu.vector_load_idx %arg10[%add3A_3669, %gather3A_3654] : memref<384x128xf32, #tpu.memory_space<vmem>>[vector<16xi32>, vector<16xi32>], vector<16xf32>,
      %mul3A_3671 = arith.mulf %gather3A_3658, %gather3A_3666 : vector<16xf32>
      %mul3A_3672 = arith.mulf %gather3A_3662, %gather3A_3670 : vector<16xf32>
      %add3A_3673 = arith.addf %mul3A_3671, %mul3A_3672 : vector<16xf32>
      %swap3A_3674 = arith.constant 255 : index
      %swap3A_3675 = tpu.vector_load %arg11[%swap3A_3674] {strides = array<i32>} : memref<272xf32, #tpu.memory_space<vmem>>, vector<16xf32>,
      tpu.vector_store %arg11[%swap3A_3674], %add3A_3673 {strides = array<i32>} : memref<272xf32, #tpu.memory_space<vmem>>, vector<16xf32>,
      %broadcast_in_dim3A_3676 = arith.constant 0.000000e+00 : f32
      %broadcast_in_dim3A_3677 = vector.broadcast %broadcast_in_dim3A_3676 : f32 to vector<16xf32>
      %mul3A_3678 = arith.constant 17 : i32
      %mul3A_3679 = vector.broadcast %mul3A_3678 : i32 to vector<16xi32>
      %mul3A_3680 = arith.muli %iota3A, %mul3A_3679 : vector<16xi32>
      %add3A_3681 = arith.constant 0 : i32
      %add3A_3682 = vector.broadcast %add3A_3681 : i32 to vector<16xi32>
      %add3A_3683 = arith.addi %mul3A_3680, %add3A_3682 : vector<16xi32>
      %gather3A_3684 = tpu.vector_load_idx %arg11[%add3A_3683] : memref<272xf32, #tpu.memory_space<vmem>>[vector<16xi32>], vector<16xf32>,
      %add3A_3685 = arith.addf %broadcast_in_dim3A_3677, %gather3A_3684 : vector<16xf32>
      %add3A_3686 = arith.constant 1 : i32
      %add3A_3687 = vector.broadcast %add3A_3686 : i32 to vector<16xi32>
      %add3A_3688 = arith.addi %mul3A_3680, %add3A_3687 : vector<16xi32>
      %gather3A_3689 = tpu.vector_load_idx %arg11[%add3A_3688] : memref<272xf32, #tpu.memory_space<vmem>>[vector<16xi32>], vector<16xf32>,
      %add3A_3690 = arith.addf %add3A_3685, %gather3A_3689 : vector<16xf32>
      %add3A_3691 = arith.constant 2 : i32
      %add3A_3692 = vector.broadcast %add3A_3691 : i32 to vector<16xi32>
      %add3A_3693 = arith.addi %mul3A_3680, %add3A_3692 : vector<16xi32>
      %gather3A_3694 = tpu.vector_load_idx %arg11[%add3A_3693] : memref<272xf32, #tpu.memory_space<vmem>>[vector<16xi32>], vector<16xf32>,
      %add3A_3695 = arith.addf %add3A_3690, %gather3A_3694 : vector<16xf32>
      %add3A_3696 = arith.constant 3 : i32
      %add3A_3697 = vector.broadcast %add3A_3696 : i32 to vector<16xi32>
      %add3A_3698 = arith.addi %mul3A_3680, %add3A_3697 : vector<16xi32>
      %gather3A_3699 = tpu.vector_load_idx %arg11[%add3A_3698] : memref<272xf32, #tpu.memory_space<vmem>>[vector<16xi32>], vector<16xf32>,
      %add3A_3700 = arith.addf %add3A_3695, %gather3A_3699 : vector<16xf32>
      %add3A_3701 = arith.constant 4 : i32
      %add3A_3702 = vector.broadcast %add3A_3701 : i32 to vector<16xi32>
      %add3A_3703 = arith.addi %mul3A_3680, %add3A_3702 : vector<16xi32>
      %gather3A_3704 = tpu.vector_load_idx %arg11[%add3A_3703] : memref<272xf32, #tpu.memory_space<vmem>>[vector<16xi32>], vector<16xf32>,
      %add3A_3705 = arith.addf %add3A_3700, %gather3A_3704 : vector<16xf32>
      %add3A_3706 = arith.constant 5 : i32
      %add3A_3707 = vector.broadcast %add3A_3706 : i32 to vector<16xi32>
      %add3A_3708 = arith.addi %mul3A_3680, %add3A_3707 : vector<16xi32>
      %gather3A_3709 = tpu.vector_load_idx %arg11[%add3A_3708] : memref<272xf32, #tpu.memory_space<vmem>>[vector<16xi32>], vector<16xf32>,
      %add3A_3710 = arith.addf %add3A_3705, %gather3A_3709 : vector<16xf32>
      %add3A_3711 = arith.constant 6 : i32
      %add3A_3712 = vector.broadcast %add3A_3711 : i32 to vector<16xi32>
      %add3A_3713 = arith.addi %mul3A_3680, %add3A_3712 : vector<16xi32>
      %gather3A_3714 = tpu.vector_load_idx %arg11[%add3A_3713] : memref<272xf32, #tpu.memory_space<vmem>>[vector<16xi32>], vector<16xf32>,
      %add3A_3715 = arith.addf %add3A_3710, %gather3A_3714 : vector<16xf32>
      %add3A_3716 = arith.constant 7 : i32
      %add3A_3717 = vector.broadcast %add3A_3716 : i32 to vector<16xi32>
      %add3A_3718 = arith.addi %mul3A_3680, %add3A_3717 : vector<16xi32>
      %gather3A_3719 = tpu.vector_load_idx %arg11[%add3A_3718] : memref<272xf32, #tpu.memory_space<vmem>>[vector<16xi32>], vector<16xf32>,
      %add3A_3720 = arith.addf %add3A_3715, %gather3A_3719 : vector<16xf32>
      %add3A_3721 = arith.constant 8 : i32
      %add3A_3722 = vector.broadcast %add3A_3721 : i32 to vector<16xi32>
      %add3A_3723 = arith.addi %mul3A_3680, %add3A_3722 : vector<16xi32>
      %gather3A_3724 = tpu.vector_load_idx %arg11[%add3A_3723] : memref<272xf32, #tpu.memory_space<vmem>>[vector<16xi32>], vector<16xf32>,
      %add3A_3725 = arith.addf %add3A_3720, %gather3A_3724 : vector<16xf32>
      %add3A_3726 = arith.constant 9 : i32
      %add3A_3727 = vector.broadcast %add3A_3726 : i32 to vector<16xi32>
      %add3A_3728 = arith.addi %mul3A_3680, %add3A_3727 : vector<16xi32>
      %gather3A_3729 = tpu.vector_load_idx %arg11[%add3A_3728] : memref<272xf32, #tpu.memory_space<vmem>>[vector<16xi32>], vector<16xf32>,
      %add3A_3730 = arith.addf %add3A_3725, %gather3A_3729 : vector<16xf32>
      %add3A_3731 = arith.constant 10 : i32
      %add3A_3732 = vector.broadcast %add3A_3731 : i32 to vector<16xi32>
      %add3A_3733 = arith.addi %mul3A_3680, %add3A_3732 : vector<16xi32>
      %gather3A_3734 = tpu.vector_load_idx %arg11[%add3A_3733] : memref<272xf32, #tpu.memory_space<vmem>>[vector<16xi32>], vector<16xf32>,
      %add3A_3735 = arith.addf %add3A_3730, %gather3A_3734 : vector<16xf32>
      %add3A_3736 = arith.constant 11 : i32
      %add3A_3737 = vector.broadcast %add3A_3736 : i32 to vector<16xi32>
      %add3A_3738 = arith.addi %mul3A_3680, %add3A_3737 : vector<16xi32>
      %gather3A_3739 = tpu.vector_load_idx %arg11[%add3A_3738] : memref<272xf32, #tpu.memory_space<vmem>>[vector<16xi32>], vector<16xf32>,
      %add3A_3740 = arith.addf %add3A_3735, %gather3A_3739 : vector<16xf32>
      %add3A_3741 = arith.constant 12 : i32
      %add3A_3742 = vector.broadcast %add3A_3741 : i32 to vector<16xi32>
      %add3A_3743 = arith.addi %mul3A_3680, %add3A_3742 : vector<16xi32>
      %gather3A_3744 = tpu.vector_load_idx %arg11[%add3A_3743] : memref<272xf32, #tpu.memory_space<vmem>>[vector<16xi32>], vector<16xf32>,
      %add3A_3745 = arith.addf %add3A_3740, %gather3A_3744 : vector<16xf32>
      %add3A_3746 = arith.constant 13 : i32
      %add3A_3747 = vector.broadcast %add3A_3746 : i32 to vector<16xi32>
      %add3A_3748 = arith.addi %mul3A_3680, %add3A_3747 : vector<16xi32>
      %gather3A_3749 = tpu.vector_load_idx %arg11[%add3A_3748] : memref<272xf32, #tpu.memory_space<vmem>>[vector<16xi32>], vector<16xf32>,
      %add3A_3750 = arith.addf %add3A_3745, %gather3A_3749 : vector<16xf32>
      %add3A_3751 = arith.constant 14 : i32
      %add3A_3752 = vector.broadcast %add3A_3751 : i32 to vector<16xi32>
      %add3A_3753 = arith.addi %mul3A_3680, %add3A_3752 : vector<16xi32>
      %gather3A_3754 = tpu.vector_load_idx %arg11[%add3A_3753] : memref<272xf32, #tpu.memory_space<vmem>>[vector<16xi32>], vector<16xf32>,
      %add3A_3755 = arith.addf %add3A_3750, %gather3A_3754 : vector<16xf32>
      %add3A_3756 = arith.constant 15 : i32
      %add3A_3757 = vector.broadcast %add3A_3756 : i32 to vector<16xi32>
      %add3A_3758 = arith.addi %mul3A_3680, %add3A_3757 : vector<16xi32>
      %gather3A_3759 = tpu.vector_load_idx %arg11[%add3A_3758] : memref<272xf32, #tpu.memory_space<vmem>>[vector<16xi32>], vector<16xf32>,
      %add3A_3760 = arith.addf %add3A_3755, %gather3A_3759 : vector<16xf32>
      %neg3A = arith.constant 0.000000e+00 : f32
      %neg3A_3761 = vector.broadcast %neg3A : f32 to vector<16xf32>
      %neg3A_3762 = arith.subf %neg3A_3761, %add3A_3760 : vector<16xf32>
      %exp3A = math.exp %neg3A_3762 : vector<16xf32>
      %add3A_3763 = arith.constant 1.000000e+00 : f32
      %add3A_3764 = vector.broadcast %add3A_3763 : f32 to vector<16xf32>
      %add3A_3765 = arith.addf %add3A_3764, %exp3A : vector<16xf32>
      %div3A = arith.constant 1.000000e+00 : f32
      %div3A_3766 = vector.broadcast %div3A : f32 to vector<16xf32>
      %div3A_3767 = arith.divf %div3A_3766, %add3A_3765 : vector<16xf32>
      %swap3A_3768 = arith.index_cast %mul3A_10 : i32 to index
      %swap3A_3769 = tpu.vector_load %arg12[%swap3A_3768] {strides = array<i32>} : memref<512xf32, #tpu.memory_space<vmem>>, vector<16xf32>,
      tpu.vector_store %arg12[%swap3A_3768], %div3A_3767 {strides = array<i32>} : memref<512xf32, #tpu.memory_space<vmem>>, vector<16xf32>,
    }
    %scan3A_7 = arith.constant 32 : i32
    "tpu.region"() ({
      %run_scoped3A = tpu.sem_alloc : memref<!tpu.dma_semaphore, #tpu.memory_space<semaphore_mem>>
      %dma_start3A = tpu.memref_slice %arg6[%mul3A_2] : memref<16384xf32, #tpu.memory_space<hbm>> -> memref<512xf32, #tpu.memory_space<hbm>>
      %dma_start3A_8 = tpu.memref_slice %arg6[%mul3A_2] : memref<16384xf32, #tpu.memory_space<hbm>> -> memref<512xf32, #tpu.memory_space<hbm>>
      tpu.enqueue_dma source(%arg12 : memref<512xf32, #tpu.memory_space<vmem>>) target(%dma_start3A_8 : memref<512xf32, #tpu.memory_space<hbm>>) target_semaphore(%run_scoped3A : memref<!tpu.dma_semaphore, #tpu.memory_space<semaphore_mem>>)
      %dma_wait3A = tpu.memref_slice %arg6[%mul3A_2] : memref<16384xf32, #tpu.memory_space<hbm>> -> memref<512xf32, #tpu.memory_space<hbm>>
      %dma_wait3A_9 = tpu.memref_slice %arg6[%mul3A_2] : memref<16384xf32, #tpu.memory_space<hbm>> -> memref<512xf32, #tpu.memory_space<hbm>>
      tpu.wait_dma2 semaphore(%run_scoped3A : memref<!tpu.dma_semaphore, #tpu.memory_space<semaphore_mem>>) src(%arg12 : memref<512xf32, #tpu.memory_space<vmem>>) dst(%dma_wait3A_9 : memref<512xf32, #tpu.memory_space<hbm>>)
      tpu.yield
    }) : () -> ()
    return
  }
}

</mosaic_0001>

<sc_bundles>
// kernel: kernel.3.cloned.1.call-start
scs
__scs_entry_jumppad:
0x0: {  	(pc) =	sbr.rel $0x88, $3  }
0x1: {  	(tag) =	ssettag $0x0;
	lr =	simm.s32 $0x1  }
0x2: {  	[smem:$0x3F9D] =	sst lr;
	_ =	strace $0xD0000000  }
0x3: {  	_ = 	snop  }
0x4: {  	_ = 	snop  }
0x5: {  	_ = 	snop  }
0x6: {  	_ = 	snop  }
0x7: {  	_ = 	snop  }
__scs_overlays_trampoline_lowered:
0x8: {  	[smem:$0x3FAC] =	sst s0  }
0x9: {  	[smem:$0x3FAD] =	sst s1  }
0xa: {  	[smem:$0x3FAE] =	sst s2  }
0xb: {  	[smem:$0x3FAF] =	sst s3  }
0xc: {  	[smem:$0x3FB0] =	sst s4  }
0xd: {  	[smem:$0x3FB1] =	sst s5  }
0xe: {  	[smem:$0x3FB2] =	sst s6  }
0xf: {  	[smem:$0x3FB3] =	sst s7  }
0x10: {  	[smem:$0x3FB4] =	sst s8  }
0x11: {  	[smem:$0x3FB5] =	sst s9;
	s0 =	simm.s32 @!p0 $0x0  }
0x12: {  	s1 =	sld [smem:$0x3F9B];
	s0 =	simm.s32 @p0 $0x1  }
0x13: {  	[smem:$0x3FB6] =	sst s0;
	s0 =	simm.s32 @!p1 $0x0  }
0x14: {  	s2 =	sld [smem:$0x3F9A];
	s0 =	simm.s32 @p1 $0x1  }
0x15: {  	[smem:$0x3FB7] =	sst s0;
	s0 =	simm.s32 @!p2 $0x0  }
0x16: {  	s3 =	sld [smem:$0x3FDB];
	s0 =	simm.s32 @p2 $0x1  }
0x17: {  	s4 =	simm.s32 $0x1BF5;
	[smem:$0x3FB9] =	sst s0  }
0x18: {  	s0 =	sld [smem:$0x3F9C];
	_ =	swait.ge [sflag:s4], $0x0  }
0x19: {  	s7 =	sld [smem:$0x3F9D]  }
0x1a: {  	s8 =	sadd.s32 $0xFFFFE003, lr  }
0x1b: {  	s9 =	sadd.s32 $0xFFFFFEF7, lr;
	s5 =	simm.s32 $0xFFFFFFFF;
	p2 =	slt.u32 s8, $0xFFFFF086  }
0x1c: {  	p1 =	slt.u32 s9, $0xF7A;
	s5 =	simm.s32 @!p2 $0x0  }
0x1d: {  	s5 =	simm.s32 @p1 $0x1;
	p0 =	seq.s32 s7, s2  }
0x1e: {  	s7 =	smul.u32 @!p0 $0xF7A, s2;
	p2 =	seq.s32 @!p0 s5, $0x0  }
0x1f: {  	s9 =	smul.u32 $0xF7A, s1;
	s8 =	simm.s32 @!p0 $0x1BF5;
	p2 =	por !p2, p0  }
0x20: {  	[sflag:s8] =	ssyncset.s32 @!p0 $0xFFFFF086;
	s6 =	sadd.s32 @!p0 s3, s7;
	s7 =	simm.s32 @!p0 $0x108  }
0x21: {  	s3 =	sadd.s32 s3, s9;
	s6 =	sadd.s32 @!p0 $0x88, s6;
	s7 =	simm.s32 @p2 $0x1082  }
0x22: {  	[simem:s7], [sflag:s8] =	dma.local @!p0 [hbm:s6], $0xF7A  }
0x23: {  	s9 =	sor.u32 $0xD0000000, s2;
	s6 =	simm.s32 $0x108;
	_ =	swait.ge @!p0 [sflag:s8], $0x0  }
0x24: {  	s3 =	sadd.s32 $0x88, s3;
	s6 =	simm.s32 @!p1 $0x1082;
	[sflag:s4] =	ssyncset.s32 $0xFFFFF086  }
0x25: {  	[simem:s6], [sflag:s4] =	dma.local [hbm:s3], $0xF7A  }
0x26: {  	[smem:$0x3F9D] =	sst s1;
	(tag) =	ssettag s2;
	_ =	strace s9  }
0x27: {  	s1 =	sld [smem:$0x3FAD]  }
0x28: {  	s2 =	sld [smem:$0x3FAE]  }
0x29: {  	s4 =	sld [smem:$0x3FB0]  }
0x2a: {  	p0 =	seq.s32 s5, $0x0;
	s5 =	sld [smem:$0x3FB1]  }
0x2b: {  	s6 =	sld [smem:$0x3FB2]  }
0x2c: {  	s7 =	sld [smem:$0x3FB3]  }
0x2d: {  	s3 =	simm.s32 $0x108;
	s8 =	sld [smem:$0x3FB4]  }
0x2e: {  	s3 =	simm.s32 @!p0 $0x1082;
	s9 =	sld [smem:$0x3FB5]  }
0x2f: {  	lr =	sadd.s32 s0, s3;
	s0 =	sld [smem:$0x3FAC]  }
0x30: {  	s3 =	sld [smem:$0x3FAF]  }
0x31: {  	[smem:$0x3FB8] =	sst s10  }
0x32: {  	s10 =	sld [smem:$0x3FB6];
	_ =	sdelay $0x3  }
0x33: {  	p0 =	seq.s32 s10, $0x1;
	s10 =	sld [smem:$0x3FB8];
	_ =	sdelay $0x3  }
0x34: {  	[smem:$0x3FB8] =	sst s10  }
0x35: {  	s10 =	sld [smem:$0x3FB7];
	_ =	sdelay $0x3  }
0x36: {  	p1 =	seq.s32 s10, $0x1;
	s10 =	sld [smem:$0x3FB8];
	_ =	sdelay $0x3  }
0x37: {  	[smem:$0x3FB8] =	sst s10  }
0x38: {  	s10 =	sld [smem:$0x3FB9]  }
0x39: {  	_ = 	snop;
	(pc) =	sbr.ind lr, $3  }
0x3a: {  	_ = 	snop  }
0x3b: {  	_ = 	snop  }
0x3c: {  	p2 =	seq.s32 s10, $0x1;
	s10 =	sld [smem:$0x3FB8]  }
0x3d: {  	_ =	shalt  }
0x3e: {  	_ =	shalt  }
0x3f: {  	_ =	shalt  }
0x40: {  	_ =	shalt  }
0x41: {  	_ =	shalt  }
0x42: {  	_ =	shalt  }
0x43: {  	_ =	shalt  }
0x44: {  	_ =	shalt  }
0x45: {  	_ =	shalt  }
0x46: {  	_ =	shalt  }
0x47: {  	_ =	shalt  }
0x48: {  	_ =	shalt  }
0x49: {  	_ =	shalt  }
0x4a: {  	_ =	shalt  }
0x4b: {  	_ =	shalt  }
0x4c: {  	_ =	shalt  }
0x4d: {  	_ =	shalt  }
0x4e: {  	_ =	shalt  }
0x4f: {  	_ =	shalt  }
0x50: {  	_ =	shalt  }
0x51: {  	_ =	shalt  }
0x52: {  	_ =	shalt  }
0x53: {  	_ =	shalt  }
0x54: {  	_ =	shalt  }
0x55: {  	_ =	shalt  }
0x56: {  	_ =	shalt  }
0x57: {  	_ =	shalt  }
0x58: {  	_ =	shalt  }
0x59: {  	_ =	shalt  }
0x5a: {  	_ =	shalt  }
0x5b: {  	_ =	shalt  }
0x5c: {  	_ =	shalt  }
0x5d: {  	_ =	shalt  }
0x5e: {  	_ =	shalt  }
0x5f: {  	_ =	shalt  }
0x60: {  	_ =	shalt  }
0x61: {  	_ =	shalt  }
0x62: {  	_ =	shalt  }
0x63: {  	_ =	shalt  }
0x64: {  	_ =	shalt  }
0x65: {  	_ =	shalt  }
0x66: {  	_ =	shalt  }
0x67: {  	_ =	shalt  }
0x68: {  	_ =	shalt  }
0x69: {  	_ =	shalt  }
0x6a: {  	_ =	shalt  }
0x6b: {  	_ =	shalt  }
0x6c: {  	_ =	shalt  }
0x6d: {  	_ =	shalt  }
0x6e: {  	_ =	shalt  }
0x6f: {  	_ =	shalt  }
0x70: {  	_ =	shalt  }
0x71: {  	_ =	shalt  }
0x72: {  	_ =	shalt  }
0x73: {  	_ =	shalt  }
0x74: {  	_ =	shalt  }
0x75: {  	_ =	shalt  }
0x76: {  	_ =	shalt  }
0x77: {  	_ =	shalt  }
0x78: {  	_ =	shalt  }
0x79: {  	_ =	shalt  }
0x7a: {  	_ =	shalt  }
0x7b: {  	_ =	shalt  }
0x7c: {  	_ =	shalt  }
0x7d: {  	_ =	shalt  }
0x7e: {  	_ =	shalt  }
0x7f: {  	_ =	shalt  }
0x80: {  	_ =	shalt  }
0x81: {  	_ =	shalt  }
0x82: {  	_ =	shalt  }
0x83: {  	_ =	shalt  }
0x84: {  	_ =	shalt  }
0x85: {  	_ =	shalt  }
0x86: {  	_ =	shalt  }
0x87: {  	_ =	shalt  }
.Lfunc_end0:
.L_simem_size_0:
called_computation_lowered:
.L_overlay_start_0:
0x88: {  	s2 =	sld [smem:$0x3FD9]  }
0x89: {  	s3 =	sld [smem:$0x3FFE];
	_ =	sdelay $0x1  }
0x8a: {  	s1 =	srdreg.scid  }
0x8b: {  	s0 =	sand.u32 $0x1, s1  }
0x8c: {  	s18 =	sshll.u32 s0, $0xA;
	s2 =	sadd.s32 s3, s2  }
0x8d: {  	s2 =	sadd.s32 s2, s18  }
0x8e: {  	[smem:$0x3FC4] =	sst s2  }
0x8f: {  	_ = 	snop  }
0x90: {  	s2 =	sld [smem:$0x3FC9]  }
0x91: {  	s19 =	sld [smem:$0x3FC8]  }
0x92: {  	s4 =	sld [smem:$0x3FC7]  }
0x93: {  	s5 =	sld [smem:$0x3FC6]  }
0x94: {  	s6 =	sld [smem:$0x3FD0];
	(tm) =	ssettm $0x1  }
0x95: {  	s7 =	sld [smem:$0x3FFB];
	_ =	sdelay $0x3  }
0x96: {  	_ =	strace s7  }
0x97: {  	s7 =	sld [smem:$0x3FFC];
	_ =	sdelay $0x3  }
0x98: {  	_ =	strace s7  }
0x99: {  	s7 =	sld [smem:$0x3FFD];
	_ =	sdelay $0x3  }
0x9a: {  	_ =	strace s7  }
0x9b: {  	_ =	strace $0x8FFFFFFF  }
0x9c: {  	s20 =	sld [smem:$0x3FDB];
	_ =	sdelay $0x1  }
0x9d: {  	s8 =	simm.s32 $_scs_section_size  }
0x9e: {  	s9 =	simm.s32 $_size__tile_overlayer_lowered;
	s10 =	simm.s32 $_tile_overlayer_lowered  }
0x9f: {  	s23 =	simm.s32 $0x1BFF;
	s22 =	sshll.u32 s10, $0x1;
	s7 =	sadd.s32 s8, s20  }
0xa0: {  	s11 =	simm.s32 $0x0;
	s21 =	sshll.u32 s9, $0x1;
	s9 =	sadd.s32 s22, s7  }
0xa1: {  	[timem:s11], [sflag:s23] =	dma.local [hbm:s9], s21  }
0xa2: {  	_ =	swait.ge [sflag:s23], s21  }
0xa3: {  	s8 =	ssub.s32 $0x0, s21;
	[sflag:s23] =	ssyncset.done $0x0  }
0xa4: {  	[sflag:s23] =	ssyncadd.s32 s8;
	_ =	sdelay $0x1  }
0xa5: {  	s24 =	simm.s32 $0x1B8B  }
0xa6: {  	_ =	swait.ge [sflag:s24], $0x1  }
0xa7: {  	[sflag:s24] =	ssyncset.done $0x0  }
0xa8: {  	s25 =	simm.s32 $0x1B8E;
	[sflag:s24] =	ssyncadd.s32 $0xFFFFFFFF  }
0xa9: {  	s26 =	simm.s32 $execute0_lowered;
	[smem:$0x3FD2] =	sst s25  }
0xaa: {  	s8 =	sshll.u32 s26, $0x1;
	_ =	strace $0x80000046;
	[dreg:$0x1] =	wrdreg $0xFFFFFFFF  }
0xab: {  	s28 =	simm.s32 $_size_execute0_lowered;
	s7 =	sadd.s32 s7, s8;
	[dreg:$0x0] =	wrdreg $0x0  }
0xac: {  	s8 =	sshll.u32 s28, $0x1;
	[dreg:$0x2] =	wrdreg s7  }
0xad: {  	[dreg:$0x3] =	wrdreg s8  }
0xae: {  	[dreg:$0x4] =	wrdreg $0xC0  }
0xaf: {  	_ =	task [dreg:s11], $0x5FFFF  }
0xb0: {  	[dreg:$0x1] =	wrdreg $0xFFFFFFFF  }
0xb1: {  	[dreg:$0x0] =	wrdreg $0x60  }
0xb2: {  	[dreg:$0x2] =	wrdreg s2  }
0xb3: {  	[dreg:$0x3] =	wrdreg s19  }
0xb4: {  	[dreg:$0x4] =	wrdreg s4  }
0xb5: {  	[dreg:$0x5] =	wrdreg s5  }
0xb6: {  	[dreg:$0x6] =	wrdreg s6  }
0xb7: {  	[dreg:$0x7] =	wrdreg $0x9  }
0xb8: {  	_ =	task.clear_ibuf [dreg:s11], $0x8FFFF;
	_ =	strace $0x90000046  }
0xb9: {  	s29 =	simm.s32 $0x9;
	_ =	strace $0x80000048  }
0xba: {  	_ =	swait.ge [sflag:s29], $0x1  }
0xbb: {  	[sflag:s29] =	ssyncadd.s32 $0xFFFFFFFF  }
0xbc: {  	_ =	strace $0x90000048  }
0xbd: {  	_ =	sfence  }
0xbe: {  	s30 =	sld [smem:$0x0];
	_ =	sdelay $0x2  }
0xbf: {  	s31 =	sshll.u32 s1, $0xD;
	s1 =	sshrl.u32 s1, $0x2  }
0xc0: {  	s3 =	sand.u32 $0x4000, s31;
	s1 =	sadd.s32 s1, s30  }
0xc1: {  	s0 =	sor.u32 s3, s0;
	s1 =	sshll.u32 s1, $0x11  }
0xc2: {  	s0 =	sor.u32 s1, s0  }
0xc3: {  	s0 =	sadd.s32 $0x8F2B, s0  }
0xc4: {  	[sflag:s0] =	ssyncadd.remote.s32 $0x1  }
0xc5: {  	_ =	sfence.sel $0xFFFF  }
0xc6: {  	[dreg:$0x0] =	wrdreg $0xFFFFFFFF;
	(pc) =	sbr.abs _section_cstart, $3  }
0xc7: {  	[dreg:$0x1] =	wrdreg $0xFFFFFFFF  }
0xc8: {  	_ =	task.clear_ibuf [dreg:s11], $0x2FFFF;
	_ =	strace $0x9FFFFFFF  }
0xc9: {  	(tm) =	ssettm $0x7FFFFFFF  }
tec
execute0_lowered:
.L_overlay_start_1:
0x0: {  	(tag) =	ssettag $0x1  }
0x1: {  	s5 =	rddreg [dreg:$0x0]  }
0x2: {  	s0 =	rddreg [dreg:$0x1]  }
0x3: {  	s1 =	rddreg [dreg:$0x2]  }
0x4: {  	s2 =	rddreg [dreg:$0x3]  }
0x5: {  	s4 =	rddreg [dreg:$0x4];
	s3 =	simm.s32 $0x0  }
0x6: {  	s6 =	simm.s32 $0x4400;
	[smem:$0x7FF] =	sst s3  }
0x7: {  	s28 =	simm.s32 $0x10400;
	_ =	strace $0x80000047;
	[dreg:$0x6] =	wrdreg s6  }
0x8: {  	s29 =	simm.s32 $0x4800;
	[dreg:$0x7] =	wrdreg s28  }
0x9: {  	s7 =	simm.s32 $0x10800;
	[dreg:$0x8] =	wrdreg s29  }
0xa: {  	s8 =	simm.s32 $0x4C00;
	[dreg:$0x9] =	wrdreg s7  }
0xb: {  	s9 =	simm.s32 $0x10C00;
	[dreg:$0xa] =	wrdreg s8  }
0xc: {  	s10 =	simm.s32 $0x5000;
	[dreg:$0xb] =	wrdreg s9  }
0xd: {  	s11 =	simm.s32 $0x11000;
	[dreg:$0xc] =	wrdreg s10  }
0xe: {  	s12 =	simm.s32 $0x5400;
	[dreg:$0xd] =	wrdreg s11  }
0xf: {  	s13 =	simm.s32 $0x11400;
	[dreg:$0xe] =	wrdreg s12  }
0x10: {  	s14 =	simm.s32 $0x5800;
	[dreg:$0xf] =	wrdreg s13  }
0x11: {  	s15 =	simm.s32 $0x11800;
	[dreg:$0x10] =	wrdreg s14  }
0x12: {  	s16 =	simm.s32 $0x5C00;
	[dreg:$0x11] =	wrdreg s15  }
0x13: {  	s17 =	simm.s32 $0x11C00;
	[dreg:$0x12] =	wrdreg s16  }
0x14: {  	s18 =	simm.s32 $0x6000;
	[dreg:$0x13] =	wrdreg s17  }
0x15: {  	s19 =	simm.s32 $0x12000;
	[dreg:$0x14] =	wrdreg s18  }
0x16: {  	s20 =	simm.s32 $0x6400;
	[dreg:$0x15] =	wrdreg s19  }
0x17: {  	s21 =	simm.s32 $0x12400;
	[dreg:$0x16] =	wrdreg s20  }
0x18: {  	s22 =	simm.s32 $0x6800;
	[dreg:$0x17] =	wrdreg s21  }
0x19: {  	s23 =	simm.s32 $0x12800;
	[dreg:$0x18] =	wrdreg s22  }
0x1a: {  	s24 =	simm.s32 $0x6C00;
	[dreg:$0x19] =	wrdreg s23  }
0x1b: {  	s25 =	simm.s32 $0x12C00;
	[dreg:$0x1a] =	wrdreg s24  }
0x1c: {  	s26 =	simm.s32 $0x7000;
	[dreg:$0x1b] =	wrdreg s25  }
0x1d: {  	[dreg:$0x1c] =	wrdreg s26;
	s28 =	simm.s32 $0x13000  }
0x1e: {  	s29 =	simm.s32 $0x7400;
	[dreg:$0x1d] =	wrdreg s28  }
0x1f: {  	s7 =	simm.s32 $0x13400;
	[dreg:$0x1e] =	wrdreg s29  }
0x20: {  	s8 =	simm.s32 $0x7800;
	[dreg:$0x1f] =	wrdreg s7  }
0x21: {  	s9 =	simm.s32 $0x13800;
	[smem:$0x7D4] =	sst s8  }
0x22: {  	s10 =	simm.s32 $0x7C00;
	[smem:$0x7D5] =	sst s9  }
0x23: {  	s11 =	simm.s32 $0x13C00;
	[smem:$0x7D6] =	sst s10  }
0x24: {  	s12 =	simm.s32 $0x8000;
	[smem:$0x7D7] =	sst s11  }
0x25: {  	s13 =	simm.s32 $0x14000;
	[smem:$0x7D8] =	sst s12  }
0x26: {  	s14 =	simm.s32 $0x8400;
	[smem:$0x7D9] =	sst s13  }
0x27: {  	s15 =	simm.s32 $0x14400;
	[smem:$0x7DA] =	sst s14  }
0x28: {  	s16 =	simm.s32 $0x8800;
	[smem:$0x7DB] =	sst s15  }
0x29: {  	s17 =	simm.s32 $0x14800;
	[smem:$0x7DC] =	sst s16  }
0x2a: {  	s18 =	simm.s32 $0x8C00;
	[smem:$0x7DD] =	sst s17  }
0x2b: {  	s19 =	simm.s32 $0x14C00;
	[smem:$0x7DE] =	sst s18  }
0x2c: {  	s20 =	simm.s32 $0x9000;
	[smem:$0x7DF] =	sst s19  }
0x2d: {  	s21 =	simm.s32 $0x15000;
	[smem:$0x7E0] =	sst s20  }
0x2e: {  	s22 =	simm.s32 $0x9400;
	[smem:$0x7E1] =	sst s21  }
0x2f: {  	s23 =	simm.s32 $0x15400;
	[smem:$0x7E2] =	sst s22  }
0x30: {  	s24 =	simm.s32 $0x9800;
	[smem:$0x7E3] =	sst s23  }
0x31: {  	s26 =	simm.s32 $0x15800;
	[smem:$0x7E4] =	sst s24  }
0x32: {  	[smem:$0x7E5] =	sst s26;
	s28 =	simm.s32 $0x9C00  }
0x33: {  	s29 =	simm.s32 $0x15C00;
	[smem:$0x7E6] =	sst s28  }
0x34: {  	s11 =	simm.s32 $0xA400;
	[smem:$0x7E8] =	sst s29  }
0x35: {  	s13 =	simm.s32 $0x16400;
	[smem:$0x7EE] =	sst s11  }
0x36: {  	s14 =	simm.s32 $0xA800;
	[smem:$0x7EF] =	sst s13  }
0x37: {  	vm0 =	vmmov $0x1;
	s15 =	simm.s32 $0x16800;
	[smem:$0x7F0] =	sst s14  }
0x38: {  	vm1 =	vcmask $0x308;
	vm2 =	vcmask $0x70C;
	vm3 =	vcmask $0xB10;
	s16 =	simm.s32 $0xAC00;
	[smem:$0x7F1] =	sst s15  }
0x39: {  	vm4 =	vcmask $0xF14;
	vm5 =	vcmask $0x1318;
	v37 =	vlaneseq.u32;
	s17 =	simm.s32 $0x16C00;
	[smem:$0x7F2] =	sst s16  }
0x3a: {  	vm6 =	vcmask $0x171C;
	vm7 =	vcmask $0x1B20;
	vm8 =	vcmask $0x1F24;
	s18 =	simm.s32 $0xB000;
	[smem:$0x7F3] =	sst s17  }
0x3b: {  	vm9 =	vcmask $0x2328;
	vm10 =	vcmask $0x272C;
	s30 =	simm.s32 $0x800;
	vm11 =	vcmask $0x2B30;
	s19 =	simm.s32 $0x17000;
	[smem:$0x7F4] =	sst s18  }
0x3c: {  	v1 =	vimm.s32 $0x0;
	v3 =	vimm.s32 $0x1;
	v6 =	vimm.s32 $0x2;
	s31 =	simm.s32 $0xDC00;
	s20 =	simm.s32 $0xB400;
	[smem:$0x7F5] =	sst s19  }
0x3d: {  	v9 =	vimm.s32 $0x3;
	vm12 =	vcmask $0x2F34;
	vm13 =	vcmask $0x3338;
	s6 =	simm.s32 $0xF800;
	s21 =	simm.s32 $0x17400;
	[smem:$0x7F6] =	sst s20  }
0x3e: {  	vm14 =	vcmask $0x373C;
	vm15 =	vmmov $0x7fff;
	v12 =	vimm.s32 $0x4;
	s7 =	srdreg.scid;
	s22 =	simm.s32 $0xB800;
	[smem:$0x7F7] =	sst s21  }
0x3f: {  	v15 =	vimm.s32 $0x5;
	v18 =	vimm.s32 $0x6;
	v21 =	vimm.s32 $0x7;
	s10 =	stileid.u32;
	s23 =	simm.s32 $0x17800;
	[smem:$0x7F8] =	sst s22  }
0x40: {  	v24 =	vimm.s32 $0x8;
	v27 =	vimm.s32 $0x9;
	v30 =	vimm.s32 $0xA;
	s24 =	simm.s32 $0xBC00;
	s26 =	simm.s32 $0x17C00;
	[smem:$0x7F9] =	sst s23  }
0x41: {  	v33 =	vimm.s32 $0xB;
	v36 =	vimm.s32 $0xC;
	v0 =	vmul.u32 $0x80, v37;
	s7 =	sand.u32 $0x1, s7;
	s25 =	sshll.u32 s10, $0x7;
	[smem:$0x7FA] =	sst s24  }
0x42: {  	v38 =	vimm.s32 $0xD;
	v39 =	vimm.s32 $0xE;
	v40 =	vimm.s32 $0xF;
	s10 =	simm.s32 $0x16000;
	s11 =	simm.s32 $0x400;
	[smem:$0x7FB] =	sst s26  }
0x43: {  	v37 =	vmul.u32 $0x11, v37;
	v2 =	vor.u32 $0x800, v0;
	v4 =	vor.u32 $0x1000, v0;
	s28 =	simm.s32 $0xC000;
	s29 =	simm.s32 $0x18000;
	s17 =	simm.s32 $0x1  }
0x44: {  	v5 =	vor.u32 $0x1800, v0;
	v7 =	vor.u32 $0x2000, v0;
	v8 =	vor.u32 $0x2800, v0;
	s18 =	simm.s32 $0x4;
	s19 =	simm.s32 $0x2;
	s20 =	simm.s32 $0x5  }
0x45: {  	v10 =	vor.u32 $0x3000, v0;
	v11 =	vor.u32 $0x3800, v0;
	v13 =	vor.u32 $0x4000, v0;
	s21 =	simm.s32 $0x3;
	s22 =	simm.s32 $0x6;
	s23 =	simm.s32 $0x18400  }
0x46: {  	v14 =	vor.u32 $0x4800, v0;
	v16 =	vor.u32 $0x5000, v0;
	v17 =	vor.u32 $0x5800, v0;
	s13 =	simm.s32 $0xD400;
	s14 =	simm.s32 $0x1800;
	s15 =	simm.s32 $0xD800  }
0x47: {  	v19 =	vor.u32 $0x6000, v0;
	v20 =	vor.u32 $0x6800, v0;
	v22 =	vor.u32 $0x7000, v0;
	s8 =	ssub.s32 $0x2, s7;
	s7 =	sshll.u32 s7, $0x6;
	[smem:$0x7EC] =	sst s10  }
0x48: {  	v23 =	vor.u32 $0x7800, v0;
	v25 =	vor.u32 $0x8000, v0;
	v26 =	vor.u32 $0x8800, v0;
	s16 =	simm.s32 $0x1C00;
	[smem:$0x7FC] =	sst s28;
	s7 =	sor.u32 s7, s25  }
0x49: {  	v28 =	vor.u32 $0x9000, v0;
	v29 =	vor.u32 $0x9800, v0;
	v31 =	vor.u32 $0xA000, v0;
	[smem:$0x7FD] =	sst s29;
	s10 =	simm.s32 $0xC800;
	s5 =	sadd.s32 s5, s7  }
0x4a: {  	v32 =	vor.u32 $0xA800, v0;
	v34 =	vor.u32 $0xB000, v0;
	v35 =	vor.u32 $0xB800, v0;
	s9 =	sshrl.u32 s8, $0x1;
	s0 =	sadd.s32 s0, s7;
	[smem:$0x7E7] =	sst s5  }
0x4b: {  	v41 =	vadd.s32 $0x1, v37;
	v42 =	vadd.s32 $0x2, v37;
	v43 =	vadd.s32 $0x3, v37;
	s8 =	ssub.s32 s8, s9;
	s9 =	simm.s32 $0xA000;
	[smem:$0x7E9] =	sst s0  }
0x4c: {  	v44 =	vadd.s32 $0x4, v37;
	v45 =	vadd.s32 $0x5, v37;
	v46 =	vadd.s32 $0x6, v37;
	s25 =	simm.s32 $0x7;
	s4 =	sadd.s32 s4, s7;
	[smem:$0x7EA] =	sst s9  }
0x4d: {  	v47 =	vadd.s32 $0x7, v37;
	v48 =	vadd.s32 $0x8, v37;
	v49 =	vadd.s32 $0x9, v37;
	s7 =	simm.s32 $0x3800;
	[smem:$0x7EB] =	sst s4;
	s12 =	smax.u32 s8, $0x1  }
0x4e: {  	v50 =	vadd.s32 $0xA, v37;
	v51 =	vadd.s32 $0xB, v37;
	v52 =	vadd.s32 $0xC, v37;
	s0 =	simm.s32 $0x0;
	s4 =	simm.s32 $0x10000;
	s8 =	simm.s32 $0xD000  }
0x4f: {  	v53 =	vadd.s32 $0xD, v37;
	v54 =	vadd.s32 $0xE, v37;
	v55 =	vadd.s32 $0xF, v37;
	s9 =	simm.s32 $0x1400;
	[smem:$0x7ED] =	sst s12;
	s12 =	simm.s32 $0xC400  }
.LBB2_1:
0x50: {  	s24 =	sld [smem:$0x7E7];
	_ =	sdelay $0x1  }
0x51: {  	[smem:$0x7D3] =	sst s0  }
0x52: {  	[tilespmem:s3], [sflag:$0x7] =	stream.linear.gather [hbm4b:s24+s3], $0x200, $0x38;
	[tilespmem:$0x18780] =	vst v63  }
0x53: {  	_ =	swait.ge [sflag:s25], $0x200  }
0x54: {  	s29 =	sld [smem:$0x7E9]  }
0x55: {  	[sflag:s25] =	ssyncset.done $0x0  }
0x56: {  	s26 =	simm.s32 $0x200;
	[sflag:s25] =	ssyncadd.s32 $0xFFFFFE00  }
0x57: {  	[tilespmem:s26], [sflag:$0x7] =	stream.linear.gather [hbm4b:s29+s3], $0x200, $0x38;
	[tilespmem:$0x18780] =	vst v63  }
0x58: {  	_ =	swait.ge [sflag:s25], $0x200  }
0x59: {  	[sflag:s25] =	ssyncset.done $0x0  }
0x5a: {  	s24 =	simm.s32 $0x0;
	[sflag:s25] =	ssyncadd.s32 $0xFFFFFE00  }
.LBB2_2:
0x5b: {  	s25 =	sshra.s32 s24, $0x2  }
0x5c: {  	v58 =	vld [tilespmem:s25+$0x0];
	_ =	sdelay $0x2  }
0x5d: {  	v59 =	vld [tilespmem:s25+$0x200];
	_ =	sdelay $0x1  }
0x5e: {  	v57 =	vshra.s32 v58, $0x7  }
0x5f: {  	v56 =	vnsel vm0, $0x0, v57  }
0x60: {  	(xrf0) =	vadd.scan.msk.s32 $0xffff, v56  }
0x61: {  	v56 =	vshra.s32 v59, $0x7  }
0x62: {  	v60 =	vnsel vm0, $0x0, v56  }
0x63: {  	(xrf0) =	vadd.scan.msk.s32 $0xffff, v60;
	_ =	sdelay $0x2  }
0x64: {  	v60, _, _ =	vpop (xrf0)  }
0x65: {  	(v2sf) =	vpush v60, $0xF;
	_ =	sdelay $0x1  }
0x66: {  	v60, _, _ =	vpop (xrf0)  }
0x67: {  	(v2sf) =	vpush v60, $0xF;
	_ =	sdelay $0xb  }
0x68: {  	s26 =	spop (v2sf)  }
0x69: {  	s26 =	sshll.u32 s26, $0xA  }
0x6a: {  	v60 =	vsel vm1, $0x0, v57;
	s28 =	sshrl.u32 s26, $0x3  }
0x6b: {  	(xrf0) =	vadd.scan.msk.s32 $0xffff, v60;
	s29 =	spop (v2sf);
	s28 =	sadd.s32 s1, s28  }
0x6c: {  	[tilespmem:s11], [sflag:$0x1] =	stream.linear.gather [hbm4b:s28+s3], $0x400, $0x38;
	[tilespmem:$0x18780] =	vst v63  }
0x6d: {  	s28 =	sshll.u32 s29, $0xA  }
0x6e: {  	v60 =	vsel vm1, $0x0, v56;
	s29 =	sshrl.u32 s28, $0x3  }
0x6f: {  	(xrf0) =	vadd.scan.msk.s32 $0xffff, v60;
	s5 =	sadd.s32 $0x7A1400, s26;
	s29 =	sadd.s32 s2, s29  }
0x70: {  	[tilespmem:s12], [sflag:$0x4] =	stream.linear.gather [hbm4b:s29+s3], $0x400, $0x38;
	[tilespmem:$0x18780] =	vst v63  }
0x71: {  	v60, _, _ =	vpop (xrf0);
	s29 =	sshrl.u32 s5, $0x3  }
0x72: {  	(v2sf) =	vpush v60, $0xF;
	s5 =	sadd.s32 $0x7A1400, s28;
	s29 =	sadd.s32 s1, s29  }
0x73: {  	[tilespmem:s30], [sflag:$0x1] =	stream.linear.gather [hbm4b:s29+s3], $0x400, $0x38;
	[tilespmem:$0x18780] =	vst v63  }
0x74: {  	s29 =	sshrl.u32 s5, $0x3  }
0x75: {  	v60, _, _ =	vpop (xrf0);
	s5 =	sadd.s32 $0xF42800, s26;
	s29 =	sadd.s32 s2, s29  }
0x76: {  	(v2sf) =	vpush v60, $0xF;
	[tilespmem:s10], [sflag:$0x4] =	stream.linear.gather [hbm4b:s29+s3], $0x400, $0x38;
	[tilespmem:$0x18780] =	vst v63  }
0x77: {  	s29 =	sshrl.u32 s5, $0x3  }
0x78: {  	s5 =	simm.s32 $0xC00;
	s29 =	sadd.s32 s1, s29  }
0x79: {  	[tilespmem:s5], [sflag:$0x1] =	stream.linear.gather [hbm4b:s29+s3], $0x400, $0x38;
	[tilespmem:$0x18780] =	vst v63  }
0x7a: {  	s5 =	sadd.s32 $0xF42800, s28  }
0x7b: {  	s26 =	sadd.s32 $0x16E3C00, s26;
	s29 =	sshrl.u32 s5, $0x3  }
0x7c: {  	s26 =	sshrl.u32 s26, $0x3;
	s5 =	simm.s32 $0xCC00;
	s29 =	sadd.s32 s2, s29  }
0x7d: {  	[tilespmem:s5], [sflag:$0x4] =	stream.linear.gather [hbm4b:s29+s3], $0x400, $0x38;
	[tilespmem:$0x18780] =	vst v63  }
0x7e: {  	s26 =	sadd.s32 s1, s26;
	s28 =	sadd.s32 $0x16E3C00, s28;
	s29 =	simm.s32 $0x1000  }
0x7f: {  	[tilespmem:s29], [sflag:$0x1] =	stream.linear.gather [hbm4b:s26+s3], $0x400, $0x38;
	[tilespmem:$0x18780] =	vst v63  }
0x80: {  	s26 =	sshrl.u32 s28, $0x3  }
0x81: {  	s29 =	spop (v2sf);
	s26 =	sadd.s32 s2, s26  }
0x82: {  	[tilespmem:s8], [sflag:$0x4] =	stream.linear.gather [hbm4b:s26+s3], $0x400, $0x38;
	[tilespmem:$0x18780] =	vst v63  }
0x83: {  	v60 =	vsel vm2, $0x0, v57;
	s26 =	sshll.u32 s29, $0xA  }
0x84: {  	(xrf0) =	vadd.scan.msk.s32 $0xffff, v60;
	s28 =	sshrl.u32 s26, $0x3  }
0x85: {  	s5 =	spop (v2sf);
	s28 =	sadd.s32 s1, s28  }
0x86: {  	[tilespmem:s9], [sflag:$0x1] =	stream.linear.gather [hbm4b:s28+s3], $0x400, $0x38;
	[tilespmem:$0x18780] =	vst v63  }
0x87: {  	v60 =	vsel vm2, $0x0, v56;
	s28 =	sshll.u32 s5, $0xA  }
0x88: {  	(xrf0) =	vadd.scan.msk.s32 $0xffff, v60;
	s29 =	sshrl.u32 s28, $0x3  }
0x89: {  	s5 =	sadd.s32 $0x7A1400, s26;
	s29 =	sadd.s32 s2, s29  }
0x8a: {  	v60, _, _ =	vpop (xrf0);
	[tilespmem:s13], [sflag:$0x4] =	stream.linear.gather [hbm4b:s29+s3], $0x400, $0x38;
	[tilespmem:$0x18780] =	vst v63  }
0x8b: {  	(v2sf) =	vpush v60, $0xF;
	s29 =	sshrl.u32 s5, $0x3  }
0x8c: {  	s5 =	sadd.s32 $0x7A1400, s28;
	s29 =	sadd.s32 s1, s29  }
0x8d: {  	[tilespmem:s14], [sflag:$0x1] =	stream.linear.gather [hbm4b:s29+s3], $0x400, $0x38;
	[tilespmem:$0x18780] =	vst v63  }
0x8e: {  	v60, _, _ =	vpop (xrf0);
	s29 =	sshrl.u32 s5, $0x3  }
0x8f: {  	(v2sf) =	vpush v60, $0xF;
	s5 =	sadd.s32 $0xF42800, s26;
	s29 =	sadd.s32 s2, s29  }
0x90: {  	[tilespmem:s15], [sflag:$0x4] =	stream.linear.gather [hbm4b:s29+s3], $0x400, $0x38;
	[tilespmem:$0x18780] =	vst v63  }
0x91: {  	s29 =	sshrl.u32 s5, $0x3  }
0x92: {  	s5 =	sadd.s32 $0xF42800, s28;
	s29 =	sadd.s32 s1, s29  }
0x93: {  	[tilespmem:s16], [sflag:$0x1] =	stream.linear.gather [hbm4b:s29+s3], $0x400, $0x38;
	[tilespmem:$0x18780] =	vst v63  }
0x94: {  	s26 =	sadd.s32 $0x16E3C00, s26;
	s29 =	sshrl.u32 s5, $0x3  }
0x95: {  	s26 =	sshrl.u32 s26, $0x3;
	s29 =	sadd.s32 s2, s29  }
0x96: {  	[tilespmem:s31], [sflag:$0x4] =	stream.linear.gather [hbm4b:s29+s3], $0x400, $0x38;
	[tilespmem:$0x18780] =	vst v63  }
0x97: {  	s26 =	sadd.s32 s1, s26;
	s5 =	sadd.s32 $0x16E3C00, s28;
	s29 =	simm.s32 $0x2000  }
0x98: {  	[tilespmem:s29], [sflag:$0x1] =	stream.linear.gather [hbm4b:s26+s3], $0x400, $0x38;
	[tilespmem:$0x18780] =	vst v63  }
0x99: {  	s26 =	sshrl.u32 s5, $0x3  }
0x9a: {  	s28 =	simm.s32 $0xE000;
	s29 =	spop (v2sf);
	s26 =	sadd.s32 s2, s26  }
0x9b: {  	[tilespmem:s28], [sflag:$0x4] =	stream.linear.gather [hbm4b:s26+s3], $0x400, $0x38;
	[tilespmem:$0x18780] =	vst v63  }
0x9c: {  	s26 =	sshll.u32 s29, $0xA  }
0x9d: {  	s5 =	sshrl.u32 s26, $0x3  }
0x9e: {  	s29 =	spop (v2sf);
	s28 =	sadd.s32 s1, s5;
	s5 =	simm.s32 $0x2400  }
0x9f: {  	[tilespmem:s5], [sflag:$0x1] =	stream.linear.gather [hbm4b:s28+s3], $0x400, $0x38;
	[tilespmem:$0x18780] =	vst v63  }
0xa0: {  	v60 =	vsel vm3, $0x0, v57;
	s28 =	sshll.u32 s29, $0xA  }
0xa1: {  	(xrf0) =	vadd.scan.msk.s32 $0xffff, v60;
	s29 =	sshrl.u32 s28, $0x3  }
0xa2: {  	s5 =	simm.s32 $0xE400;
	s29 =	sadd.s32 s2, s29  }
0xa3: {  	[tilespmem:s5], [sflag:$0x4] =	stream.linear.gather [hbm4b:s29+s3], $0x400, $0x38;
	[tilespmem:$0x18780] =	vst v63  }
0xa4: {  	v60 =	vsel vm3, $0x0, v56;
	s5 =	sadd.s32 $0x7A1400, s26  }
0xa5: {  	(xrf0) =	vadd.scan.msk.s32 $0xffff, v60;
	s29 =	sshrl.u32 s5, $0x3  }
0xa6: {  	s5 =	simm.s32 $0x2800;
	s29 =	sadd.s32 s1, s29  }
0xa7: {  	v60, _, _ =	vpop (xrf0);
	[tilespmem:s5], [sflag:$0x1] =	stream.linear.gather [hbm4b:s29+s3], $0x400, $0x38;
	[tilespmem:$0x18780] =	vst v63  }
0xa8: {  	(v2sf) =	vpush v60, $0xF;
	s5 =	sadd.s32 $0x7A1400, s28  }
0xa9: {  	s29 =	sshrl.u32 s5, $0x3  }
0xaa: {  	s5 =	simm.s32 $0xE800;
	s29 =	sadd.s32 s2, s29  }
0xab: {  	v60, _, _ =	vpop (xrf0);
	[tilespmem:s5], [sflag:$0x4] =	stream.linear.gather [hbm4b:s29+s3], $0x400, $0x38;
	[tilespmem:$0x18780] =	vst v63  }
0xac: {  	(v2sf) =	vpush v60, $0xF;
	s5 =	sadd.s32 $0xF42800, s26  }
0xad: {  	s29 =	sshrl.u32 s5, $0x3  }
0xae: {  	s5 =	simm.s32 $0x2C00;
	s29 =	sadd.s32 s1, s29  }
0xaf: {  	[tilespmem:s5], [sflag:$0x1] =	stream.linear.gather [hbm4b:s29+s3], $0x400, $0x38;
	[tilespmem:$0x18780] =	vst v63  }
0xb0: {  	s5 =	sadd.s32 $0xF42800, s28  }
0xb1: {  	s26 =	sadd.s32 $0x16E3C00, s26;
	s29 =	sshrl.u32 s5, $0x3  }
0xb2: {  	s26 =	sshrl.u32 s26, $0x3;
	s5 =	simm.s32 $0xEC00;
	s29 =	sadd.s32 s2, s29  }
0xb3: {  	[tilespmem:s5], [sflag:$0x4] =	stream.linear.gather [hbm4b:s29+s3], $0x400, $0x38;
	[tilespmem:$0x18780] =	vst v63  }
0xb4: {  	s26 =	sadd.s32 s1, s26;
	s29 =	simm.s32 $0x3000;
	s5 =	sadd.s32 $0x16E3C00, s28  }
0xb5: {  	[tilespmem:s29], [sflag:$0x1] =	stream.linear.gather [hbm4b:s26+s3], $0x400, $0x38;
	[tilespmem:$0x18780] =	vst v63  }
0xb6: {  	s26 =	sshrl.u32 s5, $0x3  }
0xb7: {  	s28 =	simm.s32 $0xF000;
	s29 =	spop (v2sf);
	s26 =	sadd.s32 s2, s26  }
0xb8: {  	[tilespmem:s28], [sflag:$0x4] =	stream.linear.gather [hbm4b:s26+s3], $0x400, $0x38;
	[tilespmem:$0x18780] =	vst v63  }
0xb9: {  	s26 =	sshll.u32 s29, $0xA  }
0xba: {  	v60 =	vsel vm4, $0x0, v57;
	s5 =	sshrl.u32 s26, $0x3  }
0xbb: {  	(xrf0) =	vadd.scan.msk.s32 $0xffff, v60;
	s29 =	spop (v2sf);
	s28 =	sadd.s32 s1, s5;
	s5 =	simm.s32 $0x3400  }
0xbc: {  	[tilespmem:s5], [sflag:$0x1] =	stream.linear.gather [hbm4b:s28+s3], $0x400, $0x38;
	[tilespmem:$0x18780] =	vst v63  }
0xbd: {  	s28 =	sshll.u32 s29, $0xA  }
0xbe: {  	v60 =	vsel vm4, $0x0, v56;
	s29 =	sshrl.u32 s28, $0x3  }
0xbf: {  	(xrf0) =	vadd.scan.msk.s32 $0xffff, v60;
	s5 =	simm.s32 $0xF400;
	s29 =	sadd.s32 s2, s29  }
0xc0: {  	[tilespmem:s5], [sflag:$0x4] =	stream.linear.gather [hbm4b:s29+s3], $0x400, $0x38;
	[tilespmem:$0x18780] =	vst v63  }
0xc1: {  	s5 =	sadd.s32 $0x7A1400, s26  }
0xc2: {  	v60, _, _ =	vpop (xrf0);
	s29 =	sshrl.u32 s5, $0x3  }
0xc3: {  	(v2sf) =	vpush v60, $0xF;
	s5 =	sadd.s32 $0x7A1400, s28;
	s29 =	sadd.s32 s1, s29  }
0xc4: {  	[tilespmem:s7], [sflag:$0x1] =	stream.linear.gather [hbm4b:s29+s3], $0x400, $0x38;
	[tilespmem:$0x18780] =	vst v63  }
0xc5: {  	s29 =	sshrl.u32 s5, $0x3  }
0xc6: {  	v60, _, _ =	vpop (xrf0);
	s5 =	sadd.s32 $0xF42800, s26;
	s29 =	sadd.s32 s2, s29  }
0xc7: {  	(v2sf) =	vpush v60, $0xF;
	[tilespmem:s6], [sflag:$0x4] =	stream.linear.gather [hbm4b:s29+s3], $0x400, $0x38;
	[tilespmem:$0x18780] =	vst v63  }
0xc8: {  	s29 =	sshrl.u32 s5, $0x3  }
0xc9: {  	s5 =	simm.s32 $0x3C00;
	s29 =	sadd.s32 s1, s29  }
0xca: {  	[tilespmem:s5], [sflag:$0x1] =	stream.linear.gather [hbm4b:s29+s3], $0x400, $0x38;
	[tilespmem:$0x18780] =	vst v63  }
0xcb: {  	s29 =	sadd.s32 $0xF42800, s28  }
0xcc: {  	s26 =	sadd.s32 $0x16E3C00, s26;
	s29 =	sshrl.u32 s29, $0x3  }
0xcd: {  	s30 =	simm.s32 $0xFC00;
	s26 =	sshrl.u32 s26, $0x3;
	s29 =	sadd.s32 s2, s29  }
0xce: {  	[tilespmem:s30], [sflag:$0x4] =	stream.linear.gather [hbm4b:s29+s3], $0x400, $0x38;
	[tilespmem:$0x18780] =	vst v63  }
0xcf: {  	s0 =	simm.s32 $0x4000;
	s26 =	sadd.s32 s1, s26;
	s28 =	sadd.s32 $0x16E3C00, s28  }
0xd0: {  	[tilespmem:s0], [sflag:$0x1] =	stream.linear.gather [hbm4b:s26+s3], $0x400, $0x38;
	[tilespmem:$0x18780] =	vst v63  }
0xd1: {  	s26 =	sshrl.u32 s28, $0x3  }
0xd2: {  	s29 =	spop (v2sf);
	s26 =	sadd.s32 s2, s26  }
0xd3: {  	[tilespmem:s4], [sflag:$0x4] =	stream.linear.gather [hbm4b:s26+s3], $0x400, $0x38;
	[tilespmem:$0x18780] =	vst v63  }
0xd4: {  	s26 =	sshll.u32 s29, $0xA  }
0xd5: {  	v60 =	vsel vm5, $0x0, v57;
	s0 =	sshrl.u32 s26, $0x3  }
0xd6: {  	(xrf0) =	vadd.scan.msk.s32 $0xffff, v60;
	s30 =	spop (v2sf);
	s28 =	rddreg [dreg:$0x6];
	s29 =	sadd.s32 s1, s0  }
0xd7: {  	[tilespmem:s28], [sflag:$0x2] =	stream.linear.gather [hbm4b:s29+s3], $0x400, $0x38;
	[tilespmem:$0x18780] =	vst v63  }
0xd8: {  	s28 =	sshll.u32 s30, $0xA  }
0xd9: {  	v60 =	vsel vm5, $0x0, v56;
	s30 =	sshrl.u32 s28, $0x3  }
0xda: {  	(xrf0) =	vadd.scan.msk.s32 $0xffff, v60;
	s0 =	rddreg [dreg:$0x7];
	s30 =	sadd.s32 s2, s30  }
0xdb: {  	[tilespmem:s0], [sflag:$0x5] =	stream.linear.gather [hbm4b:s30+s3], $0x400, $0x38;
	[tilespmem:$0x18780] =	vst v63  }
0xdc: {  	v60, _, _ =	vpop (xrf0);
	s0 =	sadd.s32 $0x7A1400, s26  }
0xdd: {  	(v2sf) =	vpush v60, $0xF;
	s29 =	sshrl.u32 s0, $0x3  }
0xde: {  	s30 =	rddreg [dreg:$0x8];
	s0 =	sadd.s32 $0x7A1400, s28;
	s29 =	sadd.s32 s1, s29  }
0xdf: {  	[tilespmem:s30], [sflag:$0x2] =	stream.linear.gather [hbm4b:s29+s3], $0x400, $0x38;
	[tilespmem:$0x18780] =	vst v63  }
0xe0: {  	v60, _, _ =	vpop (xrf0);
	s29 =	sshrl.u32 s0, $0x3  }
0xe1: {  	(v2sf) =	vpush v60, $0xF;
	s30 =	rddreg [dreg:$0x9];
	s0 =	sadd.s32 $0xF42800, s26;
	s29 =	sadd.s32 s2, s29  }
0xe2: {  	[tilespmem:s30], [sflag:$0x5] =	stream.linear.gather [hbm4b:s29+s3], $0x400, $0x38;
	[tilespmem:$0x18780] =	vst v63  }
0xe3: {  	s29 =	sshrl.u32 s0, $0x3  }
0xe4: {  	s30 =	rddreg [dreg:$0xa];
	s0 =	sadd.s32 $0xF42800, s28;
	s29 =	sadd.s32 s1, s29  }
0xe5: {  	[tilespmem:s30], [sflag:$0x2] =	stream.linear.gather [hbm4b:s29+s3], $0x400, $0x38;
	[tilespmem:$0x18780] =	vst v63  }
0xe6: {  	s26 =	sadd.s32 $0x16E3C00, s26;
	s29 =	sshrl.u32 s0, $0x3  }
0xe7: {  	s26 =	sshrl.u32 s26, $0x3;
	s30 =	rddreg [dreg:$0xb];
	s29 =	sadd.s32 s2, s29  }
0xe8: {  	[tilespmem:s30], [sflag:$0x5] =	stream.linear.gather [hbm4b:s29+s3], $0x400, $0x38;
	[tilespmem:$0x18780] =	vst v63  }
0xe9: {  	s26 =	sadd.s32 s1, s26;
	s0 =	rddreg [dreg:$0xc];
	s29 =	sadd.s32 $0x16E3C00, s28  }
0xea: {  	[tilespmem:s0], [sflag:$0x2] =	stream.linear.gather [hbm4b:s26+s3], $0x400, $0x38;
	[tilespmem:$0x18780] =	vst v63  }
0xeb: {  	s26 =	sshrl.u32 s29, $0x3  }
0xec: {  	s0 =	rddreg [dreg:$0xd];
	s29 =	spop (v2sf);
	s26 =	sadd.s32 s2, s26  }
0xed: {  	[tilespmem:s0], [sflag:$0x5] =	stream.linear.gather [hbm4b:s26+s3], $0x400, $0x38;
	[tilespmem:$0x18780] =	vst v63  }
0xee: {  	s26 =	sshll.u32 s29, $0xA  }
0xef: {  	v60 =	vsel vm6, $0x0, v57;
	s0 =	sshrl.u32 s26, $0x3  }
0xf0: {  	(xrf0) =	vadd.scan.msk.s32 $0xffff, v60;
	s28 =	rddreg [dreg:$0xe];
	s30 =	spop (v2sf);
	s29 =	sadd.s32 s1, s0  }
0xf1: {  	[tilespmem:s28], [sflag:$0x2] =	stream.linear.gather [hbm4b:s29+s3], $0x400, $0x38;
	[tilespmem:$0x18780] =	vst v63  }
0xf2: {  	s28 =	sshll.u32 s30, $0xA  }
0xf3: {  	v60 =	vsel vm6, $0x0, v56;
	s30 =	sshrl.u32 s28, $0x3  }
0xf4: {  	(xrf0) =	vadd.scan.msk.s32 $0xffff, v60;
	s0 =	rddreg [dreg:$0xf];
	s30 =	sadd.s32 s2, s30  }
0xf5: {  	[tilespmem:s0], [sflag:$0x5] =	stream.linear.gather [hbm4b:s30+s3], $0x400, $0x38;
	[tilespmem:$0x18780] =	vst v63  }
0xf6: {  	v60, _, _ =	vpop (xrf0);
	s0 =	sadd.s32 $0x7A1400, s26  }
0xf7: {  	(v2sf) =	vpush v60, $0xF;
	s29 =	sshrl.u32 s0, $0x3  }
0xf8: {  	s30 =	rddreg [dreg:$0x10];
	s0 =	sadd.s32 $0x7A1400, s28;
	s29 =	sadd.s32 s1, s29  }
0xf9: {  	[tilespmem:s30], [sflag:$0x2] =	stream.linear.gather [hbm4b:s29+s3], $0x400, $0x38;
	[tilespmem:$0x18780] =	vst v63  }
0xfa: {  	v60, _, _ =	vpop (xrf0);
	s29 =	sshrl.u32 s0, $0x3  }
0xfb: {  	(v2sf) =	vpush v60, $0xF;
	s30 =	rddreg [dreg:$0x11];
	s0 =	sadd.s32 $0xF42800, s26;
	s29 =	sadd.s32 s2, s29  }
0xfc: {  	[tilespmem:s30], [sflag:$0x5] =	stream.linear.gather [hbm4b:s29+s3], $0x400, $0x38;
	[tilespmem:$0x18780] =	vst v63  }
0xfd: {  	s29 =	sshrl.u32 s0, $0x3  }
0xfe: {  	s30 =	rddreg [dreg:$0x12];
	s0 =	sadd.s32 $0xF42800, s28;
	s29 =	sadd.s32 s1, s29  }
0xff: {  	[tilespmem:s30], [sflag:$0x2] =	stream.linear.gather [hbm4b:s29+s3], $0x400, $0x38;
	[tilespmem:$0x18780] =	vst v63  }
0x100: {  	s26 =	sadd.s32 $0x16E3C00, s26;
	s29 =	sshrl.u32 s0, $0x3  }
0x101: {  	s26 =	sshrl.u32 s26, $0x3;
	s30 =	rddreg [dreg:$0x13];
	s29 =	sadd.s32 s2, s29  }
0x102: {  	[tilespmem:s30], [sflag:$0x5] =	stream.linear.gather [hbm4b:s29+s3], $0x400, $0x38;
	[tilespmem:$0x18780] =	vst v63  }
0x103: {  	s26 =	sadd.s32 s1, s26;
	s0 =	rddreg [dreg:$0x14];
	s29 =	sadd.s32 $0x16E3C00, s28  }
0x104: {  	[tilespmem:s0], [sflag:$0x2] =	stream.linear.gather [hbm4b:s26+s3], $0x400, $0x38;
	[tilespmem:$0x18780] =	vst v63  }
0x105: {  	s26 =	sshrl.u32 s29, $0x3  }
0x106: {  	s0 =	rddreg [dreg:$0x15];
	s29 =	spop (v2sf);
	s26 =	sadd.s32 s2, s26  }
0x107: {  	[tilespmem:s0], [sflag:$0x5] =	stream.linear.gather [hbm4b:s26+s3], $0x400, $0x38;
	[tilespmem:$0x18780] =	vst v63  }
0x108: {  	s26 =	sshll.u32 s29, $0xA  }
0x109: {  	v60 =	vsel vm7, $0x0, v57;
	s0 =	sshrl.u32 s26, $0x3  }
0x10a: {  	(xrf0) =	vadd.scan.msk.s32 $0xffff, v60;
	s28 =	rddreg [dreg:$0x16];
	s30 =	spop (v2sf);
	s29 =	sadd.s32 s1, s0  }
0x10b: {  	[tilespmem:s28], [sflag:$0x2] =	stream.linear.gather [hbm4b:s29+s3], $0x400, $0x38;
	[tilespmem:$0x18780] =	vst v63  }
0x10c: {  	s28 =	sshll.u32 s30, $0xA  }
0x10d: {  	v60 =	vsel vm7, $0x0, v56;
	s30 =	sshrl.u32 s28, $0x3  }
0x10e: {  	(xrf0) =	vadd.scan.msk.s32 $0xffff, v60;
	s0 =	rddreg [dreg:$0x17];
	s30 =	sadd.s32 s2, s30  }
0x10f: {  	[tilespmem:s0], [sflag:$0x5] =	stream.linear.gather [hbm4b:s30+s3], $0x400, $0x38;
	[tilespmem:$0x18780] =	vst v63  }
0x110: {  	v60, _, _ =	vpop (xrf0);
	s0 =	sadd.s32 $0x7A1400, s26  }
0x111: {  	(v2sf) =	vpush v60, $0xF;
	s29 =	sshrl.u32 s0, $0x3  }
0x112: {  	s30 =	rddreg [dreg:$0x18];
	s0 =	sadd.s32 $0x7A1400, s28;
	s29 =	sadd.s32 s1, s29  }
0x113: {  	[tilespmem:s30], [sflag:$0x2] =	stream.linear.gather [hbm4b:s29+s3], $0x400, $0x38;
	[tilespmem:$0x18780] =	vst v63  }
0x114: {  	v60, _, _ =	vpop (xrf0);
	s29 =	sshrl.u32 s0, $0x3  }
0x115: {  	(v2sf) =	vpush v60, $0xF;
	s30 =	rddreg [dreg:$0x19];
	s0 =	sadd.s32 $0xF42800, s26;
	s29 =	sadd.s32 s2, s29  }
0x116: {  	[tilespmem:s30], [sflag:$0x5] =	stream.linear.gather [hbm4b:s29+s3], $0x400, $0x38;
	[tilespmem:$0x18780] =	vst v63  }
0x117: {  	s29 =	sshrl.u32 s0, $0x3  }
0x118: {  	s30 =	rddreg [dreg:$0x1a];
	s0 =	sadd.s32 $0xF42800, s28;
	s29 =	sadd.s32 s1, s29  }
0x119: {  	[tilespmem:s30], [sflag:$0x2] =	stream.linear.gather [hbm4b:s29+s3], $0x400, $0x38;
	[tilespmem:$0x18780] =	vst v63  }
0x11a: {  	s26 =	sadd.s32 $0x16E3C00, s26;
	s29 =	sshrl.u32 s0, $0x3  }
0x11b: {  	s26 =	sshrl.u32 s26, $0x3;
	s30 =	rddreg [dreg:$0x1b];
	s29 =	sadd.s32 s2, s29  }
0x11c: {  	[tilespmem:s30], [sflag:$0x5] =	stream.linear.gather [hbm4b:s29+s3], $0x400, $0x38;
	[tilespmem:$0x18780] =	vst v63  }
0x11d: {  	s26 =	sadd.s32 s1, s26;
	s0 =	rddreg [dreg:$0x1c];
	s29 =	sadd.s32 $0x16E3C00, s28  }
0x11e: {  	[tilespmem:s0], [sflag:$0x2] =	stream.linear.gather [hbm4b:s26+s3], $0x400, $0x38;
	[tilespmem:$0x18780] =	vst v63  }
0x11f: {  	s26 =	sshrl.u32 s29, $0x3  }
0x120: {  	s0 =	rddreg [dreg:$0x1d];
	s29 =	spop (v2sf);
	s26 =	sadd.s32 s2, s26  }
0x121: {  	[tilespmem:s0], [sflag:$0x5] =	stream.linear.gather [hbm4b:s26+s3], $0x400, $0x38;
	[tilespmem:$0x18780] =	vst v63  }
0x122: {  	s26 =	sshll.u32 s29, $0xA  }
0x123: {  	s0 =	sshrl.u32 s26, $0x3  }
0x124: {  	s28 =	rddreg [dreg:$0x1e];
	s30 =	spop (v2sf);
	s29 =	sadd.s32 s1, s0  }
0x125: {  	[tilespmem:s28], [sflag:$0x2] =	stream.linear.gather [hbm4b:s29+s3], $0x400, $0x38;
	[tilespmem:$0x18780] =	vst v63  }
0x126: {  	s28 =	sshll.u32 s30, $0xA  }
0x127: {  	v60 =	vsel vm8, $0x0, v57;
	s30 =	sshrl.u32 s28, $0x3  }
0x128: {  	(xrf0) =	vadd.scan.msk.s32 $0xffff, v60;
	s0 =	rddreg [dreg:$0x1f];
	s30 =	sadd.s32 s2, s30  }
0x129: {  	[tilespmem:s0], [sflag:$0x5] =	stream.linear.gather [hbm4b:s30+s3], $0x400, $0x38;
	[tilespmem:$0x18780] =	vst v63  }
0x12a: {  	s0 =	sadd.s32 $0x7A1400, s26;
	s30 =	sld [smem:$0x7D4]  }
0x12b: {  	v60 =	vsel vm8, $0x0, v56;
	s29 =	sshrl.u32 s0, $0x3  }
0x12c: {  	(xrf0) =	vadd.scan.msk.s32 $0xffff, v60;
	s29 =	sadd.s32 s1, s29  }
0x12d: {  	[tilespmem:s30], [sflag:$0x2] =	stream.linear.gather [hbm4b:s29+s3], $0x400, $0x38;
	[tilespmem:$0x18780] =	vst v63  }
0x12e: {  	v60, _, _ =	vpop (xrf0);
	s0 =	sadd.s32 $0x7A1400, s28;
	s30 =	sld [smem:$0x7D5]  }
0x12f: {  	(v2sf) =	vpush v60, $0xF;
	s29 =	sshrl.u32 s0, $0x3  }
0x130: {  	s29 =	sadd.s32 s2, s29  }
0x131: {  	[tilespmem:s30], [sflag:$0x5] =	stream.linear.gather [hbm4b:s29+s3], $0x400, $0x38;
	[tilespmem:$0x18780] =	vst v63  }
0x132: {  	v60, _, _ =	vpop (xrf0);
	s0 =	sadd.s32 $0xF42800, s26;
	s30 =	sld [smem:$0x7D6]  }
0x133: {  	(v2sf) =	vpush v60, $0xF;
	s29 =	sshrl.u32 s0, $0x3  }
0x134: {  	s29 =	sadd.s32 s1, s29  }
0x135: {  	[tilespmem:s30], [sflag:$0x2] =	stream.linear.gather [hbm4b:s29+s3], $0x400, $0x38;
	[tilespmem:$0x18780] =	vst v63  }
0x136: {  	s0 =	sadd.s32 $0xF42800, s28;
	s30 =	sld [smem:$0x7D7]  }
0x137: {  	s26 =	sadd.s32 $0x16E3C00, s26;
	s29 =	sshrl.u32 s0, $0x3  }
0x138: {  	s26 =	sshrl.u32 s26, $0x3;
	s0 =	sld [smem:$0x7D8];
	s29 =	sadd.s32 s2, s29  }
0x139: {  	[tilespmem:s30], [sflag:$0x5] =	stream.linear.gather [hbm4b:s29+s3], $0x400, $0x38;
	[tilespmem:$0x18780] =	vst v63  }
0x13a: {  	s26 =	sadd.s32 s1, s26  }
0x13b: {  	[tilespmem:s0], [sflag:$0x2] =	stream.linear.gather [hbm4b:s26+s3], $0x400, $0x38;
	[tilespmem:$0x18780] =	vst v63  }
0x13c: {  	s29 =	sadd.s32 $0x16E3C00, s28;
	s0 =	sld [smem:$0x7D9]  }
0x13d: {  	s26 =	sshrl.u32 s29, $0x3  }
0x13e: {  	s29 =	spop (v2sf);
	s26 =	sadd.s32 s2, s26  }
0x13f: {  	[tilespmem:s0], [sflag:$0x5] =	stream.linear.gather [hbm4b:s26+s3], $0x400, $0x38;
	[tilespmem:$0x18780] =	vst v63  }
0x140: {  	s28 =	sld [smem:$0x7DA];
	s26 =	sshll.u32 s29, $0xA  }
0x141: {  	s0 =	sshrl.u32 s26, $0x3  }
0x142: {  	s30 =	spop (v2sf);
	s29 =	sadd.s32 s1, s0  }
0x143: {  	[tilespmem:s28], [sflag:$0x3] =	stream.linear.gather [hbm4b:s29+s3], $0x400, $0x38;
	[tilespmem:$0x18780] =	vst v63  }
0x144: {  	s0 =	sld [smem:$0x7DB];
	s28 =	sshll.u32 s30, $0xA  }
0x145: {  	s30 =	sshrl.u32 s28, $0x3  }
0x146: {  	s30 =	sadd.s32 s2, s30  }
0x147: {  	[tilespmem:s0], [sflag:$0x6] =	stream.linear.gather [hbm4b:s30+s3], $0x400, $0x38;
	[tilespmem:$0x18780] =	vst v63  }
0x148: {  	s0 =	sadd.s32 $0x7A1400, s26;
	s30 =	sld [smem:$0x7DC]  }
0x149: {  	s29 =	sshrl.u32 s0, $0x3  }
0x14a: {  	s29 =	sadd.s32 s1, s29  }
0x14b: {  	[tilespmem:s30], [sflag:$0x3] =	stream.linear.gather [hbm4b:s29+s3], $0x400, $0x38;
	[tilespmem:$0x18780] =	vst v63  }
0x14c: {  	s0 =	sadd.s32 $0x7A1400, s28;
	s30 =	sld [smem:$0x7DD]  }
0x14d: {  	s29 =	sshrl.u32 s0, $0x3  }
0x14e: {  	s29 =	sadd.s32 s2, s29  }
0x14f: {  	[tilespmem:s30], [sflag:$0x6] =	stream.linear.gather [hbm4b:s29+s3], $0x400, $0x38;
	[tilespmem:$0x18780] =	vst v63  }
0x150: {  	s0 =	sadd.s32 $0xF42800, s26;
	s30 =	sld [smem:$0x7DE]  }
0x151: {  	s29 =	sshrl.u32 s0, $0x3  }
0x152: {  	s29 =	sadd.s32 s1, s29  }
0x153: {  	v60 =	vsel vm9, $0x0, v57;
	[tilespmem:s30], [sflag:$0x3] =	stream.linear.gather [hbm4b:s29+s3], $0x400, $0x38;
	[tilespmem:$0x18780] =	vst v63  }
0x154: {  	(xrf0) =	vadd.scan.msk.s32 $0xffff, v60;
	_ =	sdelay $0x1  }
0x155: {  	v60 =	vsel vm9, $0x0, v56  }
0x156: {  	(xrf0) =	vadd.scan.msk.s32 $0xffff, v60;
	_ =	sdelay $0x2  }
0x157: {  	v60, _, _ =	vpop (xrf0)  }
0x158: {  	(v2sf) =	vpush v60, $0xF;
	_ =	sdelay $0x1  }
0x159: {  	v60, _, _ =	vpop (xrf0)  }
0x15a: {  	(v2sf) =	vpush v60, $0xF;
	_ =	sdelay $0x1  }
0x15b: {  	s0 =	sadd.s32 $0xF42800, s28;
	s30 =	sld [smem:$0x7DF]  }
0x15c: {  	s26 =	sadd.s32 $0x16E3C00, s26;
	s29 =	sshrl.u32 s0, $0x3  }
0x15d: {  	s26 =	sshrl.u32 s26, $0x3;
	s29 =	sadd.s32 s2, s29;
	s0 =	sld [smem:$0x7E0]  }
0x15e: {  	[tilespmem:s30], [sflag:$0x6] =	stream.linear.gather [hbm4b:s29+s3], $0x400, $0x38;
	[tilespmem:$0x18780] =	vst v63  }
0x15f: {  	s26 =	sadd.s32 s1, s26  }
0x160: {  	[tilespmem:s0], [sflag:$0x3] =	stream.linear.gather [hbm4b:s26+s3], $0x400, $0x38;
	[tilespmem:$0x18780] =	vst v63  }
0x161: {  	s29 =	sadd.s32 $0x16E3C00, s28;
	s0 =	sld [smem:$0x7E1]  }
0x162: {  	s26 =	sshrl.u32 s29, $0x3  }
0x163: {  	s26 =	sadd.s32 s2, s26  }
0x164: {  	[tilespmem:s0], [sflag:$0x6] =	stream.linear.gather [hbm4b:s26+s3], $0x400, $0x38;
	[tilespmem:$0x18780] =	vst v63  }
0x165: {  	s29 =	spop (v2sf)  }
0x166: {  	s28 =	sld [smem:$0x7E2];
	s26 =	sshll.u32 s29, $0xA  }
0x167: {  	s0 =	sshrl.u32 s26, $0x3  }
0x168: {  	s30 =	spop (v2sf);
	s29 =	sadd.s32 s1, s0  }
0x169: {  	[tilespmem:s28], [sflag:$0x3] =	stream.linear.gather [hbm4b:s29+s3], $0x400, $0x38;
	[tilespmem:$0x18780] =	vst v63  }
0x16a: {  	s0 =	sld [smem:$0x7E3];
	s28 =	sshll.u32 s30, $0xA  }
0x16b: {  	v60 =	vsel vm10, $0x0, v57;
	s30 =	sshrl.u32 s28, $0x3  }
0x16c: {  	(xrf0) =	vadd.scan.msk.s32 $0xffff, v60;
	s30 =	sadd.s32 s2, s30  }
0x16d: {  	[tilespmem:s0], [sflag:$0x6] =	stream.linear.gather [hbm4b:s30+s3], $0x400, $0x38;
	[tilespmem:$0x18780] =	vst v63  }
0x16e: {  	s0 =	sadd.s32 $0x7A1400, s26;
	s30 =	sld [smem:$0x7E4]  }
0x16f: {  	v60 =	vsel vm10, $0x0, v56;
	s29 =	sshrl.u32 s0, $0x3  }
0x170: {  	(xrf0) =	vadd.scan.msk.s32 $0xffff, v60;
	s29 =	sadd.s32 s1, s29  }
0x171: {  	[tilespmem:s30], [sflag:$0x3] =	stream.linear.gather [hbm4b:s29+s3], $0x400, $0x38;
	[tilespmem:$0x18780] =	vst v63  }
0x172: {  	v60, _, _ =	vpop (xrf0);
	s0 =	sadd.s32 $0x7A1400, s28;
	s30 =	sld [smem:$0x7E5]  }
0x173: {  	(v2sf) =	vpush v60, $0xF;
	s29 =	sshrl.u32 s0, $0x3  }
0x174: {  	s29 =	sadd.s32 s2, s29  }
0x175: {  	[tilespmem:s30], [sflag:$0x6] =	stream.linear.gather [hbm4b:s29+s3], $0x400, $0x38;
	[tilespmem:$0x18780] =	vst v63  }
0x176: {  	v60, _, _ =	vpop (xrf0);
	s0 =	sadd.s32 $0xF42800, s26;
	s30 =	sld [smem:$0x7E6]  }
0x177: {  	(v2sf) =	vpush v60, $0xF;
	s29 =	sshrl.u32 s0, $0x3  }
0x178: {  	s29 =	sadd.s32 s1, s29  }
0x179: {  	[tilespmem:s30], [sflag:$0x3] =	stream.linear.gather [hbm4b:s29+s3], $0x400, $0x38;
	[tilespmem:$0x18780] =	vst v63  }
0x17a: {  	s0 =	sadd.s32 $0xF42800, s28;
	s30 =	sld [smem:$0x7E8]  }
0x17b: {  	s26 =	sadd.s32 $0x16E3C00, s26;
	s29 =	sshrl.u32 s0, $0x3  }
0x17c: {  	s26 =	sshrl.u32 s26, $0x3;
	s0 =	sld [smem:$0x7EA];
	s29 =	sadd.s32 s2, s29  }
0x17d: {  	[tilespmem:s30], [sflag:$0x6] =	stream.linear.gather [hbm4b:s29+s3], $0x400, $0x38;
	[tilespmem:$0x18780] =	vst v63  }
0x17e: {  	s26 =	sadd.s32 s1, s26  }
0x17f: {  	[tilespmem:s0], [sflag:$0x3] =	stream.linear.gather [hbm4b:s26+s3], $0x400, $0x38;
	[tilespmem:$0x18780] =	vst v63  }
0x180: {  	s29 =	sadd.s32 $0x16E3C00, s28;
	s0 =	sld [smem:$0x7EC]  }
0x181: {  	s26 =	sshrl.u32 s29, $0x3  }
0x182: {  	s29 =	spop (v2sf);
	s26 =	sadd.s32 s2, s26  }
0x183: {  	[tilespmem:s0], [sflag:$0x6] =	stream.linear.gather [hbm4b:s26+s3], $0x400, $0x38;
	[tilespmem:$0x18780] =	vst v63  }
0x184: {  	s28 =	sld [smem:$0x7EE];
	s26 =	sshll.u32 s29, $0xA  }
0x185: {  	s0 =	sshrl.u32 s26, $0x3  }
0x186: {  	s30 =	spop (v2sf);
	s29 =	sadd.s32 s1, s0  }
0x187: {  	[tilespmem:s28], [sflag:$0x3] =	stream.linear.gather [hbm4b:s29+s3], $0x400, $0x38;
	[tilespmem:$0x18780] =	vst v63  }
0x188: {  	s0 =	sld [smem:$0x7EF];
	s28 =	sshll.u32 s30, $0xA  }
0x189: {  	v60 =	vsel vm11, $0x0, v57;
	s30 =	sshrl.u32 s28, $0x3  }
0x18a: {  	(xrf0) =	vadd.scan.msk.s32 $0xffff, v60;
	s30 =	sadd.s32 s2, s30  }
0x18b: {  	[tilespmem:s0], [sflag:$0x6] =	stream.linear.gather [hbm4b:s30+s3], $0x400, $0x38;
	[tilespmem:$0x18780] =	vst v63  }
0x18c: {  	s0 =	sadd.s32 $0x7A1400, s26;
	s30 =	sld [smem:$0x7F0]  }
0x18d: {  	v60 =	vsel vm11, $0x0, v56;
	s29 =	sshrl.u32 s0, $0x3  }
0x18e: {  	(xrf0) =	vadd.scan.msk.s32 $0xffff, v60;
	s29 =	sadd.s32 s1, s29  }
0x18f: {  	[tilespmem:s30], [sflag:$0x3] =	stream.linear.gather [hbm4b:s29+s3], $0x400, $0x38;
	[tilespmem:$0x18780] =	vst v63  }
0x190: {  	v60, _, _ =	vpop (xrf0);
	s0 =	sadd.s32 $0x7A1400, s28;
	s30 =	sld [smem:$0x7F1]  }
0x191: {  	(v2sf) =	vpush v60, $0xF;
	s29 =	sshrl.u32 s0, $0x3  }
0x192: {  	s29 =	sadd.s32 s2, s29  }
0x193: {  	[tilespmem:s30], [sflag:$0x6] =	stream.linear.gather [hbm4b:s29+s3], $0x400, $0x38;
	[tilespmem:$0x18780] =	vst v63  }
0x194: {  	v60, _, _ =	vpop (xrf0);
	s0 =	sadd.s32 $0xF42800, s26;
	s30 =	sld [smem:$0x7F2]  }
0x195: {  	(v2sf) =	vpush v60, $0xF;
	s29 =	sshrl.u32 s0, $0x3  }
0x196: {  	s29 =	sadd.s32 s1, s29  }
0x197: {  	[tilespmem:s30], [sflag:$0x3] =	stream.linear.gather [hbm4b:s29+s3], $0x400, $0x38;
	[tilespmem:$0x18780] =	vst v63  }
0x198: {  	s0 =	sadd.s32 $0xF42800, s28;
	s30 =	sld [smem:$0x7F3]  }
0x199: {  	s26 =	sadd.s32 $0x16E3C00, s26;
	s29 =	sshrl.u32 s0, $0x3  }
0x19a: {  	s26 =	sshrl.u32 s26, $0x3;
	s0 =	sld [smem:$0x7F4];
	s29 =	sadd.s32 s2, s29  }
0x19b: {  	[tilespmem:s30], [sflag:$0x6] =	stream.linear.gather [hbm4b:s29+s3], $0x400, $0x38;
	[tilespmem:$0x18780] =	vst v63  }
0x19c: {  	s26 =	sadd.s32 s1, s26  }
0x19d: {  	[tilespmem:s0], [sflag:$0x3] =	stream.linear.gather [hbm4b:s26+s3], $0x400, $0x38;
	[tilespmem:$0x18780] =	vst v63  }
0x19e: {  	s29 =	sadd.s32 $0x16E3C00, s28;
	s0 =	sld [smem:$0x7F5]  }
0x19f: {  	s26 =	sshrl.u32 s29, $0x3  }
0x1a0: {  	s29 =	spop (v2sf);
	s26 =	sadd.s32 s2, s26  }
0x1a1: {  	[tilespmem:s0], [sflag:$0x6] =	stream.linear.gather [hbm4b:s26+s3], $0x400, $0x38;
	[tilespmem:$0x18780] =	vst v63  }
0x1a2: {  	s28 =	sld [smem:$0x7F6];
	s26 =	sshll.u32 s29, $0xA  }
0x1a3: {  	s0 =	sshrl.u32 s26, $0x3  }
0x1a4: {  	s30 =	spop (v2sf);
	s29 =	sadd.s32 s1, s0  }
0x1a5: {  	[tilespmem:s28], [sflag:$0x3] =	stream.linear.gather [hbm4b:s29+s3], $0x400, $0x38;
	[tilespmem:$0x18780] =	vst v63  }
0x1a6: {  	s0 =	sld [smem:$0x7F7];
	s28 =	sshll.u32 s30, $0xA  }
0x1a7: {  	s30 =	sshrl.u32 s28, $0x3  }
0x1a8: {  	s30 =	sadd.s32 s2, s30  }
0x1a9: {  	[tilespmem:s0], [sflag:$0x6] =	stream.linear.gather [hbm4b:s30+s3], $0x400, $0x38;
	[tilespmem:$0x18780] =	vst v63  }
0x1aa: {  	s0 =	sadd.s32 $0x7A1400, s26;
	s30 =	sld [smem:$0x7F8]  }
0x1ab: {  	s29 =	sshrl.u32 s0, $0x3  }
0x1ac: {  	s29 =	sadd.s32 s1, s29  }
0x1ad: {  	[tilespmem:s30], [sflag:$0x3] =	stream.linear.gather [hbm4b:s29+s3], $0x400, $0x38;
	[tilespmem:$0x18780] =	vst v63  }
0x1ae: {  	s0 =	sadd.s32 $0x7A1400, s28;
	s30 =	sld [smem:$0x7F9]  }
0x1af: {  	s29 =	sshrl.u32 s0, $0x3  }
0x1b0: {  	s29 =	sadd.s32 s2, s29  }
0x1b1: {  	[tilespmem:s30], [sflag:$0x6] =	stream.linear.gather [hbm4b:s29+s3], $0x400, $0x38;
	[tilespmem:$0x18780] =	vst v63  }
0x1b2: {  	s0 =	sadd.s32 $0xF42800, s26;
	s30 =	sld [smem:$0x7FA]  }
0x1b3: {  	s29 =	sshrl.u32 s0, $0x3  }
0x1b4: {  	s29 =	sadd.s32 s1, s29  }
0x1b5: {  	[tilespmem:s30], [sflag:$0x3] =	stream.linear.gather [hbm4b:s29+s3], $0x400, $0x38;
	[tilespmem:$0x18780] =	vst v63  }
0x1b6: {  	s0 =	sadd.s32 $0xF42800, s28;
	s30 =	sld [smem:$0x7FB]  }
0x1b7: {  	s26 =	sadd.s32 $0x16E3C00, s26;
	s29 =	sshrl.u32 s0, $0x3  }
0x1b8: {  	s26 =	sshrl.u32 s26, $0x3;
	s0 =	sld [smem:$0x7FC];
	s29 =	sadd.s32 s2, s29  }
0x1b9: {  	[tilespmem:s30], [sflag:$0x6] =	stream.linear.gather [hbm4b:s29+s3], $0x400, $0x38;
	[tilespmem:$0x18780] =	vst v63  }
0x1ba: {  	s26 =	sadd.s32 s1, s26  }
0x1bb: {  	[tilespmem:s0], [sflag:$0x3] =	stream.linear.gather [hbm4b:s26+s3], $0x400, $0x38;
	[tilespmem:$0x18780] =	vst v63  }
0x1bc: {  	s29 =	sadd.s32 $0x16E3C00, s28;
	s0 =	sld [smem:$0x7FD]  }
0x1bd: {  	s26 =	sshrl.u32 s29, $0x3  }
0x1be: {  	s26 =	sadd.s32 s2, s26  }
0x1bf: {  	[tilespmem:s0], [sflag:$0x6] =	stream.linear.gather [hbm4b:s26+s3], $0x400, $0x38;
	[tilespmem:$0x18780] =	vst v63  }
0x1c0: {  	_ =	swait.ge [sflag:s17], $0x400  }
0x1c1: {  	[sflag:s17] =	ssyncset.done $0x0  }
0x1c2: {  	[sflag:s17] =	ssyncadd.s32 $0xFFFFFC00  }
0x1c3: {  	_ =	swait.ge [sflag:s18], $0x400  }
0x1c4: {  	[sflag:s18] =	ssyncset.done $0x0  }
0x1c5: {  	[sflag:s18] =	ssyncadd.s32 $0xFFFFFC00  }
0x1c6: {  	_ =	swait.ge [sflag:s17], $0x400  }
0x1c7: {  	[sflag:s17] =	ssyncset.done $0x0  }
0x1c8: {  	[sflag:s17] =	ssyncadd.s32 $0xFFFFFC00  }
0x1c9: {  	_ =	swait.ge [sflag:s18], $0x400  }
0x1ca: {  	[sflag:s18] =	ssyncset.done $0x0  }
0x1cb: {  	[sflag:s18] =	ssyncadd.s32 $0xFFFFFC00  }
0x1cc: {  	_ =	swait.ge [sflag:s17], $0x400  }
0x1cd: {  	[sflag:s17] =	ssyncset.done $0x0  }
0x1ce: {  	[sflag:s17] =	ssyncadd.s32 $0xFFFFFC00  }
0x1cf: {  	_ =	swait.ge [sflag:s18], $0x400  }
0x1d0: {  	[sflag:s18] =	ssyncset.done $0x0  }
0x1d1: {  	[sflag:s18] =	ssyncadd.s32 $0xFFFFFC00  }
0x1d2: {  	_ =	swait.ge [sflag:s17], $0x400  }
0x1d3: {  	[sflag:s17] =	ssyncset.done $0x0  }
0x1d4: {  	[sflag:s17] =	ssyncadd.s32 $0xFFFFFC00  }
0x1d5: {  	_ =	swait.ge [sflag:s18], $0x400  }
0x1d6: {  	[sflag:s18] =	ssyncset.done $0x0  }
0x1d7: {  	[sflag:s18] =	ssyncadd.s32 $0xFFFFFC00  }
0x1d8: {  	_ =	swait.ge [sflag:s17], $0x400  }
0x1d9: {  	[sflag:s17] =	ssyncset.done $0x0  }
0x1da: {  	[sflag:s17] =	ssyncadd.s32 $0xFFFFFC00  }
0x1db: {  	_ =	swait.ge [sflag:s18], $0x400  }
0x1dc: {  	[sflag:s18] =	ssyncset.done $0x0  }
0x1dd: {  	[sflag:s18] =	ssyncadd.s32 $0xFFFFFC00  }
0x1de: {  	_ =	swait.ge [sflag:s17], $0x400  }
0x1df: {  	[sflag:s17] =	ssyncset.done $0x0  }
0x1e0: {  	[sflag:s17] =	ssyncadd.s32 $0xFFFFFC00  }
0x1e1: {  	_ =	swait.ge [sflag:s18], $0x400  }
0x1e2: {  	[sflag:s18] =	ssyncset.done $0x0  }
0x1e3: {  	[sflag:s18] =	ssyncadd.s32 $0xFFFFFC00  }
0x1e4: {  	_ =	swait.ge [sflag:s17], $0x400  }
0x1e5: {  	[sflag:s17] =	ssyncset.done $0x0  }
0x1e6: {  	[sflag:s17] =	ssyncadd.s32 $0xFFFFFC00  }
0x1e7: {  	_ =	swait.ge [sflag:s18], $0x400  }
0x1e8: {  	[sflag:s18] =	ssyncset.done $0x0  }
0x1e9: {  	[sflag:s18] =	ssyncadd.s32 $0xFFFFFC00  }
0x1ea: {  	_ =	swait.ge [sflag:s17], $0x400  }
0x1eb: {  	[sflag:s17] =	ssyncset.done $0x0  }
0x1ec: {  	[sflag:s17] =	ssyncadd.s32 $0xFFFFFC00  }
0x1ed: {  	_ =	swait.ge [sflag:s18], $0x400  }
0x1ee: {  	[sflag:s18] =	ssyncset.done $0x0  }
0x1ef: {  	[sflag:s18] =	ssyncadd.s32 $0xFFFFFC00  }
0x1f0: {  	_ =	swait.ge [sflag:s17], $0x400  }
0x1f1: {  	[sflag:s17] =	ssyncset.done $0x0  }
0x1f2: {  	[sflag:s17] =	ssyncadd.s32 $0xFFFFFC00  }
0x1f3: {  	_ =	swait.ge [sflag:s18], $0x400  }
0x1f4: {  	[sflag:s18] =	ssyncset.done $0x0  }
0x1f5: {  	[sflag:s18] =	ssyncadd.s32 $0xFFFFFC00  }
0x1f6: {  	_ =	swait.ge [sflag:s17], $0x400  }
0x1f7: {  	[sflag:s17] =	ssyncset.done $0x0  }
0x1f8: {  	[sflag:s17] =	ssyncadd.s32 $0xFFFFFC00  }
0x1f9: {  	_ =	swait.ge [sflag:s18], $0x400  }
0x1fa: {  	[sflag:s18] =	ssyncset.done $0x0  }
0x1fb: {  	[sflag:s18] =	ssyncadd.s32 $0xFFFFFC00  }
0x1fc: {  	_ =	swait.ge [sflag:s17], $0x400  }
0x1fd: {  	[sflag:s17] =	ssyncset.done $0x0  }
0x1fe: {  	[sflag:s17] =	ssyncadd.s32 $0xFFFFFC00  }
0x1ff: {  	_ =	swait.ge [sflag:s18], $0x400  }
0x200: {  	[sflag:s18] =	ssyncset.done $0x0  }
0x201: {  	[sflag:s18] =	ssyncadd.s32 $0xFFFFFC00  }
0x202: {  	_ =	swait.ge [sflag:s17], $0x400  }
0x203: {  	[sflag:s17] =	ssyncset.done $0x0  }
0x204: {  	[sflag:s17] =	ssyncadd.s32 $0xFFFFFC00  }
0x205: {  	_ =	swait.ge [sflag:s18], $0x400  }
0x206: {  	[sflag:s18] =	ssyncset.done $0x0  }
0x207: {  	[sflag:s18] =	ssyncadd.s32 $0xFFFFFC00  }
0x208: {  	_ =	swait.ge [sflag:s17], $0x400  }
0x209: {  	[sflag:s17] =	ssyncset.done $0x0  }
0x20a: {  	[sflag:s17] =	ssyncadd.s32 $0xFFFFFC00  }
0x20b: {  	_ =	swait.ge [sflag:s18], $0x400  }
0x20c: {  	[sflag:s18] =	ssyncset.done $0x0  }
0x20d: {  	[sflag:s18] =	ssyncadd.s32 $0xFFFFFC00  }
0x20e: {  	_ =	swait.ge [sflag:s17], $0x400  }
0x20f: {  	[sflag:s17] =	ssyncset.done $0x0  }
0x210: {  	[sflag:s17] =	ssyncadd.s32 $0xFFFFFC00  }
0x211: {  	_ =	swait.ge [sflag:s18], $0x400  }
0x212: {  	[sflag:s18] =	ssyncset.done $0x0  }
0x213: {  	[sflag:s18] =	ssyncadd.s32 $0xFFFFFC00  }
0x214: {  	_ =	swait.ge [sflag:s17], $0x400  }
0x215: {  	[sflag:s17] =	ssyncset.done $0x0  }
0x216: {  	[sflag:s17] =	ssyncadd.s32 $0xFFFFFC00  }
0x217: {  	_ =	swait.ge [sflag:s18], $0x400  }
0x218: {  	v58 =	vand.u32 $0x7F, v58;
	[sflag:s18] =	ssyncset.done $0x0  }
0x219: {  	v60 =	vperm.xlane v58, v1;
	[sflag:s18] =	ssyncadd.s32 $0xFFFFFC00  }
0x21a: {  	v59 =	vand.u32 $0x7F, v59;
	_ =	swait.ge [sflag:s17], $0x400  }
0x21b: {  	v61 =	vperm.xlane v59, v1;
	v62 =	vadd.s32 v0, v60;
	[sflag:s17] =	ssyncset.done $0x0  }
0x21c: {  	v60 =	vadd.s32 v2, v60;
	[sflag:s17] =	ssyncadd.s32 $0xFFFFFC00  }
0x21d: {  	v63 =	vadd.s32 v0, v61;
	_ =	swait.ge [sflag:s18], $0x400  }
0x21e: {  	v61 =	vadd.s32 v2, v61;
	[sflag:s18] =	ssyncset.done $0x0  }
0x21f: {  	[sflag:s18] =	ssyncadd.s32 $0xFFFFFC00  }
0x220: {  	v62 =	vld.idx.msk [tilespmem:v62+s11+$0x0], $0xffff  }
0x221: {  	v60 =	vld.idx.msk [tilespmem:v60+s11+$0x0], $0xffff  }
0x222: {  	v63 =	vld.idx.msk [tilespmem:v63+s12+$0x0], $0xffff  }
0x223: {  	v61 =	vld.idx.msk [tilespmem:v61+s12+$0x0], $0xffff;
	_ =	sdelay $0x2  }
0x224: {  	v1 =	vperm.xlane v58, v3  }
0x225: {  	v62 =	vmul.f32 v63, v62  }
0x226: {  	v60 =	vmul.f32 v61, v60;
	v61 =	vperm.xlane v59, v3;
	v63 =	vadd.s32 v4, v1  }
0x227: {  	v1 =	vadd.s32 v5, v1  }
0x228: {  	v60 =	vadd.f32 v60, v62;
	v62 =	vadd.s32 v4, v61  }
0x229: {  	v61 =	vadd.s32 v5, v61  }
0x22a: {  	[tilespmem:$0x18400] =	vst v60  }
0x22b: {  	v60 =	vld.idx.msk [tilespmem:v63+s11+$0x0], $0xffff  }
0x22c: {  	v1 =	vld.idx.msk [tilespmem:v1+s11+$0x0], $0xffff  }
0x22d: {  	v62 =	vld.idx.msk [tilespmem:v62+s12+$0x0], $0xffff  }
0x22e: {  	v61 =	vld.idx.msk [tilespmem:v61+s12+$0x0], $0xffff;
	_ =	sdelay $0x2  }
0x22f: {  	v63 =	vperm.xlane v58, v6  }
0x230: {  	v60 =	vmul.f32 v62, v60  }
0x231: {  	v1 =	vmul.f32 v61, v1;
	v61 =	vperm.xlane v59, v6;
	v62 =	vadd.s32 v7, v63  }
0x232: {  	v63 =	vadd.s32 v8, v63  }
0x233: {  	v1 =	vadd.f32 v1, v60;
	v60 =	vadd.s32 v7, v61  }
0x234: {  	v61 =	vadd.s32 v8, v61  }
0x235: {  	[tilespmem:$0x18411] =	vst v1;
	v1 =	vsel vm12, $0x0, v57  }
0x236: {  	v62 =	vld.idx.msk [tilespmem:v62+s11+$0x0], $0xffff;
	(xrf0) =	vadd.scan.msk.s32 $0xffff, v1  }
0x237: {  	v1 =	vld.idx.msk [tilespmem:v63+s11+$0x0], $0xffff  }
0x238: {  	v63 =	vsel vm12, $0x0, v56;
	v60 =	vld.idx.msk [tilespmem:v60+s12+$0x0], $0xffff  }
0x239: {  	(xrf0) =	vadd.scan.msk.s32 $0xffff, v63;
	v61 =	vld.idx.msk [tilespmem:v61+s12+$0x0], $0xffff;
	_ =	sdelay $0x1  }
0x23a: {  	v63 =	vperm.xlane v58, v9  }
0x23b: {  	v3, _, _ =	vpop (xrf0)  }
0x23c: {  	v60 =	vmul.f32 v60, v62;
	(v2sf) =	vpush v3, $0xF  }
0x23d: {  	v1 =	vmul.f32 v61, v1;
	v3 =	vperm.xlane v59, v9;
	v61 =	vadd.s32 v10, v63  }
0x23e: {  	v62 =	vadd.s32 v11, v63;
	v63, _, _ =	vpop (xrf0)  }
0x23f: {  	(v2sf) =	vpush v63, $0xF;
	v1 =	vadd.f32 v1, v60;
	v60 =	vadd.s32 v10, v3  }
0x240: {  	v3 =	vadd.s32 v11, v3  }
0x241: {  	[tilespmem:$0x18422] =	vst v1  }
0x242: {  	v1 =	vld.idx.msk [tilespmem:v61+s11+$0x0], $0xffff  }
0x243: {  	v61 =	vld.idx.msk [tilespmem:v62+s11+$0x0], $0xffff  }
0x244: {  	v60 =	vld.idx.msk [tilespmem:v60+s12+$0x0], $0xffff  }
0x245: {  	v3 =	vld.idx.msk [tilespmem:v3+s12+$0x0], $0xffff;
	_ =	sdelay $0x4  }
0x246: {  	v1 =	vmul.f32 v60, v1;
	v3 =	vmul.f32 v3, v61  }
0x247: {  	s29 =	spop (v2sf)  }
0x248: {  	v1 =	vadd.f32 v3, v1;
	s26 =	sshll.u32 s29, $0xA  }
0x249: {  	s28 =	sshrl.u32 s26, $0x3  }
0x24a: {  	[tilespmem:$0x18433] =	vst v1;
	s0 =	spop (v2sf);
	s28 =	sadd.s32 s1, s28  }
0x24b: {  	v1 =	vsel vm13, $0x0, v57;
	[tilespmem:s11], [sflag:$0x1] =	stream.linear.gather [hbm4b:s28+s3], $0x400, $0x38;
	[tilespmem:$0x18780] =	vst v63  }
0x24c: {  	(xrf0) =	vadd.scan.msk.s32 $0xffff, v1;
	s28 =	sshll.u32 s0, $0xA  }
0x24d: {  	v1 =	vsel vm13, $0x0, v56;
	s29 =	sshrl.u32 s28, $0x3  }
0x24e: {  	(xrf0) =	vadd.scan.msk.s32 $0xffff, v1;
	s0 =	sadd.s32 $0x7A1400, s26;
	s29 =	sadd.s32 s2, s29  }
0x24f: {  	[tilespmem:s12], [sflag:$0x4] =	stream.linear.gather [hbm4b:s29+s3], $0x400, $0x38;
	[tilespmem:$0x18780] =	vst v63  }
0x250: {  	s29 =	sshrl.u32 s0, $0x3  }
0x251: {  	s30 =	simm.s32 $0x800;
	s0 =	sadd.s32 $0x7A1400, s28;
	s29 =	sadd.s32 s1, s29  }
0x252: {  	v1, _, _ =	vpop (xrf0);
	[tilespmem:s30], [sflag:$0x1] =	stream.linear.gather [hbm4b:s29+s3], $0x400, $0x38;
	[tilespmem:$0x18780] =	vst v63  }
0x253: {  	s29 =	sshrl.u32 s0, $0x3;
	(v2sf) =	vpush v1, $0xF  }
0x254: {  	s0 =	sadd.s32 $0xF42800, s26;
	s29 =	sadd.s32 s2, s29  }
0x255: {  	v1, _, _ =	vpop (xrf0);
	[tilespmem:s10], [sflag:$0x4] =	stream.linear.gather [hbm4b:s29+s3], $0x400, $0x38;
	[tilespmem:$0x18780] =	vst v63  }
0x256: {  	(v2sf) =	vpush v1, $0xF;
	s29 =	sshrl.u32 s0, $0x3  }
0x257: {  	s0 =	simm.s32 $0xC00;
	s29 =	sadd.s32 s1, s29  }
0x258: {  	[tilespmem:s0], [sflag:$0x1] =	stream.linear.gather [hbm4b:s29+s3], $0x400, $0x38;
	[tilespmem:$0x18780] =	vst v63  }
0x259: {  	s0 =	sadd.s32 $0xF42800, s28  }
0x25a: {  	s26 =	sadd.s32 $0x16E3C00, s26;
	s29 =	sshrl.u32 s0, $0x3  }
0x25b: {  	s26 =	sshrl.u32 s26, $0x3;
	s0 =	simm.s32 $0xCC00;
	s29 =	sadd.s32 s2, s29  }
0x25c: {  	[tilespmem:s0], [sflag:$0x4] =	stream.linear.gather [hbm4b:s29+s3], $0x400, $0x38;
	[tilespmem:$0x18780] =	vst v63  }
0x25d: {  	s26 =	sadd.s32 s1, s26;
	s28 =	sadd.s32 $0x16E3C00, s28;
	s29 =	simm.s32 $0x1000  }
0x25e: {  	[tilespmem:s29], [sflag:$0x1] =	stream.linear.gather [hbm4b:s26+s3], $0x400, $0x38;
	[tilespmem:$0x18780] =	vst v63  }
0x25f: {  	s26 =	sshrl.u32 s28, $0x3  }
0x260: {  	s26 =	sadd.s32 s2, s26  }
0x261: {  	[tilespmem:s8], [sflag:$0x4] =	stream.linear.gather [hbm4b:s26+s3], $0x400, $0x38;
	[tilespmem:$0x18780] =	vst v63  }
0x262: {  	s29 =	spop (v2sf)  }
0x263: {  	v1 =	vsel vm14, $0x0, v57;
	s26 =	sshll.u32 s29, $0xA  }
0x264: {  	(xrf0) =	vadd.scan.msk.s32 $0xffff, v1;
	s28 =	sshrl.u32 s26, $0x3  }
0x265: {  	s0 =	spop (v2sf);
	s28 =	sadd.s32 s1, s28  }
0x266: {  	[tilespmem:s9], [sflag:$0x1] =	stream.linear.gather [hbm4b:s28+s3], $0x400, $0x38;
	[tilespmem:$0x18780] =	vst v63  }
0x267: {  	v1 =	vsel vm14, $0x0, v56;
	s28 =	sshll.u32 s0, $0xA  }
0x268: {  	(xrf0) =	vadd.scan.msk.s32 $0xffff, v1;
	s29 =	sshrl.u32 s28, $0x3  }
0x269: {  	s0 =	sadd.s32 $0x7A1400, s26;
	s29 =	sadd.s32 s2, s29  }
0x26a: {  	v1, _, _ =	vpop (xrf0);
	[tilespmem:s13], [sflag:$0x4] =	stream.linear.gather [hbm4b:s29+s3], $0x400, $0x38;
	[tilespmem:$0x18780] =	vst v63  }
0x26b: {  	(v2sf) =	vpush v1, $0xF;
	s29 =	sshrl.u32 s0, $0x3  }
0x26c: {  	s0 =	sadd.s32 $0x7A1400, s28;
	s29 =	sadd.s32 s1, s29  }
0x26d: {  	[tilespmem:s14], [sflag:$0x1] =	stream.linear.gather [hbm4b:s29+s3], $0x400, $0x38;
	[tilespmem:$0x18780] =	vst v63  }
0x26e: {  	v1, _, _ =	vpop (xrf0);
	s29 =	sshrl.u32 s0, $0x3  }
0x26f: {  	(v2sf) =	vpush v1, $0xF;
	s0 =	sadd.s32 $0xF42800, s26;
	s29 =	sadd.s32 s2, s29  }
0x270: {  	[tilespmem:s15], [sflag:$0x4] =	stream.linear.gather [hbm4b:s29+s3], $0x400, $0x38;
	[tilespmem:$0x18780] =	vst v63  }
0x271: {  	s29 =	sshrl.u32 s0, $0x3  }
0x272: {  	s0 =	sadd.s32 $0xF42800, s28;
	s29 =	sadd.s32 s1, s29  }
0x273: {  	[tilespmem:s16], [sflag:$0x1] =	stream.linear.gather [hbm4b:s29+s3], $0x400, $0x38;
	[tilespmem:$0x18780] =	vst v63  }
0x274: {  	s26 =	sadd.s32 $0x16E3C00, s26;
	s29 =	sshrl.u32 s0, $0x3  }
0x275: {  	s26 =	sshrl.u32 s26, $0x3;
	s29 =	sadd.s32 s2, s29  }
0x276: {  	[tilespmem:s31], [sflag:$0x4] =	stream.linear.gather [hbm4b:s29+s3], $0x400, $0x38;
	[tilespmem:$0x18780] =	vst v63  }
0x277: {  	s26 =	sadd.s32 s1, s26;
	s0 =	sadd.s32 $0x16E3C00, s28;
	s29 =	simm.s32 $0x2000  }
0x278: {  	[tilespmem:s29], [sflag:$0x1] =	stream.linear.gather [hbm4b:s26+s3], $0x400, $0x38;
	[tilespmem:$0x18780] =	vst v63  }
0x279: {  	s26 =	sshrl.u32 s0, $0x3  }
0x27a: {  	s28 =	simm.s32 $0xE000;
	s29 =	spop (v2sf);
	s26 =	sadd.s32 s2, s26  }
0x27b: {  	[tilespmem:s28], [sflag:$0x4] =	stream.linear.gather [hbm4b:s26+s3], $0x400, $0x38;
	[tilespmem:$0x18780] =	vst v63  }
0x27c: {  	s26 =	sshll.u32 s29, $0xA  }
0x27d: {  	s0 =	sshrl.u32 s26, $0x3  }
0x27e: {  	s29 =	spop (v2sf);
	s28 =	sadd.s32 s1, s0;
	s0 =	simm.s32 $0x2400  }
0x27f: {  	[tilespmem:s0], [sflag:$0x1] =	stream.linear.gather [hbm4b:s28+s3], $0x400, $0x38;
	[tilespmem:$0x18780] =	vst v63  }
0x280: {  	v1 =	vsel vm15, $0x0, v57;
	s28 =	sshll.u32 s29, $0xA  }
0x281: {  	(xrf0) =	vadd.scan.msk.s32 $0xffff, v1;
	s29 =	sshrl.u32 s28, $0x3  }
0x282: {  	s0 =	simm.s32 $0xE400;
	s29 =	sadd.s32 s2, s29  }
0x283: {  	[tilespmem:s0], [sflag:$0x4] =	stream.linear.gather [hbm4b:s29+s3], $0x400, $0x38;
	[tilespmem:$0x18780] =	vst v63  }
0x284: {  	v1 =	vsel vm15, $0x0, v56;
	s0 =	sadd.s32 $0x7A1400, s26  }
0x285: {  	(xrf0) =	vadd.scan.msk.s32 $0xffff, v1;
	s29 =	sshrl.u32 s0, $0x3  }
0x286: {  	s0 =	simm.s32 $0x2800;
	s29 =	sadd.s32 s1, s29  }
0x287: {  	v1, _, _ =	vpop (xrf0);
	[tilespmem:s0], [sflag:$0x1] =	stream.linear.gather [hbm4b:s29+s3], $0x400, $0x38;
	[tilespmem:$0x18780] =	vst v63  }
0x288: {  	(v2sf) =	vpush v1, $0xF;
	s0 =	sadd.s32 $0x7A1400, s28  }
0x289: {  	s29 =	sshrl.u32 s0, $0x3  }
0x28a: {  	s0 =	simm.s32 $0xE800;
	s29 =	sadd.s32 s2, s29  }
0x28b: {  	v1, _, _ =	vpop (xrf0);
	[tilespmem:s0], [sflag:$0x4] =	stream.linear.gather [hbm4b:s29+s3], $0x400, $0x38;
	[tilespmem:$0x18780] =	vst v63  }
0x28c: {  	(v2sf) =	vpush v1, $0xF;
	s0 =	sadd.s32 $0xF42800, s26  }
0x28d: {  	s29 =	sshrl.u32 s0, $0x3  }
0x28e: {  	s0 =	simm.s32 $0x2C00;
	s29 =	sadd.s32 s1, s29  }
0x28f: {  	[tilespmem:s0], [sflag:$0x1] =	stream.linear.gather [hbm4b:s29+s3], $0x400, $0x38;
	[tilespmem:$0x18780] =	vst v63  }
0x290: {  	s0 =	sadd.s32 $0xF42800, s28  }
0x291: {  	s26 =	sadd.s32 $0x16E3C00, s26;
	s29 =	sshrl.u32 s0, $0x3  }
0x292: {  	s26 =	sshrl.u32 s26, $0x3;
	s0 =	simm.s32 $0xEC00;
	s29 =	sadd.s32 s2, s29  }
0x293: {  	[tilespmem:s0], [sflag:$0x4] =	stream.linear.gather [hbm4b:s29+s3], $0x400, $0x38;
	[tilespmem:$0x18780] =	vst v63  }
0x294: {  	s26 =	sadd.s32 s1, s26;
	s28 =	sadd.s32 $0x16E3C00, s28;
	s29 =	simm.s32 $0x3000  }
0x295: {  	[tilespmem:s29], [sflag:$0x1] =	stream.linear.gather [hbm4b:s26+s3], $0x400, $0x38;
	[tilespmem:$0x18780] =	vst v63  }
0x296: {  	s26 =	sshrl.u32 s28, $0x3  }
0x297: {  	s28 =	spop (v2sf);
	s29 =	simm.s32 $0xF000;
	s26 =	sadd.s32 s2, s26  }
0x298: {  	[tilespmem:s29], [sflag:$0x4] =	stream.linear.gather [hbm4b:s26+s3], $0x400, $0x38;
	[tilespmem:$0x18780] =	vst v63  }
0x299: {  	s26 =	sshll.u32 s28, $0xA  }
0x29a: {  	s28 =	sshrl.u32 s26, $0x3  }
0x29b: {  	s0 =	simm.s32 $0x3400;
	s29 =	spop (v2sf);
	s28 =	sadd.s32 s1, s28  }
0x29c: {  	[tilespmem:s0], [sflag:$0x1] =	stream.linear.gather [hbm4b:s28+s3], $0x400, $0x38;
	[tilespmem:$0x18780] =	vst v63  }
0x29d: {  	s28 =	sshll.u32 s29, $0xA  }
0x29e: {  	s29 =	sshrl.u32 s28, $0x3  }
0x29f: {  	s0 =	simm.s32 $0xF400;
	s29 =	sadd.s32 s2, s29  }
0x2a0: {  	[tilespmem:s0], [sflag:$0x4] =	stream.linear.gather [hbm4b:s29+s3], $0x400, $0x38;
	[tilespmem:$0x18780] =	vst v63  }
0x2a1: {  	s0 =	sadd.s32 $0x7A1400, s26  }
0x2a2: {  	s29 =	sshrl.u32 s0, $0x3  }
0x2a3: {  	s0 =	sadd.s32 $0x7A1400, s28;
	s29 =	sadd.s32 s1, s29  }
0x2a4: {  	[tilespmem:s7], [sflag:$0x1] =	stream.linear.gather [hbm4b:s29+s3], $0x400, $0x38;
	[tilespmem:$0x18780] =	vst v63  }
0x2a5: {  	s29 =	sshrl.u32 s0, $0x3  }
0x2a6: {  	s0 =	sadd.s32 $0xF42800, s26;
	s29 =	sadd.s32 s2, s29  }
0x2a7: {  	[tilespmem:s6], [sflag:$0x4] =	stream.linear.gather [hbm4b:s29+s3], $0x400, $0x38;
	[tilespmem:$0x18780] =	vst v63  }
0x2a8: {  	s29 =	sshrl.u32 s0, $0x3  }
0x2a9: {  	s0 =	sadd.s32 $0xF42800, s28;
	s29 =	sadd.s32 s1, s29  }
0x2aa: {  	[tilespmem:s5], [sflag:$0x1] =	stream.linear.gather [hbm4b:s29+s3], $0x400, $0x38;
	[tilespmem:$0x18780] =	vst v63  }
0x2ab: {  	s26 =	sadd.s32 $0x16E3C00, s26;
	s29 =	sshrl.u32 s0, $0x3  }
0x2ac: {  	s26 =	sshrl.u32 s26, $0x3;
	s5 =	simm.s32 $0xFC00;
	s29 =	sadd.s32 s2, s29  }
0x2ad: {  	[tilespmem:s5], [sflag:$0x4] =	stream.linear.gather [hbm4b:s29+s3], $0x400, $0x38;
	[tilespmem:$0x18780] =	vst v63  }
0x2ae: {  	s26 =	sadd.s32 s1, s26;
	s29 =	simm.s32 $0x4000  }
0x2af: {  	[tilespmem:s29], [sflag:$0x1] =	stream.linear.gather [hbm4b:s26+s3], $0x400, $0x38;
	[tilespmem:$0x18780] =	vst v63  }
0x2b0: {  	s29 =	sadd.s32 $0x16E3C00, s28  }
0x2b1: {  	s26 =	sshrl.u32 s29, $0x3  }
0x2b2: {  	s5 =	simm.s32 $0x10000;
	s26 =	sadd.s32 s2, s26  }
0x2b3: {  	[tilespmem:s5], [sflag:$0x4] =	stream.linear.gather [hbm4b:s26+s3], $0x400, $0x38;
	[tilespmem:$0x18780] =	vst v63  }
0x2b4: {  	_ =	swait.ge [sflag:s19], $0x400  }
0x2b5: {  	[sflag:s19] =	ssyncset.done $0x0  }
0x2b6: {  	[sflag:s19] =	ssyncadd.s32 $0xFFFFFC00  }
0x2b7: {  	_ =	swait.ge [sflag:s20], $0x400  }
0x2b8: {  	[sflag:s20] =	ssyncset.done $0x0  }
0x2b9: {  	[sflag:s20] =	ssyncadd.s32 $0xFFFFFC00  }
0x2ba: {  	_ =	swait.ge [sflag:s19], $0x400  }
0x2bb: {  	[sflag:s19] =	ssyncset.done $0x0  }
0x2bc: {  	[sflag:s19] =	ssyncadd.s32 $0xFFFFFC00  }
0x2bd: {  	_ =	swait.ge [sflag:s20], $0x400  }
0x2be: {  	[sflag:s20] =	ssyncset.done $0x0  }
0x2bf: {  	[sflag:s20] =	ssyncadd.s32 $0xFFFFFC00  }
0x2c0: {  	_ =	swait.ge [sflag:s19], $0x400  }
0x2c1: {  	[sflag:s19] =	ssyncset.done $0x0  }
0x2c2: {  	[sflag:s19] =	ssyncadd.s32 $0xFFFFFC00  }
0x2c3: {  	_ =	swait.ge [sflag:s20], $0x400  }
0x2c4: {  	[sflag:s20] =	ssyncset.done $0x0  }
0x2c5: {  	[sflag:s20] =	ssyncadd.s32 $0xFFFFFC00  }
0x2c6: {  	_ =	swait.ge [sflag:s19], $0x400  }
0x2c7: {  	[sflag:s19] =	ssyncset.done $0x0  }
0x2c8: {  	[sflag:s19] =	ssyncadd.s32 $0xFFFFFC00  }
0x2c9: {  	_ =	swait.ge [sflag:s20], $0x400  }
0x2ca: {  	[sflag:s20] =	ssyncset.done $0x0  }
0x2cb: {  	[sflag:s20] =	ssyncadd.s32 $0xFFFFFC00  }
0x2cc: {  	_ =	swait.ge [sflag:s19], $0x400  }
0x2cd: {  	[sflag:s19] =	ssyncset.done $0x0  }
0x2ce: {  	[sflag:s19] =	ssyncadd.s32 $0xFFFFFC00  }
0x2cf: {  	_ =	swait.ge [sflag:s20], $0x400  }
0x2d0: {  	[sflag:s20] =	ssyncset.done $0x0  }
0x2d1: {  	[sflag:s20] =	ssyncadd.s32 $0xFFFFFC00  }
0x2d2: {  	_ =	swait.ge [sflag:s19], $0x400  }
0x2d3: {  	[sflag:s19] =	ssyncset.done $0x0  }
0x2d4: {  	[sflag:s19] =	ssyncadd.s32 $0xFFFFFC00  }
0x2d5: {  	_ =	swait.ge [sflag:s20], $0x400  }
0x2d6: {  	[sflag:s20] =	ssyncset.done $0x0  }
0x2d7: {  	[sflag:s20] =	ssyncadd.s32 $0xFFFFFC00  }
0x2d8: {  	_ =	swait.ge [sflag:s19], $0x400  }
0x2d9: {  	[sflag:s19] =	ssyncset.done $0x0  }
0x2da: {  	[sflag:s19] =	ssyncadd.s32 $0xFFFFFC00  }
0x2db: {  	_ =	swait.ge [sflag:s20], $0x400  }
0x2dc: {  	[sflag:s20] =	ssyncset.done $0x0  }
0x2dd: {  	[sflag:s20] =	ssyncadd.s32 $0xFFFFFC00  }
0x2de: {  	_ =	swait.ge [sflag:s19], $0x400  }
0x2df: {  	[sflag:s19] =	ssyncset.done $0x0  }
0x2e0: {  	[sflag:s19] =	ssyncadd.s32 $0xFFFFFC00  }
0x2e1: {  	_ =	swait.ge [sflag:s20], $0x400  }
0x2e2: {  	[sflag:s20] =	ssyncset.done $0x0  }
0x2e3: {  	[sflag:s20] =	ssyncadd.s32 $0xFFFFFC00  }
0x2e4: {  	_ =	swait.ge [sflag:s19], $0x400  }
0x2e5: {  	[sflag:s19] =	ssyncset.done $0x0  }
0x2e6: {  	[sflag:s19] =	ssyncadd.s32 $0xFFFFFC00  }
0x2e7: {  	_ =	swait.ge [sflag:s20], $0x400  }
0x2e8: {  	[sflag:s20] =	ssyncset.done $0x0  }
0x2e9: {  	[sflag:s20] =	ssyncadd.s32 $0xFFFFFC00  }
0x2ea: {  	_ =	swait.ge [sflag:s19], $0x400  }
0x2eb: {  	[sflag:s19] =	ssyncset.done $0x0  }
0x2ec: {  	[sflag:s19] =	ssyncadd.s32 $0xFFFFFC00  }
0x2ed: {  	_ =	swait.ge [sflag:s20], $0x400  }
0x2ee: {  	[sflag:s20] =	ssyncset.done $0x0  }
0x2ef: {  	[sflag:s20] =	ssyncadd.s32 $0xFFFFFC00  }
0x2f0: {  	_ =	swait.ge [sflag:s19], $0x400  }
0x2f1: {  	[sflag:s19] =	ssyncset.done $0x0  }
0x2f2: {  	[sflag:s19] =	ssyncadd.s32 $0xFFFFFC00  }
0x2f3: {  	_ =	swait.ge [sflag:s20], $0x400  }
0x2f4: {  	[sflag:s20] =	ssyncset.done $0x0  }
0x2f5: {  	[sflag:s20] =	ssyncadd.s32 $0xFFFFFC00  }
0x2f6: {  	_ =	swait.ge [sflag:s19], $0x400  }
0x2f7: {  	[sflag:s19] =	ssyncset.done $0x0  }
0x2f8: {  	[sflag:s19] =	ssyncadd.s32 $0xFFFFFC00  }
0x2f9: {  	_ =	swait.ge [sflag:s20], $0x400  }
0x2fa: {  	[sflag:s20] =	ssyncset.done $0x0  }
0x2fb: {  	[sflag:s20] =	ssyncadd.s32 $0xFFFFFC00  }
0x2fc: {  	_ =	swait.ge [sflag:s19], $0x400  }
0x2fd: {  	[sflag:s19] =	ssyncset.done $0x0  }
0x2fe: {  	[sflag:s19] =	ssyncadd.s32 $0xFFFFFC00  }
0x2ff: {  	_ =	swait.ge [sflag:s20], $0x400  }
0x300: {  	[sflag:s20] =	ssyncset.done $0x0  }
0x301: {  	[sflag:s20] =	ssyncadd.s32 $0xFFFFFC00  }
0x302: {  	_ =	swait.ge [sflag:s19], $0x400  }
0x303: {  	[sflag:s19] =	ssyncset.done $0x0  }
0x304: {  	[sflag:s19] =	ssyncadd.s32 $0xFFFFFC00  }
0x305: {  	_ =	swait.ge [sflag:s20], $0x400  }
0x306: {  	[sflag:s20] =	ssyncset.done $0x0  }
0x307: {  	[sflag:s20] =	ssyncadd.s32 $0xFFFFFC00  }
0x308: {  	_ =	swait.ge [sflag:s19], $0x400  }
0x309: {  	[sflag:s19] =	ssyncset.done $0x0  }
0x30a: {  	[sflag:s19] =	ssyncadd.s32 $0xFFFFFC00  }
0x30b: {  	_ =	swait.ge [sflag:s20], $0x400  }
0x30c: {  	[sflag:s20] =	ssyncset.done $0x0  }
0x30d: {  	v1 =	vperm.xlane v58, v12;
	[sflag:s20] =	ssyncadd.s32 $0xFFFFFC00  }
0x30e: {  	_ =	swait.ge [sflag:s19], $0x400  }
0x30f: {  	v3 =	vperm.xlane v59, v12;
	v63 =	vadd.s32 v13, v1;
	[sflag:s19] =	ssyncset.done $0x0  }
0x310: {  	v1 =	vadd.s32 v14, v1;
	[sflag:s19] =	ssyncadd.s32 $0xFFFFFC00  }
0x311: {  	v60 =	vadd.s32 v13, v3;
	_ =	swait.ge [sflag:s20], $0x400  }
0x312: {  	v3 =	vadd.s32 v14, v3;
	[sflag:s20] =	ssyncset.done $0x0  }
0x313: {  	[sflag:s20] =	ssyncadd.s32 $0xFFFFFC00  }
0x314: {  	v56 =	vld.idx.msk [tilespmem:v63+s11+$0x0], $0xffff  }
0x315: {  	v1 =	vld.idx.msk [tilespmem:v1+s11+$0x0], $0xffff  }
0x316: {  	v57 =	vld.idx.msk [tilespmem:v60+s12+$0x0], $0xffff  }
0x317: {  	v3 =	vld.idx.msk [tilespmem:v3+s12+$0x0], $0xffff;
	_ =	sdelay $0x2  }
0x318: {  	v60 =	vperm.xlane v58, v15  }
0x319: {  	v56 =	vmul.f32 v57, v56  }
0x31a: {  	v1 =	vmul.f32 v3, v1;
	v3 =	vperm.xlane v59, v15;
	v57 =	vadd.s32 v16, v60  }
0x31b: {  	v60 =	vadd.s32 v17, v60  }
0x31c: {  	v1 =	vadd.f32 v1, v56;
	v61 =	vadd.s32 v16, v3  }
0x31d: {  	v3 =	vadd.s32 v17, v3  }
0x31e: {  	[tilespmem:$0x18444] =	vst v1  }
0x31f: {  	v1 =	vld.idx.msk [tilespmem:v57+s11+$0x0], $0xffff  }
0x320: {  	v57 =	vld.idx.msk [tilespmem:v60+s11+$0x0], $0xffff  }
0x321: {  	v56 =	vld.idx.msk [tilespmem:v61+s12+$0x0], $0xffff  }
0x322: {  	v3 =	vld.idx.msk [tilespmem:v3+s12+$0x0], $0xffff;
	_ =	sdelay $0x2  }
0x323: {  	v60 =	vperm.xlane v58, v18  }
0x324: {  	v1 =	vmul.f32 v56, v1  }
0x325: {  	v3 =	vmul.f32 v3, v57;
	v56 =	vperm.xlane v59, v18;
	v57 =	vadd.s32 v19, v60  }
0x326: {  	v60 =	vadd.s32 v20, v60  }
0x327: {  	v1 =	vadd.f32 v3, v1;
	v3 =	vadd.s32 v19, v56  }
0x328: {  	v56 =	vadd.s32 v20, v56  }
0x329: {  	[tilespmem:$0x18455] =	vst v1  }
0x32a: {  	v1 =	vld.idx.msk [tilespmem:v57+s11+$0x0], $0xffff  }
0x32b: {  	v57 =	vld.idx.msk [tilespmem:v60+s11+$0x0], $0xffff  }
0x32c: {  	v3 =	vld.idx.msk [tilespmem:v3+s12+$0x0], $0xffff  }
0x32d: {  	v56 =	vld.idx.msk [tilespmem:v56+s12+$0x0], $0xffff;
	_ =	sdelay $0x2  }
0x32e: {  	v60 =	vperm.xlane v58, v21  }
0x32f: {  	v1 =	vmul.f32 v3, v1  }
0x330: {  	v3 =	vmul.f32 v56, v57;
	v56 =	vperm.xlane v59, v21;
	v57 =	vadd.s32 v22, v60  }
0x331: {  	v60 =	vadd.s32 v23, v60  }
0x332: {  	v1 =	vadd.f32 v3, v1;
	v3 =	vadd.s32 v22, v56  }
0x333: {  	v56 =	vadd.s32 v23, v56  }
0x334: {  	[tilespmem:$0x18466] =	vst v1  }
0x335: {  	v1 =	vld.idx.msk [tilespmem:v57+s11+$0x0], $0xffff  }
0x336: {  	v62 =	vld.idx.msk [tilespmem:v60+s11+$0x0], $0xffff  }
0x337: {  	v3 =	vld.idx.msk [tilespmem:v3+s12+$0x0], $0xffff  }
0x338: {  	v56 =	vld.idx.msk [tilespmem:v56+s12+$0x0], $0xffff;
	_ =	sdelay $0x4  }
0x339: {  	v1 =	vmul.f32 v3, v1;
	v3 =	vmul.f32 v56, v62;
	_ =	sdelay $0x1  }
0x33a: {  	v1 =	vadd.f32 v3, v1;
	_ =	sdelay $0x1  }
0x33b: {  	[tilespmem:$0x18477] =	vst v1  }
0x33c: {  	_ =	swait.ge [sflag:s21], $0x400  }
0x33d: {  	[sflag:s21] =	ssyncset.done $0x0  }
0x33e: {  	[sflag:s21] =	ssyncadd.s32 $0xFFFFFC00  }
0x33f: {  	_ =	swait.ge [sflag:s22], $0x400  }
0x340: {  	[sflag:s22] =	ssyncset.done $0x0  }
0x341: {  	[sflag:s22] =	ssyncadd.s32 $0xFFFFFC00  }
0x342: {  	_ =	swait.ge [sflag:s21], $0x400  }
0x343: {  	[sflag:s21] =	ssyncset.done $0x0  }
0x344: {  	[sflag:s21] =	ssyncadd.s32 $0xFFFFFC00  }
0x345: {  	_ =	swait.ge [sflag:s22], $0x400  }
0x346: {  	[sflag:s22] =	ssyncset.done $0x0  }
0x347: {  	[sflag:s22] =	ssyncadd.s32 $0xFFFFFC00  }
0x348: {  	_ =	swait.ge [sflag:s21], $0x400  }
0x349: {  	[sflag:s21] =	ssyncset.done $0x0  }
0x34a: {  	[sflag:s21] =	ssyncadd.s32 $0xFFFFFC00  }
0x34b: {  	_ =	swait.ge [sflag:s22], $0x400  }
0x34c: {  	[sflag:s22] =	ssyncset.done $0x0  }
0x34d: {  	[sflag:s22] =	ssyncadd.s32 $0xFFFFFC00  }
0x34e: {  	_ =	swait.ge [sflag:s21], $0x400  }
0x34f: {  	[sflag:s21] =	ssyncset.done $0x0  }
0x350: {  	[sflag:s21] =	ssyncadd.s32 $0xFFFFFC00  }
0x351: {  	_ =	swait.ge [sflag:s22], $0x400  }
0x352: {  	[sflag:s22] =	ssyncset.done $0x0  }
0x353: {  	[sflag:s22] =	ssyncadd.s32 $0xFFFFFC00  }
0x354: {  	_ =	swait.ge [sflag:s21], $0x400  }
0x355: {  	[sflag:s21] =	ssyncset.done $0x0  }
0x356: {  	[sflag:s21] =	ssyncadd.s32 $0xFFFFFC00  }
0x357: {  	_ =	swait.ge [sflag:s22], $0x400  }
0x358: {  	[sflag:s22] =	ssyncset.done $0x0  }
0x359: {  	[sflag:s22] =	ssyncadd.s32 $0xFFFFFC00  }
0x35a: {  	_ =	swait.ge [sflag:s21], $0x400  }
0x35b: {  	[sflag:s21] =	ssyncset.done $0x0  }
0x35c: {  	[sflag:s21] =	ssyncadd.s32 $0xFFFFFC00  }
0x35d: {  	_ =	swait.ge [sflag:s22], $0x400  }
0x35e: {  	[sflag:s22] =	ssyncset.done $0x0  }
0x35f: {  	[sflag:s22] =	ssyncadd.s32 $0xFFFFFC00  }
0x360: {  	_ =	swait.ge [sflag:s21], $0x400  }
0x361: {  	[sflag:s21] =	ssyncset.done $0x0  }
0x362: {  	[sflag:s21] =	ssyncadd.s32 $0xFFFFFC00  }
0x363: {  	_ =	swait.ge [sflag:s22], $0x400  }
0x364: {  	[sflag:s22] =	ssyncset.done $0x0  }
0x365: {  	[sflag:s22] =	ssyncadd.s32 $0xFFFFFC00  }
0x366: {  	_ =	swait.ge [sflag:s21], $0x400  }
0x367: {  	[sflag:s21] =	ssyncset.done $0x0  }
0x368: {  	[sflag:s21] =	ssyncadd.s32 $0xFFFFFC00  }
0x369: {  	_ =	swait.ge [sflag:s22], $0x400  }
0x36a: {  	[sflag:s22] =	ssyncset.done $0x0  }
0x36b: {  	[sflag:s22] =	ssyncadd.s32 $0xFFFFFC00  }
0x36c: {  	_ =	swait.ge [sflag:s21], $0x400  }
0x36d: {  	[sflag:s21] =	ssyncset.done $0x0  }
0x36e: {  	[sflag:s21] =	ssyncadd.s32 $0xFFFFFC00  }
0x36f: {  	_ =	swait.ge [sflag:s22], $0x400  }
0x370: {  	[sflag:s22] =	ssyncset.done $0x0  }
0x371: {  	[sflag:s22] =	ssyncadd.s32 $0xFFFFFC00  }
0x372: {  	_ =	swait.ge [sflag:s21], $0x400  }
0x373: {  	[sflag:s21] =	ssyncset.done $0x0  }
0x374: {  	[sflag:s21] =	ssyncadd.s32 $0xFFFFFC00  }
0x375: {  	_ =	swait.ge [sflag:s22], $0x400  }
0x376: {  	[sflag:s22] =	ssyncset.done $0x0  }
0x377: {  	[sflag:s22] =	ssyncadd.s32 $0xFFFFFC00  }
0x378: {  	_ =	swait.ge [sflag:s21], $0x400  }
0x379: {  	[sflag:s21] =	ssyncset.done $0x0  }
0x37a: {  	[sflag:s21] =	ssyncadd.s32 $0xFFFFFC00  }
0x37b: {  	_ =	swait.ge [sflag:s22], $0x400  }
0x37c: {  	[sflag:s22] =	ssyncset.done $0x0  }
0x37d: {  	[sflag:s22] =	ssyncadd.s32 $0xFFFFFC00  }
0x37e: {  	_ =	swait.ge [sflag:s21], $0x400  }
0x37f: {  	[sflag:s21] =	ssyncset.done $0x0  }
0x380: {  	[sflag:s21] =	ssyncadd.s32 $0xFFFFFC00  }
0x381: {  	_ =	swait.ge [sflag:s22], $0x400  }
0x382: {  	[sflag:s22] =	ssyncset.done $0x0  }
0x383: {  	[sflag:s22] =	ssyncadd.s32 $0xFFFFFC00  }
0x384: {  	_ =	swait.ge [sflag:s21], $0x400  }
0x385: {  	[sflag:s21] =	ssyncset.done $0x0  }
0x386: {  	[sflag:s21] =	ssyncadd.s32 $0xFFFFFC00  }
0x387: {  	_ =	swait.ge [sflag:s22], $0x400  }
0x388: {  	[sflag:s22] =	ssyncset.done $0x0  }
0x389: {  	[sflag:s22] =	ssyncadd.s32 $0xFFFFFC00  }
0x38a: {  	_ =	swait.ge [sflag:s21], $0x400  }
0x38b: {  	[sflag:s21] =	ssyncset.done $0x0  }
0x38c: {  	[sflag:s21] =	ssyncadd.s32 $0xFFFFFC00  }
0x38d: {  	_ =	swait.ge [sflag:s22], $0x400  }
0x38e: {  	[sflag:s22] =	ssyncset.done $0x0  }
0x38f: {  	[sflag:s22] =	ssyncadd.s32 $0xFFFFFC00  }
0x390: {  	_ =	swait.ge [sflag:s21], $0x400  }
0x391: {  	[sflag:s21] =	ssyncset.done $0x0  }
0x392: {  	[sflag:s21] =	ssyncadd.s32 $0xFFFFFC00  }
0x393: {  	_ =	swait.ge [sflag:s22], $0x400  }
0x394: {  	[sflag:s22] =	ssyncset.done $0x0  }
0x395: {  	v1 =	vperm.xlane v58, v24;
	[sflag:s22] =	ssyncadd.s32 $0xFFFFFC00  }
0x396: {  	_ =	swait.ge [sflag:s21], $0x400  }
0x397: {  	v3 =	vperm.xlane v59, v24;
	v63 =	vadd.s32 v25, v1;
	[sflag:s21] =	ssyncset.done $0x0  }
0x398: {  	v1 =	vadd.s32 v26, v1;
	[sflag:s21] =	ssyncadd.s32 $0xFFFFFC00  }
0x399: {  	v60 =	vadd.s32 v25, v3;
	_ =	swait.ge [sflag:s22], $0x400  }
0x39a: {  	v3 =	vadd.s32 v26, v3;
	[sflag:s22] =	ssyncset.done $0x0  }
0x39b: {  	[sflag:s22] =	ssyncadd.s32 $0xFFFFFC00  }
0x39c: {  	v56 =	vld.idx.msk [tilespmem:v63+s11+$0x0], $0xffff  }
0x39d: {  	v1 =	vld.idx.msk [tilespmem:v1+s11+$0x0], $0xffff  }
0x39e: {  	v57 =	vld.idx.msk [tilespmem:v60+s12+$0x0], $0xffff  }
0x39f: {  	v3 =	vld.idx.msk [tilespmem:v3+s12+$0x0], $0xffff;
	_ =	sdelay $0x2  }
0x3a0: {  	v60 =	vperm.xlane v58, v27  }
0x3a1: {  	v56 =	vmul.f32 v57, v56  }
0x3a2: {  	v1 =	vmul.f32 v3, v1;
	v3 =	vperm.xlane v59, v27;
	v57 =	vadd.s32 v28, v60  }
0x3a3: {  	v60 =	vadd.s32 v29, v60  }
0x3a4: {  	v1 =	vadd.f32 v1, v56;
	v61 =	vadd.s32 v28, v3  }
0x3a5: {  	v3 =	vadd.s32 v29, v3  }
0x3a6: {  	[tilespmem:$0x18488] =	vst v1  }
0x3a7: {  	v1 =	vld.idx.msk [tilespmem:v57+s11+$0x0], $0xffff  }
0x3a8: {  	v57 =	vld.idx.msk [tilespmem:v60+s11+$0x0], $0xffff  }
0x3a9: {  	v56 =	vld.idx.msk [tilespmem:v61+s12+$0x0], $0xffff  }
0x3aa: {  	v3 =	vld.idx.msk [tilespmem:v3+s12+$0x0], $0xffff;
	_ =	sdelay $0x2  }
0x3ab: {  	v60 =	vperm.xlane v58, v30  }
0x3ac: {  	v1 =	vmul.f32 v56, v1  }
0x3ad: {  	v3 =	vmul.f32 v3, v57;
	v56 =	vperm.xlane v59, v30;
	v57 =	vadd.s32 v31, v60  }
0x3ae: {  	v60 =	vadd.s32 v32, v60  }
0x3af: {  	v1 =	vadd.f32 v3, v1;
	v3 =	vadd.s32 v31, v56  }
0x3b0: {  	v56 =	vadd.s32 v32, v56  }
0x3b1: {  	[tilespmem:$0x18499] =	vst v1  }
0x3b2: {  	v1 =	vld.idx.msk [tilespmem:v57+s11+$0x0], $0xffff  }
0x3b3: {  	v57 =	vld.idx.msk [tilespmem:v60+s11+$0x0], $0xffff  }
0x3b4: {  	v3 =	vld.idx.msk [tilespmem:v3+s12+$0x0], $0xffff  }
0x3b5: {  	v56 =	vld.idx.msk [tilespmem:v56+s12+$0x0], $0xffff;
	_ =	sdelay $0x2  }
0x3b6: {  	v60 =	vperm.xlane v58, v33  }
0x3b7: {  	v1 =	vmul.f32 v3, v1  }
0x3b8: {  	v3 =	vmul.f32 v56, v57;
	v56 =	vperm.xlane v59, v33;
	v57 =	vadd.s32 v34, v60  }
0x3b9: {  	v60 =	vadd.s32 v35, v60  }
0x3ba: {  	v1 =	vadd.f32 v3, v1;
	v3 =	vadd.s32 v34, v56  }
0x3bb: {  	v56 =	vadd.s32 v35, v56  }
0x3bc: {  	[tilespmem:$0x184AA] =	vst v1  }
0x3bd: {  	v1 =	vld.idx.msk [tilespmem:v57+s11+$0x0], $0xffff  }
0x3be: {  	v62 =	vld.idx.msk [tilespmem:v60+s11+$0x0], $0xffff  }
0x3bf: {  	v3 =	vld.idx.msk [tilespmem:v3+s12+$0x0], $0xffff  }
0x3c0: {  	v56 =	vld.idx.msk [tilespmem:v56+s12+$0x0], $0xffff;
	_ =	sdelay $0x4  }
0x3c1: {  	v1 =	vmul.f32 v3, v1;
	v3 =	vmul.f32 v56, v62;
	_ =	sdelay $0x1  }
0x3c2: {  	v1 =	vadd.f32 v3, v1;
	_ =	sdelay $0x1  }
0x3c3: {  	[tilespmem:$0x184BB] =	vst v1  }
0x3c4: {  	_ =	swait.ge [sflag:s17], $0x400  }
0x3c5: {  	[sflag:s17] =	ssyncset.done $0x0  }
0x3c6: {  	[sflag:s17] =	ssyncadd.s32 $0xFFFFFC00  }
0x3c7: {  	_ =	swait.ge [sflag:s18], $0x400  }
0x3c8: {  	[sflag:s18] =	ssyncset.done $0x0  }
0x3c9: {  	[sflag:s18] =	ssyncadd.s32 $0xFFFFFC00  }
0x3ca: {  	_ =	swait.ge [sflag:s17], $0x400  }
0x3cb: {  	[sflag:s17] =	ssyncset.done $0x0  }
0x3cc: {  	[sflag:s17] =	ssyncadd.s32 $0xFFFFFC00  }
0x3cd: {  	_ =	swait.ge [sflag:s18], $0x400  }
0x3ce: {  	[sflag:s18] =	ssyncset.done $0x0  }
0x3cf: {  	[sflag:s18] =	ssyncadd.s32 $0xFFFFFC00  }
0x3d0: {  	_ =	swait.ge [sflag:s17], $0x400  }
0x3d1: {  	[sflag:s17] =	ssyncset.done $0x0  }
0x3d2: {  	[sflag:s17] =	ssyncadd.s32 $0xFFFFFC00  }
0x3d3: {  	_ =	swait.ge [sflag:s18], $0x400  }
0x3d4: {  	[sflag:s18] =	ssyncset.done $0x0  }
0x3d5: {  	[sflag:s18] =	ssyncadd.s32 $0xFFFFFC00  }
0x3d6: {  	_ =	swait.ge [sflag:s17], $0x400  }
0x3d7: {  	[sflag:s17] =	ssyncset.done $0x0  }
0x3d8: {  	[sflag:s17] =	ssyncadd.s32 $0xFFFFFC00  }
0x3d9: {  	_ =	swait.ge [sflag:s18], $0x400  }
0x3da: {  	[sflag:s18] =	ssyncset.done $0x0  }
0x3db: {  	[sflag:s18] =	ssyncadd.s32 $0xFFFFFC00  }
0x3dc: {  	_ =	swait.ge [sflag:s17], $0x400  }
0x3dd: {  	[sflag:s17] =	ssyncset.done $0x0  }
0x3de: {  	[sflag:s17] =	ssyncadd.s32 $0xFFFFFC00  }
0x3df: {  	_ =	swait.ge [sflag:s18], $0x400  }
0x3e0: {  	[sflag:s18] =	ssyncset.done $0x0  }
0x3e1: {  	[sflag:s18] =	ssyncadd.s32 $0xFFFFFC00  }
0x3e2: {  	_ =	swait.ge [sflag:s17], $0x400  }
0x3e3: {  	[sflag:s17] =	ssyncset.done $0x0  }
0x3e4: {  	[sflag:s17] =	ssyncadd.s32 $0xFFFFFC00  }
0x3e5: {  	_ =	swait.ge [sflag:s18], $0x400  }
0x3e6: {  	[sflag:s18] =	ssyncset.done $0x0  }
0x3e7: {  	[sflag:s18] =	ssyncadd.s32 $0xFFFFFC00  }
0x3e8: {  	_ =	swait.ge [sflag:s17], $0x400  }
0x3e9: {  	[sflag:s17] =	ssyncset.done $0x0  }
0x3ea: {  	[sflag:s17] =	ssyncadd.s32 $0xFFFFFC00  }
0x3eb: {  	_ =	swait.ge [sflag:s18], $0x400  }
0x3ec: {  	[sflag:s18] =	ssyncset.done $0x0  }
0x3ed: {  	[sflag:s18] =	ssyncadd.s32 $0xFFFFFC00  }
0x3ee: {  	_ =	swait.ge [sflag:s17], $0x400  }
0x3ef: {  	[sflag:s17] =	ssyncset.done $0x0  }
0x3f0: {  	[sflag:s17] =	ssyncadd.s32 $0xFFFFFC00  }
0x3f1: {  	_ =	swait.ge [sflag:s18], $0x400  }
0x3f2: {  	[sflag:s18] =	ssyncset.done $0x0  }
0x3f3: {  	[sflag:s18] =	ssyncadd.s32 $0xFFFFFC00  }
0x3f4: {  	_ =	swait.ge [sflag:s17], $0x400  }
0x3f5: {  	[sflag:s17] =	ssyncset.done $0x0  }
0x3f6: {  	[sflag:s17] =	ssyncadd.s32 $0xFFFFFC00  }
0x3f7: {  	_ =	swait.ge [sflag:s18], $0x400  }
0x3f8: {  	[sflag:s18] =	ssyncset.done $0x0  }
0x3f9: {  	[sflag:s18] =	ssyncadd.s32 $0xFFFFFC00  }
0x3fa: {  	_ =	swait.ge [sflag:s17], $0x400  }
0x3fb: {  	[sflag:s17] =	ssyncset.done $0x0  }
0x3fc: {  	[sflag:s17] =	ssyncadd.s32 $0xFFFFFC00  }
0x3fd: {  	_ =	swait.ge [sflag:s18], $0x400  }
0x3fe: {  	[sflag:s18] =	ssyncset.done $0x0  }
0x3ff: {  	[sflag:s18] =	ssyncadd.s32 $0xFFFFFC00  }
0x400: {  	_ =	swait.ge [sflag:s17], $0x400  }
0x401: {  	[sflag:s17] =	ssyncset.done $0x0  }
0x402: {  	[sflag:s17] =	ssyncadd.s32 $0xFFFFFC00  }
0x403: {  	_ =	swait.ge [sflag:s18], $0x400  }
0x404: {  	[sflag:s18] =	ssyncset.done $0x0  }
0x405: {  	[sflag:s18] =	ssyncadd.s32 $0xFFFFFC00  }
0x406: {  	_ =	swait.ge [sflag:s17], $0x400  }
0x407: {  	[sflag:s17] =	ssyncset.done $0x0  }
0x408: {  	[sflag:s17] =	ssyncadd.s32 $0xFFFFFC00  }
0x409: {  	_ =	swait.ge [sflag:s18], $0x400  }
0x40a: {  	[sflag:s18] =	ssyncset.done $0x0  }
0x40b: {  	[sflag:s18] =	ssyncadd.s32 $0xFFFFFC00  }
0x40c: {  	_ =	swait.ge [sflag:s17], $0x400  }
0x40d: {  	[sflag:s17] =	ssyncset.done $0x0  }
0x40e: {  	[sflag:s17] =	ssyncadd.s32 $0xFFFFFC00  }
0x40f: {  	_ =	swait.ge [sflag:s18], $0x400  }
0x410: {  	[sflag:s18] =	ssyncset.done $0x0  }
0x411: {  	[sflag:s18] =	ssyncadd.s32 $0xFFFFFC00  }
0x412: {  	_ =	swait.ge [sflag:s17], $0x400  }
0x413: {  	[sflag:s17] =	ssyncset.done $0x0  }
0x414: {  	[sflag:s17] =	ssyncadd.s32 $0xFFFFFC00  }
0x415: {  	_ =	swait.ge [sflag:s18], $0x400  }
0x416: {  	[sflag:s18] =	ssyncset.done $0x0  }
0x417: {  	[sflag:s18] =	ssyncadd.s32 $0xFFFFFC00  }
0x418: {  	_ =	swait.ge [sflag:s17], $0x400  }
0x419: {  	[sflag:s17] =	ssyncset.done $0x0  }
0x41a: {  	[sflag:s17] =	ssyncadd.s32 $0xFFFFFC00  }
0x41b: {  	_ =	swait.ge [sflag:s18], $0x400  }
0x41c: {  	[sflag:s18] =	ssyncset.done $0x0  }
0x41d: {  	v1 =	vperm.xlane v58, v36;
	[sflag:s18] =	ssyncadd.s32 $0xFFFFFC00  }
0x41e: {  	_ =	swait.ge [sflag:s17], $0x400  }
0x41f: {  	v3 =	vperm.xlane v59, v36;
	v63 =	vadd.s32 v0, v1;
	[sflag:s17] =	ssyncset.done $0x0  }
0x420: {  	v1 =	vadd.s32 v2, v1;
	[sflag:s17] =	ssyncadd.s32 $0xFFFFFC00  }
0x421: {  	v60 =	vadd.s32 v0, v3;
	_ =	swait.ge [sflag:s18], $0x400  }
0x422: {  	v3 =	vadd.s32 v2, v3;
	[sflag:s18] =	ssyncset.done $0x0  }
0x423: {  	[sflag:s18] =	ssyncadd.s32 $0xFFFFFC00  }
0x424: {  	v56 =	vld.idx.msk [tilespmem:v63+s11+$0x0], $0xffff  }
0x425: {  	v1 =	vld.idx.msk [tilespmem:v1+s11+$0x0], $0xffff  }
0x426: {  	v57 =	vld.idx.msk [tilespmem:v60+s12+$0x0], $0xffff  }
0x427: {  	v3 =	vld.idx.msk [tilespmem:v3+s12+$0x0], $0xffff;
	_ =	sdelay $0x2  }
0x428: {  	v60 =	vperm.xlane v58, v38  }
0x429: {  	v56 =	vmul.f32 v57, v56  }
0x42a: {  	v1 =	vmul.f32 v3, v1;
	v3 =	vperm.xlane v59, v38;
	v57 =	vadd.s32 v4, v60  }
0x42b: {  	v60 =	vadd.s32 v5, v60  }
0x42c: {  	v1 =	vadd.f32 v1, v56;
	v61 =	vadd.s32 v4, v3  }
0x42d: {  	v3 =	vadd.s32 v5, v3  }
0x42e: {  	[tilespmem:$0x184CC] =	vst v1  }
0x42f: {  	v1 =	vld.idx.msk [tilespmem:v57+s11+$0x0], $0xffff  }
0x430: {  	v57 =	vld.idx.msk [tilespmem:v60+s11+$0x0], $0xffff  }
0x431: {  	v56 =	vld.idx.msk [tilespmem:v61+s12+$0x0], $0xffff  }
0x432: {  	v3 =	vld.idx.msk [tilespmem:v3+s12+$0x0], $0xffff;
	_ =	sdelay $0x2  }
0x433: {  	v60 =	vperm.xlane v58, v39  }
0x434: {  	v1 =	vmul.f32 v56, v1  }
0x435: {  	v3 =	vmul.f32 v3, v57;
	v56 =	vperm.xlane v59, v39;
	v57 =	vadd.s32 v7, v60  }
0x436: {  	v60 =	vadd.s32 v8, v60  }
0x437: {  	v1 =	vadd.f32 v3, v1;
	v3 =	vadd.s32 v7, v56  }
0x438: {  	v56 =	vadd.s32 v8, v56  }
0x439: {  	[tilespmem:$0x184DD] =	vst v1  }
0x43a: {  	v1 =	vld.idx.msk [tilespmem:v57+s11+$0x0], $0xffff  }
0x43b: {  	v62 =	vld.idx.msk [tilespmem:v60+s11+$0x0], $0xffff  }
0x43c: {  	v3 =	vld.idx.msk [tilespmem:v3+s12+$0x0], $0xffff  }
0x43d: {  	v56 =	vld.idx.msk [tilespmem:v56+s12+$0x0], $0xffff;
	_ =	sdelay $0x2  }
0x43e: {  	v58 =	vperm.xlane v58, v40  }
0x43f: {  	v63 =	vperm.xlane v59, v40  }
0x440: {  	v60 =	vadd.s32 v10, v58;
	v1 =	vmul.f32 v3, v1;
	v3 =	vmul.f32 v56, v62  }
0x441: {  	v58 =	vadd.s32 v11, v58  }
0x442: {  	v56 =	vadd.s32 v11, v63;
	v1 =	vadd.f32 v3, v1  }
0x443: {  	v3 =	vadd.s32 v10, v63  }
0x444: {  	[tilespmem:$0x184EE] =	vst v1  }
0x445: {  	v1 =	vld.idx.msk [tilespmem:v60+s11+$0x0], $0xffff  }
0x446: {  	v61 =	vld.idx.msk [tilespmem:v58+s11+$0x0], $0xffff  }
0x447: {  	v56 =	vld.idx.msk [tilespmem:v56+s12+$0x0], $0xffff  }
0x448: {  	v3 =	vld.idx.msk [tilespmem:v3+s12+$0x0], $0xffff;
	_ =	sdelay $0x4  }
0x449: {  	v1 =	vmul.f32 v3, v1;
	v3 =	vmul.f32 v56, v61;
	_ =	sdelay $0x1  }
0x44a: {  	v1 =	vadd.f32 v3, v1;
	_ =	sdelay $0x1  }
0x44b: {  	[tilespmem:$0x184FF] =	vst v1  }
0x44c: {  	v1 =	vld.idx.msk [tilespmem:v37+s23+$0x0], $0xffff;
	_ =	sdelay $0x1  }
0x44d: {  	v3 =	vld.idx.msk [tilespmem:v41+s23+$0x0], $0xffff;
	_ =	sdelay $0x1  }
0x44e: {  	v62 =	vld.idx.msk [tilespmem:v42+s23+$0x0], $0xffff  }
0x44f: {  	v1 =	vadd.f32 $0.0e+00, v1  }
0x450: {  	v63 =	vld.idx.msk [tilespmem:v43+s23+$0x0], $0xffff  }
0x451: {  	v1 =	vadd.f32 v3, v1  }
0x452: {  	v3 =	vld.idx.msk [tilespmem:v44+s23+$0x0], $0xffff  }
0x453: {  	v1 =	vadd.f32 v62, v1  }
0x454: {  	v60 =	vld.idx.msk [tilespmem:v45+s23+$0x0], $0xffff  }
0x455: {  	v1 =	vadd.f32 v63, v1  }
0x456: {  	v61 =	vld.idx.msk [tilespmem:v46+s23+$0x0], $0xffff  }
0x457: {  	v1 =	vadd.f32 v3, v1  }
0x458: {  	v3 =	vld.idx.msk [tilespmem:v47+s23+$0x0], $0xffff  }
0x459: {  	v1 =	vadd.f32 v60, v1  }
0x45a: {  	v62 =	vld.idx.msk [tilespmem:v48+s23+$0x0], $0xffff  }
0x45b: {  	v1 =	vadd.f32 v61, v1  }
0x45c: {  	v63 =	vld.idx.msk [tilespmem:v49+s23+$0x0], $0xffff  }
0x45d: {  	v1 =	vadd.f32 v3, v1  }
0x45e: {  	v3 =	vld.idx.msk [tilespmem:v50+s23+$0x0], $0xffff  }
0x45f: {  	v1 =	vadd.f32 v62, v1  }
0x460: {  	v60 =	vld.idx.msk [tilespmem:v51+s23+$0x0], $0xffff  }
0x461: {  	v1 =	vadd.f32 v63, v1  }
0x462: {  	v61 =	vld.idx.msk [tilespmem:v52+s23+$0x0], $0xffff  }
0x463: {  	v1 =	vadd.f32 v3, v1  }
0x464: {  	v3 =	vld.idx.msk [tilespmem:v53+s23+$0x0], $0xffff  }
0x465: {  	v1 =	vadd.f32 v60, v1  }
0x466: {  	v62 =	vld.idx.msk [tilespmem:v54+s23+$0x0], $0xffff  }
0x467: {  	v1 =	vadd.f32 v61, v1  }
0x468: {  	v63 =	vld.idx.msk [tilespmem:v55+s23+$0x0], $0xffff  }
0x469: {  	v1 =	vadd.f32 v3, v1;
	_ =	sdelay $0x1  }
0x46a: {  	v1 =	vadd.f32 v62, v1;
	_ =	sdelay $0x1  }
0x46b: {  	v1 =	vadd.f32 v63, v1;
	_ =	sdelay $0x1  }
0x46c: {  	v1 =	vsub.f32 $0.0e+00, v1;
	_ =	sdelay $0x1  }
0x46d: {  	v1 =	vmul.f32 $1.442695020e+00, v1;
	_ =	sdelay $0x1  }
0x46e: {  	(erf) = vpow2.f32 v1;
	_ =	sdelay $0x8  }
0x46f: {  	v1 =	vpop (erf)  }
0x470: {  	v1 =	vadd.f32 $1.000000000e+00, v1;
	_ =	sdelay $0x1  }
0x471: {  	(erf) = vrcp.f32 v1;
	_ =	sdelay $0x4  }
0x472: {  	p0 =	sne.s32 s24, $0x7C0  }
.Ltmp0:
0x473: {  	_ = 	snop;
	(pc) =	sbr.rel @p0 .LBB2_2-.Ltmp0, $3  }
0x474: {  	_ =	sdelay $0x1  }
0x475: {  	v1 =	vpop (erf)  }
0x476: {  	s24 =	sadd.s32 $0x40, s24;
	v3 =	vimm.s32 $0x1;
	[tilespmem:s25+$0x18580] =	vst v1;
	v1 =	vimm.s32 $0x0  }
0x477: {  	s24 =	sld [smem:$0x7EB];
	_ =	sdelay $0x1  }
0x478: {  	s0 =	simm.s32 $0x18580;
	s25 =	simm.s32 $0x7  }
0x479: {  	[hbm4b:s24+s3] =	stream.linear.scatter [tilespmem:s0], [sflag:$0x7], $0x200, $0x38;
	[tilespmem:$0x18780] =	vst v63  }
0x47a: {  	_ =	swait.ge [sflag:s25], $0x200  }
0x47b: {  	s28 =	sld [smem:$0x7D3]  }
0x47c: {  	s29 =	sld [smem:$0x7ED];
	_ =	sdelay $0x1  }
0x47d: {  	s0 =	sadd.s32 $0x1, s28  }
0x47e: {  	p0 =	sne.s32 s0, s29  }
.Ltmp1:
0x47f: {  	_ = 	snop;
	(pc) =	sbr.rel @p0 .LBB2_1-.Ltmp1, $3  }
0x480: {  	_ =	sdelay $0x1  }
0x481: {  	[sflag:s25] =	ssyncset.done $0x0  }
0x482: {  	[sflag:s25] =	ssyncadd.s32 $0xFFFFFE00  }
0x483: {  	_ =	sfence.sel $0x180000  }
0x484: {  	[bflag:$0x0] =	sbarrier.arrive $0xFFFF  }
0x485: {  	_ =	strace $0x90000047  }
0x486: {  	s0 =	stileid.u32;
	[bflag:$0x2] =	sbarrier.arrive $0xFFFF  }
0x487: {  	p0 =	sne.s32 s0, $0x0;
	s0 =	rddreg [dreg:$0x5]  }
0x488: {  	s0 =	sadd.s32 @!p0 $0x100000, s0  }
0x489: {  	[sflag:s0] =	ssyncadd.tile.s32 @!p0 $0x1;
	_ =	shalt  }
.Lfunc_end2:
_tile_overlayer_lowered:
.L_overlay_start_2:
0x48a: {  	(tag) =	ssettag $0x2  }
0x48b: {  	s0 =	rddreg [dreg:$0x0];
	s2 =	stileid.u32  }
0x48c: {  	s1 =	rddreg [dreg:$0x1];
	p0 =	sne.s32 s2, $0x0  }
0x48d: {  	s3 =	rddreg [dreg:$0x2];
	[bflag:$0x3] =	sbarrier.arrive $0xFFFF;
	s2 =	simm.s32 @!p0 $0x1C07  }
0x48e: {  	[timem:s3], [sflag:s2] =	dma.local @!p0 [hbm:s0], s1  }
0x48f: {  	s0 =	simm.s32 @!p0 $0x7  }
0x490: {  	_ =	swait.ge @!p0 [sflag:s0], s1  }
0x491: {  	s1 =	ssub.s32 @!p0 $0x0, s1;
	[sflag:s0] =	ssyncset.done @!p0 $0x0  }
0x492: {  	[sflag:s0] =	ssyncadd.s32 @!p0 s1  }
0x493: {  	[bflag:$0x3] =	sbarrier.arrive $0xFFFF  }
0x494: {  	_ =	shalt  }

</sc_bundles>
